<compile_context>
chip_gen: v7x
topology: tpu7x:2x2x1
jax: 0.10.2.dev20260603
libtpu: 0.0.44.dev20260713+nightly
codegen_flags: <defaults>
</compile_context>

<pallas_src>
import jax
import jax.numpy as jnp
from jax import lax
from jax.experimental import pallas as pl
from jax.experimental.pallas import tpu as pltpu
from jax.experimental.pallas import tpu_sc as plsc

N_NODES = 10000
N_EDGES = 160000
D = 256
RD = 16
O = 256
HALF = 128

BM = 1000
BEP = 1000
CHUNK = 128
N_CHUNKS = N_EDGES // CHUNK
N_SUBCORES = 16
ROWS_PER_TILE = 624
TAIL_BASE = ROWS_PER_TILE * N_SUBCORES
TAIL_ROWS = N_NODES - TAIL_BASE
SLAB = 48
SLABS_PER_TILE = ROWS_PER_TILE // SLAB


def _node_fc_body(x_ref, wnt_ref, bn_ref, att_ref, w1t_ref, w3t_ref, ba_ref,
                  v_ref, u_ref):
    h = jnp.dot(x_ref[...], wnt_ref[...], preferred_element_type=jnp.float32)
    h = h + bn_ref[...]
    v_ref[...] = jnp.dot(h, w3t_ref[...],
                         preferred_element_type=jnp.float32) + ba_ref[...]
    u = jnp.dot(att_ref[...] * h, w1t_ref[...],
                preferred_element_type=jnp.float32)
    u_ref[0] = u[:, :HALF]
    u_ref[1] = u[:, HALF:]


def _edge_fc_body(efp_ref, wfull_ref, w2a_ref, w2b_ref, ya_ref, yb_ref):
    z2p = jnp.dot(efp_ref[...], wfull_ref[...],
                  preferred_element_type=jnp.float32)
    ya = jnp.dot(z2p, w2a_ref[...], preferred_element_type=jnp.float32)
    yb = jnp.dot(z2p, w2b_ref[...], preferred_element_type=jnp.float32)
    ya_ref[...] = ya.reshape(8 * BEP, HALF)
    yb_ref[...] = yb.reshape(8 * BEP, HALF)


def _apply_body(agg_ref, v_ref, att_ref, out_ref):
    att = att_ref[...]
    v = v_ref[...]
    out_ref[:, :HALF] = att * jnp.maximum(agg_ref[0] + v[:, :HALF], 0.0)
    out_ref[:, HALF:] = att * jnp.maximum(agg_ref[1] + v[:, HALF:], 0.0)


def _sc_u_scatter(ucat_hbm, src_hbm, dst_hbm, zeros_hbm, out_hbm,
                  src0, src1, dst0, dst1, rows0, rows1,
                  isem0, isem1, gsem0, gsem1, buf, accum):
    c = lax.axis_index("c")
    s = lax.axis_index("s")
    r0 = s * ROWS_PER_TILE

    pltpu.sync_copy(zeros_hbm, buf)
    for k in range(SLABS_PER_TILE):
        pltpu.sync_copy(buf, accum.at[pl.ds(r0 + k * SLAB, SLAB)])

    @pl.when(s == N_SUBCORES - 1)
    def _():
        pltpu.sync_copy(buf.at[pl.ds(0, TAIL_ROWS)],
                        accum.at[pl.ds(TAIL_BASE, TAIL_ROWS)])

    plsc.subcore_barrier()

    lo = (s * N_CHUNKS) // N_SUBCORES
    hi = ((s + 1) * N_CHUNKS) // N_SUBCORES

    def issue_idx(j, src_v, dst_v, isem):
        base = j * CHUNK
        pltpu.async_copy(src_hbm.at[pl.ds(base, CHUNK)], src_v, isem)
        pltpu.async_copy(dst_hbm.at[pl.ds(base, CHUNK)], dst_v, isem)

    def drain_idx(src_v, dst_v, isem):
        pltpu.make_async_copy(src_hbm.at[pl.ds(0, CHUNK)], src_v,
                              isem).wait()
        pltpu.make_async_copy(dst_hbm.at[pl.ds(0, CHUNK)], dst_v,
                              isem).wait()

    def issue_gather(src_v, rows_v, gsem):
        pltpu.async_copy(ucat_hbm.at[c].at[src_v], rows_v, gsem)

    def drain_gather(rows_v, gsem):
        pltpu.make_async_copy(ucat_hbm.at[c, pl.ds(0, CHUNK)], rows_v,
                              gsem).wait()

    issue_idx(lo, src0, dst0, isem0)
    drain_idx(src0, dst0, isem0)
    issue_gather(src0, rows0, gsem0)
    issue_idx(lo + 1, src1, dst1, isem1)

    def body(j, carry):
        je = j + 1

        @pl.when(lax.rem(j - lo, 2) == 0)
        def _():
            drain_gather(rows0, gsem0)

            @pl.when(je < hi)
            def _():
                drain_idx(src1, dst1, isem1)
                issue_gather(src1, rows1, gsem1)

            pltpu.sync_copy(rows0, accum.at[dst0], add=True)

            @pl.when(j + 2 < hi)
            def _():
                issue_idx(j + 2, src0, dst0, isem0)

        @pl.when(lax.rem(j - lo, 2) == 1)
        def _():
            drain_gather(rows1, gsem1)

            @pl.when(je < hi)
            def _():
                drain_idx(src0, dst0, isem0)
                issue_gather(src0, rows0, gsem0)

            pltpu.sync_copy(rows1, accum.at[dst1], add=True)

            @pl.when(j + 2 < hi)
            def _():
                issue_idx(j + 2, src1, dst1, isem1)

        return carry

    lax.fori_loop(lo, hi, body, 0)
    plsc.subcore_barrier()

    for k in range(SLABS_PER_TILE):
        rr = r0 + k * SLAB
        pltpu.sync_copy(accum.at[pl.ds(rr, SLAB)], buf)
        pltpu.sync_copy(buf, out_hbm.at[c, pl.ds(rr, SLAB)])

    @pl.when(s == N_SUBCORES - 1)
    def _():
        pltpu.sync_copy(accum.at[pl.ds(TAIL_BASE, TAIL_ROWS)],
                        buf.at[pl.ds(0, TAIL_ROWS)])
        pltpu.sync_copy(buf.at[pl.ds(0, TAIL_ROWS)],
                        out_hbm.at[c, pl.ds(TAIL_BASE, TAIL_ROWS)])


def _sc_y2_scatter(y2a_hbm, y2b_hbm, dst_hbm, aggu_hbm, out_hbm,
                   dst0, dst1, rows0, rows1,
                   isem0, isem1, lsem0, lsem1, buf, accum):
    c = lax.axis_index("c")
    s = lax.axis_index("s")
    r0 = s * ROWS_PER_TILE

    for k in range(SLABS_PER_TILE):
        rr = r0 + k * SLAB
        pltpu.sync_copy(aggu_hbm.at[c, pl.ds(rr, SLAB)], buf)
        pltpu.sync_copy(buf, accum.at[pl.ds(rr, SLAB)])

    @pl.when(s == N_SUBCORES - 1)
    def _():
        pltpu.sync_copy(aggu_hbm.at[c, pl.ds(TAIL_BASE, TAIL_ROWS)],
                        buf.at[pl.ds(0, TAIL_ROWS)])
        pltpu.sync_copy(buf.at[pl.ds(0, TAIL_ROWS)],
                        accum.at[pl.ds(TAIL_BASE, TAIL_ROWS)])

    plsc.subcore_barrier()

    lo = (s * N_CHUNKS) // N_SUBCORES
    hi = ((s + 1) * N_CHUNKS) // N_SUBCORES

    def issue(j, dst_v, rows_v, isem, lsem):
        base = j * CHUNK
        pltpu.async_copy(dst_hbm.at[pl.ds(base, CHUNK)], dst_v, isem)

        @pl.when(c == 0)
        def _():
            pltpu.async_copy(y2a_hbm.at[pl.ds(base, CHUNK)], rows_v, lsem)

        @pl.when(c == 1)
        def _():
            pltpu.async_copy(y2b_hbm.at[pl.ds(base, CHUNK)], rows_v, lsem)

    def drain(dst_v, rows_v, isem, lsem):
        pltpu.make_async_copy(dst_hbm.at[pl.ds(0, CHUNK)], dst_v,
                              isem).wait()
        pltpu.make_async_copy(y2a_hbm.at[pl.ds(0, CHUNK)], rows_v,
                              lsem).wait()

    issue(lo, dst0, rows0, isem0, lsem0)

    def body(j, carry):
        je = j + 1

        @pl.when(lax.rem(j - lo, 2) == 0)
        def _():
            drain(dst0, rows0, isem0, lsem0)

            @pl.when(je < hi)
            def _():
                issue(je, dst1, rows1, isem1, lsem1)

            pltpu.sync_copy(rows0, accum.at[dst0], add=True)

        @pl.when(lax.rem(j - lo, 2) == 1)
        def _():
            drain(dst1, rows1, isem1, lsem1)

            @pl.when(je < hi)
            def _():
                issue(je, dst0, rows0, isem0, lsem0)

            pltpu.sync_copy(rows1, accum.at[dst1], add=True)

        return carry

    lax.fori_loop(lo, hi, body, 0)
    plsc.subcore_barrier()

    for k in range(SLABS_PER_TILE):
        rr = r0 + k * SLAB
        pltpu.sync_copy(accum.at[pl.ds(rr, SLAB)], buf)
        pltpu.sync_copy(buf, out_hbm.at[c, pl.ds(rr, SLAB)])

    @pl.when(s == N_SUBCORES - 1)
    def _():
        pltpu.sync_copy(accum.at[pl.ds(TAIL_BASE, TAIL_ROWS)],
                        buf.at[pl.ds(0, TAIL_ROWS)])
        pltpu.sync_copy(buf.at[pl.ds(0, TAIL_ROWS)],
                        out_hbm.at[c, pl.ds(TAIL_BASE, TAIL_ROWS)])


def kernel(x, node_att, edge_index, edge_feat, edge_att,
           W_node, b_node, W_rel, b_rel, W_apply, b_apply):
    n_blocks = N_NODES // BM

    att2 = node_att[:, None]
    eatt2 = edge_att[:, None]
    w1t = W_apply[:, :D].T
    w2t = W_apply[:, D:D + RD].T
    w3t = W_apply[:, D + RD:].T

    v, ucat3 = pl.pallas_call(
        _node_fc_body,
        grid=(n_blocks,),
        in_specs=[
            pl.BlockSpec((BM, D), lambda i: (i, 0)),
            pl.BlockSpec((D, D), lambda i: (0, 0)),
            pl.BlockSpec((1, D), lambda i: (0, 0)),
            pl.BlockSpec((BM, 1), lambda i: (i, 0)),
            pl.BlockSpec((D, O), lambda i: (0, 0)),
            pl.BlockSpec((D, O), lambda i: (0, 0)),
            pl.BlockSpec((1, O), lambda i: (0, 0)),
        ],
        out_specs=[
            pl.BlockSpec((BM, O), lambda i: (i, 0)),
            pl.BlockSpec((2, BM, HALF), lambda i: (0, i, 0)),
        ],
        out_shape=[
            jax.ShapeDtypeStruct((N_NODES, O), jnp.float32),
            jax.ShapeDtypeStruct((2, N_NODES, HALF), jnp.float32),
        ],
    )(x, W_node.T, b_node[None, :], att2, w1t, w3t, b_apply[None, :])

    efr_scaled = (edge_feat * eatt2).reshape(N_EDGES // 8, 8 * RD)
    ef_pack = jnp.concatenate(
        [efr_scaled, edge_att.reshape(N_EDGES // 8, 8)], axis=1)
    wrb = jax.scipy.linalg.block_diag(*([W_rel.T] * 8))
    bias_rows = jnp.kron(jnp.eye(8, dtype=jnp.float32), b_rel[None, :])
    wfull = jnp.concatenate([wrb, bias_rows], axis=0)
    w2a = jax.scipy.linalg.block_diag(*([w2t[:, :HALF]] * 8))
    w2b = jax.scipy.linalg.block_diag(*([w2t[:, HALF:]] * 8))

    y2a, y2b = pl.pallas_call(
        _edge_fc_body,
        grid=(N_EDGES // (8 * BEP),),
        in_specs=[
            pl.BlockSpec((BEP, 8 * RD + 8), lambda i: (i, 0)),
            pl.BlockSpec((8 * RD + 8, 8 * RD), lambda i: (0, 0)),
            pl.BlockSpec((8 * RD, 8 * HALF), lambda i: (0, 0)),
            pl.BlockSpec((8 * RD, 8 * HALF), lambda i: (0, 0)),
        ],
        out_specs=[
            pl.BlockSpec((8 * BEP, HALF), lambda i: (i, 0)),
            pl.BlockSpec((8 * BEP, HALF), lambda i: (i, 0)),
        ],
        out_shape=[
            jax.ShapeDtypeStruct((N_EDGES, HALF), jnp.float32),
            jax.ShapeDtypeStruct((N_EDGES, HALF), jnp.float32),
        ],
    )(ef_pack, wfull, w2a, w2b)

    src = edge_index[0]
    dst = edge_index[1]
    zeros128 = jnp.zeros((SLAB, HALF), jnp.float32)

    sc_mesh = plsc.VectorSubcoreMesh(core_axis_name="c", subcore_axis_name="s",
                                     num_cores=2, num_subcores=N_SUBCORES)
    agg_u = pl.kernel(
        _sc_u_scatter,
        out_type=jax.ShapeDtypeStruct((2, N_NODES, HALF), jnp.float32),
        mesh=sc_mesh,
        scratch_types=[
            pltpu.VMEM((CHUNK,), jnp.int32),
            pltpu.VMEM((CHUNK,), jnp.int32),
            pltpu.VMEM((CHUNK,), jnp.int32),
            pltpu.VMEM((CHUNK,), jnp.int32),
            pltpu.VMEM((CHUNK, HALF), jnp.float32),
            pltpu.VMEM((CHUNK, HALF), jnp.float32),
            pltpu.SemaphoreType.DMA,
            pltpu.SemaphoreType.DMA,
            pltpu.SemaphoreType.DMA,
            pltpu.SemaphoreType.DMA,
            pltpu.VMEM((SLAB, HALF), jnp.float32),
            pltpu.VMEM_SHARED((N_NODES, HALF), jnp.float32),
        ],
    )(ucat3, src, dst, zeros128)

    agg = pl.kernel(
        _sc_y2_scatter,
        out_type=jax.ShapeDtypeStruct((2, N_NODES, HALF), jnp.float32),
        mesh=sc_mesh,
        scratch_types=[
            pltpu.VMEM((CHUNK,), jnp.int32),
            pltpu.VMEM((CHUNK,), jnp.int32),
            pltpu.VMEM((CHUNK, HALF), jnp.float32),
            pltpu.VMEM((CHUNK, HALF), jnp.float32),
            pltpu.SemaphoreType.DMA,
            pltpu.SemaphoreType.DMA,
            pltpu.SemaphoreType.DMA,
            pltpu.SemaphoreType.DMA,
            pltpu.VMEM((SLAB, HALF), jnp.float32),
            pltpu.VMEM_SHARED((N_NODES, HALF), jnp.float32),
        ],
    )(y2a, y2b, dst, agg_u)

    out = pl.pallas_call(
        _apply_body,
        grid=(n_blocks,),
        in_specs=[
            pl.BlockSpec((2, BM, HALF), lambda i: (0, i, 0)),
            pl.BlockSpec((BM, O), lambda i: (i, 0)),
            pl.BlockSpec((BM, 1), lambda i: (i, 0)),
        ],
        out_specs=pl.BlockSpec((BM, O), lambda i: (i, 0)),
        out_shape=jax.ShapeDtypeStruct((N_NODES, O), jnp.float32),
    )(agg, v, att2)

    return out

# --- scband reference (transcript-rebuilt; emitter-appended) ---
"""Pipeline reference for scband-fact-gcn-38482906972432 (READ-ONLY COPY).

The authoritative reference and input builder live on the scoring server;
editing this copy changes nothing except your own understanding.
"""

import jax, jax.numpy as jnp
import numpy as np

N = 10000
E = 160000
D = 256
R = 16
O = 256

def setup_inputs(seed: int = 0) -> dict:
    key = jax.random.key(seed)
    ks = jax.random.split(key, 12)
    x = jax.random.normal(ks[0], (N, D), dtype=jnp.float32)
    node_att = jax.random.uniform(ks[1], (N,), dtype=jnp.float32)
    edge_index = jax.random.randint(ks[2], (2, E), 0, N, dtype=jnp.int32)
    edge_feat = jax.random.normal(ks[3], (E, R), dtype=jnp.float32)
    edge_att = jax.random.uniform(ks[4], (E,), dtype=jnp.float32)
    # learned params (torch nn.Linear: out = x @ W.T + b)
    W_node = jax.random.normal(ks[5], (D, D), dtype=jnp.float32) * (1.0 / np.sqrt(D))
    b_node = jnp.zeros((D,), dtype=jnp.float32)
    W_rel = jax.random.normal(ks[6], (R, R), dtype=jnp.float32) * (1.0 / np.sqrt(R))
    b_rel = jnp.zeros((R,), dtype=jnp.float32)
    W_apply = jax.random.normal(ks[7], (O, D + R + D), dtype=jnp.float32) * (1.0 / np.sqrt(D + R + D))
    b_apply = jnp.zeros((O,), dtype=jnp.float32)
    return {"x": x, "node_att": node_att, "edge_index": edge_index, "edge_feat": edge_feat,
            "edge_att": edge_att, "W_node": W_node, "b_node": b_node, "W_rel": W_rel,
            "b_rel": b_rel, "W_apply": W_apply, "b_apply": b_apply}


def reference(x, node_att, edge_index, edge_feat, edge_att,
              W_node, b_node, W_rel, b_rel, W_apply, b_apply):
    # apply_nodes: feat = node_fc(feat)
    h = x @ W_node.T + b_node
    src = edge_index[0]
    dst = edge_index[1]
    # message: z1 = src_att * src_feat ; z2 = edge_att * rel_fc(edge_feat)
    z1 = node_att[src][:, None] * h[src]
    z2 = edge_att[:, None] * (edge_feat @ W_rel.T + b_rel)
    msg = jnp.concatenate([z1, z2], axis=1)
    # reduce: sum over mailbox per destination node
    agg = jax.ops.segment_sum(msg, dst, num_segments=N)
    hcat = jnp.concatenate([agg, h], axis=1)
    out = node_att[:, None] * jax.nn.relu(hcat @ W_apply.T + b_apply)
    return out

if __name__ == "__main__":
    import jax
    _d = setup_inputs()
    print(jax.jit(kernel)(*tuple(_d.values())))

</pallas_src>

<mosaic_0001>
#map = affine_map<(d0, d1) -> (0, 0, 0)>
#map1 = affine_map<(d0, d1) -> (0)>
#map2 = affine_map<(d0, d1) -> (0, 0)>
module attributes {stable_mosaic.version = 14 : i64} {
  func.func @_sc_u_scatter(%arg0: i32, %arg1: i32, %arg2: memref<2x10000x128xf32, #tpu.memory_space<hbm>>, %arg3: memref<160000xi32, #tpu.memory_space<hbm>>, %arg4: memref<160000xi32, #tpu.memory_space<hbm>>, %arg5: memref<48x128xf32, #tpu.memory_space<hbm>>, %arg6: memref<2x10000x128xf32, #tpu.memory_space<hbm>>, %arg7: memref<128xi32, #tpu.memory_space<vmem>>, %arg8: memref<128xi32, #tpu.memory_space<vmem>>, %arg9: memref<128xi32, #tpu.memory_space<vmem>>, %arg10: memref<128xi32, #tpu.memory_space<vmem>>, %arg11: memref<128x128xf32, #tpu.memory_space<vmem>>, %arg12: memref<128x128xf32, #tpu.memory_space<vmem>>, %arg13: memref<!tpu.dma_semaphore, #tpu.memory_space<semaphore_mem>>, %arg14: memref<!tpu.dma_semaphore, #tpu.memory_space<semaphore_mem>>, %arg15: memref<!tpu.dma_semaphore, #tpu.memory_space<semaphore_mem>>, %arg16: memref<!tpu.dma_semaphore, #tpu.memory_space<semaphore_mem>>, %arg17: memref<48x128xf32, #tpu.memory_space<vmem>>, %arg18: memref<10000x128xf32, #tpu.memory_space<vmem_shared>>) attributes {dimension_semantics = [#tpu.dimension_semantics<core_parallel>, #tpu.dimension_semantics<subcore_parallel>], iteration_bounds = array<i64: 2, 16>, scalar_prefetch = 0 : i64, scratch_operands = 12 : i64, tpu.core_type = #tpu.core_type<sc_vector_subcore>, window_params = [{transform_indices = #map}, {transform_indices = #map1}, {transform_indices = #map1}, {transform_indices = #map2}, {transform_indices = #map}]} {
    %mul3A = arith.constant 624 : i32
    %mul3A_0 = arith.muli %arg1, %mul3A : i32
    "tpu.region"() ({
      %run_scoped3A = tpu.sem_alloc : memref<!tpu.dma_semaphore, #tpu.memory_space<semaphore_mem>>
      tpu.enqueue_dma source(%arg5 : memref<48x128xf32, #tpu.memory_space<hbm>>) target(%arg17 : memref<48x128xf32, #tpu.memory_space<vmem>>) target_semaphore(%run_scoped3A : memref<!tpu.dma_semaphore, #tpu.memory_space<semaphore_mem>>)
      tpu.wait_dma2 semaphore(%run_scoped3A : memref<!tpu.dma_semaphore, #tpu.memory_space<semaphore_mem>>) src(%arg5 : memref<48x128xf32, #tpu.memory_space<hbm>>) dst(%arg17 : memref<48x128xf32, #tpu.memory_space<vmem>>)
      tpu.yield
    }) : () -> ()
    %add3A = arith.constant 0 : i32
    %add3A_1 = arith.addi %mul3A_0, %add3A : i32
    "tpu.region"() ({
      %run_scoped3A = tpu.sem_alloc : memref<!tpu.dma_semaphore, #tpu.memory_space<semaphore_mem>>
      %dma_start3A_141 = arith.constant 0 : i32
      %dma_start3A_142 = tpu.memref_slice %arg18[%add3A_1, %dma_start3A_141] : memref<10000x128xf32, #tpu.memory_space<vmem_shared>> -> memref<48x128xf32, #tpu.memory_space<vmem_shared>>
      %dma_start3A_143 = arith.constant 0 : i32
      %dma_start3A_144 = tpu.memref_slice %arg18[%add3A_1, %dma_start3A_143] : memref<10000x128xf32, #tpu.memory_space<vmem_shared>> -> memref<48x128xf32, #tpu.memory_space<vmem_shared>>
      tpu.enqueue_dma source(%arg17 : memref<48x128xf32, #tpu.memory_space<vmem>>) target(%dma_start3A_144 : memref<48x128xf32, #tpu.memory_space<vmem_shared>>) target_semaphore(%run_scoped3A : memref<!tpu.dma_semaphore, #tpu.memory_space<semaphore_mem>>)
      %dma_wait3A_145 = arith.constant 0 : i32
      %dma_wait3A_146 = tpu.memref_slice %arg18[%add3A_1, %dma_wait3A_145] : memref<10000x128xf32, #tpu.memory_space<vmem_shared>> -> memref<48x128xf32, #tpu.memory_space<vmem_shared>>
      %dma_wait3A_147 = arith.constant 0 : i32
      %dma_wait3A_148 = tpu.memref_slice %arg18[%add3A_1, %dma_wait3A_147] : memref<10000x128xf32, #tpu.memory_space<vmem_shared>> -> memref<48x128xf32, #tpu.memory_space<vmem_shared>>
      tpu.wait_dma2 semaphore(%run_scoped3A : memref<!tpu.dma_semaphore, #tpu.memory_space<semaphore_mem>>) src(%arg17 : memref<48x128xf32, #tpu.memory_space<vmem>>) dst(%dma_wait3A_148 : memref<48x128xf32, #tpu.memory_space<vmem_shared>>)
      tpu.yield
    }) : () -> ()
    %add3A_2 = arith.constant 48 : i32
    %add3A_3 = arith.addi %mul3A_0, %add3A_2 : i32
    "tpu.region"() ({
      %run_scoped3A = tpu.sem_alloc : memref<!tpu.dma_semaphore, #tpu.memory_space<semaphore_mem>>
      %dma_start3A_141 = arith.constant 0 : i32
      %dma_start3A_142 = tpu.memref_slice %arg18[%add3A_3, %dma_start3A_141] : memref<10000x128xf32, #tpu.memory_space<vmem_shared>> -> memref<48x128xf32, #tpu.memory_space<vmem_shared>>
      %dma_start3A_143 = arith.constant 0 : i32
      %dma_start3A_144 = tpu.memref_slice %arg18[%add3A_3, %dma_start3A_143] : memref<10000x128xf32, #tpu.memory_space<vmem_shared>> -> memref<48x128xf32, #tpu.memory_space<vmem_shared>>
      tpu.enqueue_dma source(%arg17 : memref<48x128xf32, #tpu.memory_space<vmem>>) target(%dma_start3A_144 : memref<48x128xf32, #tpu.memory_space<vmem_shared>>) target_semaphore(%run_scoped3A : memref<!tpu.dma_semaphore, #tpu.memory_space<semaphore_mem>>)
      %dma_wait3A_145 = arith.constant 0 : i32
      %dma_wait3A_146 = tpu.memref_slice %arg18[%add3A_3, %dma_wait3A_145] : memref<10000x128xf32, #tpu.memory_space<vmem_shared>> -> memref<48x128xf32, #tpu.memory_space<vmem_shared>>
      %dma_wait3A_147 = arith.constant 0 : i32
      %dma_wait3A_148 = tpu.memref_slice %arg18[%add3A_3, %dma_wait3A_147] : memref<10000x128xf32, #tpu.memory_space<vmem_shared>> -> memref<48x128xf32, #tpu.memory_space<vmem_shared>>
      tpu.wait_dma2 semaphore(%run_scoped3A : memref<!tpu.dma_semaphore, #tpu.memory_space<semaphore_mem>>) src(%arg17 : memref<48x128xf32, #tpu.memory_space<vmem>>) dst(%dma_wait3A_148 : memref<48x128xf32, #tpu.memory_space<vmem_shared>>)
      tpu.yield
    }) : () -> ()
    %add3A_4 = arith.constant 96 : i32
    %add3A_5 = arith.addi %mul3A_0, %add3A_4 : i32
    "tpu.region"() ({
      %run_scoped3A = tpu.sem_alloc : memref<!tpu.dma_semaphore, #tpu.memory_space<semaphore_mem>>
      %dma_start3A_141 = arith.constant 0 : i32
      %dma_start3A_142 = tpu.memref_slice %arg18[%add3A_5, %dma_start3A_141] : memref<10000x128xf32, #tpu.memory_space<vmem_shared>> -> memref<48x128xf32, #tpu.memory_space<vmem_shared>>
      %dma_start3A_143 = arith.constant 0 : i32
      %dma_start3A_144 = tpu.memref_slice %arg18[%add3A_5, %dma_start3A_143] : memref<10000x128xf32, #tpu.memory_space<vmem_shared>> -> memref<48x128xf32, #tpu.memory_space<vmem_shared>>
      tpu.enqueue_dma source(%arg17 : memref<48x128xf32, #tpu.memory_space<vmem>>) target(%dma_start3A_144 : memref<48x128xf32, #tpu.memory_space<vmem_shared>>) target_semaphore(%run_scoped3A : memref<!tpu.dma_semaphore, #tpu.memory_space<semaphore_mem>>)
      %dma_wait3A_145 = arith.constant 0 : i32
      %dma_wait3A_146 = tpu.memref_slice %arg18[%add3A_5, %dma_wait3A_145] : memref<10000x128xf32, #tpu.memory_space<vmem_shared>> -> memref<48x128xf32, #tpu.memory_space<vmem_shared>>
      %dma_wait3A_147 = arith.constant 0 : i32
      %dma_wait3A_148 = tpu.memref_slice %arg18[%add3A_5, %dma_wait3A_147] : memref<10000x128xf32, #tpu.memory_space<vmem_shared>> -> memref<48x128xf32, #tpu.memory_space<vmem_shared>>
      tpu.wait_dma2 semaphore(%run_scoped3A : memref<!tpu.dma_semaphore, #tpu.memory_space<semaphore_mem>>) src(%arg17 : memref<48x128xf32, #tpu.memory_space<vmem>>) dst(%dma_wait3A_148 : memref<48x128xf32, #tpu.memory_space<vmem_shared>>)
      tpu.yield
    }) : () -> ()
    %add3A_6 = arith.constant 144 : i32
    %add3A_7 = arith.addi %mul3A_0, %add3A_6 : i32
    "tpu.region"() ({
      %run_scoped3A = tpu.sem_alloc : memref<!tpu.dma_semaphore, #tpu.memory_space<semaphore_mem>>
      %dma_start3A_141 = arith.constant 0 : i32
      %dma_start3A_142 = tpu.memref_slice %arg18[%add3A_7, %dma_start3A_141] : memref<10000x128xf32, #tpu.memory_space<vmem_shared>> -> memref<48x128xf32, #tpu.memory_space<vmem_shared>>
      %dma_start3A_143 = arith.constant 0 : i32
      %dma_start3A_144 = tpu.memref_slice %arg18[%add3A_7, %dma_start3A_143] : memref<10000x128xf32, #tpu.memory_space<vmem_shared>> -> memref<48x128xf32, #tpu.memory_space<vmem_shared>>
      tpu.enqueue_dma source(%arg17 : memref<48x128xf32, #tpu.memory_space<vmem>>) target(%dma_start3A_144 : memref<48x128xf32, #tpu.memory_space<vmem_shared>>) target_semaphore(%run_scoped3A : memref<!tpu.dma_semaphore, #tpu.memory_space<semaphore_mem>>)
      %dma_wait3A_145 = arith.constant 0 : i32
      %dma_wait3A_146 = tpu.memref_slice %arg18[%add3A_7, %dma_wait3A_145] : memref<10000x128xf32, #tpu.memory_space<vmem_shared>> -> memref<48x128xf32, #tpu.memory_space<vmem_shared>>
      %dma_wait3A_147 = arith.constant 0 : i32
      %dma_wait3A_148 = tpu.memref_slice %arg18[%add3A_7, %dma_wait3A_147] : memref<10000x128xf32, #tpu.memory_space<vmem_shared>> -> memref<48x128xf32, #tpu.memory_space<vmem_shared>>
      tpu.wait_dma2 semaphore(%run_scoped3A : memref<!tpu.dma_semaphore, #tpu.memory_space<semaphore_mem>>) src(%arg17 : memref<48x128xf32, #tpu.memory_space<vmem>>) dst(%dma_wait3A_148 : memref<48x128xf32, #tpu.memory_space<vmem_shared>>)
      tpu.yield
    }) : () -> ()
    %add3A_8 = arith.constant 192 : i32
    %add3A_9 = arith.addi %mul3A_0, %add3A_8 : i32
    "tpu.region"() ({
      %run_scoped3A = tpu.sem_alloc : memref<!tpu.dma_semaphore, #tpu.memory_space<semaphore_mem>>
      %dma_start3A_141 = arith.constant 0 : i32
      %dma_start3A_142 = tpu.memref_slice %arg18[%add3A_9, %dma_start3A_141] : memref<10000x128xf32, #tpu.memory_space<vmem_shared>> -> memref<48x128xf32, #tpu.memory_space<vmem_shared>>
      %dma_start3A_143 = arith.constant 0 : i32
      %dma_start3A_144 = tpu.memref_slice %arg18[%add3A_9, %dma_start3A_143] : memref<10000x128xf32, #tpu.memory_space<vmem_shared>> -> memref<48x128xf32, #tpu.memory_space<vmem_shared>>
      tpu.enqueue_dma source(%arg17 : memref<48x128xf32, #tpu.memory_space<vmem>>) target(%dma_start3A_144 : memref<48x128xf32, #tpu.memory_space<vmem_shared>>) target_semaphore(%run_scoped3A : memref<!tpu.dma_semaphore, #tpu.memory_space<semaphore_mem>>)
      %dma_wait3A_145 = arith.constant 0 : i32
      %dma_wait3A_146 = tpu.memref_slice %arg18[%add3A_9, %dma_wait3A_145] : memref<10000x128xf32, #tpu.memory_space<vmem_shared>> -> memref<48x128xf32, #tpu.memory_space<vmem_shared>>
      %dma_wait3A_147 = arith.constant 0 : i32
      %dma_wait3A_148 = tpu.memref_slice %arg18[%add3A_9, %dma_wait3A_147] : memref<10000x128xf32, #tpu.memory_space<vmem_shared>> -> memref<48x128xf32, #tpu.memory_space<vmem_shared>>
      tpu.wait_dma2 semaphore(%run_scoped3A : memref<!tpu.dma_semaphore, #tpu.memory_space<semaphore_mem>>) src(%arg17 : memref<48x128xf32, #tpu.memory_space<vmem>>) dst(%dma_wait3A_148 : memref<48x128xf32, #tpu.memory_space<vmem_shared>>)
      tpu.yield
    }) : () -> ()
    %add3A_10 = arith.constant 240 : i32
    %add3A_11 = arith.addi %mul3A_0, %add3A_10 : i32
    "tpu.region"() ({
      %run_scoped3A = tpu.sem_alloc : memref<!tpu.dma_semaphore, #tpu.memory_space<semaphore_mem>>
      %dma_start3A_141 = arith.constant 0 : i32
      %dma_start3A_142 = tpu.memref_slice %arg18[%add3A_11, %dma_start3A_141] : memref<10000x128xf32, #tpu.memory_space<vmem_shared>> -> memref<48x128xf32, #tpu.memory_space<vmem_shared>>
      %dma_start3A_143 = arith.constant 0 : i32
      %dma_start3A_144 = tpu.memref_slice %arg18[%add3A_11, %dma_start3A_143] : memref<10000x128xf32, #tpu.memory_space<vmem_shared>> -> memref<48x128xf32, #tpu.memory_space<vmem_shared>>
      tpu.enqueue_dma source(%arg17 : memref<48x128xf32, #tpu.memory_space<vmem>>) target(%dma_start3A_144 : memref<48x128xf32, #tpu.memory_space<vmem_shared>>) target_semaphore(%run_scoped3A : memref<!tpu.dma_semaphore, #tpu.memory_space<semaphore_mem>>)
      %dma_wait3A_145 = arith.constant 0 : i32
      %dma_wait3A_146 = tpu.memref_slice %arg18[%add3A_11, %dma_wait3A_145] : memref<10000x128xf32, #tpu.memory_space<vmem_shared>> -> memref<48x128xf32, #tpu.memory_space<vmem_shared>>
      %dma_wait3A_147 = arith.constant 0 : i32
      %dma_wait3A_148 = tpu.memref_slice %arg18[%add3A_11, %dma_wait3A_147] : memref<10000x128xf32, #tpu.memory_space<vmem_shared>> -> memref<48x128xf32, #tpu.memory_space<vmem_shared>>
      tpu.wait_dma2 semaphore(%run_scoped3A : memref<!tpu.dma_semaphore, #tpu.memory_space<semaphore_mem>>) src(%arg17 : memref<48x128xf32, #tpu.memory_space<vmem>>) dst(%dma_wait3A_148 : memref<48x128xf32, #tpu.memory_space<vmem_shared>>)
      tpu.yield
    }) : () -> ()
    %add3A_12 = arith.constant 288 : i32
    %add3A_13 = arith.addi %mul3A_0, %add3A_12 : i32
    "tpu.region"() ({
      %run_scoped3A = tpu.sem_alloc : memref<!tpu.dma_semaphore, #tpu.memory_space<semaphore_mem>>
      %dma_start3A_141 = arith.constant 0 : i32
      %dma_start3A_142 = tpu.memref_slice %arg18[%add3A_13, %dma_start3A_141] : memref<10000x128xf32, #tpu.memory_space<vmem_shared>> -> memref<48x128xf32, #tpu.memory_space<vmem_shared>>
      %dma_start3A_143 = arith.constant 0 : i32
      %dma_start3A_144 = tpu.memref_slice %arg18[%add3A_13, %dma_start3A_143] : memref<10000x128xf32, #tpu.memory_space<vmem_shared>> -> memref<48x128xf32, #tpu.memory_space<vmem_shared>>
      tpu.enqueue_dma source(%arg17 : memref<48x128xf32, #tpu.memory_space<vmem>>) target(%dma_start3A_144 : memref<48x128xf32, #tpu.memory_space<vmem_shared>>) target_semaphore(%run_scoped3A : memref<!tpu.dma_semaphore, #tpu.memory_space<semaphore_mem>>)
      %dma_wait3A_145 = arith.constant 0 : i32
      %dma_wait3A_146 = tpu.memref_slice %arg18[%add3A_13, %dma_wait3A_145] : memref<10000x128xf32, #tpu.memory_space<vmem_shared>> -> memref<48x128xf32, #tpu.memory_space<vmem_shared>>
      %dma_wait3A_147 = arith.constant 0 : i32
      %dma_wait3A_148 = tpu.memref_slice %arg18[%add3A_13, %dma_wait3A_147] : memref<10000x128xf32, #tpu.memory_space<vmem_shared>> -> memref<48x128xf32, #tpu.memory_space<vmem_shared>>
      tpu.wait_dma2 semaphore(%run_scoped3A : memref<!tpu.dma_semaphore, #tpu.memory_space<semaphore_mem>>) src(%arg17 : memref<48x128xf32, #tpu.memory_space<vmem>>) dst(%dma_wait3A_148 : memref<48x128xf32, #tpu.memory_space<vmem_shared>>)
      tpu.yield
    }) : () -> ()
    %add3A_14 = arith.constant 336 : i32
    %add3A_15 = arith.addi %mul3A_0, %add3A_14 : i32
    "tpu.region"() ({
      %run_scoped3A = tpu.sem_alloc : memref<!tpu.dma_semaphore, #tpu.memory_space<semaphore_mem>>
      %dma_start3A_141 = arith.constant 0 : i32
      %dma_start3A_142 = tpu.memref_slice %arg18[%add3A_15, %dma_start3A_141] : memref<10000x128xf32, #tpu.memory_space<vmem_shared>> -> memref<48x128xf32, #tpu.memory_space<vmem_shared>>
      %dma_start3A_143 = arith.constant 0 : i32
      %dma_start3A_144 = tpu.memref_slice %arg18[%add3A_15, %dma_start3A_143] : memref<10000x128xf32, #tpu.memory_space<vmem_shared>> -> memref<48x128xf32, #tpu.memory_space<vmem_shared>>
      tpu.enqueue_dma source(%arg17 : memref<48x128xf32, #tpu.memory_space<vmem>>) target(%dma_start3A_144 : memref<48x128xf32, #tpu.memory_space<vmem_shared>>) target_semaphore(%run_scoped3A : memref<!tpu.dma_semaphore, #tpu.memory_space<semaphore_mem>>)
      %dma_wait3A_145 = arith.constant 0 : i32
      %dma_wait3A_146 = tpu.memref_slice %arg18[%add3A_15, %dma_wait3A_145] : memref<10000x128xf32, #tpu.memory_space<vmem_shared>> -> memref<48x128xf32, #tpu.memory_space<vmem_shared>>
      %dma_wait3A_147 = arith.constant 0 : i32
      %dma_wait3A_148 = tpu.memref_slice %arg18[%add3A_15, %dma_wait3A_147] : memref<10000x128xf32, #tpu.memory_space<vmem_shared>> -> memref<48x128xf32, #tpu.memory_space<vmem_shared>>
      tpu.wait_dma2 semaphore(%run_scoped3A : memref<!tpu.dma_semaphore, #tpu.memory_space<semaphore_mem>>) src(%arg17 : memref<48x128xf32, #tpu.memory_space<vmem>>) dst(%dma_wait3A_148 : memref<48x128xf32, #tpu.memory_space<vmem_shared>>)
      tpu.yield
    }) : () -> ()
    %add3A_16 = arith.constant 384 : i32
    %add3A_17 = arith.addi %mul3A_0, %add3A_16 : i32
    "tpu.region"() ({
      %run_scoped3A = tpu.sem_alloc : memref<!tpu.dma_semaphore, #tpu.memory_space<semaphore_mem>>
      %dma_start3A_141 = arith.constant 0 : i32
      %dma_start3A_142 = tpu.memref_slice %arg18[%add3A_17, %dma_start3A_141] : memref<10000x128xf32, #tpu.memory_space<vmem_shared>> -> memref<48x128xf32, #tpu.memory_space<vmem_shared>>
      %dma_start3A_143 = arith.constant 0 : i32
      %dma_start3A_144 = tpu.memref_slice %arg18[%add3A_17, %dma_start3A_143] : memref<10000x128xf32, #tpu.memory_space<vmem_shared>> -> memref<48x128xf32, #tpu.memory_space<vmem_shared>>
      tpu.enqueue_dma source(%arg17 : memref<48x128xf32, #tpu.memory_space<vmem>>) target(%dma_start3A_144 : memref<48x128xf32, #tpu.memory_space<vmem_shared>>) target_semaphore(%run_scoped3A : memref<!tpu.dma_semaphore, #tpu.memory_space<semaphore_mem>>)
      %dma_wait3A_145 = arith.constant 0 : i32
      %dma_wait3A_146 = tpu.memref_slice %arg18[%add3A_17, %dma_wait3A_145] : memref<10000x128xf32, #tpu.memory_space<vmem_shared>> -> memref<48x128xf32, #tpu.memory_space<vmem_shared>>
      %dma_wait3A_147 = arith.constant 0 : i32
      %dma_wait3A_148 = tpu.memref_slice %arg18[%add3A_17, %dma_wait3A_147] : memref<10000x128xf32, #tpu.memory_space<vmem_shared>> -> memref<48x128xf32, #tpu.memory_space<vmem_shared>>
      tpu.wait_dma2 semaphore(%run_scoped3A : memref<!tpu.dma_semaphore, #tpu.memory_space<semaphore_mem>>) src(%arg17 : memref<48x128xf32, #tpu.memory_space<vmem>>) dst(%dma_wait3A_148 : memref<48x128xf32, #tpu.memory_space<vmem_shared>>)
      tpu.yield
    }) : () -> ()
    %add3A_18 = arith.constant 432 : i32
    %add3A_19 = arith.addi %mul3A_0, %add3A_18 : i32
    "tpu.region"() ({
      %run_scoped3A = tpu.sem_alloc : memref<!tpu.dma_semaphore, #tpu.memory_space<semaphore_mem>>
      %dma_start3A_141 = arith.constant 0 : i32
      %dma_start3A_142 = tpu.memref_slice %arg18[%add3A_19, %dma_start3A_141] : memref<10000x128xf32, #tpu.memory_space<vmem_shared>> -> memref<48x128xf32, #tpu.memory_space<vmem_shared>>
      %dma_start3A_143 = arith.constant 0 : i32
      %dma_start3A_144 = tpu.memref_slice %arg18[%add3A_19, %dma_start3A_143] : memref<10000x128xf32, #tpu.memory_space<vmem_shared>> -> memref<48x128xf32, #tpu.memory_space<vmem_shared>>
      tpu.enqueue_dma source(%arg17 : memref<48x128xf32, #tpu.memory_space<vmem>>) target(%dma_start3A_144 : memref<48x128xf32, #tpu.memory_space<vmem_shared>>) target_semaphore(%run_scoped3A : memref<!tpu.dma_semaphore, #tpu.memory_space<semaphore_mem>>)
      %dma_wait3A_145 = arith.constant 0 : i32
      %dma_wait3A_146 = tpu.memref_slice %arg18[%add3A_19, %dma_wait3A_145] : memref<10000x128xf32, #tpu.memory_space<vmem_shared>> -> memref<48x128xf32, #tpu.memory_space<vmem_shared>>
      %dma_wait3A_147 = arith.constant 0 : i32
      %dma_wait3A_148 = tpu.memref_slice %arg18[%add3A_19, %dma_wait3A_147] : memref<10000x128xf32, #tpu.memory_space<vmem_shared>> -> memref<48x128xf32, #tpu.memory_space<vmem_shared>>
      tpu.wait_dma2 semaphore(%run_scoped3A : memref<!tpu.dma_semaphore, #tpu.memory_space<semaphore_mem>>) src(%arg17 : memref<48x128xf32, #tpu.memory_space<vmem>>) dst(%dma_wait3A_148 : memref<48x128xf32, #tpu.memory_space<vmem_shared>>)
      tpu.yield
    }) : () -> ()
    %add3A_20 = arith.constant 480 : i32
    %add3A_21 = arith.addi %mul3A_0, %add3A_20 : i32
    "tpu.region"() ({
      %run_scoped3A = tpu.sem_alloc : memref<!tpu.dma_semaphore, #tpu.memory_space<semaphore_mem>>
      %dma_start3A_141 = arith.constant 0 : i32
      %dma_start3A_142 = tpu.memref_slice %arg18[%add3A_21, %dma_start3A_141] : memref<10000x128xf32, #tpu.memory_space<vmem_shared>> -> memref<48x128xf32, #tpu.memory_space<vmem_shared>>
      %dma_start3A_143 = arith.constant 0 : i32
      %dma_start3A_144 = tpu.memref_slice %arg18[%add3A_21, %dma_start3A_143] : memref<10000x128xf32, #tpu.memory_space<vmem_shared>> -> memref<48x128xf32, #tpu.memory_space<vmem_shared>>
      tpu.enqueue_dma source(%arg17 : memref<48x128xf32, #tpu.memory_space<vmem>>) target(%dma_start3A_144 : memref<48x128xf32, #tpu.memory_space<vmem_shared>>) target_semaphore(%run_scoped3A : memref<!tpu.dma_semaphore, #tpu.memory_space<semaphore_mem>>)
      %dma_wait3A_145 = arith.constant 0 : i32
      %dma_wait3A_146 = tpu.memref_slice %arg18[%add3A_21, %dma_wait3A_145] : memref<10000x128xf32, #tpu.memory_space<vmem_shared>> -> memref<48x128xf32, #tpu.memory_space<vmem_shared>>
      %dma_wait3A_147 = arith.constant 0 : i32
      %dma_wait3A_148 = tpu.memref_slice %arg18[%add3A_21, %dma_wait3A_147] : memref<10000x128xf32, #tpu.memory_space<vmem_shared>> -> memref<48x128xf32, #tpu.memory_space<vmem_shared>>
      tpu.wait_dma2 semaphore(%run_scoped3A : memref<!tpu.dma_semaphore, #tpu.memory_space<semaphore_mem>>) src(%arg17 : memref<48x128xf32, #tpu.memory_space<vmem>>) dst(%dma_wait3A_148 : memref<48x128xf32, #tpu.memory_space<vmem_shared>>)
      tpu.yield
    }) : () -> ()
    %add3A_22 = arith.constant 528 : i32
    %add3A_23 = arith.addi %mul3A_0, %add3A_22 : i32
    "tpu.region"() ({
      %run_scoped3A = tpu.sem_alloc : memref<!tpu.dma_semaphore, #tpu.memory_space<semaphore_mem>>
      %dma_start3A_141 = arith.constant 0 : i32
      %dma_start3A_142 = tpu.memref_slice %arg18[%add3A_23, %dma_start3A_141] : memref<10000x128xf32, #tpu.memory_space<vmem_shared>> -> memref<48x128xf32, #tpu.memory_space<vmem_shared>>
      %dma_start3A_143 = arith.constant 0 : i32
      %dma_start3A_144 = tpu.memref_slice %arg18[%add3A_23, %dma_start3A_143] : memref<10000x128xf32, #tpu.memory_space<vmem_shared>> -> memref<48x128xf32, #tpu.memory_space<vmem_shared>>
      tpu.enqueue_dma source(%arg17 : memref<48x128xf32, #tpu.memory_space<vmem>>) target(%dma_start3A_144 : memref<48x128xf32, #tpu.memory_space<vmem_shared>>) target_semaphore(%run_scoped3A : memref<!tpu.dma_semaphore, #tpu.memory_space<semaphore_mem>>)
      %dma_wait3A_145 = arith.constant 0 : i32
      %dma_wait3A_146 = tpu.memref_slice %arg18[%add3A_23, %dma_wait3A_145] : memref<10000x128xf32, #tpu.memory_space<vmem_shared>> -> memref<48x128xf32, #tpu.memory_space<vmem_shared>>
      %dma_wait3A_147 = arith.constant 0 : i32
      %dma_wait3A_148 = tpu.memref_slice %arg18[%add3A_23, %dma_wait3A_147] : memref<10000x128xf32, #tpu.memory_space<vmem_shared>> -> memref<48x128xf32, #tpu.memory_space<vmem_shared>>
      tpu.wait_dma2 semaphore(%run_scoped3A : memref<!tpu.dma_semaphore, #tpu.memory_space<semaphore_mem>>) src(%arg17 : memref<48x128xf32, #tpu.memory_space<vmem>>) dst(%dma_wait3A_148 : memref<48x128xf32, #tpu.memory_space<vmem_shared>>)
      tpu.yield
    }) : () -> ()
    %add3A_24 = arith.constant 576 : i32
    %add3A_25 = arith.addi %mul3A_0, %add3A_24 : i32
    "tpu.region"() ({
      %run_scoped3A = tpu.sem_alloc : memref<!tpu.dma_semaphore, #tpu.memory_space<semaphore_mem>>
      %dma_start3A_141 = arith.constant 0 : i32
      %dma_start3A_142 = tpu.memref_slice %arg18[%add3A_25, %dma_start3A_141] : memref<10000x128xf32, #tpu.memory_space<vmem_shared>> -> memref<48x128xf32, #tpu.memory_space<vmem_shared>>
      %dma_start3A_143 = arith.constant 0 : i32
      %dma_start3A_144 = tpu.memref_slice %arg18[%add3A_25, %dma_start3A_143] : memref<10000x128xf32, #tpu.memory_space<vmem_shared>> -> memref<48x128xf32, #tpu.memory_space<vmem_shared>>
      tpu.enqueue_dma source(%arg17 : memref<48x128xf32, #tpu.memory_space<vmem>>) target(%dma_start3A_144 : memref<48x128xf32, #tpu.memory_space<vmem_shared>>) target_semaphore(%run_scoped3A : memref<!tpu.dma_semaphore, #tpu.memory_space<semaphore_mem>>)
      %dma_wait3A_145 = arith.constant 0 : i32
      %dma_wait3A_146 = tpu.memref_slice %arg18[%add3A_25, %dma_wait3A_145] : memref<10000x128xf32, #tpu.memory_space<vmem_shared>> -> memref<48x128xf32, #tpu.memory_space<vmem_shared>>
      %dma_wait3A_147 = arith.constant 0 : i32
      %dma_wait3A_148 = tpu.memref_slice %arg18[%add3A_25, %dma_wait3A_147] : memref<10000x128xf32, #tpu.memory_space<vmem_shared>> -> memref<48x128xf32, #tpu.memory_space<vmem_shared>>
      tpu.wait_dma2 semaphore(%run_scoped3A : memref<!tpu.dma_semaphore, #tpu.memory_space<semaphore_mem>>) src(%arg17 : memref<48x128xf32, #tpu.memory_space<vmem>>) dst(%dma_wait3A_148 : memref<48x128xf32, #tpu.memory_space<vmem_shared>>)
      tpu.yield
    }) : () -> ()
    %eq3A = arith.constant 15 : i32
    %eq3A_26 = arith.cmpi eq, %arg1, %eq3A : i32
    %convert_element_type3A = arith.extui %eq3A_26 : i1 to i32
    %cond3A = arith.constant 0 : i32
    %cond3A_27 = arith.cmpi ne, %convert_element_type3A, %cond3A : i32
    scf.if %cond3A_27 {
      "tpu.region"() ({
        %run_scoped3A = tpu.sem_alloc : memref<!tpu.dma_semaphore, #tpu.memory_space<semaphore_mem>>
        %dma_start3A_141 = arith.constant 0 : i32
        %dma_start3A_142 = arith.constant 0 : i32
        %dma_start3A_143 = tpu.memref_slice %arg17[%dma_start3A_141, %dma_start3A_142] : memref<48x128xf32, #tpu.memory_space<vmem>> -> memref<16x128xf32, #tpu.memory_space<vmem>>
        %dma_start3A_144 = arith.constant 9984 : i32
        %dma_start3A_145 = arith.constant 0 : i32
        %dma_start3A_146 = tpu.memref_slice %arg18[%dma_start3A_144, %dma_start3A_145] : memref<10000x128xf32, #tpu.memory_space<vmem_shared>> -> memref<16x128xf32, #tpu.memory_space<vmem_shared>>
        %dma_start3A_147 = arith.constant 9984 : i32
        %dma_start3A_148 = arith.constant 0 : i32
        %dma_start3A_149 = tpu.memref_slice %arg18[%dma_start3A_147, %dma_start3A_148] : memref<10000x128xf32, #tpu.memory_space<vmem_shared>> -> memref<16x128xf32, #tpu.memory_space<vmem_shared>>
        %dma_start3A_150 = arith.constant 0 : i32
        %dma_start3A_151 = arith.constant 0 : i32
        %dma_start3A_152 = tpu.memref_slice %arg17[%dma_start3A_150, %dma_start3A_151] : memref<48x128xf32, #tpu.memory_space<vmem>> -> memref<16x128xf32, #tpu.memory_space<vmem>>
        tpu.enqueue_dma source(%dma_start3A_152 : memref<16x128xf32, #tpu.memory_space<vmem>>) target(%dma_start3A_149 : memref<16x128xf32, #tpu.memory_space<vmem_shared>>) target_semaphore(%run_scoped3A : memref<!tpu.dma_semaphore, #tpu.memory_space<semaphore_mem>>)
        %dma_wait3A_153 = arith.constant 0 : i32
        %dma_wait3A_154 = arith.constant 0 : i32
        %dma_wait3A_155 = tpu.memref_slice %arg17[%dma_wait3A_153, %dma_wait3A_154] : memref<48x128xf32, #tpu.memory_space<vmem>> -> memref<16x128xf32, #tpu.memory_space<vmem>>
        %dma_wait3A_156 = arith.constant 9984 : i32
        %dma_wait3A_157 = arith.constant 0 : i32
        %dma_wait3A_158 = tpu.memref_slice %arg18[%dma_wait3A_156, %dma_wait3A_157] : memref<10000x128xf32, #tpu.memory_space<vmem_shared>> -> memref<16x128xf32, #tpu.memory_space<vmem_shared>>
        %dma_wait3A_159 = arith.constant 9984 : i32
        %dma_wait3A_160 = arith.constant 0 : i32
        %dma_wait3A_161 = tpu.memref_slice %arg18[%dma_wait3A_159, %dma_wait3A_160] : memref<10000x128xf32, #tpu.memory_space<vmem_shared>> -> memref<16x128xf32, #tpu.memory_space<vmem_shared>>
        %dma_wait3A_162 = arith.constant 0 : i32
        %dma_wait3A_163 = arith.constant 0 : i32
        %dma_wait3A_164 = tpu.memref_slice %arg17[%dma_wait3A_162, %dma_wait3A_163] : memref<48x128xf32, #tpu.memory_space<vmem>> -> memref<16x128xf32, #tpu.memory_space<vmem>>
        tpu.wait_dma2 semaphore(%run_scoped3A : memref<!tpu.dma_semaphore, #tpu.memory_space<semaphore_mem>>) src(%dma_wait3A_164 : memref<16x128xf32, #tpu.memory_space<vmem>>) dst(%dma_wait3A_161 : memref<16x128xf32, #tpu.memory_space<vmem_shared>>)
        tpu.yield
      }) : () -> ()
    } else {
    }
    %barrier3A = arith.constant 0 : index
    tpu.barrier barrier_id(%barrier3A)
    %mul3A_28 = arith.constant 1250 : i32
    %mul3A_29 = arith.muli %arg1, %mul3A_28 : i32
    %jit3A = arith.constant 16 : i32
    %div3A = arith.divsi %mul3A_29, %jit3A : i32
    %sign3A = arith.constant 0 : i32
    %sign3A_30 = arith.cmpi sgt, %mul3A_29, %sign3A : i32
    %sign3A_31 = arith.extui %sign3A_30 : i1 to i32
    %sign3A_32 = arith.constant 0 : i32
    %sign3A_33 = arith.cmpi slt, %mul3A_29, %sign3A_32 : i32
    %sign3A_34 = arith.extui %sign3A_33 : i1 to i32
    %sign3A_35 = arith.subi %sign3A_31, %sign3A_34 : i32
    %sign3A_36 = arith.constant 0 : i32
    %sign3A_37 = arith.cmpi sgt, %jit3A, %sign3A_36 : i32
    %sign3A_38 = arith.extui %sign3A_37 : i1 to i32
    %sign3A_39 = arith.constant 0 : i32
    %sign3A_40 = arith.cmpi slt, %jit3A, %sign3A_39 : i32
    %sign3A_41 = arith.extui %sign3A_40 : i1 to i32
    %sign3A_42 = arith.subi %sign3A_38, %sign3A_41 : i32
    %ne3A = arith.cmpi ne, %sign3A_35, %sign3A_42 : i32
    %rem3A = arith.remsi %mul3A_29, %jit3A : i32
    %ne3A_43 = arith.constant 0 : i32
    %ne3A_44 = arith.cmpi ne, %rem3A, %ne3A_43 : i32
    %and3A = arith.andi %ne3A, %ne3A_44 : i1
    %sub3A = arith.constant 1 : i32
    %sub3A_45 = arith.subi %div3A, %sub3A : i32
    %select_n3A = arith.select %and3A, %sub3A_45, %div3A : i32
    %add3A_46 = arith.constant 1 : i32
    %add3A_47 = arith.addi %arg1, %add3A_46 : i32
    %mul3A_48 = arith.constant 1250 : i32
    %mul3A_49 = arith.muli %add3A_47, %mul3A_48 : i32
    %jit3A_50 = arith.constant 16 : i32
    %div3A_51 = arith.divsi %mul3A_49, %jit3A_50 : i32
    %sign3A_52 = arith.constant 0 : i32
    %sign3A_53 = arith.cmpi sgt, %mul3A_49, %sign3A_52 : i32
    %sign3A_54 = arith.extui %sign3A_53 : i1 to i32
    %sign3A_55 = arith.constant 0 : i32
    %sign3A_56 = arith.cmpi slt, %mul3A_49, %sign3A_55 : i32
    %sign3A_57 = arith.extui %sign3A_56 : i1 to i32
    %sign3A_58 = arith.subi %sign3A_54, %sign3A_57 : i32
    %sign3A_59 = arith.constant 0 : i32
    %sign3A_60 = arith.cmpi sgt, %jit3A_50, %sign3A_59 : i32
    %sign3A_61 = arith.extui %sign3A_60 : i1 to i32
    %sign3A_62 = arith.constant 0 : i32
    %sign3A_63 = arith.cmpi slt, %jit3A_50, %sign3A_62 : i32
    %sign3A_64 = arith.extui %sign3A_63 : i1 to i32
    %sign3A_65 = arith.subi %sign3A_61, %sign3A_64 : i32
    %ne3A_66 = arith.cmpi ne, %sign3A_58, %sign3A_65 : i32
    %rem3A_67 = arith.remsi %mul3A_49, %jit3A_50 : i32
    %ne3A_68 = arith.constant 0 : i32
    %ne3A_69 = arith.cmpi ne, %rem3A_67, %ne3A_68 : i32
    %and3A_70 = arith.andi %ne3A_66, %ne3A_69 : i1
    %sub3A_71 = arith.constant 1 : i32
    %sub3A_72 = arith.subi %div3A_51, %sub3A_71 : i32
    %select_n3A_73 = arith.select %and3A_70, %sub3A_72, %div3A_51 : i32
    %mul3A_74 = arith.constant 128 : i32
    %mul3A_75 = arith.muli %select_n3A, %mul3A_74 : i32
    %dma_start3A = tpu.memref_slice %arg3[%mul3A_75] : memref<160000xi32, #tpu.memory_space<hbm>> -> memref<128xi32, #tpu.memory_space<hbm>>
    %dma_start3A_76 = tpu.memref_slice %arg3[%mul3A_75] : memref<160000xi32, #tpu.memory_space<hbm>> -> memref<128xi32, #tpu.memory_space<hbm>>
    tpu.enqueue_dma source(%dma_start3A_76 : memref<128xi32, #tpu.memory_space<hbm>>) target(%arg7 : memref<128xi32, #tpu.memory_space<vmem>>) target_semaphore(%arg13 : memref<!tpu.dma_semaphore, #tpu.memory_space<semaphore_mem>>)
    %dma_start3A_77 = tpu.memref_slice %arg4[%mul3A_75] : memref<160000xi32, #tpu.memory_space<hbm>> -> memref<128xi32, #tpu.memory_space<hbm>>
    %dma_start3A_78 = tpu.memref_slice %arg4[%mul3A_75] : memref<160000xi32, #tpu.memory_space<hbm>> -> memref<128xi32, #tpu.memory_space<hbm>>
    tpu.enqueue_dma source(%dma_start3A_78 : memref<128xi32, #tpu.memory_space<hbm>>) target(%arg9 : memref<128xi32, #tpu.memory_space<vmem>>) target_semaphore(%arg13 : memref<!tpu.dma_semaphore, #tpu.memory_space<semaphore_mem>>)
    %dma_wait3A = arith.constant 0 : i32
    %dma_wait3A_79 = tpu.memref_slice %arg3[%dma_wait3A] : memref<160000xi32, #tpu.memory_space<hbm>> -> memref<128xi32, #tpu.memory_space<hbm>>
    %dma_wait3A_80 = arith.constant 0 : i32
    %dma_wait3A_81 = tpu.memref_slice %arg3[%dma_wait3A_80] : memref<160000xi32, #tpu.memory_space<hbm>> -> memref<128xi32, #tpu.memory_space<hbm>>
    tpu.wait_dma2 semaphore(%arg13 : memref<!tpu.dma_semaphore, #tpu.memory_space<semaphore_mem>>) src(%dma_wait3A_81 : memref<128xi32, #tpu.memory_space<hbm>>) dst(%arg7 : memref<128xi32, #tpu.memory_space<vmem>>)
    %dma_wait3A_82 = arith.constant 0 : i32
    %dma_wait3A_83 = tpu.memref_slice %arg4[%dma_wait3A_82] : memref<160000xi32, #tpu.memory_space<hbm>> -> memref<128xi32, #tpu.memory_space<hbm>>
    %dma_wait3A_84 = arith.constant 0 : i32
    %dma_wait3A_85 = tpu.memref_slice %arg4[%dma_wait3A_84] : memref<160000xi32, #tpu.memory_space<hbm>> -> memref<128xi32, #tpu.memory_space<hbm>>
    tpu.wait_dma2 semaphore(%arg13 : memref<!tpu.dma_semaphore, #tpu.memory_space<semaphore_mem>>) src(%dma_wait3A_85 : memref<128xi32, #tpu.memory_space<hbm>>) dst(%arg9 : memref<128xi32, #tpu.memory_space<vmem>>)
    %dma_start3A_86 = arith.constant 0 : i32
    %dma_start3A_87 = arith.constant 0 : i32
    %dma_start3A_88 = tpu.memref_slice %arg2[%arg0, %dma_start3A_86, %dma_start3A_87] : memref<2x10000x128xf32, #tpu.memory_space<hbm>> -> memref<1x10000x128xf32, #tpu.memory_space<hbm>>
    %dma_start3A_89 = tpu.memref_squeeze %dma_start3A_88 : memref<1x10000x128xf32, #tpu.memory_space<hbm>> -> memref<10000x128xf32, #tpu.memory_space<hbm>>
    %dma_start3A_90 = arith.constant 0 : i32
    %dma_start3A_91 = arith.constant 0 : i32
    %dma_start3A_92 = tpu.memref_slice %dma_start3A_89[%dma_start3A_90, %dma_start3A_91] : memref<10000x128xf32, #tpu.memory_space<hbm>> -> memref<10000x128xf32, #tpu.memory_space<hbm>>
    tpu.enqueue_indirect_dma source(%dma_start3A_92 : memref<10000x128xf32, #tpu.memory_space<hbm>>) target(%arg11 : memref<128x128xf32, #tpu.memory_space<vmem>>) offsets(%arg7 : memref<128xi32, #tpu.memory_space<vmem>>) semaphore(%arg15 : memref<!tpu.dma_semaphore, #tpu.memory_space<semaphore_mem>>)
    %add3A_93 = arith.constant 1 : i32
    %add3A_94 = arith.addi %select_n3A, %add3A_93 : i32
    %mul3A_95 = arith.constant 128 : i32
    %mul3A_96 = arith.muli %add3A_94, %mul3A_95 : i32
    %dma_start3A_97 = tpu.memref_slice %arg3[%mul3A_96] : memref<160000xi32, #tpu.memory_space<hbm>> -> memref<128xi32, #tpu.memory_space<hbm>>
    %dma_start3A_98 = tpu.memref_slice %arg3[%mul3A_96] : memref<160000xi32, #tpu.memory_space<hbm>> -> memref<128xi32, #tpu.memory_space<hbm>>
    tpu.enqueue_dma source(%dma_start3A_98 : memref<128xi32, #tpu.memory_space<hbm>>) target(%arg8 : memref<128xi32, #tpu.memory_space<vmem>>) target_semaphore(%arg14 : memref<!tpu.dma_semaphore, #tpu.memory_space<semaphore_mem>>)
    %dma_start3A_99 = tpu.memref_slice %arg4[%mul3A_96] : memref<160000xi32, #tpu.memory_space<hbm>> -> memref<128xi32, #tpu.memory_space<hbm>>
    %dma_start3A_100 = tpu.memref_slice %arg4[%mul3A_96] : memref<160000xi32, #tpu.memory_space<hbm>> -> memref<128xi32, #tpu.memory_space<hbm>>
    tpu.enqueue_dma source(%dma_start3A_100 : memref<128xi32, #tpu.memory_space<hbm>>) target(%arg10 : memref<128xi32, #tpu.memory_space<vmem>>) target_semaphore(%arg14 : memref<!tpu.dma_semaphore, #tpu.memory_space<semaphore_mem>>)
    %while3A = arith.constant 0 : i32
    %while3A_101 = arith.subi %select_n3A_73, %select_n3A : i32
    %while3A_102 = arith.addi %select_n3A, %while3A_101 : i32
    %while3A_103 = arith.constant 1 : i32
    %while3A_104 = arith.divsi %while3A_101, %while3A_103 : i32
    %while3A_105 = arith.muli %while3A_104, %while3A_103 : i32
    %while3A_106 = arith.addi %select_n3A, %while3A_105 : i32
    %while3A_107 = arith.constant 1 : i32
    scf.for %while3A_141 = %select_n3A to %while3A_106 step %while3A_107  : i32 {
      %add3A_142 = arith.constant 1 : i32
      %add3A_143 = arith.addi %while3A_141, %add3A_142 : i32
      %sub3A_144 = arith.subi %while3A_141, %select_n3A : i32
      %rem3A_145 = arith.constant 2 : i32
      %rem3A_146 = arith.remsi %sub3A_144, %rem3A_145 : i32
      %eq3A_147 = arith.constant 0 : i32
      %eq3A_148 = arith.cmpi eq, %rem3A_146, %eq3A_147 : i32
      %convert_element_type3A_149 = arith.extui %eq3A_148 : i1 to i32
      %cond3A_150 = arith.constant 0 : i32
      %cond3A_151 = arith.cmpi ne, %convert_element_type3A_149, %cond3A_150 : i32
      scf.if %cond3A_151 {
        %dma_wait3A_160 = arith.constant 0 : i32
        %dma_wait3A_161 = arith.constant 0 : i32
        %dma_wait3A_162 = tpu.memref_slice %arg2[%arg0, %dma_wait3A_160, %dma_wait3A_161] : memref<2x10000x128xf32, #tpu.memory_space<hbm>> -> memref<1x128x128xf32, #tpu.memory_space<hbm>>
        %dma_wait3A_163 = tpu.memref_squeeze %dma_wait3A_162 : memref<1x128x128xf32, #tpu.memory_space<hbm>> -> memref<128x128xf32, #tpu.memory_space<hbm>>
        %dma_wait3A_164 = arith.constant 0 : i32
        %dma_wait3A_165 = arith.constant 0 : i32
        %dma_wait3A_166 = tpu.memref_slice %arg2[%arg0, %dma_wait3A_164, %dma_wait3A_165] : memref<2x10000x128xf32, #tpu.memory_space<hbm>> -> memref<1x128x128xf32, #tpu.memory_space<hbm>>
        %dma_wait3A_167 = tpu.memref_squeeze %dma_wait3A_166 : memref<1x128x128xf32, #tpu.memory_space<hbm>> -> memref<128x128xf32, #tpu.memory_space<hbm>>
        tpu.wait_dma2 semaphore(%arg15 : memref<!tpu.dma_semaphore, #tpu.memory_space<semaphore_mem>>) src(%dma_wait3A_167 : memref<128x128xf32, #tpu.memory_space<hbm>>) dst(%arg11 : memref<128x128xf32, #tpu.memory_space<vmem>>)
        %lt3A = arith.cmpi slt, %add3A_143, %select_n3A_73 : i32
        %convert_element_type3A_168 = arith.extui %lt3A : i1 to i32
        %cond3A_169 = arith.constant 0 : i32
        %cond3A_170 = arith.cmpi ne, %convert_element_type3A_168, %cond3A_169 : i32
        scf.if %cond3A_170 {
          %dma_wait3A_177 = arith.constant 0 : i32
          %dma_wait3A_178 = tpu.memref_slice %arg3[%dma_wait3A_177] : memref<160000xi32, #tpu.memory_space<hbm>> -> memref<128xi32, #tpu.memory_space<hbm>>
          %dma_wait3A_179 = arith.constant 0 : i32
          %dma_wait3A_180 = tpu.memref_slice %arg3[%dma_wait3A_179] : memref<160000xi32, #tpu.memory_space<hbm>> -> memref<128xi32, #tpu.memory_space<hbm>>
          tpu.wait_dma2 semaphore(%arg14 : memref<!tpu.dma_semaphore, #tpu.memory_space<semaphore_mem>>) src(%dma_wait3A_180 : memref<128xi32, #tpu.memory_space<hbm>>) dst(%arg8 : memref<128xi32, #tpu.memory_space<vmem>>)
          %dma_wait3A_181 = arith.constant 0 : i32
          %dma_wait3A_182 = tpu.memref_slice %arg4[%dma_wait3A_181] : memref<160000xi32, #tpu.memory_space<hbm>> -> memref<128xi32, #tpu.memory_space<hbm>>
          %dma_wait3A_183 = arith.constant 0 : i32
          %dma_wait3A_184 = tpu.memref_slice %arg4[%dma_wait3A_183] : memref<160000xi32, #tpu.memory_space<hbm>> -> memref<128xi32, #tpu.memory_space<hbm>>
          tpu.wait_dma2 semaphore(%arg14 : memref<!tpu.dma_semaphore, #tpu.memory_space<semaphore_mem>>) src(%dma_wait3A_184 : memref<128xi32, #tpu.memory_space<hbm>>) dst(%arg10 : memref<128xi32, #tpu.memory_space<vmem>>)
          %dma_start3A_185 = arith.constant 0 : i32
          %dma_start3A_186 = arith.constant 0 : i32
          %dma_start3A_187 = tpu.memref_slice %arg2[%arg0, %dma_start3A_185, %dma_start3A_186] : memref<2x10000x128xf32, #tpu.memory_space<hbm>> -> memref<1x10000x128xf32, #tpu.memory_space<hbm>>
          %dma_start3A_188 = tpu.memref_squeeze %dma_start3A_187 : memref<1x10000x128xf32, #tpu.memory_space<hbm>> -> memref<10000x128xf32, #tpu.memory_space<hbm>>
          %dma_start3A_189 = arith.constant 0 : i32
          %dma_start3A_190 = arith.constant 0 : i32
          %dma_start3A_191 = tpu.memref_slice %dma_start3A_188[%dma_start3A_189, %dma_start3A_190] : memref<10000x128xf32, #tpu.memory_space<hbm>> -> memref<10000x128xf32, #tpu.memory_space<hbm>>
          tpu.enqueue_indirect_dma source(%dma_start3A_191 : memref<10000x128xf32, #tpu.memory_space<hbm>>) target(%arg12 : memref<128x128xf32, #tpu.memory_space<vmem>>) offsets(%arg8 : memref<128xi32, #tpu.memory_space<vmem>>) semaphore(%arg16 : memref<!tpu.dma_semaphore, #tpu.memory_space<semaphore_mem>>)
        } else {
        }
        "tpu.region"() ({
          %run_scoped3A = tpu.sem_alloc : memref<!tpu.dma_semaphore, #tpu.memory_space<semaphore_mem>>
          %dma_start3A_177 = arith.constant 0 : i32
          %dma_start3A_178 = arith.constant 0 : i32
          %dma_start3A_179 = tpu.memref_slice %arg18[%dma_start3A_177, %dma_start3A_178] : memref<10000x128xf32, #tpu.memory_space<vmem_shared>> -> memref<10000x128xf32, #tpu.memory_space<vmem_shared>>
          tpu.enqueue_indirect_dma source(%arg11 : memref<128x128xf32, #tpu.memory_space<vmem>>) target(%dma_start3A_179 : memref<10000x128xf32, #tpu.memory_space<vmem_shared>>) offsets(%arg9 : memref<128xi32, #tpu.memory_space<vmem>>) semaphore(%run_scoped3A : memref<!tpu.dma_semaphore, #tpu.memory_space<semaphore_mem>>) {add = true}
          %dma_wait3A_180 = arith.constant 0 : i32
          %dma_wait3A_181 = arith.constant 0 : i32
          %dma_wait3A_182 = tpu.memref_slice %arg18[%dma_wait3A_180, %dma_wait3A_181] : memref<10000x128xf32, #tpu.memory_space<vmem_shared>> -> memref<10000x128xf32, #tpu.memory_space<vmem_shared>>
          tpu.wait_indirect_dma semaphore(%run_scoped3A : memref<!tpu.dma_semaphore, #tpu.memory_space<semaphore_mem>>) src(%arg11 : memref<128x128xf32, #tpu.memory_space<vmem>>) dst(%dma_wait3A_182 : memref<10000x128xf32, #tpu.memory_space<vmem_shared>>)
          tpu.yield
        }) : () -> ()
        %add3A_171 = arith.constant 2 : i32
        %add3A_172 = arith.addi %while3A_141, %add3A_171 : i32
        %lt3A_173 = arith.cmpi slt, %add3A_172, %select_n3A_73 : i32
        %convert_element_type3A_174 = arith.extui %lt3A_173 : i1 to i32
        %cond3A_175 = arith.constant 0 : i32
        %cond3A_176 = arith.cmpi ne, %convert_element_type3A_174, %cond3A_175 : i32
        scf.if %cond3A_176 {
          %add3A_177 = arith.constant 2 : i32
          %add3A_178 = arith.addi %while3A_141, %add3A_177 : i32
          %mul3A_179 = arith.constant 128 : i32
          %mul3A_180 = arith.muli %add3A_178, %mul3A_179 : i32
          %dma_start3A_181 = tpu.memref_slice %arg3[%mul3A_180] : memref<160000xi32, #tpu.memory_space<hbm>> -> memref<128xi32, #tpu.memory_space<hbm>>
          %dma_start3A_182 = tpu.memref_slice %arg3[%mul3A_180] : memref<160000xi32, #tpu.memory_space<hbm>> -> memref<128xi32, #tpu.memory_space<hbm>>
          tpu.enqueue_dma source(%dma_start3A_182 : memref<128xi32, #tpu.memory_space<hbm>>) target(%arg7 : memref<128xi32, #tpu.memory_space<vmem>>) target_semaphore(%arg13 : memref<!tpu.dma_semaphore, #tpu.memory_space<semaphore_mem>>)
          %dma_start3A_183 = tpu.memref_slice %arg4[%mul3A_180] : memref<160000xi32, #tpu.memory_space<hbm>> -> memref<128xi32, #tpu.memory_space<hbm>>
          %dma_start3A_184 = tpu.memref_slice %arg4[%mul3A_180] : memref<160000xi32, #tpu.memory_space<hbm>> -> memref<128xi32, #tpu.memory_space<hbm>>
          tpu.enqueue_dma source(%dma_start3A_184 : memref<128xi32, #tpu.memory_space<hbm>>) target(%arg9 : memref<128xi32, #tpu.memory_space<vmem>>) target_semaphore(%arg13 : memref<!tpu.dma_semaphore, #tpu.memory_space<semaphore_mem>>)
        } else {
        }
      } else {
      }
      %sub3A_152 = arith.subi %while3A_141, %select_n3A : i32
      %rem3A_153 = arith.constant 2 : i32
      %rem3A_154 = arith.remsi %sub3A_152, %rem3A_153 : i32
      %eq3A_155 = arith.constant 1 : i32
      %eq3A_156 = arith.cmpi eq, %rem3A_154, %eq3A_155 : i32
      %convert_element_type3A_157 = arith.extui %eq3A_156 : i1 to i32
      %cond3A_158 = arith.constant 0 : i32
      %cond3A_159 = arith.cmpi ne, %convert_element_type3A_157, %cond3A_158 : i32
      scf.if %cond3A_159 {
        %dma_wait3A_160 = arith.constant 0 : i32
        %dma_wait3A_161 = arith.constant 0 : i32
        %dma_wait3A_162 = tpu.memref_slice %arg2[%arg0, %dma_wait3A_160, %dma_wait3A_161] : memref<2x10000x128xf32, #tpu.memory_space<hbm>> -> memref<1x128x128xf32, #tpu.memory_space<hbm>>
        %dma_wait3A_163 = tpu.memref_squeeze %dma_wait3A_162 : memref<1x128x128xf32, #tpu.memory_space<hbm>> -> memref<128x128xf32, #tpu.memory_space<hbm>>
        %dma_wait3A_164 = arith.constant 0 : i32
        %dma_wait3A_165 = arith.constant 0 : i32
        %dma_wait3A_166 = tpu.memref_slice %arg2[%arg0, %dma_wait3A_164, %dma_wait3A_165] : memref<2x10000x128xf32, #tpu.memory_space<hbm>> -> memref<1x128x128xf32, #tpu.memory_space<hbm>>
        %dma_wait3A_167 = tpu.memref_squeeze %dma_wait3A_166 : memref<1x128x128xf32, #tpu.memory_space<hbm>> -> memref<128x128xf32, #tpu.memory_space<hbm>>
        tpu.wait_dma2 semaphore(%arg16 : memref<!tpu.dma_semaphore, #tpu.memory_space<semaphore_mem>>) src(%dma_wait3A_167 : memref<128x128xf32, #tpu.memory_space<hbm>>) dst(%arg12 : memref<128x128xf32, #tpu.memory_space<vmem>>)
        %lt3A = arith.cmpi slt, %add3A_143, %select_n3A_73 : i32
        %convert_element_type3A_168 = arith.extui %lt3A : i1 to i32
        %cond3A_169 = arith.constant 0 : i32
        %cond3A_170 = arith.cmpi ne, %convert_element_type3A_168, %cond3A_169 : i32
        scf.if %cond3A_170 {
          %dma_wait3A_177 = arith.constant 0 : i32
          %dma_wait3A_178 = tpu.memref_slice %arg3[%dma_wait3A_177] : memref<160000xi32, #tpu.memory_space<hbm>> -> memref<128xi32, #tpu.memory_space<hbm>>
          %dma_wait3A_179 = arith.constant 0 : i32
          %dma_wait3A_180 = tpu.memref_slice %arg3[%dma_wait3A_179] : memref<160000xi32, #tpu.memory_space<hbm>> -> memref<128xi32, #tpu.memory_space<hbm>>
          tpu.wait_dma2 semaphore(%arg13 : memref<!tpu.dma_semaphore, #tpu.memory_space<semaphore_mem>>) src(%dma_wait3A_180 : memref<128xi32, #tpu.memory_space<hbm>>) dst(%arg7 : memref<128xi32, #tpu.memory_space<vmem>>)
          %dma_wait3A_181 = arith.constant 0 : i32
          %dma_wait3A_182 = tpu.memref_slice %arg4[%dma_wait3A_181] : memref<160000xi32, #tpu.memory_space<hbm>> -> memref<128xi32, #tpu.memory_space<hbm>>
          %dma_wait3A_183 = arith.constant 0 : i32
          %dma_wait3A_184 = tpu.memref_slice %arg4[%dma_wait3A_183] : memref<160000xi32, #tpu.memory_space<hbm>> -> memref<128xi32, #tpu.memory_space<hbm>>
          tpu.wait_dma2 semaphore(%arg13 : memref<!tpu.dma_semaphore, #tpu.memory_space<semaphore_mem>>) src(%dma_wait3A_184 : memref<128xi32, #tpu.memory_space<hbm>>) dst(%arg9 : memref<128xi32, #tpu.memory_space<vmem>>)
          %dma_start3A_185 = arith.constant 0 : i32
          %dma_start3A_186 = arith.constant 0 : i32
          %dma_start3A_187 = tpu.memref_slice %arg2[%arg0, %dma_start3A_185, %dma_start3A_186] : memref<2x10000x128xf32, #tpu.memory_space<hbm>> -> memref<1x10000x128xf32, #tpu.memory_space<hbm>>
          %dma_start3A_188 = tpu.memref_squeeze %dma_start3A_187 : memref<1x10000x128xf32, #tpu.memory_space<hbm>> -> memref<10000x128xf32, #tpu.memory_space<hbm>>
          %dma_start3A_189 = arith.constant 0 : i32
          %dma_start3A_190 = arith.constant 0 : i32
          %dma_start3A_191 = tpu.memref_slice %dma_start3A_188[%dma_start3A_189, %dma_start3A_190] : memref<10000x128xf32, #tpu.memory_space<hbm>> -> memref<10000x128xf32, #tpu.memory_space<hbm>>
          tpu.enqueue_indirect_dma source(%dma_start3A_191 : memref<10000x128xf32, #tpu.memory_space<hbm>>) target(%arg11 : memref<128x128xf32, #tpu.memory_space<vmem>>) offsets(%arg7 : memref<128xi32, #tpu.memory_space<vmem>>) semaphore(%arg15 : memref<!tpu.dma_semaphore, #tpu.memory_space<semaphore_mem>>)
        } else {
        }
        "tpu.region"() ({
          %run_scoped3A = tpu.sem_alloc : memref<!tpu.dma_semaphore, #tpu.memory_space<semaphore_mem>>
          %dma_start3A_177 = arith.constant 0 : i32
          %dma_start3A_178 = arith.constant 0 : i32
          %dma_start3A_179 = tpu.memref_slice %arg18[%dma_start3A_177, %dma_start3A_178] : memref<10000x128xf32, #tpu.memory_space<vmem_shared>> -> memref<10000x128xf32, #tpu.memory_space<vmem_shared>>
          tpu.enqueue_indirect_dma source(%arg12 : memref<128x128xf32, #tpu.memory_space<vmem>>) target(%dma_start3A_179 : memref<10000x128xf32, #tpu.memory_space<vmem_shared>>) offsets(%arg10 : memref<128xi32, #tpu.memory_space<vmem>>) semaphore(%run_scoped3A : memref<!tpu.dma_semaphore, #tpu.memory_space<semaphore_mem>>) {add = true}
          %dma_wait3A_180 = arith.constant 0 : i32
          %dma_wait3A_181 = arith.constant 0 : i32
          %dma_wait3A_182 = tpu.memref_slice %arg18[%dma_wait3A_180, %dma_wait3A_181] : memref<10000x128xf32, #tpu.memory_space<vmem_shared>> -> memref<10000x128xf32, #tpu.memory_space<vmem_shared>>
          tpu.wait_indirect_dma semaphore(%run_scoped3A : memref<!tpu.dma_semaphore, #tpu.memory_space<semaphore_mem>>) src(%arg12 : memref<128x128xf32, #tpu.memory_space<vmem>>) dst(%dma_wait3A_182 : memref<10000x128xf32, #tpu.memory_space<vmem_shared>>)
          tpu.yield
        }) : () -> ()
        %add3A_171 = arith.constant 2 : i32
        %add3A_172 = arith.addi %while3A_141, %add3A_171 : i32
        %lt3A_173 = arith.cmpi slt, %add3A_172, %select_n3A_73 : i32
        %convert_element_type3A_174 = arith.extui %lt3A_173 : i1 to i32
        %cond3A_175 = arith.constant 0 : i32
        %cond3A_176 = arith.cmpi ne, %convert_element_type3A_174, %cond3A_175 : i32
        scf.if %cond3A_176 {
          %add3A_177 = arith.constant 2 : i32
          %add3A_178 = arith.addi %while3A_141, %add3A_177 : i32
          %mul3A_179 = arith.constant 128 : i32
          %mul3A_180 = arith.muli %add3A_178, %mul3A_179 : i32
          %dma_start3A_181 = tpu.memref_slice %arg3[%mul3A_180] : memref<160000xi32, #tpu.memory_space<hbm>> -> memref<128xi32, #tpu.memory_space<hbm>>
          %dma_start3A_182 = tpu.memref_slice %arg3[%mul3A_180] : memref<160000xi32, #tpu.memory_space<hbm>> -> memref<128xi32, #tpu.memory_space<hbm>>
          tpu.enqueue_dma source(%dma_start3A_182 : memref<128xi32, #tpu.memory_space<hbm>>) target(%arg8 : memref<128xi32, #tpu.memory_space<vmem>>) target_semaphore(%arg14 : memref<!tpu.dma_semaphore, #tpu.memory_space<semaphore_mem>>)
          %dma_start3A_183 = tpu.memref_slice %arg4[%mul3A_180] : memref<160000xi32, #tpu.memory_space<hbm>> -> memref<128xi32, #tpu.memory_space<hbm>>
          %dma_start3A_184 = tpu.memref_slice %arg4[%mul3A_180] : memref<160000xi32, #tpu.memory_space<hbm>> -> memref<128xi32, #tpu.memory_space<hbm>>
          tpu.enqueue_dma source(%dma_start3A_184 : memref<128xi32, #tpu.memory_space<hbm>>) target(%arg10 : memref<128xi32, #tpu.memory_space<vmem>>) target_semaphore(%arg14 : memref<!tpu.dma_semaphore, #tpu.memory_space<semaphore_mem>>)
        } else {
        }
      } else {
      }
    }
    %while3A_108 = arith.constant 1 : i32
    scf.for %while3A_141 = %while3A_106 to %while3A_102 step %while3A_108  : i32 {
      %add3A_142 = arith.constant 1 : i32
      %add3A_143 = arith.addi %while3A_141, %add3A_142 : i32
      %sub3A_144 = arith.subi %while3A_141, %select_n3A : i32
      %rem3A_145 = arith.constant 2 : i32
      %rem3A_146 = arith.remsi %sub3A_144, %rem3A_145 : i32
      %eq3A_147 = arith.constant 0 : i32
      %eq3A_148 = arith.cmpi eq, %rem3A_146, %eq3A_147 : i32
      %convert_element_type3A_149 = arith.extui %eq3A_148 : i1 to i32
      %cond3A_150 = arith.constant 0 : i32
      %cond3A_151 = arith.cmpi ne, %convert_element_type3A_149, %cond3A_150 : i32
      scf.if %cond3A_151 {
        %dma_wait3A_160 = arith.constant 0 : i32
        %dma_wait3A_161 = arith.constant 0 : i32
        %dma_wait3A_162 = tpu.memref_slice %arg2[%arg0, %dma_wait3A_160, %dma_wait3A_161] : memref<2x10000x128xf32, #tpu.memory_space<hbm>> -> memref<1x128x128xf32, #tpu.memory_space<hbm>>
        %dma_wait3A_163 = tpu.memref_squeeze %dma_wait3A_162 : memref<1x128x128xf32, #tpu.memory_space<hbm>> -> memref<128x128xf32, #tpu.memory_space<hbm>>
        %dma_wait3A_164 = arith.constant 0 : i32
        %dma_wait3A_165 = arith.constant 0 : i32
        %dma_wait3A_166 = tpu.memref_slice %arg2[%arg0, %dma_wait3A_164, %dma_wait3A_165] : memref<2x10000x128xf32, #tpu.memory_space<hbm>> -> memref<1x128x128xf32, #tpu.memory_space<hbm>>
        %dma_wait3A_167 = tpu.memref_squeeze %dma_wait3A_166 : memref<1x128x128xf32, #tpu.memory_space<hbm>> -> memref<128x128xf32, #tpu.memory_space<hbm>>
        tpu.wait_dma2 semaphore(%arg15 : memref<!tpu.dma_semaphore, #tpu.memory_space<semaphore_mem>>) src(%dma_wait3A_167 : memref<128x128xf32, #tpu.memory_space<hbm>>) dst(%arg11 : memref<128x128xf32, #tpu.memory_space<vmem>>)
        %lt3A = arith.cmpi slt, %add3A_143, %select_n3A_73 : i32
        %convert_element_type3A_168 = arith.extui %lt3A : i1 to i32
        %cond3A_169 = arith.constant 0 : i32
        %cond3A_170 = arith.cmpi ne, %convert_element_type3A_168, %cond3A_169 : i32
        scf.if %cond3A_170 {
          %dma_wait3A_177 = arith.constant 0 : i32
          %dma_wait3A_178 = tpu.memref_slice %arg3[%dma_wait3A_177] : memref<160000xi32, #tpu.memory_space<hbm>> -> memref<128xi32, #tpu.memory_space<hbm>>
          %dma_wait3A_179 = arith.constant 0 : i32
          %dma_wait3A_180 = tpu.memref_slice %arg3[%dma_wait3A_179] : memref<160000xi32, #tpu.memory_space<hbm>> -> memref<128xi32, #tpu.memory_space<hbm>>
          tpu.wait_dma2 semaphore(%arg14 : memref<!tpu.dma_semaphore, #tpu.memory_space<semaphore_mem>>) src(%dma_wait3A_180 : memref<128xi32, #tpu.memory_space<hbm>>) dst(%arg8 : memref<128xi32, #tpu.memory_space<vmem>>)
          %dma_wait3A_181 = arith.constant 0 : i32
          %dma_wait3A_182 = tpu.memref_slice %arg4[%dma_wait3A_181] : memref<160000xi32, #tpu.memory_space<hbm>> -> memref<128xi32, #tpu.memory_space<hbm>>
          %dma_wait3A_183 = arith.constant 0 : i32
          %dma_wait3A_184 = tpu.memref_slice %arg4[%dma_wait3A_183] : memref<160000xi32, #tpu.memory_space<hbm>> -> memref<128xi32, #tpu.memory_space<hbm>>
          tpu.wait_dma2 semaphore(%arg14 : memref<!tpu.dma_semaphore, #tpu.memory_space<semaphore_mem>>) src(%dma_wait3A_184 : memref<128xi32, #tpu.memory_space<hbm>>) dst(%arg10 : memref<128xi32, #tpu.memory_space<vmem>>)
          %dma_start3A_185 = arith.constant 0 : i32
          %dma_start3A_186 = arith.constant 0 : i32
          %dma_start3A_187 = tpu.memref_slice %arg2[%arg0, %dma_start3A_185, %dma_start3A_186] : memref<2x10000x128xf32, #tpu.memory_space<hbm>> -> memref<1x10000x128xf32, #tpu.memory_space<hbm>>
          %dma_start3A_188 = tpu.memref_squeeze %dma_start3A_187 : memref<1x10000x128xf32, #tpu.memory_space<hbm>> -> memref<10000x128xf32, #tpu.memory_space<hbm>>
          %dma_start3A_189 = arith.constant 0 : i32
          %dma_start3A_190 = arith.constant 0 : i32
          %dma_start3A_191 = tpu.memref_slice %dma_start3A_188[%dma_start3A_189, %dma_start3A_190] : memref<10000x128xf32, #tpu.memory_space<hbm>> -> memref<10000x128xf32, #tpu.memory_space<hbm>>
          tpu.enqueue_indirect_dma source(%dma_start3A_191 : memref<10000x128xf32, #tpu.memory_space<hbm>>) target(%arg12 : memref<128x128xf32, #tpu.memory_space<vmem>>) offsets(%arg8 : memref<128xi32, #tpu.memory_space<vmem>>) semaphore(%arg16 : memref<!tpu.dma_semaphore, #tpu.memory_space<semaphore_mem>>)
        } else {
        }
        "tpu.region"() ({
          %run_scoped3A = tpu.sem_alloc : memref<!tpu.dma_semaphore, #tpu.memory_space<semaphore_mem>>
          %dma_start3A_177 = arith.constant 0 : i32
          %dma_start3A_178 = arith.constant 0 : i32
          %dma_start3A_179 = tpu.memref_slice %arg18[%dma_start3A_177, %dma_start3A_178] : memref<10000x128xf32, #tpu.memory_space<vmem_shared>> -> memref<10000x128xf32, #tpu.memory_space<vmem_shared>>
          tpu.enqueue_indirect_dma source(%arg11 : memref<128x128xf32, #tpu.memory_space<vmem>>) target(%dma_start3A_179 : memref<10000x128xf32, #tpu.memory_space<vmem_shared>>) offsets(%arg9 : memref<128xi32, #tpu.memory_space<vmem>>) semaphore(%run_scoped3A : memref<!tpu.dma_semaphore, #tpu.memory_space<semaphore_mem>>) {add = true}
          %dma_wait3A_180 = arith.constant 0 : i32
          %dma_wait3A_181 = arith.constant 0 : i32
          %dma_wait3A_182 = tpu.memref_slice %arg18[%dma_wait3A_180, %dma_wait3A_181] : memref<10000x128xf32, #tpu.memory_space<vmem_shared>> -> memref<10000x128xf32, #tpu.memory_space<vmem_shared>>
          tpu.wait_indirect_dma semaphore(%run_scoped3A : memref<!tpu.dma_semaphore, #tpu.memory_space<semaphore_mem>>) src(%arg11 : memref<128x128xf32, #tpu.memory_space<vmem>>) dst(%dma_wait3A_182 : memref<10000x128xf32, #tpu.memory_space<vmem_shared>>)
          tpu.yield
        }) : () -> ()
        %add3A_171 = arith.constant 2 : i32
        %add3A_172 = arith.addi %while3A_141, %add3A_171 : i32
        %lt3A_173 = arith.cmpi slt, %add3A_172, %select_n3A_73 : i32
        %convert_element_type3A_174 = arith.extui %lt3A_173 : i1 to i32
        %cond3A_175 = arith.constant 0 : i32
        %cond3A_176 = arith.cmpi ne, %convert_element_type3A_174, %cond3A_175 : i32
        scf.if %cond3A_176 {
          %add3A_177 = arith.constant 2 : i32
          %add3A_178 = arith.addi %while3A_141, %add3A_177 : i32
          %mul3A_179 = arith.constant 128 : i32
          %mul3A_180 = arith.muli %add3A_178, %mul3A_179 : i32
          %dma_start3A_181 = tpu.memref_slice %arg3[%mul3A_180] : memref<160000xi32, #tpu.memory_space<hbm>> -> memref<128xi32, #tpu.memory_space<hbm>>
          %dma_start3A_182 = tpu.memref_slice %arg3[%mul3A_180] : memref<160000xi32, #tpu.memory_space<hbm>> -> memref<128xi32, #tpu.memory_space<hbm>>
          tpu.enqueue_dma source(%dma_start3A_182 : memref<128xi32, #tpu.memory_space<hbm>>) target(%arg7 : memref<128xi32, #tpu.memory_space<vmem>>) target_semaphore(%arg13 : memref<!tpu.dma_semaphore, #tpu.memory_space<semaphore_mem>>)
          %dma_start3A_183 = tpu.memref_slice %arg4[%mul3A_180] : memref<160000xi32, #tpu.memory_space<hbm>> -> memref<128xi32, #tpu.memory_space<hbm>>
          %dma_start3A_184 = tpu.memref_slice %arg4[%mul3A_180] : memref<160000xi32, #tpu.memory_space<hbm>> -> memref<128xi32, #tpu.memory_space<hbm>>
          tpu.enqueue_dma source(%dma_start3A_184 : memref<128xi32, #tpu.memory_space<hbm>>) target(%arg9 : memref<128xi32, #tpu.memory_space<vmem>>) target_semaphore(%arg13 : memref<!tpu.dma_semaphore, #tpu.memory_space<semaphore_mem>>)
        } else {
        }
      } else {
      }
      %sub3A_152 = arith.subi %while3A_141, %select_n3A : i32
      %rem3A_153 = arith.constant 2 : i32
      %rem3A_154 = arith.remsi %sub3A_152, %rem3A_153 : i32
      %eq3A_155 = arith.constant 1 : i32
      %eq3A_156 = arith.cmpi eq, %rem3A_154, %eq3A_155 : i32
      %convert_element_type3A_157 = arith.extui %eq3A_156 : i1 to i32
      %cond3A_158 = arith.constant 0 : i32
      %cond3A_159 = arith.cmpi ne, %convert_element_type3A_157, %cond3A_158 : i32
      scf.if %cond3A_159 {
        %dma_wait3A_160 = arith.constant 0 : i32
        %dma_wait3A_161 = arith.constant 0 : i32
        %dma_wait3A_162 = tpu.memref_slice %arg2[%arg0, %dma_wait3A_160, %dma_wait3A_161] : memref<2x10000x128xf32, #tpu.memory_space<hbm>> -> memref<1x128x128xf32, #tpu.memory_space<hbm>>
        %dma_wait3A_163 = tpu.memref_squeeze %dma_wait3A_162 : memref<1x128x128xf32, #tpu.memory_space<hbm>> -> memref<128x128xf32, #tpu.memory_space<hbm>>
        %dma_wait3A_164 = arith.constant 0 : i32
        %dma_wait3A_165 = arith.constant 0 : i32
        %dma_wait3A_166 = tpu.memref_slice %arg2[%arg0, %dma_wait3A_164, %dma_wait3A_165] : memref<2x10000x128xf32, #tpu.memory_space<hbm>> -> memref<1x128x128xf32, #tpu.memory_space<hbm>>
        %dma_wait3A_167 = tpu.memref_squeeze %dma_wait3A_166 : memref<1x128x128xf32, #tpu.memory_space<hbm>> -> memref<128x128xf32, #tpu.memory_space<hbm>>
        tpu.wait_dma2 semaphore(%arg16 : memref<!tpu.dma_semaphore, #tpu.memory_space<semaphore_mem>>) src(%dma_wait3A_167 : memref<128x128xf32, #tpu.memory_space<hbm>>) dst(%arg12 : memref<128x128xf32, #tpu.memory_space<vmem>>)
        %lt3A = arith.cmpi slt, %add3A_143, %select_n3A_73 : i32
        %convert_element_type3A_168 = arith.extui %lt3A : i1 to i32
        %cond3A_169 = arith.constant 0 : i32
        %cond3A_170 = arith.cmpi ne, %convert_element_type3A_168, %cond3A_169 : i32
        scf.if %cond3A_170 {
          %dma_wait3A_177 = arith.constant 0 : i32
          %dma_wait3A_178 = tpu.memref_slice %arg3[%dma_wait3A_177] : memref<160000xi32, #tpu.memory_space<hbm>> -> memref<128xi32, #tpu.memory_space<hbm>>
          %dma_wait3A_179 = arith.constant 0 : i32
          %dma_wait3A_180 = tpu.memref_slice %arg3[%dma_wait3A_179] : memref<160000xi32, #tpu.memory_space<hbm>> -> memref<128xi32, #tpu.memory_space<hbm>>
          tpu.wait_dma2 semaphore(%arg13 : memref<!tpu.dma_semaphore, #tpu.memory_space<semaphore_mem>>) src(%dma_wait3A_180 : memref<128xi32, #tpu.memory_space<hbm>>) dst(%arg7 : memref<128xi32, #tpu.memory_space<vmem>>)
          %dma_wait3A_181 = arith.constant 0 : i32
          %dma_wait3A_182 = tpu.memref_slice %arg4[%dma_wait3A_181] : memref<160000xi32, #tpu.memory_space<hbm>> -> memref<128xi32, #tpu.memory_space<hbm>>
          %dma_wait3A_183 = arith.constant 0 : i32
          %dma_wait3A_184 = tpu.memref_slice %arg4[%dma_wait3A_183] : memref<160000xi32, #tpu.memory_space<hbm>> -> memref<128xi32, #tpu.memory_space<hbm>>
          tpu.wait_dma2 semaphore(%arg13 : memref<!tpu.dma_semaphore, #tpu.memory_space<semaphore_mem>>) src(%dma_wait3A_184 : memref<128xi32, #tpu.memory_space<hbm>>) dst(%arg9 : memref<128xi32, #tpu.memory_space<vmem>>)
          %dma_start3A_185 = arith.constant 0 : i32
          %dma_start3A_186 = arith.constant 0 : i32
          %dma_start3A_187 = tpu.memref_slice %arg2[%arg0, %dma_start3A_185, %dma_start3A_186] : memref<2x10000x128xf32, #tpu.memory_space<hbm>> -> memref<1x10000x128xf32, #tpu.memory_space<hbm>>
          %dma_start3A_188 = tpu.memref_squeeze %dma_start3A_187 : memref<1x10000x128xf32, #tpu.memory_space<hbm>> -> memref<10000x128xf32, #tpu.memory_space<hbm>>
          %dma_start3A_189 = arith.constant 0 : i32
          %dma_start3A_190 = arith.constant 0 : i32
          %dma_start3A_191 = tpu.memref_slice %dma_start3A_188[%dma_start3A_189, %dma_start3A_190] : memref<10000x128xf32, #tpu.memory_space<hbm>> -> memref<10000x128xf32, #tpu.memory_space<hbm>>
          tpu.enqueue_indirect_dma source(%dma_start3A_191 : memref<10000x128xf32, #tpu.memory_space<hbm>>) target(%arg11 : memref<128x128xf32, #tpu.memory_space<vmem>>) offsets(%arg7 : memref<128xi32, #tpu.memory_space<vmem>>) semaphore(%arg15 : memref<!tpu.dma_semaphore, #tpu.memory_space<semaphore_mem>>)
        } else {
        }
        "tpu.region"() ({
          %run_scoped3A = tpu.sem_alloc : memref<!tpu.dma_semaphore, #tpu.memory_space<semaphore_mem>>
          %dma_start3A_177 = arith.constant 0 : i32
          %dma_start3A_178 = arith.constant 0 : i32
          %dma_start3A_179 = tpu.memref_slice %arg18[%dma_start3A_177, %dma_start3A_178] : memref<10000x128xf32, #tpu.memory_space<vmem_shared>> -> memref<10000x128xf32, #tpu.memory_space<vmem_shared>>
          tpu.enqueue_indirect_dma source(%arg12 : memref<128x128xf32, #tpu.memory_space<vmem>>) target(%dma_start3A_179 : memref<10000x128xf32, #tpu.memory_space<vmem_shared>>) offsets(%arg10 : memref<128xi32, #tpu.memory_space<vmem>>) semaphore(%run_scoped3A : memref<!tpu.dma_semaphore, #tpu.memory_space<semaphore_mem>>) {add = true}
          %dma_wait3A_180 = arith.constant 0 : i32
          %dma_wait3A_181 = arith.constant 0 : i32
          %dma_wait3A_182 = tpu.memref_slice %arg18[%dma_wait3A_180, %dma_wait3A_181] : memref<10000x128xf32, #tpu.memory_space<vmem_shared>> -> memref<10000x128xf32, #tpu.memory_space<vmem_shared>>
          tpu.wait_indirect_dma semaphore(%run_scoped3A : memref<!tpu.dma_semaphore, #tpu.memory_space<semaphore_mem>>) src(%arg12 : memref<128x128xf32, #tpu.memory_space<vmem>>) dst(%dma_wait3A_182 : memref<10000x128xf32, #tpu.memory_space<vmem_shared>>)
          tpu.yield
        }) : () -> ()
        %add3A_171 = arith.constant 2 : i32
        %add3A_172 = arith.addi %while3A_141, %add3A_171 : i32
        %lt3A_173 = arith.cmpi slt, %add3A_172, %select_n3A_73 : i32
        %convert_element_type3A_174 = arith.extui %lt3A_173 : i1 to i32
        %cond3A_175 = arith.constant 0 : i32
        %cond3A_176 = arith.cmpi ne, %convert_element_type3A_174, %cond3A_175 : i32
        scf.if %cond3A_176 {
          %add3A_177 = arith.constant 2 : i32
          %add3A_178 = arith.addi %while3A_141, %add3A_177 : i32
          %mul3A_179 = arith.constant 128 : i32
          %mul3A_180 = arith.muli %add3A_178, %mul3A_179 : i32
          %dma_start3A_181 = tpu.memref_slice %arg3[%mul3A_180] : memref<160000xi32, #tpu.memory_space<hbm>> -> memref<128xi32, #tpu.memory_space<hbm>>
          %dma_start3A_182 = tpu.memref_slice %arg3[%mul3A_180] : memref<160000xi32, #tpu.memory_space<hbm>> -> memref<128xi32, #tpu.memory_space<hbm>>
          tpu.enqueue_dma source(%dma_start3A_182 : memref<128xi32, #tpu.memory_space<hbm>>) target(%arg8 : memref<128xi32, #tpu.memory_space<vmem>>) target_semaphore(%arg14 : memref<!tpu.dma_semaphore, #tpu.memory_space<semaphore_mem>>)
          %dma_start3A_183 = tpu.memref_slice %arg4[%mul3A_180] : memref<160000xi32, #tpu.memory_space<hbm>> -> memref<128xi32, #tpu.memory_space<hbm>>
          %dma_start3A_184 = tpu.memref_slice %arg4[%mul3A_180] : memref<160000xi32, #tpu.memory_space<hbm>> -> memref<128xi32, #tpu.memory_space<hbm>>
          tpu.enqueue_dma source(%dma_start3A_184 : memref<128xi32, #tpu.memory_space<hbm>>) target(%arg10 : memref<128xi32, #tpu.memory_space<vmem>>) target_semaphore(%arg14 : memref<!tpu.dma_semaphore, #tpu.memory_space<semaphore_mem>>)
        } else {
        }
      } else {
      }
    }
    %barrier3A_109 = arith.constant 0 : index
    tpu.barrier barrier_id(%barrier3A_109)
    %add3A_110 = arith.constant 0 : i32
    %add3A_111 = arith.addi %mul3A_0, %add3A_110 : i32
    "tpu.region"() ({
      %run_scoped3A = tpu.sem_alloc : memref<!tpu.dma_semaphore, #tpu.memory_space<semaphore_mem>>
      %dma_start3A_141 = arith.constant 0 : i32
      %dma_start3A_142 = tpu.memref_slice %arg18[%add3A_111, %dma_start3A_141] : memref<10000x128xf32, #tpu.memory_space<vmem_shared>> -> memref<48x128xf32, #tpu.memory_space<vmem_shared>>
      %dma_start3A_143 = arith.constant 0 : i32
      %dma_start3A_144 = tpu.memref_slice %arg18[%add3A_111, %dma_start3A_143] : memref<10000x128xf32, #tpu.memory_space<vmem_shared>> -> memref<48x128xf32, #tpu.memory_space<vmem_shared>>
      tpu.enqueue_dma source(%dma_start3A_144 : memref<48x128xf32, #tpu.memory_space<vmem_shared>>) target(%arg17 : memref<48x128xf32, #tpu.memory_space<vmem>>) target_semaphore(%run_scoped3A : memref<!tpu.dma_semaphore, #tpu.memory_space<semaphore_mem>>)
      %dma_wait3A_145 = arith.constant 0 : i32
      %dma_wait3A_146 = tpu.memref_slice %arg18[%add3A_111, %dma_wait3A_145] : memref<10000x128xf32, #tpu.memory_space<vmem_shared>> -> memref<48x128xf32, #tpu.memory_space<vmem_shared>>
      %dma_wait3A_147 = arith.constant 0 : i32
      %dma_wait3A_148 = tpu.memref_slice %arg18[%add3A_111, %dma_wait3A_147] : memref<10000x128xf32, #tpu.memory_space<vmem_shared>> -> memref<48x128xf32, #tpu.memory_space<vmem_shared>>
      tpu.wait_dma2 semaphore(%run_scoped3A : memref<!tpu.dma_semaphore, #tpu.memory_space<semaphore_mem>>) src(%dma_wait3A_148 : memref<48x128xf32, #tpu.memory_space<vmem_shared>>) dst(%arg17 : memref<48x128xf32, #tpu.memory_space<vmem>>)
      tpu.yield
    }) : () -> ()
    "tpu.region"() ({
      %run_scoped3A = tpu.sem_alloc : memref<!tpu.dma_semaphore, #tpu.memory_space<semaphore_mem>>
      %dma_start3A_141 = arith.constant 0 : i32
      %dma_start3A_142 = tpu.memref_slice %arg6[%arg0, %add3A_111, %dma_start3A_141] : memref<2x10000x128xf32, #tpu.memory_space<hbm>> -> memref<1x48x128xf32, #tpu.memory_space<hbm>>
      %dma_start3A_143 = tpu.memref_squeeze %dma_start3A_142 : memref<1x48x128xf32, #tpu.memory_space<hbm>> -> memref<48x128xf32, #tpu.memory_space<hbm>>
      %dma_start3A_144 = arith.constant 0 : i32
      %dma_start3A_145 = tpu.memref_slice %arg6[%arg0, %add3A_111, %dma_start3A_144] : memref<2x10000x128xf32, #tpu.memory_space<hbm>> -> memref<1x48x128xf32, #tpu.memory_space<hbm>>
      %dma_start3A_146 = tpu.memref_squeeze %dma_start3A_145 : memref<1x48x128xf32, #tpu.memory_space<hbm>> -> memref<48x128xf32, #tpu.memory_space<hbm>>
      tpu.enqueue_dma source(%arg17 : memref<48x128xf32, #tpu.memory_space<vmem>>) target(%dma_start3A_146 : memref<48x128xf32, #tpu.memory_space<hbm>>) target_semaphore(%run_scoped3A : memref<!tpu.dma_semaphore, #tpu.memory_space<semaphore_mem>>)
      %dma_wait3A_147 = arith.constant 0 : i32
      %dma_wait3A_148 = tpu.memref_slice %arg6[%arg0, %add3A_111, %dma_wait3A_147] : memref<2x10000x128xf32, #tpu.memory_space<hbm>> -> memref<1x48x128xf32, #tpu.memory_space<hbm>>
      %dma_wait3A_149 = tpu.memref_squeeze %dma_wait3A_148 : memref<1x48x128xf32, #tpu.memory_space<hbm>> -> memref<48x128xf32, #tpu.memory_space<hbm>>
      %dma_wait3A_150 = arith.constant 0 : i32
      %dma_wait3A_151 = tpu.memref_slice %arg6[%arg0, %add3A_111, %dma_wait3A_150] : memref<2x10000x128xf32, #tpu.memory_space<hbm>> -> memref<1x48x128xf32, #tpu.memory_space<hbm>>
      %dma_wait3A_152 = tpu.memref_squeeze %dma_wait3A_151 : memref<1x48x128xf32, #tpu.memory_space<hbm>> -> memref<48x128xf32, #tpu.memory_space<hbm>>
      tpu.wait_dma2 semaphore(%run_scoped3A : memref<!tpu.dma_semaphore, #tpu.memory_space<semaphore_mem>>) src(%arg17 : memref<48x128xf32, #tpu.memory_space<vmem>>) dst(%dma_wait3A_152 : memref<48x128xf32, #tpu.memory_space<hbm>>)
      tpu.yield
    }) : () -> ()
    %add3A_112 = arith.constant 48 : i32
    %add3A_113 = arith.addi %mul3A_0, %add3A_112 : i32
    "tpu.region"() ({
      %run_scoped3A = tpu.sem_alloc : memref<!tpu.dma_semaphore, #tpu.memory_space<semaphore_mem>>
      %dma_start3A_141 = arith.constant 0 : i32
      %dma_start3A_142 = tpu.memref_slice %arg18[%add3A_113, %dma_start3A_141] : memref<10000x128xf32, #tpu.memory_space<vmem_shared>> -> memref<48x128xf32, #tpu.memory_space<vmem_shared>>
      %dma_start3A_143 = arith.constant 0 : i32
      %dma_start3A_144 = tpu.memref_slice %arg18[%add3A_113, %dma_start3A_143] : memref<10000x128xf32, #tpu.memory_space<vmem_shared>> -> memref<48x128xf32, #tpu.memory_space<vmem_shared>>
      tpu.enqueue_dma source(%dma_start3A_144 : memref<48x128xf32, #tpu.memory_space<vmem_shared>>) target(%arg17 : memref<48x128xf32, #tpu.memory_space<vmem>>) target_semaphore(%run_scoped3A : memref<!tpu.dma_semaphore, #tpu.memory_space<semaphore_mem>>)
      %dma_wait3A_145 = arith.constant 0 : i32
      %dma_wait3A_146 = tpu.memref_slice %arg18[%add3A_113, %dma_wait3A_145] : memref<10000x128xf32, #tpu.memory_space<vmem_shared>> -> memref<48x128xf32, #tpu.memory_space<vmem_shared>>
      %dma_wait3A_147 = arith.constant 0 : i32
      %dma_wait3A_148 = tpu.memref_slice %arg18[%add3A_113, %dma_wait3A_147] : memref<10000x128xf32, #tpu.memory_space<vmem_shared>> -> memref<48x128xf32, #tpu.memory_space<vmem_shared>>
      tpu.wait_dma2 semaphore(%run_scoped3A : memref<!tpu.dma_semaphore, #tpu.memory_space<semaphore_mem>>) src(%dma_wait3A_148 : memref<48x128xf32, #tpu.memory_space<vmem_shared>>) dst(%arg17 : memref<48x128xf32, #tpu.memory_space<vmem>>)
      tpu.yield
    }) : () -> ()
    "tpu.region"() ({
      %run_scoped3A = tpu.sem_alloc : memref<!tpu.dma_semaphore, #tpu.memory_space<semaphore_mem>>
      %dma_start3A_141 = arith.constant 0 : i32
      %dma_start3A_142 = tpu.memref_slice %arg6[%arg0, %add3A_113, %dma_start3A_141] : memref<2x10000x128xf32, #tpu.memory_space<hbm>> -> memref<1x48x128xf32, #tpu.memory_space<hbm>>
      %dma_start3A_143 = tpu.memref_squeeze %dma_start3A_142 : memref<1x48x128xf32, #tpu.memory_space<hbm>> -> memref<48x128xf32, #tpu.memory_space<hbm>>
      %dma_start3A_144 = arith.constant 0 : i32
      %dma_start3A_145 = tpu.memref_slice %arg6[%arg0, %add3A_113, %dma_start3A_144] : memref<2x10000x128xf32, #tpu.memory_space<hbm>> -> memref<1x48x128xf32, #tpu.memory_space<hbm>>
      %dma_start3A_146 = tpu.memref_squeeze %dma_start3A_145 : memref<1x48x128xf32, #tpu.memory_space<hbm>> -> memref<48x128xf32, #tpu.memory_space<hbm>>
      tpu.enqueue_dma source(%arg17 : memref<48x128xf32, #tpu.memory_space<vmem>>) target(%dma_start3A_146 : memref<48x128xf32, #tpu.memory_space<hbm>>) target_semaphore(%run_scoped3A : memref<!tpu.dma_semaphore, #tpu.memory_space<semaphore_mem>>)
      %dma_wait3A_147 = arith.constant 0 : i32
      %dma_wait3A_148 = tpu.memref_slice %arg6[%arg0, %add3A_113, %dma_wait3A_147] : memref<2x10000x128xf32, #tpu.memory_space<hbm>> -> memref<1x48x128xf32, #tpu.memory_space<hbm>>
      %dma_wait3A_149 = tpu.memref_squeeze %dma_wait3A_148 : memref<1x48x128xf32, #tpu.memory_space<hbm>> -> memref<48x128xf32, #tpu.memory_space<hbm>>
      %dma_wait3A_150 = arith.constant 0 : i32
      %dma_wait3A_151 = tpu.memref_slice %arg6[%arg0, %add3A_113, %dma_wait3A_150] : memref<2x10000x128xf32, #tpu.memory_space<hbm>> -> memref<1x48x128xf32, #tpu.memory_space<hbm>>
      %dma_wait3A_152 = tpu.memref_squeeze %dma_wait3A_151 : memref<1x48x128xf32, #tpu.memory_space<hbm>> -> memref<48x128xf32, #tpu.memory_space<hbm>>
      tpu.wait_dma2 semaphore(%run_scoped3A : memref<!tpu.dma_semaphore, #tpu.memory_space<semaphore_mem>>) src(%arg17 : memref<48x128xf32, #tpu.memory_space<vmem>>) dst(%dma_wait3A_152 : memref<48x128xf32, #tpu.memory_space<hbm>>)
      tpu.yield
    }) : () -> ()
    %add3A_114 = arith.constant 96 : i32
    %add3A_115 = arith.addi %mul3A_0, %add3A_114 : i32
    "tpu.region"() ({
      %run_scoped3A = tpu.sem_alloc : memref<!tpu.dma_semaphore, #tpu.memory_space<semaphore_mem>>
      %dma_start3A_141 = arith.constant 0 : i32
      %dma_start3A_142 = tpu.memref_slice %arg18[%add3A_115, %dma_start3A_141] : memref<10000x128xf32, #tpu.memory_space<vmem_shared>> -> memref<48x128xf32, #tpu.memory_space<vmem_shared>>
      %dma_start3A_143 = arith.constant 0 : i32
      %dma_start3A_144 = tpu.memref_slice %arg18[%add3A_115, %dma_start3A_143] : memref<10000x128xf32, #tpu.memory_space<vmem_shared>> -> memref<48x128xf32, #tpu.memory_space<vmem_shared>>
      tpu.enqueue_dma source(%dma_start3A_144 : memref<48x128xf32, #tpu.memory_space<vmem_shared>>) target(%arg17 : memref<48x128xf32, #tpu.memory_space<vmem>>) target_semaphore(%run_scoped3A : memref<!tpu.dma_semaphore, #tpu.memory_space<semaphore_mem>>)
      %dma_wait3A_145 = arith.constant 0 : i32
      %dma_wait3A_146 = tpu.memref_slice %arg18[%add3A_115, %dma_wait3A_145] : memref<10000x128xf32, #tpu.memory_space<vmem_shared>> -> memref<48x128xf32, #tpu.memory_space<vmem_shared>>
      %dma_wait3A_147 = arith.constant 0 : i32
      %dma_wait3A_148 = tpu.memref_slice %arg18[%add3A_115, %dma_wait3A_147] : memref<10000x128xf32, #tpu.memory_space<vmem_shared>> -> memref<48x128xf32, #tpu.memory_space<vmem_shared>>
      tpu.wait_dma2 semaphore(%run_scoped3A : memref<!tpu.dma_semaphore, #tpu.memory_space<semaphore_mem>>) src(%dma_wait3A_148 : memref<48x128xf32, #tpu.memory_space<vmem_shared>>) dst(%arg17 : memref<48x128xf32, #tpu.memory_space<vmem>>)
      tpu.yield
    }) : () -> ()
    "tpu.region"() ({
      %run_scoped3A = tpu.sem_alloc : memref<!tpu.dma_semaphore, #tpu.memory_space<semaphore_mem>>
      %dma_start3A_141 = arith.constant 0 : i32
      %dma_start3A_142 = tpu.memref_slice %arg6[%arg0, %add3A_115, %dma_start3A_141] : memref<2x10000x128xf32, #tpu.memory_space<hbm>> -> memref<1x48x128xf32, #tpu.memory_space<hbm>>
      %dma_start3A_143 = tpu.memref_squeeze %dma_start3A_142 : memref<1x48x128xf32, #tpu.memory_space<hbm>> -> memref<48x128xf32, #tpu.memory_space<hbm>>
      %dma_start3A_144 = arith.constant 0 : i32
      %dma_start3A_145 = tpu.memref_slice %arg6[%arg0, %add3A_115, %dma_start3A_144] : memref<2x10000x128xf32, #tpu.memory_space<hbm>> -> memref<1x48x128xf32, #tpu.memory_space<hbm>>
      %dma_start3A_146 = tpu.memref_squeeze %dma_start3A_145 : memref<1x48x128xf32, #tpu.memory_space<hbm>> -> memref<48x128xf32, #tpu.memory_space<hbm>>
      tpu.enqueue_dma source(%arg17 : memref<48x128xf32, #tpu.memory_space<vmem>>) target(%dma_start3A_146 : memref<48x128xf32, #tpu.memory_space<hbm>>) target_semaphore(%run_scoped3A : memref<!tpu.dma_semaphore, #tpu.memory_space<semaphore_mem>>)
      %dma_wait3A_147 = arith.constant 0 : i32
      %dma_wait3A_148 = tpu.memref_slice %arg6[%arg0, %add3A_115, %dma_wait3A_147] : memref<2x10000x128xf32, #tpu.memory_space<hbm>> -> memref<1x48x128xf32, #tpu.memory_space<hbm>>
      %dma_wait3A_149 = tpu.memref_squeeze %dma_wait3A_148 : memref<1x48x128xf32, #tpu.memory_space<hbm>> -> memref<48x128xf32, #tpu.memory_space<hbm>>
      %dma_wait3A_150 = arith.constant 0 : i32
      %dma_wait3A_151 = tpu.memref_slice %arg6[%arg0, %add3A_115, %dma_wait3A_150] : memref<2x10000x128xf32, #tpu.memory_space<hbm>> -> memref<1x48x128xf32, #tpu.memory_space<hbm>>
      %dma_wait3A_152 = tpu.memref_squeeze %dma_wait3A_151 : memref<1x48x128xf32, #tpu.memory_space<hbm>> -> memref<48x128xf32, #tpu.memory_space<hbm>>
      tpu.wait_dma2 semaphore(%run_scoped3A : memref<!tpu.dma_semaphore, #tpu.memory_space<semaphore_mem>>) src(%arg17 : memref<48x128xf32, #tpu.memory_space<vmem>>) dst(%dma_wait3A_152 : memref<48x128xf32, #tpu.memory_space<hbm>>)
      tpu.yield
    }) : () -> ()
    %add3A_116 = arith.constant 144 : i32
    %add3A_117 = arith.addi %mul3A_0, %add3A_116 : i32
    "tpu.region"() ({
      %run_scoped3A = tpu.sem_alloc : memref<!tpu.dma_semaphore, #tpu.memory_space<semaphore_mem>>
      %dma_start3A_141 = arith.constant 0 : i32
      %dma_start3A_142 = tpu.memref_slice %arg18[%add3A_117, %dma_start3A_141] : memref<10000x128xf32, #tpu.memory_space<vmem_shared>> -> memref<48x128xf32, #tpu.memory_space<vmem_shared>>
      %dma_start3A_143 = arith.constant 0 : i32
      %dma_start3A_144 = tpu.memref_slice %arg18[%add3A_117, %dma_start3A_143] : memref<10000x128xf32, #tpu.memory_space<vmem_shared>> -> memref<48x128xf32, #tpu.memory_space<vmem_shared>>
      tpu.enqueue_dma source(%dma_start3A_144 : memref<48x128xf32, #tpu.memory_space<vmem_shared>>) target(%arg17 : memref<48x128xf32, #tpu.memory_space<vmem>>) target_semaphore(%run_scoped3A : memref<!tpu.dma_semaphore, #tpu.memory_space<semaphore_mem>>)
      %dma_wait3A_145 = arith.constant 0 : i32
      %dma_wait3A_146 = tpu.memref_slice %arg18[%add3A_117, %dma_wait3A_145] : memref<10000x128xf32, #tpu.memory_space<vmem_shared>> -> memref<48x128xf32, #tpu.memory_space<vmem_shared>>
      %dma_wait3A_147 = arith.constant 0 : i32
      %dma_wait3A_148 = tpu.memref_slice %arg18[%add3A_117, %dma_wait3A_147] : memref<10000x128xf32, #tpu.memory_space<vmem_shared>> -> memref<48x128xf32, #tpu.memory_space<vmem_shared>>
      tpu.wait_dma2 semaphore(%run_scoped3A : memref<!tpu.dma_semaphore, #tpu.memory_space<semaphore_mem>>) src(%dma_wait3A_148 : memref<48x128xf32, #tpu.memory_space<vmem_shared>>) dst(%arg17 : memref<48x128xf32, #tpu.memory_space<vmem>>)
      tpu.yield
    }) : () -> ()
    "tpu.region"() ({
      %run_scoped3A = tpu.sem_alloc : memref<!tpu.dma_semaphore, #tpu.memory_space<semaphore_mem>>
      %dma_start3A_141 = arith.constant 0 : i32
      %dma_start3A_142 = tpu.memref_slice %arg6[%arg0, %add3A_117, %dma_start3A_141] : memref<2x10000x128xf32, #tpu.memory_space<hbm>> -> memref<1x48x128xf32, #tpu.memory_space<hbm>>
      %dma_start3A_143 = tpu.memref_squeeze %dma_start3A_142 : memref<1x48x128xf32, #tpu.memory_space<hbm>> -> memref<48x128xf32, #tpu.memory_space<hbm>>
      %dma_start3A_144 = arith.constant 0 : i32
      %dma_start3A_145 = tpu.memref_slice %arg6[%arg0, %add3A_117, %dma_start3A_144] : memref<2x10000x128xf32, #tpu.memory_space<hbm>> -> memref<1x48x128xf32, #tpu.memory_space<hbm>>
      %dma_start3A_146 = tpu.memref_squeeze %dma_start3A_145 : memref<1x48x128xf32, #tpu.memory_space<hbm>> -> memref<48x128xf32, #tpu.memory_space<hbm>>
      tpu.enqueue_dma source(%arg17 : memref<48x128xf32, #tpu.memory_space<vmem>>) target(%dma_start3A_146 : memref<48x128xf32, #tpu.memory_space<hbm>>) target_semaphore(%run_scoped3A : memref<!tpu.dma_semaphore, #tpu.memory_space<semaphore_mem>>)
      %dma_wait3A_147 = arith.constant 0 : i32
      %dma_wait3A_148 = tpu.memref_slice %arg6[%arg0, %add3A_117, %dma_wait3A_147] : memref<2x10000x128xf32, #tpu.memory_space<hbm>> -> memref<1x48x128xf32, #tpu.memory_space<hbm>>
      %dma_wait3A_149 = tpu.memref_squeeze %dma_wait3A_148 : memref<1x48x128xf32, #tpu.memory_space<hbm>> -> memref<48x128xf32, #tpu.memory_space<hbm>>
      %dma_wait3A_150 = arith.constant 0 : i32
      %dma_wait3A_151 = tpu.memref_slice %arg6[%arg0, %add3A_117, %dma_wait3A_150] : memref<2x10000x128xf32, #tpu.memory_space<hbm>> -> memref<1x48x128xf32, #tpu.memory_space<hbm>>
      %dma_wait3A_152 = tpu.memref_squeeze %dma_wait3A_151 : memref<1x48x128xf32, #tpu.memory_space<hbm>> -> memref<48x128xf32, #tpu.memory_space<hbm>>
      tpu.wait_dma2 semaphore(%run_scoped3A : memref<!tpu.dma_semaphore, #tpu.memory_space<semaphore_mem>>) src(%arg17 : memref<48x128xf32, #tpu.memory_space<vmem>>) dst(%dma_wait3A_152 : memref<48x128xf32, #tpu.memory_space<hbm>>)
      tpu.yield
    }) : () -> ()
    %add3A_118 = arith.constant 192 : i32
    %add3A_119 = arith.addi %mul3A_0, %add3A_118 : i32
    "tpu.region"() ({
      %run_scoped3A = tpu.sem_alloc : memref<!tpu.dma_semaphore, #tpu.memory_space<semaphore_mem>>
      %dma_start3A_141 = arith.constant 0 : i32
      %dma_start3A_142 = tpu.memref_slice %arg18[%add3A_119, %dma_start3A_141] : memref<10000x128xf32, #tpu.memory_space<vmem_shared>> -> memref<48x128xf32, #tpu.memory_space<vmem_shared>>
      %dma_start3A_143 = arith.constant 0 : i32
      %dma_start3A_144 = tpu.memref_slice %arg18[%add3A_119, %dma_start3A_143] : memref<10000x128xf32, #tpu.memory_space<vmem_shared>> -> memref<48x128xf32, #tpu.memory_space<vmem_shared>>
      tpu.enqueue_dma source(%dma_start3A_144 : memref<48x128xf32, #tpu.memory_space<vmem_shared>>) target(%arg17 : memref<48x128xf32, #tpu.memory_space<vmem>>) target_semaphore(%run_scoped3A : memref<!tpu.dma_semaphore, #tpu.memory_space<semaphore_mem>>)
      %dma_wait3A_145 = arith.constant 0 : i32
      %dma_wait3A_146 = tpu.memref_slice %arg18[%add3A_119, %dma_wait3A_145] : memref<10000x128xf32, #tpu.memory_space<vmem_shared>> -> memref<48x128xf32, #tpu.memory_space<vmem_shared>>
      %dma_wait3A_147 = arith.constant 0 : i32
      %dma_wait3A_148 = tpu.memref_slice %arg18[%add3A_119, %dma_wait3A_147] : memref<10000x128xf32, #tpu.memory_space<vmem_shared>> -> memref<48x128xf32, #tpu.memory_space<vmem_shared>>
      tpu.wait_dma2 semaphore(%run_scoped3A : memref<!tpu.dma_semaphore, #tpu.memory_space<semaphore_mem>>) src(%dma_wait3A_148 : memref<48x128xf32, #tpu.memory_space<vmem_shared>>) dst(%arg17 : memref<48x128xf32, #tpu.memory_space<vmem>>)
      tpu.yield
    }) : () -> ()
    "tpu.region"() ({
      %run_scoped3A = tpu.sem_alloc : memref<!tpu.dma_semaphore, #tpu.memory_space<semaphore_mem>>
      %dma_start3A_141 = arith.constant 0 : i32
      %dma_start3A_142 = tpu.memref_slice %arg6[%arg0, %add3A_119, %dma_start3A_141] : memref<2x10000x128xf32, #tpu.memory_space<hbm>> -> memref<1x48x128xf32, #tpu.memory_space<hbm>>
      %dma_start3A_143 = tpu.memref_squeeze %dma_start3A_142 : memref<1x48x128xf32, #tpu.memory_space<hbm>> -> memref<48x128xf32, #tpu.memory_space<hbm>>
      %dma_start3A_144 = arith.constant 0 : i32
      %dma_start3A_145 = tpu.memref_slice %arg6[%arg0, %add3A_119, %dma_start3A_144] : memref<2x10000x128xf32, #tpu.memory_space<hbm>> -> memref<1x48x128xf32, #tpu.memory_space<hbm>>
      %dma_start3A_146 = tpu.memref_squeeze %dma_start3A_145 : memref<1x48x128xf32, #tpu.memory_space<hbm>> -> memref<48x128xf32, #tpu.memory_space<hbm>>
      tpu.enqueue_dma source(%arg17 : memref<48x128xf32, #tpu.memory_space<vmem>>) target(%dma_start3A_146 : memref<48x128xf32, #tpu.memory_space<hbm>>) target_semaphore(%run_scoped3A : memref<!tpu.dma_semaphore, #tpu.memory_space<semaphore_mem>>)
      %dma_wait3A_147 = arith.constant 0 : i32
      %dma_wait3A_148 = tpu.memref_slice %arg6[%arg0, %add3A_119, %dma_wait3A_147] : memref<2x10000x128xf32, #tpu.memory_space<hbm>> -> memref<1x48x128xf32, #tpu.memory_space<hbm>>
      %dma_wait3A_149 = tpu.memref_squeeze %dma_wait3A_148 : memref<1x48x128xf32, #tpu.memory_space<hbm>> -> memref<48x128xf32, #tpu.memory_space<hbm>>
      %dma_wait3A_150 = arith.constant 0 : i32
      %dma_wait3A_151 = tpu.memref_slice %arg6[%arg0, %add3A_119, %dma_wait3A_150] : memref<2x10000x128xf32, #tpu.memory_space<hbm>> -> memref<1x48x128xf32, #tpu.memory_space<hbm>>
      %dma_wait3A_152 = tpu.memref_squeeze %dma_wait3A_151 : memref<1x48x128xf32, #tpu.memory_space<hbm>> -> memref<48x128xf32, #tpu.memory_space<hbm>>
      tpu.wait_dma2 semaphore(%run_scoped3A : memref<!tpu.dma_semaphore, #tpu.memory_space<semaphore_mem>>) src(%arg17 : memref<48x128xf32, #tpu.memory_space<vmem>>) dst(%dma_wait3A_152 : memref<48x128xf32, #tpu.memory_space<hbm>>)
      tpu.yield
    }) : () -> ()
    %add3A_120 = arith.constant 240 : i32
    %add3A_121 = arith.addi %mul3A_0, %add3A_120 : i32
    "tpu.region"() ({
      %run_scoped3A = tpu.sem_alloc : memref<!tpu.dma_semaphore, #tpu.memory_space<semaphore_mem>>
      %dma_start3A_141 = arith.constant 0 : i32
      %dma_start3A_142 = tpu.memref_slice %arg18[%add3A_121, %dma_start3A_141] : memref<10000x128xf32, #tpu.memory_space<vmem_shared>> -> memref<48x128xf32, #tpu.memory_space<vmem_shared>>
      %dma_start3A_143 = arith.constant 0 : i32
      %dma_start3A_144 = tpu.memref_slice %arg18[%add3A_121, %dma_start3A_143] : memref<10000x128xf32, #tpu.memory_space<vmem_shared>> -> memref<48x128xf32, #tpu.memory_space<vmem_shared>>
      tpu.enqueue_dma source(%dma_start3A_144 : memref<48x128xf32, #tpu.memory_space<vmem_shared>>) target(%arg17 : memref<48x128xf32, #tpu.memory_space<vmem>>) target_semaphore(%run_scoped3A : memref<!tpu.dma_semaphore, #tpu.memory_space<semaphore_mem>>)
      %dma_wait3A_145 = arith.constant 0 : i32
      %dma_wait3A_146 = tpu.memref_slice %arg18[%add3A_121, %dma_wait3A_145] : memref<10000x128xf32, #tpu.memory_space<vmem_shared>> -> memref<48x128xf32, #tpu.memory_space<vmem_shared>>
      %dma_wait3A_147 = arith.constant 0 : i32
      %dma_wait3A_148 = tpu.memref_slice %arg18[%add3A_121, %dma_wait3A_147] : memref<10000x128xf32, #tpu.memory_space<vmem_shared>> -> memref<48x128xf32, #tpu.memory_space<vmem_shared>>
      tpu.wait_dma2 semaphore(%run_scoped3A : memref<!tpu.dma_semaphore, #tpu.memory_space<semaphore_mem>>) src(%dma_wait3A_148 : memref<48x128xf32, #tpu.memory_space<vmem_shared>>) dst(%arg17 : memref<48x128xf32, #tpu.memory_space<vmem>>)
      tpu.yield
    }) : () -> ()
    "tpu.region"() ({
      %run_scoped3A = tpu.sem_alloc : memref<!tpu.dma_semaphore, #tpu.memory_space<semaphore_mem>>
      %dma_start3A_141 = arith.constant 0 : i32
      %dma_start3A_142 = tpu.memref_slice %arg6[%arg0, %add3A_121, %dma_start3A_141] : memref<2x10000x128xf32, #tpu.memory_space<hbm>> -> memref<1x48x128xf32, #tpu.memory_space<hbm>>
      %dma_start3A_143 = tpu.memref_squeeze %dma_start3A_142 : memref<1x48x128xf32, #tpu.memory_space<hbm>> -> memref<48x128xf32, #tpu.memory_space<hbm>>
      %dma_start3A_144 = arith.constant 0 : i32
      %dma_start3A_145 = tpu.memref_slice %arg6[%arg0, %add3A_121, %dma_start3A_144] : memref<2x10000x128xf32, #tpu.memory_space<hbm>> -> memref<1x48x128xf32, #tpu.memory_space<hbm>>
      %dma_start3A_146 = tpu.memref_squeeze %dma_start3A_145 : memref<1x48x128xf32, #tpu.memory_space<hbm>> -> memref<48x128xf32, #tpu.memory_space<hbm>>
      tpu.enqueue_dma source(%arg17 : memref<48x128xf32, #tpu.memory_space<vmem>>) target(%dma_start3A_146 : memref<48x128xf32, #tpu.memory_space<hbm>>) target_semaphore(%run_scoped3A : memref<!tpu.dma_semaphore, #tpu.memory_space<semaphore_mem>>)
      %dma_wait3A_147 = arith.constant 0 : i32
      %dma_wait3A_148 = tpu.memref_slice %arg6[%arg0, %add3A_121, %dma_wait3A_147] : memref<2x10000x128xf32, #tpu.memory_space<hbm>> -> memref<1x48x128xf32, #tpu.memory_space<hbm>>
      %dma_wait3A_149 = tpu.memref_squeeze %dma_wait3A_148 : memref<1x48x128xf32, #tpu.memory_space<hbm>> -> memref<48x128xf32, #tpu.memory_space<hbm>>
      %dma_wait3A_150 = arith.constant 0 : i32
      %dma_wait3A_151 = tpu.memref_slice %arg6[%arg0, %add3A_121, %dma_wait3A_150] : memref<2x10000x128xf32, #tpu.memory_space<hbm>> -> memref<1x48x128xf32, #tpu.memory_space<hbm>>
      %dma_wait3A_152 = tpu.memref_squeeze %dma_wait3A_151 : memref<1x48x128xf32, #tpu.memory_space<hbm>> -> memref<48x128xf32, #tpu.memory_space<hbm>>
      tpu.wait_dma2 semaphore(%run_scoped3A : memref<!tpu.dma_semaphore, #tpu.memory_space<semaphore_mem>>) src(%arg17 : memref<48x128xf32, #tpu.memory_space<vmem>>) dst(%dma_wait3A_152 : memref<48x128xf32, #tpu.memory_space<hbm>>)
      tpu.yield
    }) : () -> ()
    %add3A_122 = arith.constant 288 : i32
    %add3A_123 = arith.addi %mul3A_0, %add3A_122 : i32
    "tpu.region"() ({
      %run_scoped3A = tpu.sem_alloc : memref<!tpu.dma_semaphore, #tpu.memory_space<semaphore_mem>>
      %dma_start3A_141 = arith.constant 0 : i32
      %dma_start3A_142 = tpu.memref_slice %arg18[%add3A_123, %dma_start3A_141] : memref<10000x128xf32, #tpu.memory_space<vmem_shared>> -> memref<48x128xf32, #tpu.memory_space<vmem_shared>>
      %dma_start3A_143 = arith.constant 0 : i32
      %dma_start3A_144 = tpu.memref_slice %arg18[%add3A_123, %dma_start3A_143] : memref<10000x128xf32, #tpu.memory_space<vmem_shared>> -> memref<48x128xf32, #tpu.memory_space<vmem_shared>>
      tpu.enqueue_dma source(%dma_start3A_144 : memref<48x128xf32, #tpu.memory_space<vmem_shared>>) target(%arg17 : memref<48x128xf32, #tpu.memory_space<vmem>>) target_semaphore(%run_scoped3A : memref<!tpu.dma_semaphore, #tpu.memory_space<semaphore_mem>>)
      %dma_wait3A_145 = arith.constant 0 : i32
      %dma_wait3A_146 = tpu.memref_slice %arg18[%add3A_123, %dma_wait3A_145] : memref<10000x128xf32, #tpu.memory_space<vmem_shared>> -> memref<48x128xf32, #tpu.memory_space<vmem_shared>>
      %dma_wait3A_147 = arith.constant 0 : i32
      %dma_wait3A_148 = tpu.memref_slice %arg18[%add3A_123, %dma_wait3A_147] : memref<10000x128xf32, #tpu.memory_space<vmem_shared>> -> memref<48x128xf32, #tpu.memory_space<vmem_shared>>
      tpu.wait_dma2 semaphore(%run_scoped3A : memref<!tpu.dma_semaphore, #tpu.memory_space<semaphore_mem>>) src(%dma_wait3A_148 : memref<48x128xf32, #tpu.memory_space<vmem_shared>>) dst(%arg17 : memref<48x128xf32, #tpu.memory_space<vmem>>)
      tpu.yield
    }) : () -> ()
    "tpu.region"() ({
      %run_scoped3A = tpu.sem_alloc : memref<!tpu.dma_semaphore, #tpu.memory_space<semaphore_mem>>
      %dma_start3A_141 = arith.constant 0 : i32
      %dma_start3A_142 = tpu.memref_slice %arg6[%arg0, %add3A_123, %dma_start3A_141] : memref<2x10000x128xf32, #tpu.memory_space<hbm>> -> memref<1x48x128xf32, #tpu.memory_space<hbm>>
      %dma_start3A_143 = tpu.memref_squeeze %dma_start3A_142 : memref<1x48x128xf32, #tpu.memory_space<hbm>> -> memref<48x128xf32, #tpu.memory_space<hbm>>
      %dma_start3A_144 = arith.constant 0 : i32
      %dma_start3A_145 = tpu.memref_slice %arg6[%arg0, %add3A_123, %dma_start3A_144] : memref<2x10000x128xf32, #tpu.memory_space<hbm>> -> memref<1x48x128xf32, #tpu.memory_space<hbm>>
      %dma_start3A_146 = tpu.memref_squeeze %dma_start3A_145 : memref<1x48x128xf32, #tpu.memory_space<hbm>> -> memref<48x128xf32, #tpu.memory_space<hbm>>
      tpu.enqueue_dma source(%arg17 : memref<48x128xf32, #tpu.memory_space<vmem>>) target(%dma_start3A_146 : memref<48x128xf32, #tpu.memory_space<hbm>>) target_semaphore(%run_scoped3A : memref<!tpu.dma_semaphore, #tpu.memory_space<semaphore_mem>>)
      %dma_wait3A_147 = arith.constant 0 : i32
      %dma_wait3A_148 = tpu.memref_slice %arg6[%arg0, %add3A_123, %dma_wait3A_147] : memref<2x10000x128xf32, #tpu.memory_space<hbm>> -> memref<1x48x128xf32, #tpu.memory_space<hbm>>
      %dma_wait3A_149 = tpu.memref_squeeze %dma_wait3A_148 : memref<1x48x128xf32, #tpu.memory_space<hbm>> -> memref<48x128xf32, #tpu.memory_space<hbm>>
      %dma_wait3A_150 = arith.constant 0 : i32
      %dma_wait3A_151 = tpu.memref_slice %arg6[%arg0, %add3A_123, %dma_wait3A_150] : memref<2x10000x128xf32, #tpu.memory_space<hbm>> -> memref<1x48x128xf32, #tpu.memory_space<hbm>>
      %dma_wait3A_152 = tpu.memref_squeeze %dma_wait3A_151 : memref<1x48x128xf32, #tpu.memory_space<hbm>> -> memref<48x128xf32, #tpu.memory_space<hbm>>
      tpu.wait_dma2 semaphore(%run_scoped3A : memref<!tpu.dma_semaphore, #tpu.memory_space<semaphore_mem>>) src(%arg17 : memref<48x128xf32, #tpu.memory_space<vmem>>) dst(%dma_wait3A_152 : memref<48x128xf32, #tpu.memory_space<hbm>>)
      tpu.yield
    }) : () -> ()
    %add3A_124 = arith.constant 336 : i32
    %add3A_125 = arith.addi %mul3A_0, %add3A_124 : i32
    "tpu.region"() ({
      %run_scoped3A = tpu.sem_alloc : memref<!tpu.dma_semaphore, #tpu.memory_space<semaphore_mem>>
      %dma_start3A_141 = arith.constant 0 : i32
      %dma_start3A_142 = tpu.memref_slice %arg18[%add3A_125, %dma_start3A_141] : memref<10000x128xf32, #tpu.memory_space<vmem_shared>> -> memref<48x128xf32, #tpu.memory_space<vmem_shared>>
      %dma_start3A_143 = arith.constant 0 : i32
      %dma_start3A_144 = tpu.memref_slice %arg18[%add3A_125, %dma_start3A_143] : memref<10000x128xf32, #tpu.memory_space<vmem_shared>> -> memref<48x128xf32, #tpu.memory_space<vmem_shared>>
      tpu.enqueue_dma source(%dma_start3A_144 : memref<48x128xf32, #tpu.memory_space<vmem_shared>>) target(%arg17 : memref<48x128xf32, #tpu.memory_space<vmem>>) target_semaphore(%run_scoped3A : memref<!tpu.dma_semaphore, #tpu.memory_space<semaphore_mem>>)
      %dma_wait3A_145 = arith.constant 0 : i32
      %dma_wait3A_146 = tpu.memref_slice %arg18[%add3A_125, %dma_wait3A_145] : memref<10000x128xf32, #tpu.memory_space<vmem_shared>> -> memref<48x128xf32, #tpu.memory_space<vmem_shared>>
      %dma_wait3A_147 = arith.constant 0 : i32
      %dma_wait3A_148 = tpu.memref_slice %arg18[%add3A_125, %dma_wait3A_147] : memref<10000x128xf32, #tpu.memory_space<vmem_shared>> -> memref<48x128xf32, #tpu.memory_space<vmem_shared>>
      tpu.wait_dma2 semaphore(%run_scoped3A : memref<!tpu.dma_semaphore, #tpu.memory_space<semaphore_mem>>) src(%dma_wait3A_148 : memref<48x128xf32, #tpu.memory_space<vmem_shared>>) dst(%arg17 : memref<48x128xf32, #tpu.memory_space<vmem>>)
      tpu.yield
    }) : () -> ()
    "tpu.region"() ({
      %run_scoped3A = tpu.sem_alloc : memref<!tpu.dma_semaphore, #tpu.memory_space<semaphore_mem>>
      %dma_start3A_141 = arith.constant 0 : i32
      %dma_start3A_142 = tpu.memref_slice %arg6[%arg0, %add3A_125, %dma_start3A_141] : memref<2x10000x128xf32, #tpu.memory_space<hbm>> -> memref<1x48x128xf32, #tpu.memory_space<hbm>>
      %dma_start3A_143 = tpu.memref_squeeze %dma_start3A_142 : memref<1x48x128xf32, #tpu.memory_space<hbm>> -> memref<48x128xf32, #tpu.memory_space<hbm>>
      %dma_start3A_144 = arith.constant 0 : i32
      %dma_start3A_145 = tpu.memref_slice %arg6[%arg0, %add3A_125, %dma_start3A_144] : memref<2x10000x128xf32, #tpu.memory_space<hbm>> -> memref<1x48x128xf32, #tpu.memory_space<hbm>>
      %dma_start3A_146 = tpu.memref_squeeze %dma_start3A_145 : memref<1x48x128xf32, #tpu.memory_space<hbm>> -> memref<48x128xf32, #tpu.memory_space<hbm>>
      tpu.enqueue_dma source(%arg17 : memref<48x128xf32, #tpu.memory_space<vmem>>) target(%dma_start3A_146 : memref<48x128xf32, #tpu.memory_space<hbm>>) target_semaphore(%run_scoped3A : memref<!tpu.dma_semaphore, #tpu.memory_space<semaphore_mem>>)
      %dma_wait3A_147 = arith.constant 0 : i32
      %dma_wait3A_148 = tpu.memref_slice %arg6[%arg0, %add3A_125, %dma_wait3A_147] : memref<2x10000x128xf32, #tpu.memory_space<hbm>> -> memref<1x48x128xf32, #tpu.memory_space<hbm>>
      %dma_wait3A_149 = tpu.memref_squeeze %dma_wait3A_148 : memref<1x48x128xf32, #tpu.memory_space<hbm>> -> memref<48x128xf32, #tpu.memory_space<hbm>>
      %dma_wait3A_150 = arith.constant 0 : i32
      %dma_wait3A_151 = tpu.memref_slice %arg6[%arg0, %add3A_125, %dma_wait3A_150] : memref<2x10000x128xf32, #tpu.memory_space<hbm>> -> memref<1x48x128xf32, #tpu.memory_space<hbm>>
      %dma_wait3A_152 = tpu.memref_squeeze %dma_wait3A_151 : memref<1x48x128xf32, #tpu.memory_space<hbm>> -> memref<48x128xf32, #tpu.memory_space<hbm>>
      tpu.wait_dma2 semaphore(%run_scoped3A : memref<!tpu.dma_semaphore, #tpu.memory_space<semaphore_mem>>) src(%arg17 : memref<48x128xf32, #tpu.memory_space<vmem>>) dst(%dma_wait3A_152 : memref<48x128xf32, #tpu.memory_space<hbm>>)
      tpu.yield
    }) : () -> ()
    %add3A_126 = arith.constant 384 : i32
    %add3A_127 = arith.addi %mul3A_0, %add3A_126 : i32
    "tpu.region"() ({
      %run_scoped3A = tpu.sem_alloc : memref<!tpu.dma_semaphore, #tpu.memory_space<semaphore_mem>>
      %dma_start3A_141 = arith.constant 0 : i32
      %dma_start3A_142 = tpu.memref_slice %arg18[%add3A_127, %dma_start3A_141] : memref<10000x128xf32, #tpu.memory_space<vmem_shared>> -> memref<48x128xf32, #tpu.memory_space<vmem_shared>>
      %dma_start3A_143 = arith.constant 0 : i32
      %dma_start3A_144 = tpu.memref_slice %arg18[%add3A_127, %dma_start3A_143] : memref<10000x128xf32, #tpu.memory_space<vmem_shared>> -> memref<48x128xf32, #tpu.memory_space<vmem_shared>>
      tpu.enqueue_dma source(%dma_start3A_144 : memref<48x128xf32, #tpu.memory_space<vmem_shared>>) target(%arg17 : memref<48x128xf32, #tpu.memory_space<vmem>>) target_semaphore(%run_scoped3A : memref<!tpu.dma_semaphore, #tpu.memory_space<semaphore_mem>>)
      %dma_wait3A_145 = arith.constant 0 : i32
      %dma_wait3A_146 = tpu.memref_slice %arg18[%add3A_127, %dma_wait3A_145] : memref<10000x128xf32, #tpu.memory_space<vmem_shared>> -> memref<48x128xf32, #tpu.memory_space<vmem_shared>>
      %dma_wait3A_147 = arith.constant 0 : i32
      %dma_wait3A_148 = tpu.memref_slice %arg18[%add3A_127, %dma_wait3A_147] : memref<10000x128xf32, #tpu.memory_space<vmem_shared>> -> memref<48x128xf32, #tpu.memory_space<vmem_shared>>
      tpu.wait_dma2 semaphore(%run_scoped3A : memref<!tpu.dma_semaphore, #tpu.memory_space<semaphore_mem>>) src(%dma_wait3A_148 : memref<48x128xf32, #tpu.memory_space<vmem_shared>>) dst(%arg17 : memref<48x128xf32, #tpu.memory_space<vmem>>)
      tpu.yield
    }) : () -> ()
    "tpu.region"() ({
      %run_scoped3A = tpu.sem_alloc : memref<!tpu.dma_semaphore, #tpu.memory_space<semaphore_mem>>
      %dma_start3A_141 = arith.constant 0 : i32
      %dma_start3A_142 = tpu.memref_slice %arg6[%arg0, %add3A_127, %dma_start3A_141] : memref<2x10000x128xf32, #tpu.memory_space<hbm>> -> memref<1x48x128xf32, #tpu.memory_space<hbm>>
      %dma_start3A_143 = tpu.memref_squeeze %dma_start3A_142 : memref<1x48x128xf32, #tpu.memory_space<hbm>> -> memref<48x128xf32, #tpu.memory_space<hbm>>
      %dma_start3A_144 = arith.constant 0 : i32
      %dma_start3A_145 = tpu.memref_slice %arg6[%arg0, %add3A_127, %dma_start3A_144] : memref<2x10000x128xf32, #tpu.memory_space<hbm>> -> memref<1x48x128xf32, #tpu.memory_space<hbm>>
      %dma_start3A_146 = tpu.memref_squeeze %dma_start3A_145 : memref<1x48x128xf32, #tpu.memory_space<hbm>> -> memref<48x128xf32, #tpu.memory_space<hbm>>
      tpu.enqueue_dma source(%arg17 : memref<48x128xf32, #tpu.memory_space<vmem>>) target(%dma_start3A_146 : memref<48x128xf32, #tpu.memory_space<hbm>>) target_semaphore(%run_scoped3A : memref<!tpu.dma_semaphore, #tpu.memory_space<semaphore_mem>>)
      %dma_wait3A_147 = arith.constant 0 : i32
      %dma_wait3A_148 = tpu.memref_slice %arg6[%arg0, %add3A_127, %dma_wait3A_147] : memref<2x10000x128xf32, #tpu.memory_space<hbm>> -> memref<1x48x128xf32, #tpu.memory_space<hbm>>
      %dma_wait3A_149 = tpu.memref_squeeze %dma_wait3A_148 : memref<1x48x128xf32, #tpu.memory_space<hbm>> -> memref<48x128xf32, #tpu.memory_space<hbm>>
      %dma_wait3A_150 = arith.constant 0 : i32
      %dma_wait3A_151 = tpu.memref_slice %arg6[%arg0, %add3A_127, %dma_wait3A_150] : memref<2x10000x128xf32, #tpu.memory_space<hbm>> -> memref<1x48x128xf32, #tpu.memory_space<hbm>>
      %dma_wait3A_152 = tpu.memref_squeeze %dma_wait3A_151 : memref<1x48x128xf32, #tpu.memory_space<hbm>> -> memref<48x128xf32, #tpu.memory_space<hbm>>
      tpu.wait_dma2 semaphore(%run_scoped3A : memref<!tpu.dma_semaphore, #tpu.memory_space<semaphore_mem>>) src(%arg17 : memref<48x128xf32, #tpu.memory_space<vmem>>) dst(%dma_wait3A_152 : memref<48x128xf32, #tpu.memory_space<hbm>>)
      tpu.yield
    }) : () -> ()
    %add3A_128 = arith.constant 432 : i32
    %add3A_129 = arith.addi %mul3A_0, %add3A_128 : i32
    "tpu.region"() ({
      %run_scoped3A = tpu.sem_alloc : memref<!tpu.dma_semaphore, #tpu.memory_space<semaphore_mem>>
      %dma_start3A_141 = arith.constant 0 : i32
      %dma_start3A_142 = tpu.memref_slice %arg18[%add3A_129, %dma_start3A_141] : memref<10000x128xf32, #tpu.memory_space<vmem_shared>> -> memref<48x128xf32, #tpu.memory_space<vmem_shared>>
      %dma_start3A_143 = arith.constant 0 : i32
      %dma_start3A_144 = tpu.memref_slice %arg18[%add3A_129, %dma_start3A_143] : memref<10000x128xf32, #tpu.memory_space<vmem_shared>> -> memref<48x128xf32, #tpu.memory_space<vmem_shared>>
      tpu.enqueue_dma source(%dma_start3A_144 : memref<48x128xf32, #tpu.memory_space<vmem_shared>>) target(%arg17 : memref<48x128xf32, #tpu.memory_space<vmem>>) target_semaphore(%run_scoped3A : memref<!tpu.dma_semaphore, #tpu.memory_space<semaphore_mem>>)
      %dma_wait3A_145 = arith.constant 0 : i32
      %dma_wait3A_146 = tpu.memref_slice %arg18[%add3A_129, %dma_wait3A_145] : memref<10000x128xf32, #tpu.memory_space<vmem_shared>> -> memref<48x128xf32, #tpu.memory_space<vmem_shared>>
      %dma_wait3A_147 = arith.constant 0 : i32
      %dma_wait3A_148 = tpu.memref_slice %arg18[%add3A_129, %dma_wait3A_147] : memref<10000x128xf32, #tpu.memory_space<vmem_shared>> -> memref<48x128xf32, #tpu.memory_space<vmem_shared>>
      tpu.wait_dma2 semaphore(%run_scoped3A : memref<!tpu.dma_semaphore, #tpu.memory_space<semaphore_mem>>) src(%dma_wait3A_148 : memref<48x128xf32, #tpu.memory_space<vmem_shared>>) dst(%arg17 : memref<48x128xf32, #tpu.memory_space<vmem>>)
      tpu.yield
    }) : () -> ()
    "tpu.region"() ({
      %run_scoped3A = tpu.sem_alloc : memref<!tpu.dma_semaphore, #tpu.memory_space<semaphore_mem>>
      %dma_start3A_141 = arith.constant 0 : i32
      %dma_start3A_142 = tpu.memref_slice %arg6[%arg0, %add3A_129, %dma_start3A_141] : memref<2x10000x128xf32, #tpu.memory_space<hbm>> -> memref<1x48x128xf32, #tpu.memory_space<hbm>>
      %dma_start3A_143 = tpu.memref_squeeze %dma_start3A_142 : memref<1x48x128xf32, #tpu.memory_space<hbm>> -> memref<48x128xf32, #tpu.memory_space<hbm>>
      %dma_start3A_144 = arith.constant 0 : i32
      %dma_start3A_145 = tpu.memref_slice %arg6[%arg0, %add3A_129, %dma_start3A_144] : memref<2x10000x128xf32, #tpu.memory_space<hbm>> -> memref<1x48x128xf32, #tpu.memory_space<hbm>>
      %dma_start3A_146 = tpu.memref_squeeze %dma_start3A_145 : memref<1x48x128xf32, #tpu.memory_space<hbm>> -> memref<48x128xf32, #tpu.memory_space<hbm>>
      tpu.enqueue_dma source(%arg17 : memref<48x128xf32, #tpu.memory_space<vmem>>) target(%dma_start3A_146 : memref<48x128xf32, #tpu.memory_space<hbm>>) target_semaphore(%run_scoped3A : memref<!tpu.dma_semaphore, #tpu.memory_space<semaphore_mem>>)
      %dma_wait3A_147 = arith.constant 0 : i32
      %dma_wait3A_148 = tpu.memref_slice %arg6[%arg0, %add3A_129, %dma_wait3A_147] : memref<2x10000x128xf32, #tpu.memory_space<hbm>> -> memref<1x48x128xf32, #tpu.memory_space<hbm>>
      %dma_wait3A_149 = tpu.memref_squeeze %dma_wait3A_148 : memref<1x48x128xf32, #tpu.memory_space<hbm>> -> memref<48x128xf32, #tpu.memory_space<hbm>>
      %dma_wait3A_150 = arith.constant 0 : i32
      %dma_wait3A_151 = tpu.memref_slice %arg6[%arg0, %add3A_129, %dma_wait3A_150] : memref<2x10000x128xf32, #tpu.memory_space<hbm>> -> memref<1x48x128xf32, #tpu.memory_space<hbm>>
      %dma_wait3A_152 = tpu.memref_squeeze %dma_wait3A_151 : memref<1x48x128xf32, #tpu.memory_space<hbm>> -> memref<48x128xf32, #tpu.memory_space<hbm>>
      tpu.wait_dma2 semaphore(%run_scoped3A : memref<!tpu.dma_semaphore, #tpu.memory_space<semaphore_mem>>) src(%arg17 : memref<48x128xf32, #tpu.memory_space<vmem>>) dst(%dma_wait3A_152 : memref<48x128xf32, #tpu.memory_space<hbm>>)
      tpu.yield
    }) : () -> ()
    %add3A_130 = arith.constant 480 : i32
    %add3A_131 = arith.addi %mul3A_0, %add3A_130 : i32
    "tpu.region"() ({
      %run_scoped3A = tpu.sem_alloc : memref<!tpu.dma_semaphore, #tpu.memory_space<semaphore_mem>>
      %dma_start3A_141 = arith.constant 0 : i32
      %dma_start3A_142 = tpu.memref_slice %arg18[%add3A_131, %dma_start3A_141] : memref<10000x128xf32, #tpu.memory_space<vmem_shared>> -> memref<48x128xf32, #tpu.memory_space<vmem_shared>>
      %dma_start3A_143 = arith.constant 0 : i32
      %dma_start3A_144 = tpu.memref_slice %arg18[%add3A_131, %dma_start3A_143] : memref<10000x128xf32, #tpu.memory_space<vmem_shared>> -> memref<48x128xf32, #tpu.memory_space<vmem_shared>>
      tpu.enqueue_dma source(%dma_start3A_144 : memref<48x128xf32, #tpu.memory_space<vmem_shared>>) target(%arg17 : memref<48x128xf32, #tpu.memory_space<vmem>>) target_semaphore(%run_scoped3A : memref<!tpu.dma_semaphore, #tpu.memory_space<semaphore_mem>>)
      %dma_wait3A_145 = arith.constant 0 : i32
      %dma_wait3A_146 = tpu.memref_slice %arg18[%add3A_131, %dma_wait3A_145] : memref<10000x128xf32, #tpu.memory_space<vmem_shared>> -> memref<48x128xf32, #tpu.memory_space<vmem_shared>>
      %dma_wait3A_147 = arith.constant 0 : i32
      %dma_wait3A_148 = tpu.memref_slice %arg18[%add3A_131, %dma_wait3A_147] : memref<10000x128xf32, #tpu.memory_space<vmem_shared>> -> memref<48x128xf32, #tpu.memory_space<vmem_shared>>
      tpu.wait_dma2 semaphore(%run_scoped3A : memref<!tpu.dma_semaphore, #tpu.memory_space<semaphore_mem>>) src(%dma_wait3A_148 : memref<48x128xf32, #tpu.memory_space<vmem_shared>>) dst(%arg17 : memref<48x128xf32, #tpu.memory_space<vmem>>)
      tpu.yield
    }) : () -> ()
    "tpu.region"() ({
      %run_scoped3A = tpu.sem_alloc : memref<!tpu.dma_semaphore, #tpu.memory_space<semaphore_mem>>
      %dma_start3A_141 = arith.constant 0 : i32
      %dma_start3A_142 = tpu.memref_slice %arg6[%arg0, %add3A_131, %dma_start3A_141] : memref<2x10000x128xf32, #tpu.memory_space<hbm>> -> memref<1x48x128xf32, #tpu.memory_space<hbm>>
      %dma_start3A_143 = tpu.memref_squeeze %dma_start3A_142 : memref<1x48x128xf32, #tpu.memory_space<hbm>> -> memref<48x128xf32, #tpu.memory_space<hbm>>
      %dma_start3A_144 = arith.constant 0 : i32
      %dma_start3A_145 = tpu.memref_slice %arg6[%arg0, %add3A_131, %dma_start3A_144] : memref<2x10000x128xf32, #tpu.memory_space<hbm>> -> memref<1x48x128xf32, #tpu.memory_space<hbm>>
      %dma_start3A_146 = tpu.memref_squeeze %dma_start3A_145 : memref<1x48x128xf32, #tpu.memory_space<hbm>> -> memref<48x128xf32, #tpu.memory_space<hbm>>
      tpu.enqueue_dma source(%arg17 : memref<48x128xf32, #tpu.memory_space<vmem>>) target(%dma_start3A_146 : memref<48x128xf32, #tpu.memory_space<hbm>>) target_semaphore(%run_scoped3A : memref<!tpu.dma_semaphore, #tpu.memory_space<semaphore_mem>>)
      %dma_wait3A_147 = arith.constant 0 : i32
      %dma_wait3A_148 = tpu.memref_slice %arg6[%arg0, %add3A_131, %dma_wait3A_147] : memref<2x10000x128xf32, #tpu.memory_space<hbm>> -> memref<1x48x128xf32, #tpu.memory_space<hbm>>
      %dma_wait3A_149 = tpu.memref_squeeze %dma_wait3A_148 : memref<1x48x128xf32, #tpu.memory_space<hbm>> -> memref<48x128xf32, #tpu.memory_space<hbm>>
      %dma_wait3A_150 = arith.constant 0 : i32
      %dma_wait3A_151 = tpu.memref_slice %arg6[%arg0, %add3A_131, %dma_wait3A_150] : memref<2x10000x128xf32, #tpu.memory_space<hbm>> -> memref<1x48x128xf32, #tpu.memory_space<hbm>>
      %dma_wait3A_152 = tpu.memref_squeeze %dma_wait3A_151 : memref<1x48x128xf32, #tpu.memory_space<hbm>> -> memref<48x128xf32, #tpu.memory_space<hbm>>
      tpu.wait_dma2 semaphore(%run_scoped3A : memref<!tpu.dma_semaphore, #tpu.memory_space<semaphore_mem>>) src(%arg17 : memref<48x128xf32, #tpu.memory_space<vmem>>) dst(%dma_wait3A_152 : memref<48x128xf32, #tpu.memory_space<hbm>>)
      tpu.yield
    }) : () -> ()
    %add3A_132 = arith.constant 528 : i32
    %add3A_133 = arith.addi %mul3A_0, %add3A_132 : i32
    "tpu.region"() ({
      %run_scoped3A = tpu.sem_alloc : memref<!tpu.dma_semaphore, #tpu.memory_space<semaphore_mem>>
      %dma_start3A_141 = arith.constant 0 : i32
      %dma_start3A_142 = tpu.memref_slice %arg18[%add3A_133, %dma_start3A_141] : memref<10000x128xf32, #tpu.memory_space<vmem_shared>> -> memref<48x128xf32, #tpu.memory_space<vmem_shared>>
      %dma_start3A_143 = arith.constant 0 : i32
      %dma_start3A_144 = tpu.memref_slice %arg18[%add3A_133, %dma_start3A_143] : memref<10000x128xf32, #tpu.memory_space<vmem_shared>> -> memref<48x128xf32, #tpu.memory_space<vmem_shared>>
      tpu.enqueue_dma source(%dma_start3A_144 : memref<48x128xf32, #tpu.memory_space<vmem_shared>>) target(%arg17 : memref<48x128xf32, #tpu.memory_space<vmem>>) target_semaphore(%run_scoped3A : memref<!tpu.dma_semaphore, #tpu.memory_space<semaphore_mem>>)
      %dma_wait3A_145 = arith.constant 0 : i32
      %dma_wait3A_146 = tpu.memref_slice %arg18[%add3A_133, %dma_wait3A_145] : memref<10000x128xf32, #tpu.memory_space<vmem_shared>> -> memref<48x128xf32, #tpu.memory_space<vmem_shared>>
      %dma_wait3A_147 = arith.constant 0 : i32
      %dma_wait3A_148 = tpu.memref_slice %arg18[%add3A_133, %dma_wait3A_147] : memref<10000x128xf32, #tpu.memory_space<vmem_shared>> -> memref<48x128xf32, #tpu.memory_space<vmem_shared>>
      tpu.wait_dma2 semaphore(%run_scoped3A : memref<!tpu.dma_semaphore, #tpu.memory_space<semaphore_mem>>) src(%dma_wait3A_148 : memref<48x128xf32, #tpu.memory_space<vmem_shared>>) dst(%arg17 : memref<48x128xf32, #tpu.memory_space<vmem>>)
      tpu.yield
    }) : () -> ()
    "tpu.region"() ({
      %run_scoped3A = tpu.sem_alloc : memref<!tpu.dma_semaphore, #tpu.memory_space<semaphore_mem>>
      %dma_start3A_141 = arith.constant 0 : i32
      %dma_start3A_142 = tpu.memref_slice %arg6[%arg0, %add3A_133, %dma_start3A_141] : memref<2x10000x128xf32, #tpu.memory_space<hbm>> -> memref<1x48x128xf32, #tpu.memory_space<hbm>>
      %dma_start3A_143 = tpu.memref_squeeze %dma_start3A_142 : memref<1x48x128xf32, #tpu.memory_space<hbm>> -> memref<48x128xf32, #tpu.memory_space<hbm>>
      %dma_start3A_144 = arith.constant 0 : i32
      %dma_start3A_145 = tpu.memref_slice %arg6[%arg0, %add3A_133, %dma_start3A_144] : memref<2x10000x128xf32, #tpu.memory_space<hbm>> -> memref<1x48x128xf32, #tpu.memory_space<hbm>>
      %dma_start3A_146 = tpu.memref_squeeze %dma_start3A_145 : memref<1x48x128xf32, #tpu.memory_space<hbm>> -> memref<48x128xf32, #tpu.memory_space<hbm>>
      tpu.enqueue_dma source(%arg17 : memref<48x128xf32, #tpu.memory_space<vmem>>) target(%dma_start3A_146 : memref<48x128xf32, #tpu.memory_space<hbm>>) target_semaphore(%run_scoped3A : memref<!tpu.dma_semaphore, #tpu.memory_space<semaphore_mem>>)
      %dma_wait3A_147 = arith.constant 0 : i32
      %dma_wait3A_148 = tpu.memref_slice %arg6[%arg0, %add3A_133, %dma_wait3A_147] : memref<2x10000x128xf32, #tpu.memory_space<hbm>> -> memref<1x48x128xf32, #tpu.memory_space<hbm>>
      %dma_wait3A_149 = tpu.memref_squeeze %dma_wait3A_148 : memref<1x48x128xf32, #tpu.memory_space<hbm>> -> memref<48x128xf32, #tpu.memory_space<hbm>>
      %dma_wait3A_150 = arith.constant 0 : i32
      %dma_wait3A_151 = tpu.memref_slice %arg6[%arg0, %add3A_133, %dma_wait3A_150] : memref<2x10000x128xf32, #tpu.memory_space<hbm>> -> memref<1x48x128xf32, #tpu.memory_space<hbm>>
      %dma_wait3A_152 = tpu.memref_squeeze %dma_wait3A_151 : memref<1x48x128xf32, #tpu.memory_space<hbm>> -> memref<48x128xf32, #tpu.memory_space<hbm>>
      tpu.wait_dma2 semaphore(%run_scoped3A : memref<!tpu.dma_semaphore, #tpu.memory_space<semaphore_mem>>) src(%arg17 : memref<48x128xf32, #tpu.memory_space<vmem>>) dst(%dma_wait3A_152 : memref<48x128xf32, #tpu.memory_space<hbm>>)
      tpu.yield
    }) : () -> ()
    %add3A_134 = arith.constant 576 : i32
    %add3A_135 = arith.addi %mul3A_0, %add3A_134 : i32
    "tpu.region"() ({
      %run_scoped3A = tpu.sem_alloc : memref<!tpu.dma_semaphore, #tpu.memory_space<semaphore_mem>>
      %dma_start3A_141 = arith.constant 0 : i32
      %dma_start3A_142 = tpu.memref_slice %arg18[%add3A_135, %dma_start3A_141] : memref<10000x128xf32, #tpu.memory_space<vmem_shared>> -> memref<48x128xf32, #tpu.memory_space<vmem_shared>>
      %dma_start3A_143 = arith.constant 0 : i32
      %dma_start3A_144 = tpu.memref_slice %arg18[%add3A_135, %dma_start3A_143] : memref<10000x128xf32, #tpu.memory_space<vmem_shared>> -> memref<48x128xf32, #tpu.memory_space<vmem_shared>>
      tpu.enqueue_dma source(%dma_start3A_144 : memref<48x128xf32, #tpu.memory_space<vmem_shared>>) target(%arg17 : memref<48x128xf32, #tpu.memory_space<vmem>>) target_semaphore(%run_scoped3A : memref<!tpu.dma_semaphore, #tpu.memory_space<semaphore_mem>>)
      %dma_wait3A_145 = arith.constant 0 : i32
      %dma_wait3A_146 = tpu.memref_slice %arg18[%add3A_135, %dma_wait3A_145] : memref<10000x128xf32, #tpu.memory_space<vmem_shared>> -> memref<48x128xf32, #tpu.memory_space<vmem_shared>>
      %dma_wait3A_147 = arith.constant 0 : i32
      %dma_wait3A_148 = tpu.memref_slice %arg18[%add3A_135, %dma_wait3A_147] : memref<10000x128xf32, #tpu.memory_space<vmem_shared>> -> memref<48x128xf32, #tpu.memory_space<vmem_shared>>
      tpu.wait_dma2 semaphore(%run_scoped3A : memref<!tpu.dma_semaphore, #tpu.memory_space<semaphore_mem>>) src(%dma_wait3A_148 : memref<48x128xf32, #tpu.memory_space<vmem_shared>>) dst(%arg17 : memref<48x128xf32, #tpu.memory_space<vmem>>)
      tpu.yield
    }) : () -> ()
    "tpu.region"() ({
      %run_scoped3A = tpu.sem_alloc : memref<!tpu.dma_semaphore, #tpu.memory_space<semaphore_mem>>
      %dma_start3A_141 = arith.constant 0 : i32
      %dma_start3A_142 = tpu.memref_slice %arg6[%arg0, %add3A_135, %dma_start3A_141] : memref<2x10000x128xf32, #tpu.memory_space<hbm>> -> memref<1x48x128xf32, #tpu.memory_space<hbm>>
      %dma_start3A_143 = tpu.memref_squeeze %dma_start3A_142 : memref<1x48x128xf32, #tpu.memory_space<hbm>> -> memref<48x128xf32, #tpu.memory_space<hbm>>
      %dma_start3A_144 = arith.constant 0 : i32
      %dma_start3A_145 = tpu.memref_slice %arg6[%arg0, %add3A_135, %dma_start3A_144] : memref<2x10000x128xf32, #tpu.memory_space<hbm>> -> memref<1x48x128xf32, #tpu.memory_space<hbm>>
      %dma_start3A_146 = tpu.memref_squeeze %dma_start3A_145 : memref<1x48x128xf32, #tpu.memory_space<hbm>> -> memref<48x128xf32, #tpu.memory_space<hbm>>
      tpu.enqueue_dma source(%arg17 : memref<48x128xf32, #tpu.memory_space<vmem>>) target(%dma_start3A_146 : memref<48x128xf32, #tpu.memory_space<hbm>>) target_semaphore(%run_scoped3A : memref<!tpu.dma_semaphore, #tpu.memory_space<semaphore_mem>>)
      %dma_wait3A_147 = arith.constant 0 : i32
      %dma_wait3A_148 = tpu.memref_slice %arg6[%arg0, %add3A_135, %dma_wait3A_147] : memref<2x10000x128xf32, #tpu.memory_space<hbm>> -> memref<1x48x128xf32, #tpu.memory_space<hbm>>
      %dma_wait3A_149 = tpu.memref_squeeze %dma_wait3A_148 : memref<1x48x128xf32, #tpu.memory_space<hbm>> -> memref<48x128xf32, #tpu.memory_space<hbm>>
      %dma_wait3A_150 = arith.constant 0 : i32
      %dma_wait3A_151 = tpu.memref_slice %arg6[%arg0, %add3A_135, %dma_wait3A_150] : memref<2x10000x128xf32, #tpu.memory_space<hbm>> -> memref<1x48x128xf32, #tpu.memory_space<hbm>>
      %dma_wait3A_152 = tpu.memref_squeeze %dma_wait3A_151 : memref<1x48x128xf32, #tpu.memory_space<hbm>> -> memref<48x128xf32, #tpu.memory_space<hbm>>
      tpu.wait_dma2 semaphore(%run_scoped3A : memref<!tpu.dma_semaphore, #tpu.memory_space<semaphore_mem>>) src(%arg17 : memref<48x128xf32, #tpu.memory_space<vmem>>) dst(%dma_wait3A_152 : memref<48x128xf32, #tpu.memory_space<hbm>>)
      tpu.yield
    }) : () -> ()
    %eq3A_136 = arith.constant 15 : i32
    %eq3A_137 = arith.cmpi eq, %arg1, %eq3A_136 : i32
    %convert_element_type3A_138 = arith.extui %eq3A_137 : i1 to i32
    %cond3A_139 = arith.constant 0 : i32
    %cond3A_140 = arith.cmpi ne, %convert_element_type3A_138, %cond3A_139 : i32
    scf.if %cond3A_140 {
      "tpu.region"() ({
        %run_scoped3A = tpu.sem_alloc : memref<!tpu.dma_semaphore, #tpu.memory_space<semaphore_mem>>
        %dma_start3A_141 = arith.constant 0 : i32
        %dma_start3A_142 = arith.constant 0 : i32
        %dma_start3A_143 = tpu.memref_slice %arg17[%dma_start3A_141, %dma_start3A_142] : memref<48x128xf32, #tpu.memory_space<vmem>> -> memref<16x128xf32, #tpu.memory_space<vmem>>
        %dma_start3A_144 = arith.constant 9984 : i32
        %dma_start3A_145 = arith.constant 0 : i32
        %dma_start3A_146 = tpu.memref_slice %arg18[%dma_start3A_144, %dma_start3A_145] : memref<10000x128xf32, #tpu.memory_space<vmem_shared>> -> memref<16x128xf32, #tpu.memory_space<vmem_shared>>
        %dma_start3A_147 = arith.constant 0 : i32
        %dma_start3A_148 = arith.constant 0 : i32
        %dma_start3A_149 = tpu.memref_slice %arg17[%dma_start3A_147, %dma_start3A_148] : memref<48x128xf32, #tpu.memory_space<vmem>> -> memref<16x128xf32, #tpu.memory_space<vmem>>
        %dma_start3A_150 = arith.constant 9984 : i32
        %dma_start3A_151 = arith.constant 0 : i32
        %dma_start3A_152 = tpu.memref_slice %arg18[%dma_start3A_150, %dma_start3A_151] : memref<10000x128xf32, #tpu.memory_space<vmem_shared>> -> memref<16x128xf32, #tpu.memory_space<vmem_shared>>
        tpu.enqueue_dma source(%dma_start3A_152 : memref<16x128xf32, #tpu.memory_space<vmem_shared>>) target(%dma_start3A_149 : memref<16x128xf32, #tpu.memory_space<vmem>>) target_semaphore(%run_scoped3A : memref<!tpu.dma_semaphore, #tpu.memory_space<semaphore_mem>>)
        %dma_wait3A_153 = arith.constant 0 : i32
        %dma_wait3A_154 = arith.constant 0 : i32
        %dma_wait3A_155 = tpu.memref_slice %arg17[%dma_wait3A_153, %dma_wait3A_154] : memref<48x128xf32, #tpu.memory_space<vmem>> -> memref<16x128xf32, #tpu.memory_space<vmem>>
        %dma_wait3A_156 = arith.constant 9984 : i32
        %dma_wait3A_157 = arith.constant 0 : i32
        %dma_wait3A_158 = tpu.memref_slice %arg18[%dma_wait3A_156, %dma_wait3A_157] : memref<10000x128xf32, #tpu.memory_space<vmem_shared>> -> memref<16x128xf32, #tpu.memory_space<vmem_shared>>
        %dma_wait3A_159 = arith.constant 0 : i32
        %dma_wait3A_160 = arith.constant 0 : i32
        %dma_wait3A_161 = tpu.memref_slice %arg17[%dma_wait3A_159, %dma_wait3A_160] : memref<48x128xf32, #tpu.memory_space<vmem>> -> memref<16x128xf32, #tpu.memory_space<vmem>>
        %dma_wait3A_162 = arith.constant 9984 : i32
        %dma_wait3A_163 = arith.constant 0 : i32
        %dma_wait3A_164 = tpu.memref_slice %arg18[%dma_wait3A_162, %dma_wait3A_163] : memref<10000x128xf32, #tpu.memory_space<vmem_shared>> -> memref<16x128xf32, #tpu.memory_space<vmem_shared>>
        tpu.wait_dma2 semaphore(%run_scoped3A : memref<!tpu.dma_semaphore, #tpu.memory_space<semaphore_mem>>) src(%dma_wait3A_164 : memref<16x128xf32, #tpu.memory_space<vmem_shared>>) dst(%dma_wait3A_161 : memref<16x128xf32, #tpu.memory_space<vmem>>)
        tpu.yield
      }) : () -> ()
      "tpu.region"() ({
        %run_scoped3A = tpu.sem_alloc : memref<!tpu.dma_semaphore, #tpu.memory_space<semaphore_mem>>
        %dma_start3A_141 = arith.constant 0 : i32
        %dma_start3A_142 = arith.constant 0 : i32
        %dma_start3A_143 = tpu.memref_slice %arg17[%dma_start3A_141, %dma_start3A_142] : memref<48x128xf32, #tpu.memory_space<vmem>> -> memref<16x128xf32, #tpu.memory_space<vmem>>
        %dma_start3A_144 = arith.constant 9984 : i32
        %dma_start3A_145 = arith.constant 0 : i32
        %dma_start3A_146 = tpu.memref_slice %arg6[%arg0, %dma_start3A_144, %dma_start3A_145] : memref<2x10000x128xf32, #tpu.memory_space<hbm>> -> memref<1x16x128xf32, #tpu.memory_space<hbm>>
        %dma_start3A_147 = tpu.memref_squeeze %dma_start3A_146 : memref<1x16x128xf32, #tpu.memory_space<hbm>> -> memref<16x128xf32, #tpu.memory_space<hbm>>
        %dma_start3A_148 = arith.constant 9984 : i32
        %dma_start3A_149 = arith.constant 0 : i32
        %dma_start3A_150 = tpu.memref_slice %arg6[%arg0, %dma_start3A_148, %dma_start3A_149] : memref<2x10000x128xf32, #tpu.memory_space<hbm>> -> memref<1x16x128xf32, #tpu.memory_space<hbm>>
        %dma_start3A_151 = tpu.memref_squeeze %dma_start3A_150 : memref<1x16x128xf32, #tpu.memory_space<hbm>> -> memref<16x128xf32, #tpu.memory_space<hbm>>
        %dma_start3A_152 = arith.constant 0 : i32
        %dma_start3A_153 = arith.constant 0 : i32
        %dma_start3A_154 = tpu.memref_slice %arg17[%dma_start3A_152, %dma_start3A_153] : memref<48x128xf32, #tpu.memory_space<vmem>> -> memref<16x128xf32, #tpu.memory_space<vmem>>
        tpu.enqueue_dma source(%dma_start3A_154 : memref<16x128xf32, #tpu.memory_space<vmem>>) target(%dma_start3A_151 : memref<16x128xf32, #tpu.memory_space<hbm>>) target_semaphore(%run_scoped3A : memref<!tpu.dma_semaphore, #tpu.memory_space<semaphore_mem>>)
        %dma_wait3A_155 = arith.constant 0 : i32
        %dma_wait3A_156 = arith.constant 0 : i32
        %dma_wait3A_157 = tpu.memref_slice %arg17[%dma_wait3A_155, %dma_wait3A_156] : memref<48x128xf32, #tpu.memory_space<vmem>> -> memref<16x128xf32, #tpu.memory_space<vmem>>
        %dma_wait3A_158 = arith.constant 9984 : i32
        %dma_wait3A_159 = arith.constant 0 : i32
        %dma_wait3A_160 = tpu.memref_slice %arg6[%arg0, %dma_wait3A_158, %dma_wait3A_159] : memref<2x10000x128xf32, #tpu.memory_space<hbm>> -> memref<1x16x128xf32, #tpu.memory_space<hbm>>
        %dma_wait3A_161 = tpu.memref_squeeze %dma_wait3A_160 : memref<1x16x128xf32, #tpu.memory_space<hbm>> -> memref<16x128xf32, #tpu.memory_space<hbm>>
        %dma_wait3A_162 = arith.constant 9984 : i32
        %dma_wait3A_163 = arith.constant 0 : i32
        %dma_wait3A_164 = tpu.memref_slice %arg6[%arg0, %dma_wait3A_162, %dma_wait3A_163] : memref<2x10000x128xf32, #tpu.memory_space<hbm>> -> memref<1x16x128xf32, #tpu.memory_space<hbm>>
        %dma_wait3A_165 = tpu.memref_squeeze %dma_wait3A_164 : memref<1x16x128xf32, #tpu.memory_space<hbm>> -> memref<16x128xf32, #tpu.memory_space<hbm>>
        %dma_wait3A_166 = arith.constant 0 : i32
        %dma_wait3A_167 = arith.constant 0 : i32
        %dma_wait3A_168 = tpu.memref_slice %arg17[%dma_wait3A_166, %dma_wait3A_167] : memref<48x128xf32, #tpu.memory_space<vmem>> -> memref<16x128xf32, #tpu.memory_space<vmem>>
        tpu.wait_dma2 semaphore(%run_scoped3A : memref<!tpu.dma_semaphore, #tpu.memory_space<semaphore_mem>>) src(%dma_wait3A_168 : memref<16x128xf32, #tpu.memory_space<vmem>>) dst(%dma_wait3A_165 : memref<16x128xf32, #tpu.memory_space<hbm>>)
        tpu.yield
      }) : () -> ()
    } else {
    }
    return
  }
}

#map = affine_map<(d0, d1) -> (0, 0)>
#map1 = affine_map<(d0, d1) -> (0)>
#map2 = affine_map<(d0, d1) -> (0, 0, 0)>
module attributes {stable_mosaic.version = 14 : i64} {
  func.func @_sc_y2_scatter(%arg0: i32, %arg1: i32, %arg2: memref<160000x128xf32, #tpu.memory_space<hbm>>, %arg3: memref<160000x128xf32, #tpu.memory_space<hbm>>, %arg4: memref<160000xi32, #tpu.memory_space<hbm>>, %arg5: memref<2x10000x128xf32, #tpu.memory_space<hbm>>, %arg6: memref<2x10000x128xf32, #tpu.memory_space<hbm>>, %arg7: memref<128xi32, #tpu.memory_space<vmem>>, %arg8: memref<128xi32, #tpu.memory_space<vmem>>, %arg9: memref<128x128xf32, #tpu.memory_space<vmem>>, %arg10: memref<128x128xf32, #tpu.memory_space<vmem>>, %arg11: memref<!tpu.dma_semaphore, #tpu.memory_space<semaphore_mem>>, %arg12: memref<!tpu.dma_semaphore, #tpu.memory_space<semaphore_mem>>, %arg13: memref<!tpu.dma_semaphore, #tpu.memory_space<semaphore_mem>>, %arg14: memref<!tpu.dma_semaphore, #tpu.memory_space<semaphore_mem>>, %arg15: memref<48x128xf32, #tpu.memory_space<vmem>>, %arg16: memref<10000x128xf32, #tpu.memory_space<vmem_shared>>) attributes {dimension_semantics = [#tpu.dimension_semantics<core_parallel>, #tpu.dimension_semantics<subcore_parallel>], iteration_bounds = array<i64: 2, 16>, scalar_prefetch = 0 : i64, scratch_operands = 10 : i64, tpu.core_type = #tpu.core_type<sc_vector_subcore>, window_params = [{transform_indices = #map}, {transform_indices = #map}, {transform_indices = #map1}, {transform_indices = #map2}, {transform_indices = #map2}]} {
    %mul3A = arith.constant 624 : i32
    %mul3A_0 = arith.muli %arg1, %mul3A : i32
    %add3A = arith.constant 0 : i32
    %add3A_1 = arith.addi %mul3A_0, %add3A : i32
    "tpu.region"() ({
      %run_scoped3A = tpu.sem_alloc : memref<!tpu.dma_semaphore, #tpu.memory_space<semaphore_mem>>
      %dma_start3A_127 = arith.constant 0 : i32
      %dma_start3A_128 = tpu.memref_slice %arg5[%arg0, %add3A_1, %dma_start3A_127] : memref<2x10000x128xf32, #tpu.memory_space<hbm>> -> memref<1x48x128xf32, #tpu.memory_space<hbm>>
      %dma_start3A_129 = tpu.memref_squeeze %dma_start3A_128 : memref<1x48x128xf32, #tpu.memory_space<hbm>> -> memref<48x128xf32, #tpu.memory_space<hbm>>
      %dma_start3A_130 = arith.constant 0 : i32
      %dma_start3A_131 = tpu.memref_slice %arg5[%arg0, %add3A_1, %dma_start3A_130] : memref<2x10000x128xf32, #tpu.memory_space<hbm>> -> memref<1x48x128xf32, #tpu.memory_space<hbm>>
      %dma_start3A_132 = tpu.memref_squeeze %dma_start3A_131 : memref<1x48x128xf32, #tpu.memory_space<hbm>> -> memref<48x128xf32, #tpu.memory_space<hbm>>
      tpu.enqueue_dma source(%dma_start3A_132 : memref<48x128xf32, #tpu.memory_space<hbm>>) target(%arg15 : memref<48x128xf32, #tpu.memory_space<vmem>>) target_semaphore(%run_scoped3A : memref<!tpu.dma_semaphore, #tpu.memory_space<semaphore_mem>>)
      %dma_wait3A = arith.constant 0 : i32
      %dma_wait3A_133 = tpu.memref_slice %arg5[%arg0, %add3A_1, %dma_wait3A] : memref<2x10000x128xf32, #tpu.memory_space<hbm>> -> memref<1x48x128xf32, #tpu.memory_space<hbm>>
      %dma_wait3A_134 = tpu.memref_squeeze %dma_wait3A_133 : memref<1x48x128xf32, #tpu.memory_space<hbm>> -> memref<48x128xf32, #tpu.memory_space<hbm>>
      %dma_wait3A_135 = arith.constant 0 : i32
      %dma_wait3A_136 = tpu.memref_slice %arg5[%arg0, %add3A_1, %dma_wait3A_135] : memref<2x10000x128xf32, #tpu.memory_space<hbm>> -> memref<1x48x128xf32, #tpu.memory_space<hbm>>
      %dma_wait3A_137 = tpu.memref_squeeze %dma_wait3A_136 : memref<1x48x128xf32, #tpu.memory_space<hbm>> -> memref<48x128xf32, #tpu.memory_space<hbm>>
      tpu.wait_dma2 semaphore(%run_scoped3A : memref<!tpu.dma_semaphore, #tpu.memory_space<semaphore_mem>>) src(%dma_wait3A_137 : memref<48x128xf32, #tpu.memory_space<hbm>>) dst(%arg15 : memref<48x128xf32, #tpu.memory_space<vmem>>)
      tpu.yield
    }) : () -> ()
    "tpu.region"() ({
      %run_scoped3A = tpu.sem_alloc : memref<!tpu.dma_semaphore, #tpu.memory_space<semaphore_mem>>
      %dma_start3A_127 = arith.constant 0 : i32
      %dma_start3A_128 = tpu.memref_slice %arg16[%add3A_1, %dma_start3A_127] : memref<10000x128xf32, #tpu.memory_space<vmem_shared>> -> memref<48x128xf32, #tpu.memory_space<vmem_shared>>
      %dma_start3A_129 = arith.constant 0 : i32
      %dma_start3A_130 = tpu.memref_slice %arg16[%add3A_1, %dma_start3A_129] : memref<10000x128xf32, #tpu.memory_space<vmem_shared>> -> memref<48x128xf32, #tpu.memory_space<vmem_shared>>
      tpu.enqueue_dma source(%arg15 : memref<48x128xf32, #tpu.memory_space<vmem>>) target(%dma_start3A_130 : memref<48x128xf32, #tpu.memory_space<vmem_shared>>) target_semaphore(%run_scoped3A : memref<!tpu.dma_semaphore, #tpu.memory_space<semaphore_mem>>)
      %dma_wait3A = arith.constant 0 : i32
      %dma_wait3A_131 = tpu.memref_slice %arg16[%add3A_1, %dma_wait3A] : memref<10000x128xf32, #tpu.memory_space<vmem_shared>> -> memref<48x128xf32, #tpu.memory_space<vmem_shared>>
      %dma_wait3A_132 = arith.constant 0 : i32
      %dma_wait3A_133 = tpu.memref_slice %arg16[%add3A_1, %dma_wait3A_132] : memref<10000x128xf32, #tpu.memory_space<vmem_shared>> -> memref<48x128xf32, #tpu.memory_space<vmem_shared>>
      tpu.wait_dma2 semaphore(%run_scoped3A : memref<!tpu.dma_semaphore, #tpu.memory_space<semaphore_mem>>) src(%arg15 : memref<48x128xf32, #tpu.memory_space<vmem>>) dst(%dma_wait3A_133 : memref<48x128xf32, #tpu.memory_space<vmem_shared>>)
      tpu.yield
    }) : () -> ()
    %add3A_2 = arith.constant 48 : i32
    %add3A_3 = arith.addi %mul3A_0, %add3A_2 : i32
    "tpu.region"() ({
      %run_scoped3A = tpu.sem_alloc : memref<!tpu.dma_semaphore, #tpu.memory_space<semaphore_mem>>
      %dma_start3A_127 = arith.constant 0 : i32
      %dma_start3A_128 = tpu.memref_slice %arg5[%arg0, %add3A_3, %dma_start3A_127] : memref<2x10000x128xf32, #tpu.memory_space<hbm>> -> memref<1x48x128xf32, #tpu.memory_space<hbm>>
      %dma_start3A_129 = tpu.memref_squeeze %dma_start3A_128 : memref<1x48x128xf32, #tpu.memory_space<hbm>> -> memref<48x128xf32, #tpu.memory_space<hbm>>
      %dma_start3A_130 = arith.constant 0 : i32
      %dma_start3A_131 = tpu.memref_slice %arg5[%arg0, %add3A_3, %dma_start3A_130] : memref<2x10000x128xf32, #tpu.memory_space<hbm>> -> memref<1x48x128xf32, #tpu.memory_space<hbm>>
      %dma_start3A_132 = tpu.memref_squeeze %dma_start3A_131 : memref<1x48x128xf32, #tpu.memory_space<hbm>> -> memref<48x128xf32, #tpu.memory_space<hbm>>
      tpu.enqueue_dma source(%dma_start3A_132 : memref<48x128xf32, #tpu.memory_space<hbm>>) target(%arg15 : memref<48x128xf32, #tpu.memory_space<vmem>>) target_semaphore(%run_scoped3A : memref<!tpu.dma_semaphore, #tpu.memory_space<semaphore_mem>>)
      %dma_wait3A = arith.constant 0 : i32
      %dma_wait3A_133 = tpu.memref_slice %arg5[%arg0, %add3A_3, %dma_wait3A] : memref<2x10000x128xf32, #tpu.memory_space<hbm>> -> memref<1x48x128xf32, #tpu.memory_space<hbm>>
      %dma_wait3A_134 = tpu.memref_squeeze %dma_wait3A_133 : memref<1x48x128xf32, #tpu.memory_space<hbm>> -> memref<48x128xf32, #tpu.memory_space<hbm>>
      %dma_wait3A_135 = arith.constant 0 : i32
      %dma_wait3A_136 = tpu.memref_slice %arg5[%arg0, %add3A_3, %dma_wait3A_135] : memref<2x10000x128xf32, #tpu.memory_space<hbm>> -> memref<1x48x128xf32, #tpu.memory_space<hbm>>
      %dma_wait3A_137 = tpu.memref_squeeze %dma_wait3A_136 : memref<1x48x128xf32, #tpu.memory_space<hbm>> -> memref<48x128xf32, #tpu.memory_space<hbm>>
      tpu.wait_dma2 semaphore(%run_scoped3A : memref<!tpu.dma_semaphore, #tpu.memory_space<semaphore_mem>>) src(%dma_wait3A_137 : memref<48x128xf32, #tpu.memory_space<hbm>>) dst(%arg15 : memref<48x128xf32, #tpu.memory_space<vmem>>)
      tpu.yield
    }) : () -> ()
    "tpu.region"() ({
      %run_scoped3A = tpu.sem_alloc : memref<!tpu.dma_semaphore, #tpu.memory_space<semaphore_mem>>
      %dma_start3A_127 = arith.constant 0 : i32
      %dma_start3A_128 = tpu.memref_slice %arg16[%add3A_3, %dma_start3A_127] : memref<10000x128xf32, #tpu.memory_space<vmem_shared>> -> memref<48x128xf32, #tpu.memory_space<vmem_shared>>
      %dma_start3A_129 = arith.constant 0 : i32
      %dma_start3A_130 = tpu.memref_slice %arg16[%add3A_3, %dma_start3A_129] : memref<10000x128xf32, #tpu.memory_space<vmem_shared>> -> memref<48x128xf32, #tpu.memory_space<vmem_shared>>
      tpu.enqueue_dma source(%arg15 : memref<48x128xf32, #tpu.memory_space<vmem>>) target(%dma_start3A_130 : memref<48x128xf32, #tpu.memory_space<vmem_shared>>) target_semaphore(%run_scoped3A : memref<!tpu.dma_semaphore, #tpu.memory_space<semaphore_mem>>)
      %dma_wait3A = arith.constant 0 : i32
      %dma_wait3A_131 = tpu.memref_slice %arg16[%add3A_3, %dma_wait3A] : memref<10000x128xf32, #tpu.memory_space<vmem_shared>> -> memref<48x128xf32, #tpu.memory_space<vmem_shared>>
      %dma_wait3A_132 = arith.constant 0 : i32
      %dma_wait3A_133 = tpu.memref_slice %arg16[%add3A_3, %dma_wait3A_132] : memref<10000x128xf32, #tpu.memory_space<vmem_shared>> -> memref<48x128xf32, #tpu.memory_space<vmem_shared>>
      tpu.wait_dma2 semaphore(%run_scoped3A : memref<!tpu.dma_semaphore, #tpu.memory_space<semaphore_mem>>) src(%arg15 : memref<48x128xf32, #tpu.memory_space<vmem>>) dst(%dma_wait3A_133 : memref<48x128xf32, #tpu.memory_space<vmem_shared>>)
      tpu.yield
    }) : () -> ()
    %add3A_4 = arith.constant 96 : i32
    %add3A_5 = arith.addi %mul3A_0, %add3A_4 : i32
    "tpu.region"() ({
      %run_scoped3A = tpu.sem_alloc : memref<!tpu.dma_semaphore, #tpu.memory_space<semaphore_mem>>
      %dma_start3A_127 = arith.constant 0 : i32
      %dma_start3A_128 = tpu.memref_slice %arg5[%arg0, %add3A_5, %dma_start3A_127] : memref<2x10000x128xf32, #tpu.memory_space<hbm>> -> memref<1x48x128xf32, #tpu.memory_space<hbm>>
      %dma_start3A_129 = tpu.memref_squeeze %dma_start3A_128 : memref<1x48x128xf32, #tpu.memory_space<hbm>> -> memref<48x128xf32, #tpu.memory_space<hbm>>
      %dma_start3A_130 = arith.constant 0 : i32
      %dma_start3A_131 = tpu.memref_slice %arg5[%arg0, %add3A_5, %dma_start3A_130] : memref<2x10000x128xf32, #tpu.memory_space<hbm>> -> memref<1x48x128xf32, #tpu.memory_space<hbm>>
      %dma_start3A_132 = tpu.memref_squeeze %dma_start3A_131 : memref<1x48x128xf32, #tpu.memory_space<hbm>> -> memref<48x128xf32, #tpu.memory_space<hbm>>
      tpu.enqueue_dma source(%dma_start3A_132 : memref<48x128xf32, #tpu.memory_space<hbm>>) target(%arg15 : memref<48x128xf32, #tpu.memory_space<vmem>>) target_semaphore(%run_scoped3A : memref<!tpu.dma_semaphore, #tpu.memory_space<semaphore_mem>>)
      %dma_wait3A = arith.constant 0 : i32
      %dma_wait3A_133 = tpu.memref_slice %arg5[%arg0, %add3A_5, %dma_wait3A] : memref<2x10000x128xf32, #tpu.memory_space<hbm>> -> memref<1x48x128xf32, #tpu.memory_space<hbm>>
      %dma_wait3A_134 = tpu.memref_squeeze %dma_wait3A_133 : memref<1x48x128xf32, #tpu.memory_space<hbm>> -> memref<48x128xf32, #tpu.memory_space<hbm>>
      %dma_wait3A_135 = arith.constant 0 : i32
      %dma_wait3A_136 = tpu.memref_slice %arg5[%arg0, %add3A_5, %dma_wait3A_135] : memref<2x10000x128xf32, #tpu.memory_space<hbm>> -> memref<1x48x128xf32, #tpu.memory_space<hbm>>
      %dma_wait3A_137 = tpu.memref_squeeze %dma_wait3A_136 : memref<1x48x128xf32, #tpu.memory_space<hbm>> -> memref<48x128xf32, #tpu.memory_space<hbm>>
      tpu.wait_dma2 semaphore(%run_scoped3A : memref<!tpu.dma_semaphore, #tpu.memory_space<semaphore_mem>>) src(%dma_wait3A_137 : memref<48x128xf32, #tpu.memory_space<hbm>>) dst(%arg15 : memref<48x128xf32, #tpu.memory_space<vmem>>)
      tpu.yield
    }) : () -> ()
    "tpu.region"() ({
      %run_scoped3A = tpu.sem_alloc : memref<!tpu.dma_semaphore, #tpu.memory_space<semaphore_mem>>
      %dma_start3A_127 = arith.constant 0 : i32
      %dma_start3A_128 = tpu.memref_slice %arg16[%add3A_5, %dma_start3A_127] : memref<10000x128xf32, #tpu.memory_space<vmem_shared>> -> memref<48x128xf32, #tpu.memory_space<vmem_shared>>
      %dma_start3A_129 = arith.constant 0 : i32
      %dma_start3A_130 = tpu.memref_slice %arg16[%add3A_5, %dma_start3A_129] : memref<10000x128xf32, #tpu.memory_space<vmem_shared>> -> memref<48x128xf32, #tpu.memory_space<vmem_shared>>
      tpu.enqueue_dma source(%arg15 : memref<48x128xf32, #tpu.memory_space<vmem>>) target(%dma_start3A_130 : memref<48x128xf32, #tpu.memory_space<vmem_shared>>) target_semaphore(%run_scoped3A : memref<!tpu.dma_semaphore, #tpu.memory_space<semaphore_mem>>)
      %dma_wait3A = arith.constant 0 : i32
      %dma_wait3A_131 = tpu.memref_slice %arg16[%add3A_5, %dma_wait3A] : memref<10000x128xf32, #tpu.memory_space<vmem_shared>> -> memref<48x128xf32, #tpu.memory_space<vmem_shared>>
      %dma_wait3A_132 = arith.constant 0 : i32
      %dma_wait3A_133 = tpu.memref_slice %arg16[%add3A_5, %dma_wait3A_132] : memref<10000x128xf32, #tpu.memory_space<vmem_shared>> -> memref<48x128xf32, #tpu.memory_space<vmem_shared>>
      tpu.wait_dma2 semaphore(%run_scoped3A : memref<!tpu.dma_semaphore, #tpu.memory_space<semaphore_mem>>) src(%arg15 : memref<48x128xf32, #tpu.memory_space<vmem>>) dst(%dma_wait3A_133 : memref<48x128xf32, #tpu.memory_space<vmem_shared>>)
      tpu.yield
    }) : () -> ()
    %add3A_6 = arith.constant 144 : i32
    %add3A_7 = arith.addi %mul3A_0, %add3A_6 : i32
    "tpu.region"() ({
      %run_scoped3A = tpu.sem_alloc : memref<!tpu.dma_semaphore, #tpu.memory_space<semaphore_mem>>
      %dma_start3A_127 = arith.constant 0 : i32
      %dma_start3A_128 = tpu.memref_slice %arg5[%arg0, %add3A_7, %dma_start3A_127] : memref<2x10000x128xf32, #tpu.memory_space<hbm>> -> memref<1x48x128xf32, #tpu.memory_space<hbm>>
      %dma_start3A_129 = tpu.memref_squeeze %dma_start3A_128 : memref<1x48x128xf32, #tpu.memory_space<hbm>> -> memref<48x128xf32, #tpu.memory_space<hbm>>
      %dma_start3A_130 = arith.constant 0 : i32
      %dma_start3A_131 = tpu.memref_slice %arg5[%arg0, %add3A_7, %dma_start3A_130] : memref<2x10000x128xf32, #tpu.memory_space<hbm>> -> memref<1x48x128xf32, #tpu.memory_space<hbm>>
      %dma_start3A_132 = tpu.memref_squeeze %dma_start3A_131 : memref<1x48x128xf32, #tpu.memory_space<hbm>> -> memref<48x128xf32, #tpu.memory_space<hbm>>
      tpu.enqueue_dma source(%dma_start3A_132 : memref<48x128xf32, #tpu.memory_space<hbm>>) target(%arg15 : memref<48x128xf32, #tpu.memory_space<vmem>>) target_semaphore(%run_scoped3A : memref<!tpu.dma_semaphore, #tpu.memory_space<semaphore_mem>>)
      %dma_wait3A = arith.constant 0 : i32
      %dma_wait3A_133 = tpu.memref_slice %arg5[%arg0, %add3A_7, %dma_wait3A] : memref<2x10000x128xf32, #tpu.memory_space<hbm>> -> memref<1x48x128xf32, #tpu.memory_space<hbm>>
      %dma_wait3A_134 = tpu.memref_squeeze %dma_wait3A_133 : memref<1x48x128xf32, #tpu.memory_space<hbm>> -> memref<48x128xf32, #tpu.memory_space<hbm>>
      %dma_wait3A_135 = arith.constant 0 : i32
      %dma_wait3A_136 = tpu.memref_slice %arg5[%arg0, %add3A_7, %dma_wait3A_135] : memref<2x10000x128xf32, #tpu.memory_space<hbm>> -> memref<1x48x128xf32, #tpu.memory_space<hbm>>
      %dma_wait3A_137 = tpu.memref_squeeze %dma_wait3A_136 : memref<1x48x128xf32, #tpu.memory_space<hbm>> -> memref<48x128xf32, #tpu.memory_space<hbm>>
      tpu.wait_dma2 semaphore(%run_scoped3A : memref<!tpu.dma_semaphore, #tpu.memory_space<semaphore_mem>>) src(%dma_wait3A_137 : memref<48x128xf32, #tpu.memory_space<hbm>>) dst(%arg15 : memref<48x128xf32, #tpu.memory_space<vmem>>)
      tpu.yield
    }) : () -> ()
    "tpu.region"() ({
      %run_scoped3A = tpu.sem_alloc : memref<!tpu.dma_semaphore, #tpu.memory_space<semaphore_mem>>
      %dma_start3A_127 = arith.constant 0 : i32
      %dma_start3A_128 = tpu.memref_slice %arg16[%add3A_7, %dma_start3A_127] : memref<10000x128xf32, #tpu.memory_space<vmem_shared>> -> memref<48x128xf32, #tpu.memory_space<vmem_shared>>
      %dma_start3A_129 = arith.constant 0 : i32
      %dma_start3A_130 = tpu.memref_slice %arg16[%add3A_7, %dma_start3A_129] : memref<10000x128xf32, #tpu.memory_space<vmem_shared>> -> memref<48x128xf32, #tpu.memory_space<vmem_shared>>
      tpu.enqueue_dma source(%arg15 : memref<48x128xf32, #tpu.memory_space<vmem>>) target(%dma_start3A_130 : memref<48x128xf32, #tpu.memory_space<vmem_shared>>) target_semaphore(%run_scoped3A : memref<!tpu.dma_semaphore, #tpu.memory_space<semaphore_mem>>)
      %dma_wait3A = arith.constant 0 : i32
      %dma_wait3A_131 = tpu.memref_slice %arg16[%add3A_7, %dma_wait3A] : memref<10000x128xf32, #tpu.memory_space<vmem_shared>> -> memref<48x128xf32, #tpu.memory_space<vmem_shared>>
      %dma_wait3A_132 = arith.constant 0 : i32
      %dma_wait3A_133 = tpu.memref_slice %arg16[%add3A_7, %dma_wait3A_132] : memref<10000x128xf32, #tpu.memory_space<vmem_shared>> -> memref<48x128xf32, #tpu.memory_space<vmem_shared>>
      tpu.wait_dma2 semaphore(%run_scoped3A : memref<!tpu.dma_semaphore, #tpu.memory_space<semaphore_mem>>) src(%arg15 : memref<48x128xf32, #tpu.memory_space<vmem>>) dst(%dma_wait3A_133 : memref<48x128xf32, #tpu.memory_space<vmem_shared>>)
      tpu.yield
    }) : () -> ()
    %add3A_8 = arith.constant 192 : i32
    %add3A_9 = arith.addi %mul3A_0, %add3A_8 : i32
    "tpu.region"() ({
      %run_scoped3A = tpu.sem_alloc : memref<!tpu.dma_semaphore, #tpu.memory_space<semaphore_mem>>
      %dma_start3A_127 = arith.constant 0 : i32
      %dma_start3A_128 = tpu.memref_slice %arg5[%arg0, %add3A_9, %dma_start3A_127] : memref<2x10000x128xf32, #tpu.memory_space<hbm>> -> memref<1x48x128xf32, #tpu.memory_space<hbm>>
      %dma_start3A_129 = tpu.memref_squeeze %dma_start3A_128 : memref<1x48x128xf32, #tpu.memory_space<hbm>> -> memref<48x128xf32, #tpu.memory_space<hbm>>
      %dma_start3A_130 = arith.constant 0 : i32
      %dma_start3A_131 = tpu.memref_slice %arg5[%arg0, %add3A_9, %dma_start3A_130] : memref<2x10000x128xf32, #tpu.memory_space<hbm>> -> memref<1x48x128xf32, #tpu.memory_space<hbm>>
      %dma_start3A_132 = tpu.memref_squeeze %dma_start3A_131 : memref<1x48x128xf32, #tpu.memory_space<hbm>> -> memref<48x128xf32, #tpu.memory_space<hbm>>
      tpu.enqueue_dma source(%dma_start3A_132 : memref<48x128xf32, #tpu.memory_space<hbm>>) target(%arg15 : memref<48x128xf32, #tpu.memory_space<vmem>>) target_semaphore(%run_scoped3A : memref<!tpu.dma_semaphore, #tpu.memory_space<semaphore_mem>>)
      %dma_wait3A = arith.constant 0 : i32
      %dma_wait3A_133 = tpu.memref_slice %arg5[%arg0, %add3A_9, %dma_wait3A] : memref<2x10000x128xf32, #tpu.memory_space<hbm>> -> memref<1x48x128xf32, #tpu.memory_space<hbm>>
      %dma_wait3A_134 = tpu.memref_squeeze %dma_wait3A_133 : memref<1x48x128xf32, #tpu.memory_space<hbm>> -> memref<48x128xf32, #tpu.memory_space<hbm>>
      %dma_wait3A_135 = arith.constant 0 : i32
      %dma_wait3A_136 = tpu.memref_slice %arg5[%arg0, %add3A_9, %dma_wait3A_135] : memref<2x10000x128xf32, #tpu.memory_space<hbm>> -> memref<1x48x128xf32, #tpu.memory_space<hbm>>
      %dma_wait3A_137 = tpu.memref_squeeze %dma_wait3A_136 : memref<1x48x128xf32, #tpu.memory_space<hbm>> -> memref<48x128xf32, #tpu.memory_space<hbm>>
      tpu.wait_dma2 semaphore(%run_scoped3A : memref<!tpu.dma_semaphore, #tpu.memory_space<semaphore_mem>>) src(%dma_wait3A_137 : memref<48x128xf32, #tpu.memory_space<hbm>>) dst(%arg15 : memref<48x128xf32, #tpu.memory_space<vmem>>)
      tpu.yield
    }) : () -> ()
    "tpu.region"() ({
      %run_scoped3A = tpu.sem_alloc : memref<!tpu.dma_semaphore, #tpu.memory_space<semaphore_mem>>
      %dma_start3A_127 = arith.constant 0 : i32
      %dma_start3A_128 = tpu.memref_slice %arg16[%add3A_9, %dma_start3A_127] : memref<10000x128xf32, #tpu.memory_space<vmem_shared>> -> memref<48x128xf32, #tpu.memory_space<vmem_shared>>
      %dma_start3A_129 = arith.constant 0 : i32
      %dma_start3A_130 = tpu.memref_slice %arg16[%add3A_9, %dma_start3A_129] : memref<10000x128xf32, #tpu.memory_space<vmem_shared>> -> memref<48x128xf32, #tpu.memory_space<vmem_shared>>
      tpu.enqueue_dma source(%arg15 : memref<48x128xf32, #tpu.memory_space<vmem>>) target(%dma_start3A_130 : memref<48x128xf32, #tpu.memory_space<vmem_shared>>) target_semaphore(%run_scoped3A : memref<!tpu.dma_semaphore, #tpu.memory_space<semaphore_mem>>)
      %dma_wait3A = arith.constant 0 : i32
      %dma_wait3A_131 = tpu.memref_slice %arg16[%add3A_9, %dma_wait3A] : memref<10000x128xf32, #tpu.memory_space<vmem_shared>> -> memref<48x128xf32, #tpu.memory_space<vmem_shared>>
      %dma_wait3A_132 = arith.constant 0 : i32
      %dma_wait3A_133 = tpu.memref_slice %arg16[%add3A_9, %dma_wait3A_132] : memref<10000x128xf32, #tpu.memory_space<vmem_shared>> -> memref<48x128xf32, #tpu.memory_space<vmem_shared>>
      tpu.wait_dma2 semaphore(%run_scoped3A : memref<!tpu.dma_semaphore, #tpu.memory_space<semaphore_mem>>) src(%arg15 : memref<48x128xf32, #tpu.memory_space<vmem>>) dst(%dma_wait3A_133 : memref<48x128xf32, #tpu.memory_space<vmem_shared>>)
      tpu.yield
    }) : () -> ()
    %add3A_10 = arith.constant 240 : i32
    %add3A_11 = arith.addi %mul3A_0, %add3A_10 : i32
    "tpu.region"() ({
      %run_scoped3A = tpu.sem_alloc : memref<!tpu.dma_semaphore, #tpu.memory_space<semaphore_mem>>
      %dma_start3A_127 = arith.constant 0 : i32
      %dma_start3A_128 = tpu.memref_slice %arg5[%arg0, %add3A_11, %dma_start3A_127] : memref<2x10000x128xf32, #tpu.memory_space<hbm>> -> memref<1x48x128xf32, #tpu.memory_space<hbm>>
      %dma_start3A_129 = tpu.memref_squeeze %dma_start3A_128 : memref<1x48x128xf32, #tpu.memory_space<hbm>> -> memref<48x128xf32, #tpu.memory_space<hbm>>
      %dma_start3A_130 = arith.constant 0 : i32
      %dma_start3A_131 = tpu.memref_slice %arg5[%arg0, %add3A_11, %dma_start3A_130] : memref<2x10000x128xf32, #tpu.memory_space<hbm>> -> memref<1x48x128xf32, #tpu.memory_space<hbm>>
      %dma_start3A_132 = tpu.memref_squeeze %dma_start3A_131 : memref<1x48x128xf32, #tpu.memory_space<hbm>> -> memref<48x128xf32, #tpu.memory_space<hbm>>
      tpu.enqueue_dma source(%dma_start3A_132 : memref<48x128xf32, #tpu.memory_space<hbm>>) target(%arg15 : memref<48x128xf32, #tpu.memory_space<vmem>>) target_semaphore(%run_scoped3A : memref<!tpu.dma_semaphore, #tpu.memory_space<semaphore_mem>>)
      %dma_wait3A = arith.constant 0 : i32
      %dma_wait3A_133 = tpu.memref_slice %arg5[%arg0, %add3A_11, %dma_wait3A] : memref<2x10000x128xf32, #tpu.memory_space<hbm>> -> memref<1x48x128xf32, #tpu.memory_space<hbm>>
      %dma_wait3A_134 = tpu.memref_squeeze %dma_wait3A_133 : memref<1x48x128xf32, #tpu.memory_space<hbm>> -> memref<48x128xf32, #tpu.memory_space<hbm>>
      %dma_wait3A_135 = arith.constant 0 : i32
      %dma_wait3A_136 = tpu.memref_slice %arg5[%arg0, %add3A_11, %dma_wait3A_135] : memref<2x10000x128xf32, #tpu.memory_space<hbm>> -> memref<1x48x128xf32, #tpu.memory_space<hbm>>
      %dma_wait3A_137 = tpu.memref_squeeze %dma_wait3A_136 : memref<1x48x128xf32, #tpu.memory_space<hbm>> -> memref<48x128xf32, #tpu.memory_space<hbm>>
      tpu.wait_dma2 semaphore(%run_scoped3A : memref<!tpu.dma_semaphore, #tpu.memory_space<semaphore_mem>>) src(%dma_wait3A_137 : memref<48x128xf32, #tpu.memory_space<hbm>>) dst(%arg15 : memref<48x128xf32, #tpu.memory_space<vmem>>)
      tpu.yield
    }) : () -> ()
    "tpu.region"() ({
      %run_scoped3A = tpu.sem_alloc : memref<!tpu.dma_semaphore, #tpu.memory_space<semaphore_mem>>
      %dma_start3A_127 = arith.constant 0 : i32
      %dma_start3A_128 = tpu.memref_slice %arg16[%add3A_11, %dma_start3A_127] : memref<10000x128xf32, #tpu.memory_space<vmem_shared>> -> memref<48x128xf32, #tpu.memory_space<vmem_shared>>
      %dma_start3A_129 = arith.constant 0 : i32
      %dma_start3A_130 = tpu.memref_slice %arg16[%add3A_11, %dma_start3A_129] : memref<10000x128xf32, #tpu.memory_space<vmem_shared>> -> memref<48x128xf32, #tpu.memory_space<vmem_shared>>
      tpu.enqueue_dma source(%arg15 : memref<48x128xf32, #tpu.memory_space<vmem>>) target(%dma_start3A_130 : memref<48x128xf32, #tpu.memory_space<vmem_shared>>) target_semaphore(%run_scoped3A : memref<!tpu.dma_semaphore, #tpu.memory_space<semaphore_mem>>)
      %dma_wait3A = arith.constant 0 : i32
      %dma_wait3A_131 = tpu.memref_slice %arg16[%add3A_11, %dma_wait3A] : memref<10000x128xf32, #tpu.memory_space<vmem_shared>> -> memref<48x128xf32, #tpu.memory_space<vmem_shared>>
      %dma_wait3A_132 = arith.constant 0 : i32
      %dma_wait3A_133 = tpu.memref_slice %arg16[%add3A_11, %dma_wait3A_132] : memref<10000x128xf32, #tpu.memory_space<vmem_shared>> -> memref<48x128xf32, #tpu.memory_space<vmem_shared>>
      tpu.wait_dma2 semaphore(%run_scoped3A : memref<!tpu.dma_semaphore, #tpu.memory_space<semaphore_mem>>) src(%arg15 : memref<48x128xf32, #tpu.memory_space<vmem>>) dst(%dma_wait3A_133 : memref<48x128xf32, #tpu.memory_space<vmem_shared>>)
      tpu.yield
    }) : () -> ()
    %add3A_12 = arith.constant 288 : i32
    %add3A_13 = arith.addi %mul3A_0, %add3A_12 : i32
    "tpu.region"() ({
      %run_scoped3A = tpu.sem_alloc : memref<!tpu.dma_semaphore, #tpu.memory_space<semaphore_mem>>
      %dma_start3A_127 = arith.constant 0 : i32
      %dma_start3A_128 = tpu.memref_slice %arg5[%arg0, %add3A_13, %dma_start3A_127] : memref<2x10000x128xf32, #tpu.memory_space<hbm>> -> memref<1x48x128xf32, #tpu.memory_space<hbm>>
      %dma_start3A_129 = tpu.memref_squeeze %dma_start3A_128 : memref<1x48x128xf32, #tpu.memory_space<hbm>> -> memref<48x128xf32, #tpu.memory_space<hbm>>
      %dma_start3A_130 = arith.constant 0 : i32
      %dma_start3A_131 = tpu.memref_slice %arg5[%arg0, %add3A_13, %dma_start3A_130] : memref<2x10000x128xf32, #tpu.memory_space<hbm>> -> memref<1x48x128xf32, #tpu.memory_space<hbm>>
      %dma_start3A_132 = tpu.memref_squeeze %dma_start3A_131 : memref<1x48x128xf32, #tpu.memory_space<hbm>> -> memref<48x128xf32, #tpu.memory_space<hbm>>
      tpu.enqueue_dma source(%dma_start3A_132 : memref<48x128xf32, #tpu.memory_space<hbm>>) target(%arg15 : memref<48x128xf32, #tpu.memory_space<vmem>>) target_semaphore(%run_scoped3A : memref<!tpu.dma_semaphore, #tpu.memory_space<semaphore_mem>>)
      %dma_wait3A = arith.constant 0 : i32
      %dma_wait3A_133 = tpu.memref_slice %arg5[%arg0, %add3A_13, %dma_wait3A] : memref<2x10000x128xf32, #tpu.memory_space<hbm>> -> memref<1x48x128xf32, #tpu.memory_space<hbm>>
      %dma_wait3A_134 = tpu.memref_squeeze %dma_wait3A_133 : memref<1x48x128xf32, #tpu.memory_space<hbm>> -> memref<48x128xf32, #tpu.memory_space<hbm>>
      %dma_wait3A_135 = arith.constant 0 : i32
      %dma_wait3A_136 = tpu.memref_slice %arg5[%arg0, %add3A_13, %dma_wait3A_135] : memref<2x10000x128xf32, #tpu.memory_space<hbm>> -> memref<1x48x128xf32, #tpu.memory_space<hbm>>
      %dma_wait3A_137 = tpu.memref_squeeze %dma_wait3A_136 : memref<1x48x128xf32, #tpu.memory_space<hbm>> -> memref<48x128xf32, #tpu.memory_space<hbm>>
      tpu.wait_dma2 semaphore(%run_scoped3A : memref<!tpu.dma_semaphore, #tpu.memory_space<semaphore_mem>>) src(%dma_wait3A_137 : memref<48x128xf32, #tpu.memory_space<hbm>>) dst(%arg15 : memref<48x128xf32, #tpu.memory_space<vmem>>)
      tpu.yield
    }) : () -> ()
    "tpu.region"() ({
      %run_scoped3A = tpu.sem_alloc : memref<!tpu.dma_semaphore, #tpu.memory_space<semaphore_mem>>
      %dma_start3A_127 = arith.constant 0 : i32
      %dma_start3A_128 = tpu.memref_slice %arg16[%add3A_13, %dma_start3A_127] : memref<10000x128xf32, #tpu.memory_space<vmem_shared>> -> memref<48x128xf32, #tpu.memory_space<vmem_shared>>
      %dma_start3A_129 = arith.constant 0 : i32
      %dma_start3A_130 = tpu.memref_slice %arg16[%add3A_13, %dma_start3A_129] : memref<10000x128xf32, #tpu.memory_space<vmem_shared>> -> memref<48x128xf32, #tpu.memory_space<vmem_shared>>
      tpu.enqueue_dma source(%arg15 : memref<48x128xf32, #tpu.memory_space<vmem>>) target(%dma_start3A_130 : memref<48x128xf32, #tpu.memory_space<vmem_shared>>) target_semaphore(%run_scoped3A : memref<!tpu.dma_semaphore, #tpu.memory_space<semaphore_mem>>)
      %dma_wait3A = arith.constant 0 : i32
      %dma_wait3A_131 = tpu.memref_slice %arg16[%add3A_13, %dma_wait3A] : memref<10000x128xf32, #tpu.memory_space<vmem_shared>> -> memref<48x128xf32, #tpu.memory_space<vmem_shared>>
      %dma_wait3A_132 = arith.constant 0 : i32
      %dma_wait3A_133 = tpu.memref_slice %arg16[%add3A_13, %dma_wait3A_132] : memref<10000x128xf32, #tpu.memory_space<vmem_shared>> -> memref<48x128xf32, #tpu.memory_space<vmem_shared>>
      tpu.wait_dma2 semaphore(%run_scoped3A : memref<!tpu.dma_semaphore, #tpu.memory_space<semaphore_mem>>) src(%arg15 : memref<48x128xf32, #tpu.memory_space<vmem>>) dst(%dma_wait3A_133 : memref<48x128xf32, #tpu.memory_space<vmem_shared>>)
      tpu.yield
    }) : () -> ()
    %add3A_14 = arith.constant 336 : i32
    %add3A_15 = arith.addi %mul3A_0, %add3A_14 : i32
    "tpu.region"() ({
      %run_scoped3A = tpu.sem_alloc : memref<!tpu.dma_semaphore, #tpu.memory_space<semaphore_mem>>
      %dma_start3A_127 = arith.constant 0 : i32
      %dma_start3A_128 = tpu.memref_slice %arg5[%arg0, %add3A_15, %dma_start3A_127] : memref<2x10000x128xf32, #tpu.memory_space<hbm>> -> memref<1x48x128xf32, #tpu.memory_space<hbm>>
      %dma_start3A_129 = tpu.memref_squeeze %dma_start3A_128 : memref<1x48x128xf32, #tpu.memory_space<hbm>> -> memref<48x128xf32, #tpu.memory_space<hbm>>
      %dma_start3A_130 = arith.constant 0 : i32
      %dma_start3A_131 = tpu.memref_slice %arg5[%arg0, %add3A_15, %dma_start3A_130] : memref<2x10000x128xf32, #tpu.memory_space<hbm>> -> memref<1x48x128xf32, #tpu.memory_space<hbm>>
      %dma_start3A_132 = tpu.memref_squeeze %dma_start3A_131 : memref<1x48x128xf32, #tpu.memory_space<hbm>> -> memref<48x128xf32, #tpu.memory_space<hbm>>
      tpu.enqueue_dma source(%dma_start3A_132 : memref<48x128xf32, #tpu.memory_space<hbm>>) target(%arg15 : memref<48x128xf32, #tpu.memory_space<vmem>>) target_semaphore(%run_scoped3A : memref<!tpu.dma_semaphore, #tpu.memory_space<semaphore_mem>>)
      %dma_wait3A = arith.constant 0 : i32
      %dma_wait3A_133 = tpu.memref_slice %arg5[%arg0, %add3A_15, %dma_wait3A] : memref<2x10000x128xf32, #tpu.memory_space<hbm>> -> memref<1x48x128xf32, #tpu.memory_space<hbm>>
      %dma_wait3A_134 = tpu.memref_squeeze %dma_wait3A_133 : memref<1x48x128xf32, #tpu.memory_space<hbm>> -> memref<48x128xf32, #tpu.memory_space<hbm>>
      %dma_wait3A_135 = arith.constant 0 : i32
      %dma_wait3A_136 = tpu.memref_slice %arg5[%arg0, %add3A_15, %dma_wait3A_135] : memref<2x10000x128xf32, #tpu.memory_space<hbm>> -> memref<1x48x128xf32, #tpu.memory_space<hbm>>
      %dma_wait3A_137 = tpu.memref_squeeze %dma_wait3A_136 : memref<1x48x128xf32, #tpu.memory_space<hbm>> -> memref<48x128xf32, #tpu.memory_space<hbm>>
      tpu.wait_dma2 semaphore(%run_scoped3A : memref<!tpu.dma_semaphore, #tpu.memory_space<semaphore_mem>>) src(%dma_wait3A_137 : memref<48x128xf32, #tpu.memory_space<hbm>>) dst(%arg15 : memref<48x128xf32, #tpu.memory_space<vmem>>)
      tpu.yield
    }) : () -> ()
    "tpu.region"() ({
      %run_scoped3A = tpu.sem_alloc : memref<!tpu.dma_semaphore, #tpu.memory_space<semaphore_mem>>
      %dma_start3A_127 = arith.constant 0 : i32
      %dma_start3A_128 = tpu.memref_slice %arg16[%add3A_15, %dma_start3A_127] : memref<10000x128xf32, #tpu.memory_space<vmem_shared>> -> memref<48x128xf32, #tpu.memory_space<vmem_shared>>
      %dma_start3A_129 = arith.constant 0 : i32
      %dma_start3A_130 = tpu.memref_slice %arg16[%add3A_15, %dma_start3A_129] : memref<10000x128xf32, #tpu.memory_space<vmem_shared>> -> memref<48x128xf32, #tpu.memory_space<vmem_shared>>
      tpu.enqueue_dma source(%arg15 : memref<48x128xf32, #tpu.memory_space<vmem>>) target(%dma_start3A_130 : memref<48x128xf32, #tpu.memory_space<vmem_shared>>) target_semaphore(%run_scoped3A : memref<!tpu.dma_semaphore, #tpu.memory_space<semaphore_mem>>)
      %dma_wait3A = arith.constant 0 : i32
      %dma_wait3A_131 = tpu.memref_slice %arg16[%add3A_15, %dma_wait3A] : memref<10000x128xf32, #tpu.memory_space<vmem_shared>> -> memref<48x128xf32, #tpu.memory_space<vmem_shared>>
      %dma_wait3A_132 = arith.constant 0 : i32
      %dma_wait3A_133 = tpu.memref_slice %arg16[%add3A_15, %dma_wait3A_132] : memref<10000x128xf32, #tpu.memory_space<vmem_shared>> -> memref<48x128xf32, #tpu.memory_space<vmem_shared>>
      tpu.wait_dma2 semaphore(%run_scoped3A : memref<!tpu.dma_semaphore, #tpu.memory_space<semaphore_mem>>) src(%arg15 : memref<48x128xf32, #tpu.memory_space<vmem>>) dst(%dma_wait3A_133 : memref<48x128xf32, #tpu.memory_space<vmem_shared>>)
      tpu.yield
    }) : () -> ()
    %add3A_16 = arith.constant 384 : i32
    %add3A_17 = arith.addi %mul3A_0, %add3A_16 : i32
    "tpu.region"() ({
      %run_scoped3A = tpu.sem_alloc : memref<!tpu.dma_semaphore, #tpu.memory_space<semaphore_mem>>
      %dma_start3A_127 = arith.constant 0 : i32
      %dma_start3A_128 = tpu.memref_slice %arg5[%arg0, %add3A_17, %dma_start3A_127] : memref<2x10000x128xf32, #tpu.memory_space<hbm>> -> memref<1x48x128xf32, #tpu.memory_space<hbm>>
      %dma_start3A_129 = tpu.memref_squeeze %dma_start3A_128 : memref<1x48x128xf32, #tpu.memory_space<hbm>> -> memref<48x128xf32, #tpu.memory_space<hbm>>
      %dma_start3A_130 = arith.constant 0 : i32
      %dma_start3A_131 = tpu.memref_slice %arg5[%arg0, %add3A_17, %dma_start3A_130] : memref<2x10000x128xf32, #tpu.memory_space<hbm>> -> memref<1x48x128xf32, #tpu.memory_space<hbm>>
      %dma_start3A_132 = tpu.memref_squeeze %dma_start3A_131 : memref<1x48x128xf32, #tpu.memory_space<hbm>> -> memref<48x128xf32, #tpu.memory_space<hbm>>
      tpu.enqueue_dma source(%dma_start3A_132 : memref<48x128xf32, #tpu.memory_space<hbm>>) target(%arg15 : memref<48x128xf32, #tpu.memory_space<vmem>>) target_semaphore(%run_scoped3A : memref<!tpu.dma_semaphore, #tpu.memory_space<semaphore_mem>>)
      %dma_wait3A = arith.constant 0 : i32
      %dma_wait3A_133 = tpu.memref_slice %arg5[%arg0, %add3A_17, %dma_wait3A] : memref<2x10000x128xf32, #tpu.memory_space<hbm>> -> memref<1x48x128xf32, #tpu.memory_space<hbm>>
      %dma_wait3A_134 = tpu.memref_squeeze %dma_wait3A_133 : memref<1x48x128xf32, #tpu.memory_space<hbm>> -> memref<48x128xf32, #tpu.memory_space<hbm>>
      %dma_wait3A_135 = arith.constant 0 : i32
      %dma_wait3A_136 = tpu.memref_slice %arg5[%arg0, %add3A_17, %dma_wait3A_135] : memref<2x10000x128xf32, #tpu.memory_space<hbm>> -> memref<1x48x128xf32, #tpu.memory_space<hbm>>
      %dma_wait3A_137 = tpu.memref_squeeze %dma_wait3A_136 : memref<1x48x128xf32, #tpu.memory_space<hbm>> -> memref<48x128xf32, #tpu.memory_space<hbm>>
      tpu.wait_dma2 semaphore(%run_scoped3A : memref<!tpu.dma_semaphore, #tpu.memory_space<semaphore_mem>>) src(%dma_wait3A_137 : memref<48x128xf32, #tpu.memory_space<hbm>>) dst(%arg15 : memref<48x128xf32, #tpu.memory_space<vmem>>)
      tpu.yield
    }) : () -> ()
    "tpu.region"() ({
      %run_scoped3A = tpu.sem_alloc : memref<!tpu.dma_semaphore, #tpu.memory_space<semaphore_mem>>
      %dma_start3A_127 = arith.constant 0 : i32
      %dma_start3A_128 = tpu.memref_slice %arg16[%add3A_17, %dma_start3A_127] : memref<10000x128xf32, #tpu.memory_space<vmem_shared>> -> memref<48x128xf32, #tpu.memory_space<vmem_shared>>
      %dma_start3A_129 = arith.constant 0 : i32
      %dma_start3A_130 = tpu.memref_slice %arg16[%add3A_17, %dma_start3A_129] : memref<10000x128xf32, #tpu.memory_space<vmem_shared>> -> memref<48x128xf32, #tpu.memory_space<vmem_shared>>
      tpu.enqueue_dma source(%arg15 : memref<48x128xf32, #tpu.memory_space<vmem>>) target(%dma_start3A_130 : memref<48x128xf32, #tpu.memory_space<vmem_shared>>) target_semaphore(%run_scoped3A : memref<!tpu.dma_semaphore, #tpu.memory_space<semaphore_mem>>)
      %dma_wait3A = arith.constant 0 : i32
      %dma_wait3A_131 = tpu.memref_slice %arg16[%add3A_17, %dma_wait3A] : memref<10000x128xf32, #tpu.memory_space<vmem_shared>> -> memref<48x128xf32, #tpu.memory_space<vmem_shared>>
      %dma_wait3A_132 = arith.constant 0 : i32
      %dma_wait3A_133 = tpu.memref_slice %arg16[%add3A_17, %dma_wait3A_132] : memref<10000x128xf32, #tpu.memory_space<vmem_shared>> -> memref<48x128xf32, #tpu.memory_space<vmem_shared>>
      tpu.wait_dma2 semaphore(%run_scoped3A : memref<!tpu.dma_semaphore, #tpu.memory_space<semaphore_mem>>) src(%arg15 : memref<48x128xf32, #tpu.memory_space<vmem>>) dst(%dma_wait3A_133 : memref<48x128xf32, #tpu.memory_space<vmem_shared>>)
      tpu.yield
    }) : () -> ()
    %add3A_18 = arith.constant 432 : i32
    %add3A_19 = arith.addi %mul3A_0, %add3A_18 : i32
    "tpu.region"() ({
      %run_scoped3A = tpu.sem_alloc : memref<!tpu.dma_semaphore, #tpu.memory_space<semaphore_mem>>
      %dma_start3A_127 = arith.constant 0 : i32
      %dma_start3A_128 = tpu.memref_slice %arg5[%arg0, %add3A_19, %dma_start3A_127] : memref<2x10000x128xf32, #tpu.memory_space<hbm>> -> memref<1x48x128xf32, #tpu.memory_space<hbm>>
      %dma_start3A_129 = tpu.memref_squeeze %dma_start3A_128 : memref<1x48x128xf32, #tpu.memory_space<hbm>> -> memref<48x128xf32, #tpu.memory_space<hbm>>
      %dma_start3A_130 = arith.constant 0 : i32
      %dma_start3A_131 = tpu.memref_slice %arg5[%arg0, %add3A_19, %dma_start3A_130] : memref<2x10000x128xf32, #tpu.memory_space<hbm>> -> memref<1x48x128xf32, #tpu.memory_space<hbm>>
      %dma_start3A_132 = tpu.memref_squeeze %dma_start3A_131 : memref<1x48x128xf32, #tpu.memory_space<hbm>> -> memref<48x128xf32, #tpu.memory_space<hbm>>
      tpu.enqueue_dma source(%dma_start3A_132 : memref<48x128xf32, #tpu.memory_space<hbm>>) target(%arg15 : memref<48x128xf32, #tpu.memory_space<vmem>>) target_semaphore(%run_scoped3A : memref<!tpu.dma_semaphore, #tpu.memory_space<semaphore_mem>>)
      %dma_wait3A = arith.constant 0 : i32
      %dma_wait3A_133 = tpu.memref_slice %arg5[%arg0, %add3A_19, %dma_wait3A] : memref<2x10000x128xf32, #tpu.memory_space<hbm>> -> memref<1x48x128xf32, #tpu.memory_space<hbm>>
      %dma_wait3A_134 = tpu.memref_squeeze %dma_wait3A_133 : memref<1x48x128xf32, #tpu.memory_space<hbm>> -> memref<48x128xf32, #tpu.memory_space<hbm>>
      %dma_wait3A_135 = arith.constant 0 : i32
      %dma_wait3A_136 = tpu.memref_slice %arg5[%arg0, %add3A_19, %dma_wait3A_135] : memref<2x10000x128xf32, #tpu.memory_space<hbm>> -> memref<1x48x128xf32, #tpu.memory_space<hbm>>
      %dma_wait3A_137 = tpu.memref_squeeze %dma_wait3A_136 : memref<1x48x128xf32, #tpu.memory_space<hbm>> -> memref<48x128xf32, #tpu.memory_space<hbm>>
      tpu.wait_dma2 semaphore(%run_scoped3A : memref<!tpu.dma_semaphore, #tpu.memory_space<semaphore_mem>>) src(%dma_wait3A_137 : memref<48x128xf32, #tpu.memory_space<hbm>>) dst(%arg15 : memref<48x128xf32, #tpu.memory_space<vmem>>)
      tpu.yield
    }) : () -> ()
    "tpu.region"() ({
      %run_scoped3A = tpu.sem_alloc : memref<!tpu.dma_semaphore, #tpu.memory_space<semaphore_mem>>
      %dma_start3A_127 = arith.constant 0 : i32
      %dma_start3A_128 = tpu.memref_slice %arg16[%add3A_19, %dma_start3A_127] : memref<10000x128xf32, #tpu.memory_space<vmem_shared>> -> memref<48x128xf32, #tpu.memory_space<vmem_shared>>
      %dma_start3A_129 = arith.constant 0 : i32
      %dma_start3A_130 = tpu.memref_slice %arg16[%add3A_19, %dma_start3A_129] : memref<10000x128xf32, #tpu.memory_space<vmem_shared>> -> memref<48x128xf32, #tpu.memory_space<vmem_shared>>
      tpu.enqueue_dma source(%arg15 : memref<48x128xf32, #tpu.memory_space<vmem>>) target(%dma_start3A_130 : memref<48x128xf32, #tpu.memory_space<vmem_shared>>) target_semaphore(%run_scoped3A : memref<!tpu.dma_semaphore, #tpu.memory_space<semaphore_mem>>)
      %dma_wait3A = arith.constant 0 : i32
      %dma_wait3A_131 = tpu.memref_slice %arg16[%add3A_19, %dma_wait3A] : memref<10000x128xf32, #tpu.memory_space<vmem_shared>> -> memref<48x128xf32, #tpu.memory_space<vmem_shared>>
      %dma_wait3A_132 = arith.constant 0 : i32
      %dma_wait3A_133 = tpu.memref_slice %arg16[%add3A_19, %dma_wait3A_132] : memref<10000x128xf32, #tpu.memory_space<vmem_shared>> -> memref<48x128xf32, #tpu.memory_space<vmem_shared>>
      tpu.wait_dma2 semaphore(%run_scoped3A : memref<!tpu.dma_semaphore, #tpu.memory_space<semaphore_mem>>) src(%arg15 : memref<48x128xf32, #tpu.memory_space<vmem>>) dst(%dma_wait3A_133 : memref<48x128xf32, #tpu.memory_space<vmem_shared>>)
      tpu.yield
    }) : () -> ()
    %add3A_20 = arith.constant 480 : i32
    %add3A_21 = arith.addi %mul3A_0, %add3A_20 : i32
    "tpu.region"() ({
      %run_scoped3A = tpu.sem_alloc : memref<!tpu.dma_semaphore, #tpu.memory_space<semaphore_mem>>
      %dma_start3A_127 = arith.constant 0 : i32
      %dma_start3A_128 = tpu.memref_slice %arg5[%arg0, %add3A_21, %dma_start3A_127] : memref<2x10000x128xf32, #tpu.memory_space<hbm>> -> memref<1x48x128xf32, #tpu.memory_space<hbm>>
      %dma_start3A_129 = tpu.memref_squeeze %dma_start3A_128 : memref<1x48x128xf32, #tpu.memory_space<hbm>> -> memref<48x128xf32, #tpu.memory_space<hbm>>
      %dma_start3A_130 = arith.constant 0 : i32
      %dma_start3A_131 = tpu.memref_slice %arg5[%arg0, %add3A_21, %dma_start3A_130] : memref<2x10000x128xf32, #tpu.memory_space<hbm>> -> memref<1x48x128xf32, #tpu.memory_space<hbm>>
      %dma_start3A_132 = tpu.memref_squeeze %dma_start3A_131 : memref<1x48x128xf32, #tpu.memory_space<hbm>> -> memref<48x128xf32, #tpu.memory_space<hbm>>
      tpu.enqueue_dma source(%dma_start3A_132 : memref<48x128xf32, #tpu.memory_space<hbm>>) target(%arg15 : memref<48x128xf32, #tpu.memory_space<vmem>>) target_semaphore(%run_scoped3A : memref<!tpu.dma_semaphore, #tpu.memory_space<semaphore_mem>>)
      %dma_wait3A = arith.constant 0 : i32
      %dma_wait3A_133 = tpu.memref_slice %arg5[%arg0, %add3A_21, %dma_wait3A] : memref<2x10000x128xf32, #tpu.memory_space<hbm>> -> memref<1x48x128xf32, #tpu.memory_space<hbm>>
      %dma_wait3A_134 = tpu.memref_squeeze %dma_wait3A_133 : memref<1x48x128xf32, #tpu.memory_space<hbm>> -> memref<48x128xf32, #tpu.memory_space<hbm>>
      %dma_wait3A_135 = arith.constant 0 : i32
      %dma_wait3A_136 = tpu.memref_slice %arg5[%arg0, %add3A_21, %dma_wait3A_135] : memref<2x10000x128xf32, #tpu.memory_space<hbm>> -> memref<1x48x128xf32, #tpu.memory_space<hbm>>
      %dma_wait3A_137 = tpu.memref_squeeze %dma_wait3A_136 : memref<1x48x128xf32, #tpu.memory_space<hbm>> -> memref<48x128xf32, #tpu.memory_space<hbm>>
      tpu.wait_dma2 semaphore(%run_scoped3A : memref<!tpu.dma_semaphore, #tpu.memory_space<semaphore_mem>>) src(%dma_wait3A_137 : memref<48x128xf32, #tpu.memory_space<hbm>>) dst(%arg15 : memref<48x128xf32, #tpu.memory_space<vmem>>)
      tpu.yield
    }) : () -> ()
    "tpu.region"() ({
      %run_scoped3A = tpu.sem_alloc : memref<!tpu.dma_semaphore, #tpu.memory_space<semaphore_mem>>
      %dma_start3A_127 = arith.constant 0 : i32
      %dma_start3A_128 = tpu.memref_slice %arg16[%add3A_21, %dma_start3A_127] : memref<10000x128xf32, #tpu.memory_space<vmem_shared>> -> memref<48x128xf32, #tpu.memory_space<vmem_shared>>
      %dma_start3A_129 = arith.constant 0 : i32
      %dma_start3A_130 = tpu.memref_slice %arg16[%add3A_21, %dma_start3A_129] : memref<10000x128xf32, #tpu.memory_space<vmem_shared>> -> memref<48x128xf32, #tpu.memory_space<vmem_shared>>
      tpu.enqueue_dma source(%arg15 : memref<48x128xf32, #tpu.memory_space<vmem>>) target(%dma_start3A_130 : memref<48x128xf32, #tpu.memory_space<vmem_shared>>) target_semaphore(%run_scoped3A : memref<!tpu.dma_semaphore, #tpu.memory_space<semaphore_mem>>)
      %dma_wait3A = arith.constant 0 : i32
      %dma_wait3A_131 = tpu.memref_slice %arg16[%add3A_21, %dma_wait3A] : memref<10000x128xf32, #tpu.memory_space<vmem_shared>> -> memref<48x128xf32, #tpu.memory_space<vmem_shared>>
      %dma_wait3A_132 = arith.constant 0 : i32
      %dma_wait3A_133 = tpu.memref_slice %arg16[%add3A_21, %dma_wait3A_132] : memref<10000x128xf32, #tpu.memory_space<vmem_shared>> -> memref<48x128xf32, #tpu.memory_space<vmem_shared>>
      tpu.wait_dma2 semaphore(%run_scoped3A : memref<!tpu.dma_semaphore, #tpu.memory_space<semaphore_mem>>) src(%arg15 : memref<48x128xf32, #tpu.memory_space<vmem>>) dst(%dma_wait3A_133 : memref<48x128xf32, #tpu.memory_space<vmem_shared>>)
      tpu.yield
    }) : () -> ()
    %add3A_22 = arith.constant 528 : i32
    %add3A_23 = arith.addi %mul3A_0, %add3A_22 : i32
    "tpu.region"() ({
      %run_scoped3A = tpu.sem_alloc : memref<!tpu.dma_semaphore, #tpu.memory_space<semaphore_mem>>
      %dma_start3A_127 = arith.constant 0 : i32
      %dma_start3A_128 = tpu.memref_slice %arg5[%arg0, %add3A_23, %dma_start3A_127] : memref<2x10000x128xf32, #tpu.memory_space<hbm>> -> memref<1x48x128xf32, #tpu.memory_space<hbm>>
      %dma_start3A_129 = tpu.memref_squeeze %dma_start3A_128 : memref<1x48x128xf32, #tpu.memory_space<hbm>> -> memref<48x128xf32, #tpu.memory_space<hbm>>
      %dma_start3A_130 = arith.constant 0 : i32
      %dma_start3A_131 = tpu.memref_slice %arg5[%arg0, %add3A_23, %dma_start3A_130] : memref<2x10000x128xf32, #tpu.memory_space<hbm>> -> memref<1x48x128xf32, #tpu.memory_space<hbm>>
      %dma_start3A_132 = tpu.memref_squeeze %dma_start3A_131 : memref<1x48x128xf32, #tpu.memory_space<hbm>> -> memref<48x128xf32, #tpu.memory_space<hbm>>
      tpu.enqueue_dma source(%dma_start3A_132 : memref<48x128xf32, #tpu.memory_space<hbm>>) target(%arg15 : memref<48x128xf32, #tpu.memory_space<vmem>>) target_semaphore(%run_scoped3A : memref<!tpu.dma_semaphore, #tpu.memory_space<semaphore_mem>>)
      %dma_wait3A = arith.constant 0 : i32
      %dma_wait3A_133 = tpu.memref_slice %arg5[%arg0, %add3A_23, %dma_wait3A] : memref<2x10000x128xf32, #tpu.memory_space<hbm>> -> memref<1x48x128xf32, #tpu.memory_space<hbm>>
      %dma_wait3A_134 = tpu.memref_squeeze %dma_wait3A_133 : memref<1x48x128xf32, #tpu.memory_space<hbm>> -> memref<48x128xf32, #tpu.memory_space<hbm>>
      %dma_wait3A_135 = arith.constant 0 : i32
      %dma_wait3A_136 = tpu.memref_slice %arg5[%arg0, %add3A_23, %dma_wait3A_135] : memref<2x10000x128xf32, #tpu.memory_space<hbm>> -> memref<1x48x128xf32, #tpu.memory_space<hbm>>
      %dma_wait3A_137 = tpu.memref_squeeze %dma_wait3A_136 : memref<1x48x128xf32, #tpu.memory_space<hbm>> -> memref<48x128xf32, #tpu.memory_space<hbm>>
      tpu.wait_dma2 semaphore(%run_scoped3A : memref<!tpu.dma_semaphore, #tpu.memory_space<semaphore_mem>>) src(%dma_wait3A_137 : memref<48x128xf32, #tpu.memory_space<hbm>>) dst(%arg15 : memref<48x128xf32, #tpu.memory_space<vmem>>)
      tpu.yield
    }) : () -> ()
    "tpu.region"() ({
      %run_scoped3A = tpu.sem_alloc : memref<!tpu.dma_semaphore, #tpu.memory_space<semaphore_mem>>
      %dma_start3A_127 = arith.constant 0 : i32
      %dma_start3A_128 = tpu.memref_slice %arg16[%add3A_23, %dma_start3A_127] : memref<10000x128xf32, #tpu.memory_space<vmem_shared>> -> memref<48x128xf32, #tpu.memory_space<vmem_shared>>
      %dma_start3A_129 = arith.constant 0 : i32
      %dma_start3A_130 = tpu.memref_slice %arg16[%add3A_23, %dma_start3A_129] : memref<10000x128xf32, #tpu.memory_space<vmem_shared>> -> memref<48x128xf32, #tpu.memory_space<vmem_shared>>
      tpu.enqueue_dma source(%arg15 : memref<48x128xf32, #tpu.memory_space<vmem>>) target(%dma_start3A_130 : memref<48x128xf32, #tpu.memory_space<vmem_shared>>) target_semaphore(%run_scoped3A : memref<!tpu.dma_semaphore, #tpu.memory_space<semaphore_mem>>)
      %dma_wait3A = arith.constant 0 : i32
      %dma_wait3A_131 = tpu.memref_slice %arg16[%add3A_23, %dma_wait3A] : memref<10000x128xf32, #tpu.memory_space<vmem_shared>> -> memref<48x128xf32, #tpu.memory_space<vmem_shared>>
      %dma_wait3A_132 = arith.constant 0 : i32
      %dma_wait3A_133 = tpu.memref_slice %arg16[%add3A_23, %dma_wait3A_132] : memref<10000x128xf32, #tpu.memory_space<vmem_shared>> -> memref<48x128xf32, #tpu.memory_space<vmem_shared>>
      tpu.wait_dma2 semaphore(%run_scoped3A : memref<!tpu.dma_semaphore, #tpu.memory_space<semaphore_mem>>) src(%arg15 : memref<48x128xf32, #tpu.memory_space<vmem>>) dst(%dma_wait3A_133 : memref<48x128xf32, #tpu.memory_space<vmem_shared>>)
      tpu.yield
    }) : () -> ()
    %add3A_24 = arith.constant 576 : i32
    %add3A_25 = arith.addi %mul3A_0, %add3A_24 : i32
    "tpu.region"() ({
      %run_scoped3A = tpu.sem_alloc : memref<!tpu.dma_semaphore, #tpu.memory_space<semaphore_mem>>
      %dma_start3A_127 = arith.constant 0 : i32
      %dma_start3A_128 = tpu.memref_slice %arg5[%arg0, %add3A_25, %dma_start3A_127] : memref<2x10000x128xf32, #tpu.memory_space<hbm>> -> memref<1x48x128xf32, #tpu.memory_space<hbm>>
      %dma_start3A_129 = tpu.memref_squeeze %dma_start3A_128 : memref<1x48x128xf32, #tpu.memory_space<hbm>> -> memref<48x128xf32, #tpu.memory_space<hbm>>
      %dma_start3A_130 = arith.constant 0 : i32
      %dma_start3A_131 = tpu.memref_slice %arg5[%arg0, %add3A_25, %dma_start3A_130] : memref<2x10000x128xf32, #tpu.memory_space<hbm>> -> memref<1x48x128xf32, #tpu.memory_space<hbm>>
      %dma_start3A_132 = tpu.memref_squeeze %dma_start3A_131 : memref<1x48x128xf32, #tpu.memory_space<hbm>> -> memref<48x128xf32, #tpu.memory_space<hbm>>
      tpu.enqueue_dma source(%dma_start3A_132 : memref<48x128xf32, #tpu.memory_space<hbm>>) target(%arg15 : memref<48x128xf32, #tpu.memory_space<vmem>>) target_semaphore(%run_scoped3A : memref<!tpu.dma_semaphore, #tpu.memory_space<semaphore_mem>>)
      %dma_wait3A = arith.constant 0 : i32
      %dma_wait3A_133 = tpu.memref_slice %arg5[%arg0, %add3A_25, %dma_wait3A] : memref<2x10000x128xf32, #tpu.memory_space<hbm>> -> memref<1x48x128xf32, #tpu.memory_space<hbm>>
      %dma_wait3A_134 = tpu.memref_squeeze %dma_wait3A_133 : memref<1x48x128xf32, #tpu.memory_space<hbm>> -> memref<48x128xf32, #tpu.memory_space<hbm>>
      %dma_wait3A_135 = arith.constant 0 : i32
      %dma_wait3A_136 = tpu.memref_slice %arg5[%arg0, %add3A_25, %dma_wait3A_135] : memref<2x10000x128xf32, #tpu.memory_space<hbm>> -> memref<1x48x128xf32, #tpu.memory_space<hbm>>
      %dma_wait3A_137 = tpu.memref_squeeze %dma_wait3A_136 : memref<1x48x128xf32, #tpu.memory_space<hbm>> -> memref<48x128xf32, #tpu.memory_space<hbm>>
      tpu.wait_dma2 semaphore(%run_scoped3A : memref<!tpu.dma_semaphore, #tpu.memory_space<semaphore_mem>>) src(%dma_wait3A_137 : memref<48x128xf32, #tpu.memory_space<hbm>>) dst(%arg15 : memref<48x128xf32, #tpu.memory_space<vmem>>)
      tpu.yield
    }) : () -> ()
    "tpu.region"() ({
      %run_scoped3A = tpu.sem_alloc : memref<!tpu.dma_semaphore, #tpu.memory_space<semaphore_mem>>
      %dma_start3A_127 = arith.constant 0 : i32
      %dma_start3A_128 = tpu.memref_slice %arg16[%add3A_25, %dma_start3A_127] : memref<10000x128xf32, #tpu.memory_space<vmem_shared>> -> memref<48x128xf32, #tpu.memory_space<vmem_shared>>
      %dma_start3A_129 = arith.constant 0 : i32
      %dma_start3A_130 = tpu.memref_slice %arg16[%add3A_25, %dma_start3A_129] : memref<10000x128xf32, #tpu.memory_space<vmem_shared>> -> memref<48x128xf32, #tpu.memory_space<vmem_shared>>
      tpu.enqueue_dma source(%arg15 : memref<48x128xf32, #tpu.memory_space<vmem>>) target(%dma_start3A_130 : memref<48x128xf32, #tpu.memory_space<vmem_shared>>) target_semaphore(%run_scoped3A : memref<!tpu.dma_semaphore, #tpu.memory_space<semaphore_mem>>)
      %dma_wait3A = arith.constant 0 : i32
      %dma_wait3A_131 = tpu.memref_slice %arg16[%add3A_25, %dma_wait3A] : memref<10000x128xf32, #tpu.memory_space<vmem_shared>> -> memref<48x128xf32, #tpu.memory_space<vmem_shared>>
      %dma_wait3A_132 = arith.constant 0 : i32
      %dma_wait3A_133 = tpu.memref_slice %arg16[%add3A_25, %dma_wait3A_132] : memref<10000x128xf32, #tpu.memory_space<vmem_shared>> -> memref<48x128xf32, #tpu.memory_space<vmem_shared>>
      tpu.wait_dma2 semaphore(%run_scoped3A : memref<!tpu.dma_semaphore, #tpu.memory_space<semaphore_mem>>) src(%arg15 : memref<48x128xf32, #tpu.memory_space<vmem>>) dst(%dma_wait3A_133 : memref<48x128xf32, #tpu.memory_space<vmem_shared>>)
      tpu.yield
    }) : () -> ()
    %eq3A = arith.constant 15 : i32
    %eq3A_26 = arith.cmpi eq, %arg1, %eq3A : i32
    %convert_element_type3A = arith.extui %eq3A_26 : i1 to i32
    %cond3A = arith.constant 0 : i32
    %cond3A_27 = arith.cmpi ne, %convert_element_type3A, %cond3A : i32
    scf.if %cond3A_27 {
      "tpu.region"() ({
        %run_scoped3A = tpu.sem_alloc : memref<!tpu.dma_semaphore, #tpu.memory_space<semaphore_mem>>
        %dma_start3A_127 = arith.constant 0 : i32
        %dma_start3A_128 = arith.constant 0 : i32
        %dma_start3A_129 = tpu.memref_slice %arg15[%dma_start3A_127, %dma_start3A_128] : memref<48x128xf32, #tpu.memory_space<vmem>> -> memref<16x128xf32, #tpu.memory_space<vmem>>
        %dma_start3A_130 = arith.constant 9984 : i32
        %dma_start3A_131 = arith.constant 0 : i32
        %dma_start3A_132 = tpu.memref_slice %arg5[%arg0, %dma_start3A_130, %dma_start3A_131] : memref<2x10000x128xf32, #tpu.memory_space<hbm>> -> memref<1x16x128xf32, #tpu.memory_space<hbm>>
        %dma_start3A_133 = tpu.memref_squeeze %dma_start3A_132 : memref<1x16x128xf32, #tpu.memory_space<hbm>> -> memref<16x128xf32, #tpu.memory_space<hbm>>
        %dma_start3A_134 = arith.constant 0 : i32
        %dma_start3A_135 = arith.constant 0 : i32
        %dma_start3A_136 = tpu.memref_slice %arg15[%dma_start3A_134, %dma_start3A_135] : memref<48x128xf32, #tpu.memory_space<vmem>> -> memref<16x128xf32, #tpu.memory_space<vmem>>
        %dma_start3A_137 = arith.constant 9984 : i32
        %dma_start3A_138 = arith.constant 0 : i32
        %dma_start3A_139 = tpu.memref_slice %arg5[%arg0, %dma_start3A_137, %dma_start3A_138] : memref<2x10000x128xf32, #tpu.memory_space<hbm>> -> memref<1x16x128xf32, #tpu.memory_space<hbm>>
        %dma_start3A_140 = tpu.memref_squeeze %dma_start3A_139 : memref<1x16x128xf32, #tpu.memory_space<hbm>> -> memref<16x128xf32, #tpu.memory_space<hbm>>
        tpu.enqueue_dma source(%dma_start3A_140 : memref<16x128xf32, #tpu.memory_space<hbm>>) target(%dma_start3A_136 : memref<16x128xf32, #tpu.memory_space<vmem>>) target_semaphore(%run_scoped3A : memref<!tpu.dma_semaphore, #tpu.memory_space<semaphore_mem>>)
        %dma_wait3A = arith.constant 0 : i32
        %dma_wait3A_141 = arith.constant 0 : i32
        %dma_wait3A_142 = tpu.memref_slice %arg15[%dma_wait3A, %dma_wait3A_141] : memref<48x128xf32, #tpu.memory_space<vmem>> -> memref<16x128xf32, #tpu.memory_space<vmem>>
        %dma_wait3A_143 = arith.constant 9984 : i32
        %dma_wait3A_144 = arith.constant 0 : i32
        %dma_wait3A_145 = tpu.memref_slice %arg5[%arg0, %dma_wait3A_143, %dma_wait3A_144] : memref<2x10000x128xf32, #tpu.memory_space<hbm>> -> memref<1x16x128xf32, #tpu.memory_space<hbm>>
        %dma_wait3A_146 = tpu.memref_squeeze %dma_wait3A_145 : memref<1x16x128xf32, #tpu.memory_space<hbm>> -> memref<16x128xf32, #tpu.memory_space<hbm>>
        %dma_wait3A_147 = arith.constant 0 : i32
        %dma_wait3A_148 = arith.constant 0 : i32
        %dma_wait3A_149 = tpu.memref_slice %arg15[%dma_wait3A_147, %dma_wait3A_148] : memref<48x128xf32, #tpu.memory_space<vmem>> -> memref<16x128xf32, #tpu.memory_space<vmem>>
        %dma_wait3A_150 = arith.constant 9984 : i32
        %dma_wait3A_151 = arith.constant 0 : i32
        %dma_wait3A_152 = tpu.memref_slice %arg5[%arg0, %dma_wait3A_150, %dma_wait3A_151] : memref<2x10000x128xf32, #tpu.memory_space<hbm>> -> memref<1x16x128xf32, #tpu.memory_space<hbm>>
        %dma_wait3A_153 = tpu.memref_squeeze %dma_wait3A_152 : memref<1x16x128xf32, #tpu.memory_space<hbm>> -> memref<16x128xf32, #tpu.memory_space<hbm>>
        tpu.wait_dma2 semaphore(%run_scoped3A : memref<!tpu.dma_semaphore, #tpu.memory_space<semaphore_mem>>) src(%dma_wait3A_153 : memref<16x128xf32, #tpu.memory_space<hbm>>) dst(%dma_wait3A_149 : memref<16x128xf32, #tpu.memory_space<vmem>>)
        tpu.yield
      }) : () -> ()
      "tpu.region"() ({
        %run_scoped3A = tpu.sem_alloc : memref<!tpu.dma_semaphore, #tpu.memory_space<semaphore_mem>>
        %dma_start3A_127 = arith.constant 0 : i32
        %dma_start3A_128 = arith.constant 0 : i32
        %dma_start3A_129 = tpu.memref_slice %arg15[%dma_start3A_127, %dma_start3A_128] : memref<48x128xf32, #tpu.memory_space<vmem>> -> memref<16x128xf32, #tpu.memory_space<vmem>>
        %dma_start3A_130 = arith.constant 9984 : i32
        %dma_start3A_131 = arith.constant 0 : i32
        %dma_start3A_132 = tpu.memref_slice %arg16[%dma_start3A_130, %dma_start3A_131] : memref<10000x128xf32, #tpu.memory_space<vmem_shared>> -> memref<16x128xf32, #tpu.memory_space<vmem_shared>>
        %dma_start3A_133 = arith.constant 9984 : i32
        %dma_start3A_134 = arith.constant 0 : i32
        %dma_start3A_135 = tpu.memref_slice %arg16[%dma_start3A_133, %dma_start3A_134] : memref<10000x128xf32, #tpu.memory_space<vmem_shared>> -> memref<16x128xf32, #tpu.memory_space<vmem_shared>>
        %dma_start3A_136 = arith.constant 0 : i32
        %dma_start3A_137 = arith.constant 0 : i32
        %dma_start3A_138 = tpu.memref_slice %arg15[%dma_start3A_136, %dma_start3A_137] : memref<48x128xf32, #tpu.memory_space<vmem>> -> memref<16x128xf32, #tpu.memory_space<vmem>>
        tpu.enqueue_dma source(%dma_start3A_138 : memref<16x128xf32, #tpu.memory_space<vmem>>) target(%dma_start3A_135 : memref<16x128xf32, #tpu.memory_space<vmem_shared>>) target_semaphore(%run_scoped3A : memref<!tpu.dma_semaphore, #tpu.memory_space<semaphore_mem>>)
        %dma_wait3A = arith.constant 0 : i32
        %dma_wait3A_139 = arith.constant 0 : i32
        %dma_wait3A_140 = tpu.memref_slice %arg15[%dma_wait3A, %dma_wait3A_139] : memref<48x128xf32, #tpu.memory_space<vmem>> -> memref<16x128xf32, #tpu.memory_space<vmem>>
        %dma_wait3A_141 = arith.constant 9984 : i32
        %dma_wait3A_142 = arith.constant 0 : i32
        %dma_wait3A_143 = tpu.memref_slice %arg16[%dma_wait3A_141, %dma_wait3A_142] : memref<10000x128xf32, #tpu.memory_space<vmem_shared>> -> memref<16x128xf32, #tpu.memory_space<vmem_shared>>
        %dma_wait3A_144 = arith.constant 9984 : i32
        %dma_wait3A_145 = arith.constant 0 : i32
        %dma_wait3A_146 = tpu.memref_slice %arg16[%dma_wait3A_144, %dma_wait3A_145] : memref<10000x128xf32, #tpu.memory_space<vmem_shared>> -> memref<16x128xf32, #tpu.memory_space<vmem_shared>>
        %dma_wait3A_147 = arith.constant 0 : i32
        %dma_wait3A_148 = arith.constant 0 : i32
        %dma_wait3A_149 = tpu.memref_slice %arg15[%dma_wait3A_147, %dma_wait3A_148] : memref<48x128xf32, #tpu.memory_space<vmem>> -> memref<16x128xf32, #tpu.memory_space<vmem>>
        tpu.wait_dma2 semaphore(%run_scoped3A : memref<!tpu.dma_semaphore, #tpu.memory_space<semaphore_mem>>) src(%dma_wait3A_149 : memref<16x128xf32, #tpu.memory_space<vmem>>) dst(%dma_wait3A_146 : memref<16x128xf32, #tpu.memory_space<vmem_shared>>)
        tpu.yield
      }) : () -> ()
    } else {
    }
    %barrier3A = arith.constant 0 : index
    tpu.barrier barrier_id(%barrier3A)
    %mul3A_28 = arith.constant 1250 : i32
    %mul3A_29 = arith.muli %arg1, %mul3A_28 : i32
    %jit3A = arith.constant 16 : i32
    %div3A = arith.divsi %mul3A_29, %jit3A : i32
    %sign3A = arith.constant 0 : i32
    %sign3A_30 = arith.cmpi sgt, %mul3A_29, %sign3A : i32
    %sign3A_31 = arith.extui %sign3A_30 : i1 to i32
    %sign3A_32 = arith.constant 0 : i32
    %sign3A_33 = arith.cmpi slt, %mul3A_29, %sign3A_32 : i32
    %sign3A_34 = arith.extui %sign3A_33 : i1 to i32
    %sign3A_35 = arith.subi %sign3A_31, %sign3A_34 : i32
    %sign3A_36 = arith.constant 0 : i32
    %sign3A_37 = arith.cmpi sgt, %jit3A, %sign3A_36 : i32
    %sign3A_38 = arith.extui %sign3A_37 : i1 to i32
    %sign3A_39 = arith.constant 0 : i32
    %sign3A_40 = arith.cmpi slt, %jit3A, %sign3A_39 : i32
    %sign3A_41 = arith.extui %sign3A_40 : i1 to i32
    %sign3A_42 = arith.subi %sign3A_38, %sign3A_41 : i32
    %ne3A = arith.cmpi ne, %sign3A_35, %sign3A_42 : i32
    %rem3A = arith.remsi %mul3A_29, %jit3A : i32
    %ne3A_43 = arith.constant 0 : i32
    %ne3A_44 = arith.cmpi ne, %rem3A, %ne3A_43 : i32
    %and3A = arith.andi %ne3A, %ne3A_44 : i1
    %sub3A = arith.constant 1 : i32
    %sub3A_45 = arith.subi %div3A, %sub3A : i32
    %select_n3A = arith.select %and3A, %sub3A_45, %div3A : i32
    %add3A_46 = arith.constant 1 : i32
    %add3A_47 = arith.addi %arg1, %add3A_46 : i32
    %mul3A_48 = arith.constant 1250 : i32
    %mul3A_49 = arith.muli %add3A_47, %mul3A_48 : i32
    %jit3A_50 = arith.constant 16 : i32
    %div3A_51 = arith.divsi %mul3A_49, %jit3A_50 : i32
    %sign3A_52 = arith.constant 0 : i32
    %sign3A_53 = arith.cmpi sgt, %mul3A_49, %sign3A_52 : i32
    %sign3A_54 = arith.extui %sign3A_53 : i1 to i32
    %sign3A_55 = arith.constant 0 : i32
    %sign3A_56 = arith.cmpi slt, %mul3A_49, %sign3A_55 : i32
    %sign3A_57 = arith.extui %sign3A_56 : i1 to i32
    %sign3A_58 = arith.subi %sign3A_54, %sign3A_57 : i32
    %sign3A_59 = arith.constant 0 : i32
    %sign3A_60 = arith.cmpi sgt, %jit3A_50, %sign3A_59 : i32
    %sign3A_61 = arith.extui %sign3A_60 : i1 to i32
    %sign3A_62 = arith.constant 0 : i32
    %sign3A_63 = arith.cmpi slt, %jit3A_50, %sign3A_62 : i32
    %sign3A_64 = arith.extui %sign3A_63 : i1 to i32
    %sign3A_65 = arith.subi %sign3A_61, %sign3A_64 : i32
    %ne3A_66 = arith.cmpi ne, %sign3A_58, %sign3A_65 : i32
    %rem3A_67 = arith.remsi %mul3A_49, %jit3A_50 : i32
    %ne3A_68 = arith.constant 0 : i32
    %ne3A_69 = arith.cmpi ne, %rem3A_67, %ne3A_68 : i32
    %and3A_70 = arith.andi %ne3A_66, %ne3A_69 : i1
    %sub3A_71 = arith.constant 1 : i32
    %sub3A_72 = arith.subi %div3A_51, %sub3A_71 : i32
    %select_n3A_73 = arith.select %and3A_70, %sub3A_72, %div3A_51 : i32
    %mul3A_74 = arith.constant 128 : i32
    %mul3A_75 = arith.muli %select_n3A, %mul3A_74 : i32
    %dma_start3A = tpu.memref_slice %arg4[%mul3A_75] : memref<160000xi32, #tpu.memory_space<hbm>> -> memref<128xi32, #tpu.memory_space<hbm>>
    %dma_start3A_76 = tpu.memref_slice %arg4[%mul3A_75] : memref<160000xi32, #tpu.memory_space<hbm>> -> memref<128xi32, #tpu.memory_space<hbm>>
    tpu.enqueue_dma source(%dma_start3A_76 : memref<128xi32, #tpu.memory_space<hbm>>) target(%arg7 : memref<128xi32, #tpu.memory_space<vmem>>) target_semaphore(%arg11 : memref<!tpu.dma_semaphore, #tpu.memory_space<semaphore_mem>>)
    %eq3A_77 = arith.constant 0 : i32
    %eq3A_78 = arith.cmpi eq, %arg0, %eq3A_77 : i32
    %convert_element_type3A_79 = arith.extui %eq3A_78 : i1 to i32
    %cond3A_80 = arith.constant 0 : i32
    %cond3A_81 = arith.cmpi ne, %convert_element_type3A_79, %cond3A_80 : i32
    scf.if %cond3A_81 {
      %dma_start3A_127 = arith.constant 0 : i32
      %dma_start3A_128 = tpu.memref_slice %arg2[%mul3A_75, %dma_start3A_127] : memref<160000x128xf32, #tpu.memory_space<hbm>> -> memref<128x128xf32, #tpu.memory_space<hbm>>
      %dma_start3A_129 = arith.constant 0 : i32
      %dma_start3A_130 = tpu.memref_slice %arg2[%mul3A_75, %dma_start3A_129] : memref<160000x128xf32, #tpu.memory_space<hbm>> -> memref<128x128xf32, #tpu.memory_space<hbm>>
      tpu.enqueue_dma source(%dma_start3A_130 : memref<128x128xf32, #tpu.memory_space<hbm>>) target(%arg9 : memref<128x128xf32, #tpu.memory_space<vmem>>) target_semaphore(%arg13 : memref<!tpu.dma_semaphore, #tpu.memory_space<semaphore_mem>>)
    } else {
    }
    %eq3A_82 = arith.constant 1 : i32
    %eq3A_83 = arith.cmpi eq, %arg0, %eq3A_82 : i32
    %convert_element_type3A_84 = arith.extui %eq3A_83 : i1 to i32
    %cond3A_85 = arith.constant 0 : i32
    %cond3A_86 = arith.cmpi ne, %convert_element_type3A_84, %cond3A_85 : i32
    scf.if %cond3A_86 {
      %dma_start3A_127 = arith.constant 0 : i32
      %dma_start3A_128 = tpu.memref_slice %arg3[%mul3A_75, %dma_start3A_127] : memref<160000x128xf32, #tpu.memory_space<hbm>> -> memref<128x128xf32, #tpu.memory_space<hbm>>
      %dma_start3A_129 = arith.constant 0 : i32
      %dma_start3A_130 = tpu.memref_slice %arg3[%mul3A_75, %dma_start3A_129] : memref<160000x128xf32, #tpu.memory_space<hbm>> -> memref<128x128xf32, #tpu.memory_space<hbm>>
      tpu.enqueue_dma source(%dma_start3A_130 : memref<128x128xf32, #tpu.memory_space<hbm>>) target(%arg9 : memref<128x128xf32, #tpu.memory_space<vmem>>) target_semaphore(%arg13 : memref<!tpu.dma_semaphore, #tpu.memory_space<semaphore_mem>>)
    } else {
    }
    %while3A = arith.constant 0 : i32
    %while3A_87 = arith.subi %select_n3A_73, %select_n3A : i32
    %while3A_88 = arith.addi %select_n3A, %while3A_87 : i32
    %while3A_89 = arith.constant 1 : i32
    %while3A_90 = arith.divsi %while3A_87, %while3A_89 : i32
    %while3A_91 = arith.muli %while3A_90, %while3A_89 : i32
    %while3A_92 = arith.addi %select_n3A, %while3A_91 : i32
    %while3A_93 = arith.constant 1 : i32
    scf.for %while3A_127 = %select_n3A to %while3A_92 step %while3A_93  : i32 {
      %add3A_128 = arith.constant 1 : i32
      %add3A_129 = arith.addi %while3A_127, %add3A_128 : i32
      %sub3A_130 = arith.subi %while3A_127, %select_n3A : i32
      %rem3A_131 = arith.constant 2 : i32
      %rem3A_132 = arith.remsi %sub3A_130, %rem3A_131 : i32
      %eq3A_133 = arith.constant 0 : i32
      %eq3A_134 = arith.cmpi eq, %rem3A_132, %eq3A_133 : i32
      %convert_element_type3A_135 = arith.extui %eq3A_134 : i1 to i32
      %cond3A_136 = arith.constant 0 : i32
      %cond3A_137 = arith.cmpi ne, %convert_element_type3A_135, %cond3A_136 : i32
      scf.if %cond3A_137 {
        %dma_wait3A = arith.constant 0 : i32
        %dma_wait3A_146 = tpu.memref_slice %arg4[%dma_wait3A] : memref<160000xi32, #tpu.memory_space<hbm>> -> memref<128xi32, #tpu.memory_space<hbm>>
        %dma_wait3A_147 = arith.constant 0 : i32
        %dma_wait3A_148 = tpu.memref_slice %arg4[%dma_wait3A_147] : memref<160000xi32, #tpu.memory_space<hbm>> -> memref<128xi32, #tpu.memory_space<hbm>>
        tpu.wait_dma2 semaphore(%arg11 : memref<!tpu.dma_semaphore, #tpu.memory_space<semaphore_mem>>) src(%dma_wait3A_148 : memref<128xi32, #tpu.memory_space<hbm>>) dst(%arg7 : memref<128xi32, #tpu.memory_space<vmem>>)
        %dma_wait3A_149 = arith.constant 0 : i32
        %dma_wait3A_150 = arith.constant 0 : i32
        %dma_wait3A_151 = tpu.memref_slice %arg2[%dma_wait3A_149, %dma_wait3A_150] : memref<160000x128xf32, #tpu.memory_space<hbm>> -> memref<128x128xf32, #tpu.memory_space<hbm>>
        %dma_wait3A_152 = arith.constant 0 : i32
        %dma_wait3A_153 = arith.constant 0 : i32
        %dma_wait3A_154 = tpu.memref_slice %arg2[%dma_wait3A_152, %dma_wait3A_153] : memref<160000x128xf32, #tpu.memory_space<hbm>> -> memref<128x128xf32, #tpu.memory_space<hbm>>
        tpu.wait_dma2 semaphore(%arg13 : memref<!tpu.dma_semaphore, #tpu.memory_space<semaphore_mem>>) src(%dma_wait3A_154 : memref<128x128xf32, #tpu.memory_space<hbm>>) dst(%arg9 : memref<128x128xf32, #tpu.memory_space<vmem>>)
        %lt3A = arith.cmpi slt, %add3A_129, %select_n3A_73 : i32
        %convert_element_type3A_155 = arith.extui %lt3A : i1 to i32
        %cond3A_156 = arith.constant 0 : i32
        %cond3A_157 = arith.cmpi ne, %convert_element_type3A_155, %cond3A_156 : i32
        scf.if %cond3A_157 {
          %mul3A_158 = arith.constant 128 : i32
          %mul3A_159 = arith.muli %add3A_129, %mul3A_158 : i32
          %dma_start3A_160 = tpu.memref_slice %arg4[%mul3A_159] : memref<160000xi32, #tpu.memory_space<hbm>> -> memref<128xi32, #tpu.memory_space<hbm>>
          %dma_start3A_161 = tpu.memref_slice %arg4[%mul3A_159] : memref<160000xi32, #tpu.memory_space<hbm>> -> memref<128xi32, #tpu.memory_space<hbm>>
          tpu.enqueue_dma source(%dma_start3A_161 : memref<128xi32, #tpu.memory_space<hbm>>) target(%arg8 : memref<128xi32, #tpu.memory_space<vmem>>) target_semaphore(%arg12 : memref<!tpu.dma_semaphore, #tpu.memory_space<semaphore_mem>>)
          %eq3A_162 = arith.constant 0 : i32
          %eq3A_163 = arith.cmpi eq, %arg0, %eq3A_162 : i32
          %convert_element_type3A_164 = arith.extui %eq3A_163 : i1 to i32
          %cond3A_165 = arith.constant 0 : i32
          %cond3A_166 = arith.cmpi ne, %convert_element_type3A_164, %cond3A_165 : i32
          scf.if %cond3A_166 {
            %dma_start3A_172 = arith.constant 0 : i32
            %dma_start3A_173 = tpu.memref_slice %arg2[%mul3A_159, %dma_start3A_172] : memref<160000x128xf32, #tpu.memory_space<hbm>> -> memref<128x128xf32, #tpu.memory_space<hbm>>
            %dma_start3A_174 = arith.constant 0 : i32
            %dma_start3A_175 = tpu.memref_slice %arg2[%mul3A_159, %dma_start3A_174] : memref<160000x128xf32, #tpu.memory_space<hbm>> -> memref<128x128xf32, #tpu.memory_space<hbm>>
            tpu.enqueue_dma source(%dma_start3A_175 : memref<128x128xf32, #tpu.memory_space<hbm>>) target(%arg10 : memref<128x128xf32, #tpu.memory_space<vmem>>) target_semaphore(%arg14 : memref<!tpu.dma_semaphore, #tpu.memory_space<semaphore_mem>>)
          } else {
          }
          %eq3A_167 = arith.constant 1 : i32
          %eq3A_168 = arith.cmpi eq, %arg0, %eq3A_167 : i32
          %convert_element_type3A_169 = arith.extui %eq3A_168 : i1 to i32
          %cond3A_170 = arith.constant 0 : i32
          %cond3A_171 = arith.cmpi ne, %convert_element_type3A_169, %cond3A_170 : i32
          scf.if %cond3A_171 {
            %dma_start3A_172 = arith.constant 0 : i32
            %dma_start3A_173 = tpu.memref_slice %arg3[%mul3A_159, %dma_start3A_172] : memref<160000x128xf32, #tpu.memory_space<hbm>> -> memref<128x128xf32, #tpu.memory_space<hbm>>
            %dma_start3A_174 = arith.constant 0 : i32
            %dma_start3A_175 = tpu.memref_slice %arg3[%mul3A_159, %dma_start3A_174] : memref<160000x128xf32, #tpu.memory_space<hbm>> -> memref<128x128xf32, #tpu.memory_space<hbm>>
            tpu.enqueue_dma source(%dma_start3A_175 : memref<128x128xf32, #tpu.memory_space<hbm>>) target(%arg10 : memref<128x128xf32, #tpu.memory_space<vmem>>) target_semaphore(%arg14 : memref<!tpu.dma_semaphore, #tpu.memory_space<semaphore_mem>>)
          } else {
          }
        } else {
        }
        "tpu.region"() ({
          %run_scoped3A = tpu.sem_alloc : memref<!tpu.dma_semaphore, #tpu.memory_space<semaphore_mem>>
          %dma_start3A_158 = arith.constant 0 : i32
          %dma_start3A_159 = arith.constant 0 : i32
          %dma_start3A_160 = tpu.memref_slice %arg16[%dma_start3A_158, %dma_start3A_159] : memref<10000x128xf32, #tpu.memory_space<vmem_shared>> -> memref<10000x128xf32, #tpu.memory_space<vmem_shared>>
          tpu.enqueue_indirect_dma source(%arg9 : memref<128x128xf32, #tpu.memory_space<vmem>>) target(%dma_start3A_160 : memref<10000x128xf32, #tpu.memory_space<vmem_shared>>) offsets(%arg7 : memref<128xi32, #tpu.memory_space<vmem>>) semaphore(%run_scoped3A : memref<!tpu.dma_semaphore, #tpu.memory_space<semaphore_mem>>) {add = true}
          %dma_wait3A_161 = arith.constant 0 : i32
          %dma_wait3A_162 = arith.constant 0 : i32
          %dma_wait3A_163 = tpu.memref_slice %arg16[%dma_wait3A_161, %dma_wait3A_162] : memref<10000x128xf32, #tpu.memory_space<vmem_shared>> -> memref<10000x128xf32, #tpu.memory_space<vmem_shared>>
          tpu.wait_indirect_dma semaphore(%run_scoped3A : memref<!tpu.dma_semaphore, #tpu.memory_space<semaphore_mem>>) src(%arg9 : memref<128x128xf32, #tpu.memory_space<vmem>>) dst(%dma_wait3A_163 : memref<10000x128xf32, #tpu.memory_space<vmem_shared>>)
          tpu.yield
        }) : () -> ()
      } else {
      }
      %sub3A_138 = arith.subi %while3A_127, %select_n3A : i32
      %rem3A_139 = arith.constant 2 : i32
      %rem3A_140 = arith.remsi %sub3A_138, %rem3A_139 : i32
      %eq3A_141 = arith.constant 1 : i32
      %eq3A_142 = arith.cmpi eq, %rem3A_140, %eq3A_141 : i32
      %convert_element_type3A_143 = arith.extui %eq3A_142 : i1 to i32
      %cond3A_144 = arith.constant 0 : i32
      %cond3A_145 = arith.cmpi ne, %convert_element_type3A_143, %cond3A_144 : i32
      scf.if %cond3A_145 {
        %dma_wait3A = arith.constant 0 : i32
        %dma_wait3A_146 = tpu.memref_slice %arg4[%dma_wait3A] : memref<160000xi32, #tpu.memory_space<hbm>> -> memref<128xi32, #tpu.memory_space<hbm>>
        %dma_wait3A_147 = arith.constant 0 : i32
        %dma_wait3A_148 = tpu.memref_slice %arg4[%dma_wait3A_147] : memref<160000xi32, #tpu.memory_space<hbm>> -> memref<128xi32, #tpu.memory_space<hbm>>
        tpu.wait_dma2 semaphore(%arg12 : memref<!tpu.dma_semaphore, #tpu.memory_space<semaphore_mem>>) src(%dma_wait3A_148 : memref<128xi32, #tpu.memory_space<hbm>>) dst(%arg8 : memref<128xi32, #tpu.memory_space<vmem>>)
        %dma_wait3A_149 = arith.constant 0 : i32
        %dma_wait3A_150 = arith.constant 0 : i32
        %dma_wait3A_151 = tpu.memref_slice %arg2[%dma_wait3A_149, %dma_wait3A_150] : memref<160000x128xf32, #tpu.memory_space<hbm>> -> memref<128x128xf32, #tpu.memory_space<hbm>>
        %dma_wait3A_152 = arith.constant 0 : i32
        %dma_wait3A_153 = arith.constant 0 : i32
        %dma_wait3A_154 = tpu.memref_slice %arg2[%dma_wait3A_152, %dma_wait3A_153] : memref<160000x128xf32, #tpu.memory_space<hbm>> -> memref<128x128xf32, #tpu.memory_space<hbm>>
        tpu.wait_dma2 semaphore(%arg14 : memref<!tpu.dma_semaphore, #tpu.memory_space<semaphore_mem>>) src(%dma_wait3A_154 : memref<128x128xf32, #tpu.memory_space<hbm>>) dst(%arg10 : memref<128x128xf32, #tpu.memory_space<vmem>>)
        %lt3A = arith.cmpi slt, %add3A_129, %select_n3A_73 : i32
        %convert_element_type3A_155 = arith.extui %lt3A : i1 to i32
        %cond3A_156 = arith.constant 0 : i32
        %cond3A_157 = arith.cmpi ne, %convert_element_type3A_155, %cond3A_156 : i32
        scf.if %cond3A_157 {
          %mul3A_158 = arith.constant 128 : i32
          %mul3A_159 = arith.muli %add3A_129, %mul3A_158 : i32
          %dma_start3A_160 = tpu.memref_slice %arg4[%mul3A_159] : memref<160000xi32, #tpu.memory_space<hbm>> -> memref<128xi32, #tpu.memory_space<hbm>>
          %dma_start3A_161 = tpu.memref_slice %arg4[%mul3A_159] : memref<160000xi32, #tpu.memory_space<hbm>> -> memref<128xi32, #tpu.memory_space<hbm>>
          tpu.enqueue_dma source(%dma_start3A_161 : memref<128xi32, #tpu.memory_space<hbm>>) target(%arg7 : memref<128xi32, #tpu.memory_space<vmem>>) target_semaphore(%arg11 : memref<!tpu.dma_semaphore, #tpu.memory_space<semaphore_mem>>)
          %eq3A_162 = arith.constant 0 : i32
          %eq3A_163 = arith.cmpi eq, %arg0, %eq3A_162 : i32
          %convert_element_type3A_164 = arith.extui %eq3A_163 : i1 to i32
          %cond3A_165 = arith.constant 0 : i32
          %cond3A_166 = arith.cmpi ne, %convert_element_type3A_164, %cond3A_165 : i32
          scf.if %cond3A_166 {
            %dma_start3A_172 = arith.constant 0 : i32
            %dma_start3A_173 = tpu.memref_slice %arg2[%mul3A_159, %dma_start3A_172] : memref<160000x128xf32, #tpu.memory_space<hbm>> -> memref<128x128xf32, #tpu.memory_space<hbm>>
            %dma_start3A_174 = arith.constant 0 : i32
            %dma_start3A_175 = tpu.memref_slice %arg2[%mul3A_159, %dma_start3A_174] : memref<160000x128xf32, #tpu.memory_space<hbm>> -> memref<128x128xf32, #tpu.memory_space<hbm>>
            tpu.enqueue_dma source(%dma_start3A_175 : memref<128x128xf32, #tpu.memory_space<hbm>>) target(%arg9 : memref<128x128xf32, #tpu.memory_space<vmem>>) target_semaphore(%arg13 : memref<!tpu.dma_semaphore, #tpu.memory_space<semaphore_mem>>)
          } else {
          }
          %eq3A_167 = arith.constant 1 : i32
          %eq3A_168 = arith.cmpi eq, %arg0, %eq3A_167 : i32
          %convert_element_type3A_169 = arith.extui %eq3A_168 : i1 to i32
          %cond3A_170 = arith.constant 0 : i32
          %cond3A_171 = arith.cmpi ne, %convert_element_type3A_169, %cond3A_170 : i32
          scf.if %cond3A_171 {
            %dma_start3A_172 = arith.constant 0 : i32
            %dma_start3A_173 = tpu.memref_slice %arg3[%mul3A_159, %dma_start3A_172] : memref<160000x128xf32, #tpu.memory_space<hbm>> -> memref<128x128xf32, #tpu.memory_space<hbm>>
            %dma_start3A_174 = arith.constant 0 : i32
            %dma_start3A_175 = tpu.memref_slice %arg3[%mul3A_159, %dma_start3A_174] : memref<160000x128xf32, #tpu.memory_space<hbm>> -> memref<128x128xf32, #tpu.memory_space<hbm>>
            tpu.enqueue_dma source(%dma_start3A_175 : memref<128x128xf32, #tpu.memory_space<hbm>>) target(%arg9 : memref<128x128xf32, #tpu.memory_space<vmem>>) target_semaphore(%arg13 : memref<!tpu.dma_semaphore, #tpu.memory_space<semaphore_mem>>)
          } else {
          }
        } else {
        }
        "tpu.region"() ({
          %run_scoped3A = tpu.sem_alloc : memref<!tpu.dma_semaphore, #tpu.memory_space<semaphore_mem>>
          %dma_start3A_158 = arith.constant 0 : i32
          %dma_start3A_159 = arith.constant 0 : i32
          %dma_start3A_160 = tpu.memref_slice %arg16[%dma_start3A_158, %dma_start3A_159] : memref<10000x128xf32, #tpu.memory_space<vmem_shared>> -> memref<10000x128xf32, #tpu.memory_space<vmem_shared>>
          tpu.enqueue_indirect_dma source(%arg10 : memref<128x128xf32, #tpu.memory_space<vmem>>) target(%dma_start3A_160 : memref<10000x128xf32, #tpu.memory_space<vmem_shared>>) offsets(%arg8 : memref<128xi32, #tpu.memory_space<vmem>>) semaphore(%run_scoped3A : memref<!tpu.dma_semaphore, #tpu.memory_space<semaphore_mem>>) {add = true}
          %dma_wait3A_161 = arith.constant 0 : i32
          %dma_wait3A_162 = arith.constant 0 : i32
          %dma_wait3A_163 = tpu.memref_slice %arg16[%dma_wait3A_161, %dma_wait3A_162] : memref<10000x128xf32, #tpu.memory_space<vmem_shared>> -> memref<10000x128xf32, #tpu.memory_space<vmem_shared>>
          tpu.wait_indirect_dma semaphore(%run_scoped3A : memref<!tpu.dma_semaphore, #tpu.memory_space<semaphore_mem>>) src(%arg10 : memref<128x128xf32, #tpu.memory_space<vmem>>) dst(%dma_wait3A_163 : memref<10000x128xf32, #tpu.memory_space<vmem_shared>>)
          tpu.yield
        }) : () -> ()
      } else {
      }
    }
    %while3A_94 = arith.constant 1 : i32
    scf.for %while3A_127 = %while3A_92 to %while3A_88 step %while3A_94  : i32 {
      %add3A_128 = arith.constant 1 : i32
      %add3A_129 = arith.addi %while3A_127, %add3A_128 : i32
      %sub3A_130 = arith.subi %while3A_127, %select_n3A : i32
      %rem3A_131 = arith.constant 2 : i32
      %rem3A_132 = arith.remsi %sub3A_130, %rem3A_131 : i32
      %eq3A_133 = arith.constant 0 : i32
      %eq3A_134 = arith.cmpi eq, %rem3A_132, %eq3A_133 : i32
      %convert_element_type3A_135 = arith.extui %eq3A_134 : i1 to i32
      %cond3A_136 = arith.constant 0 : i32
      %cond3A_137 = arith.cmpi ne, %convert_element_type3A_135, %cond3A_136 : i32
      scf.if %cond3A_137 {
        %dma_wait3A = arith.constant 0 : i32
        %dma_wait3A_146 = tpu.memref_slice %arg4[%dma_wait3A] : memref<160000xi32, #tpu.memory_space<hbm>> -> memref<128xi32, #tpu.memory_space<hbm>>
        %dma_wait3A_147 = arith.constant 0 : i32
        %dma_wait3A_148 = tpu.memref_slice %arg4[%dma_wait3A_147] : memref<160000xi32, #tpu.memory_space<hbm>> -> memref<128xi32, #tpu.memory_space<hbm>>
        tpu.wait_dma2 semaphore(%arg11 : memref<!tpu.dma_semaphore, #tpu.memory_space<semaphore_mem>>) src(%dma_wait3A_148 : memref<128xi32, #tpu.memory_space<hbm>>) dst(%arg7 : memref<128xi32, #tpu.memory_space<vmem>>)
        %dma_wait3A_149 = arith.constant 0 : i32
        %dma_wait3A_150 = arith.constant 0 : i32
        %dma_wait3A_151 = tpu.memref_slice %arg2[%dma_wait3A_149, %dma_wait3A_150] : memref<160000x128xf32, #tpu.memory_space<hbm>> -> memref<128x128xf32, #tpu.memory_space<hbm>>
        %dma_wait3A_152 = arith.constant 0 : i32
        %dma_wait3A_153 = arith.constant 0 : i32
        %dma_wait3A_154 = tpu.memref_slice %arg2[%dma_wait3A_152, %dma_wait3A_153] : memref<160000x128xf32, #tpu.memory_space<hbm>> -> memref<128x128xf32, #tpu.memory_space<hbm>>
        tpu.wait_dma2 semaphore(%arg13 : memref<!tpu.dma_semaphore, #tpu.memory_space<semaphore_mem>>) src(%dma_wait3A_154 : memref<128x128xf32, #tpu.memory_space<hbm>>) dst(%arg9 : memref<128x128xf32, #tpu.memory_space<vmem>>)
        %lt3A = arith.cmpi slt, %add3A_129, %select_n3A_73 : i32
        %convert_element_type3A_155 = arith.extui %lt3A : i1 to i32
        %cond3A_156 = arith.constant 0 : i32
        %cond3A_157 = arith.cmpi ne, %convert_element_type3A_155, %cond3A_156 : i32
        scf.if %cond3A_157 {
          %mul3A_158 = arith.constant 128 : i32
          %mul3A_159 = arith.muli %add3A_129, %mul3A_158 : i32
          %dma_start3A_160 = tpu.memref_slice %arg4[%mul3A_159] : memref<160000xi32, #tpu.memory_space<hbm>> -> memref<128xi32, #tpu.memory_space<hbm>>
          %dma_start3A_161 = tpu.memref_slice %arg4[%mul3A_159] : memref<160000xi32, #tpu.memory_space<hbm>> -> memref<128xi32, #tpu.memory_space<hbm>>
          tpu.enqueue_dma source(%dma_start3A_161 : memref<128xi32, #tpu.memory_space<hbm>>) target(%arg8 : memref<128xi32, #tpu.memory_space<vmem>>) target_semaphore(%arg12 : memref<!tpu.dma_semaphore, #tpu.memory_space<semaphore_mem>>)
          %eq3A_162 = arith.constant 0 : i32
          %eq3A_163 = arith.cmpi eq, %arg0, %eq3A_162 : i32
          %convert_element_type3A_164 = arith.extui %eq3A_163 : i1 to i32
          %cond3A_165 = arith.constant 0 : i32
          %cond3A_166 = arith.cmpi ne, %convert_element_type3A_164, %cond3A_165 : i32
          scf.if %cond3A_166 {
            %dma_start3A_172 = arith.constant 0 : i32
            %dma_start3A_173 = tpu.memref_slice %arg2[%mul3A_159, %dma_start3A_172] : memref<160000x128xf32, #tpu.memory_space<hbm>> -> memref<128x128xf32, #tpu.memory_space<hbm>>
            %dma_start3A_174 = arith.constant 0 : i32
            %dma_start3A_175 = tpu.memref_slice %arg2[%mul3A_159, %dma_start3A_174] : memref<160000x128xf32, #tpu.memory_space<hbm>> -> memref<128x128xf32, #tpu.memory_space<hbm>>
            tpu.enqueue_dma source(%dma_start3A_175 : memref<128x128xf32, #tpu.memory_space<hbm>>) target(%arg10 : memref<128x128xf32, #tpu.memory_space<vmem>>) target_semaphore(%arg14 : memref<!tpu.dma_semaphore, #tpu.memory_space<semaphore_mem>>)
          } else {
          }
          %eq3A_167 = arith.constant 1 : i32
          %eq3A_168 = arith.cmpi eq, %arg0, %eq3A_167 : i32
          %convert_element_type3A_169 = arith.extui %eq3A_168 : i1 to i32
          %cond3A_170 = arith.constant 0 : i32
          %cond3A_171 = arith.cmpi ne, %convert_element_type3A_169, %cond3A_170 : i32
          scf.if %cond3A_171 {
            %dma_start3A_172 = arith.constant 0 : i32
            %dma_start3A_173 = tpu.memref_slice %arg3[%mul3A_159, %dma_start3A_172] : memref<160000x128xf32, #tpu.memory_space<hbm>> -> memref<128x128xf32, #tpu.memory_space<hbm>>
            %dma_start3A_174 = arith.constant 0 : i32
            %dma_start3A_175 = tpu.memref_slice %arg3[%mul3A_159, %dma_start3A_174] : memref<160000x128xf32, #tpu.memory_space<hbm>> -> memref<128x128xf32, #tpu.memory_space<hbm>>
            tpu.enqueue_dma source(%dma_start3A_175 : memref<128x128xf32, #tpu.memory_space<hbm>>) target(%arg10 : memref<128x128xf32, #tpu.memory_space<vmem>>) target_semaphore(%arg14 : memref<!tpu.dma_semaphore, #tpu.memory_space<semaphore_mem>>)
          } else {
          }
        } else {
        }
        "tpu.region"() ({
          %run_scoped3A = tpu.sem_alloc : memref<!tpu.dma_semaphore, #tpu.memory_space<semaphore_mem>>
          %dma_start3A_158 = arith.constant 0 : i32
          %dma_start3A_159 = arith.constant 0 : i32
          %dma_start3A_160 = tpu.memref_slice %arg16[%dma_start3A_158, %dma_start3A_159] : memref<10000x128xf32, #tpu.memory_space<vmem_shared>> -> memref<10000x128xf32, #tpu.memory_space<vmem_shared>>
          tpu.enqueue_indirect_dma source(%arg9 : memref<128x128xf32, #tpu.memory_space<vmem>>) target(%dma_start3A_160 : memref<10000x128xf32, #tpu.memory_space<vmem_shared>>) offsets(%arg7 : memref<128xi32, #tpu.memory_space<vmem>>) semaphore(%run_scoped3A : memref<!tpu.dma_semaphore, #tpu.memory_space<semaphore_mem>>) {add = true}
          %dma_wait3A_161 = arith.constant 0 : i32
          %dma_wait3A_162 = arith.constant 0 : i32
          %dma_wait3A_163 = tpu.memref_slice %arg16[%dma_wait3A_161, %dma_wait3A_162] : memref<10000x128xf32, #tpu.memory_space<vmem_shared>> -> memref<10000x128xf32, #tpu.memory_space<vmem_shared>>
          tpu.wait_indirect_dma semaphore(%run_scoped3A : memref<!tpu.dma_semaphore, #tpu.memory_space<semaphore_mem>>) src(%arg9 : memref<128x128xf32, #tpu.memory_space<vmem>>) dst(%dma_wait3A_163 : memref<10000x128xf32, #tpu.memory_space<vmem_shared>>)
          tpu.yield
        }) : () -> ()
      } else {
      }
      %sub3A_138 = arith.subi %while3A_127, %select_n3A : i32
      %rem3A_139 = arith.constant 2 : i32
      %rem3A_140 = arith.remsi %sub3A_138, %rem3A_139 : i32
      %eq3A_141 = arith.constant 1 : i32
      %eq3A_142 = arith.cmpi eq, %rem3A_140, %eq3A_141 : i32
      %convert_element_type3A_143 = arith.extui %eq3A_142 : i1 to i32
      %cond3A_144 = arith.constant 0 : i32
      %cond3A_145 = arith.cmpi ne, %convert_element_type3A_143, %cond3A_144 : i32
      scf.if %cond3A_145 {
        %dma_wait3A = arith.constant 0 : i32
        %dma_wait3A_146 = tpu.memref_slice %arg4[%dma_wait3A] : memref<160000xi32, #tpu.memory_space<hbm>> -> memref<128xi32, #tpu.memory_space<hbm>>
        %dma_wait3A_147 = arith.constant 0 : i32
        %dma_wait3A_148 = tpu.memref_slice %arg4[%dma_wait3A_147] : memref<160000xi32, #tpu.memory_space<hbm>> -> memref<128xi32, #tpu.memory_space<hbm>>
        tpu.wait_dma2 semaphore(%arg12 : memref<!tpu.dma_semaphore, #tpu.memory_space<semaphore_mem>>) src(%dma_wait3A_148 : memref<128xi32, #tpu.memory_space<hbm>>) dst(%arg8 : memref<128xi32, #tpu.memory_space<vmem>>)
        %dma_wait3A_149 = arith.constant 0 : i32
        %dma_wait3A_150 = arith.constant 0 : i32
        %dma_wait3A_151 = tpu.memref_slice %arg2[%dma_wait3A_149, %dma_wait3A_150] : memref<160000x128xf32, #tpu.memory_space<hbm>> -> memref<128x128xf32, #tpu.memory_space<hbm>>
        %dma_wait3A_152 = arith.constant 0 : i32
        %dma_wait3A_153 = arith.constant 0 : i32
        %dma_wait3A_154 = tpu.memref_slice %arg2[%dma_wait3A_152, %dma_wait3A_153] : memref<160000x128xf32, #tpu.memory_space<hbm>> -> memref<128x128xf32, #tpu.memory_space<hbm>>
        tpu.wait_dma2 semaphore(%arg14 : memref<!tpu.dma_semaphore, #tpu.memory_space<semaphore_mem>>) src(%dma_wait3A_154 : memref<128x128xf32, #tpu.memory_space<hbm>>) dst(%arg10 : memref<128x128xf32, #tpu.memory_space<vmem>>)
        %lt3A = arith.cmpi slt, %add3A_129, %select_n3A_73 : i32
        %convert_element_type3A_155 = arith.extui %lt3A : i1 to i32
        %cond3A_156 = arith.constant 0 : i32
        %cond3A_157 = arith.cmpi ne, %convert_element_type3A_155, %cond3A_156 : i32
        scf.if %cond3A_157 {
          %mul3A_158 = arith.constant 128 : i32
          %mul3A_159 = arith.muli %add3A_129, %mul3A_158 : i32
          %dma_start3A_160 = tpu.memref_slice %arg4[%mul3A_159] : memref<160000xi32, #tpu.memory_space<hbm>> -> memref<128xi32, #tpu.memory_space<hbm>>
          %dma_start3A_161 = tpu.memref_slice %arg4[%mul3A_159] : memref<160000xi32, #tpu.memory_space<hbm>> -> memref<128xi32, #tpu.memory_space<hbm>>
          tpu.enqueue_dma source(%dma_start3A_161 : memref<128xi32, #tpu.memory_space<hbm>>) target(%arg7 : memref<128xi32, #tpu.memory_space<vmem>>) target_semaphore(%arg11 : memref<!tpu.dma_semaphore, #tpu.memory_space<semaphore_mem>>)
          %eq3A_162 = arith.constant 0 : i32
          %eq3A_163 = arith.cmpi eq, %arg0, %eq3A_162 : i32
          %convert_element_type3A_164 = arith.extui %eq3A_163 : i1 to i32
          %cond3A_165 = arith.constant 0 : i32
          %cond3A_166 = arith.cmpi ne, %convert_element_type3A_164, %cond3A_165 : i32
          scf.if %cond3A_166 {
            %dma_start3A_172 = arith.constant 0 : i32
            %dma_start3A_173 = tpu.memref_slice %arg2[%mul3A_159, %dma_start3A_172] : memref<160000x128xf32, #tpu.memory_space<hbm>> -> memref<128x128xf32, #tpu.memory_space<hbm>>
            %dma_start3A_174 = arith.constant 0 : i32
            %dma_start3A_175 = tpu.memref_slice %arg2[%mul3A_159, %dma_start3A_174] : memref<160000x128xf32, #tpu.memory_space<hbm>> -> memref<128x128xf32, #tpu.memory_space<hbm>>
            tpu.enqueue_dma source(%dma_start3A_175 : memref<128x128xf32, #tpu.memory_space<hbm>>) target(%arg9 : memref<128x128xf32, #tpu.memory_space<vmem>>) target_semaphore(%arg13 : memref<!tpu.dma_semaphore, #tpu.memory_space<semaphore_mem>>)
          } else {
          }
          %eq3A_167 = arith.constant 1 : i32
          %eq3A_168 = arith.cmpi eq, %arg0, %eq3A_167 : i32
          %convert_element_type3A_169 = arith.extui %eq3A_168 : i1 to i32
          %cond3A_170 = arith.constant 0 : i32
          %cond3A_171 = arith.cmpi ne, %convert_element_type3A_169, %cond3A_170 : i32
          scf.if %cond3A_171 {
            %dma_start3A_172 = arith.constant 0 : i32
            %dma_start3A_173 = tpu.memref_slice %arg3[%mul3A_159, %dma_start3A_172] : memref<160000x128xf32, #tpu.memory_space<hbm>> -> memref<128x128xf32, #tpu.memory_space<hbm>>
            %dma_start3A_174 = arith.constant 0 : i32
            %dma_start3A_175 = tpu.memref_slice %arg3[%mul3A_159, %dma_start3A_174] : memref<160000x128xf32, #tpu.memory_space<hbm>> -> memref<128x128xf32, #tpu.memory_space<hbm>>
            tpu.enqueue_dma source(%dma_start3A_175 : memref<128x128xf32, #tpu.memory_space<hbm>>) target(%arg9 : memref<128x128xf32, #tpu.memory_space<vmem>>) target_semaphore(%arg13 : memref<!tpu.dma_semaphore, #tpu.memory_space<semaphore_mem>>)
          } else {
          }
        } else {
        }
        "tpu.region"() ({
          %run_scoped3A = tpu.sem_alloc : memref<!tpu.dma_semaphore, #tpu.memory_space<semaphore_mem>>
          %dma_start3A_158 = arith.constant 0 : i32
          %dma_start3A_159 = arith.constant 0 : i32
          %dma_start3A_160 = tpu.memref_slice %arg16[%dma_start3A_158, %dma_start3A_159] : memref<10000x128xf32, #tpu.memory_space<vmem_shared>> -> memref<10000x128xf32, #tpu.memory_space<vmem_shared>>
          tpu.enqueue_indirect_dma source(%arg10 : memref<128x128xf32, #tpu.memory_space<vmem>>) target(%dma_start3A_160 : memref<10000x128xf32, #tpu.memory_space<vmem_shared>>) offsets(%arg8 : memref<128xi32, #tpu.memory_space<vmem>>) semaphore(%run_scoped3A : memref<!tpu.dma_semaphore, #tpu.memory_space<semaphore_mem>>) {add = true}
          %dma_wait3A_161 = arith.constant 0 : i32
          %dma_wait3A_162 = arith.constant 0 : i32
          %dma_wait3A_163 = tpu.memref_slice %arg16[%dma_wait3A_161, %dma_wait3A_162] : memref<10000x128xf32, #tpu.memory_space<vmem_shared>> -> memref<10000x128xf32, #tpu.memory_space<vmem_shared>>
          tpu.wait_indirect_dma semaphore(%run_scoped3A : memref<!tpu.dma_semaphore, #tpu.memory_space<semaphore_mem>>) src(%arg10 : memref<128x128xf32, #tpu.memory_space<vmem>>) dst(%dma_wait3A_163 : memref<10000x128xf32, #tpu.memory_space<vmem_shared>>)
          tpu.yield
        }) : () -> ()
      } else {
      }
    }
    %barrier3A_95 = arith.constant 0 : index
    tpu.barrier barrier_id(%barrier3A_95)
    %add3A_96 = arith.constant 0 : i32
    %add3A_97 = arith.addi %mul3A_0, %add3A_96 : i32
    "tpu.region"() ({
      %run_scoped3A = tpu.sem_alloc : memref<!tpu.dma_semaphore, #tpu.memory_space<semaphore_mem>>
      %dma_start3A_127 = arith.constant 0 : i32
      %dma_start3A_128 = tpu.memref_slice %arg16[%add3A_97, %dma_start3A_127] : memref<10000x128xf32, #tpu.memory_space<vmem_shared>> -> memref<48x128xf32, #tpu.memory_space<vmem_shared>>
      %dma_start3A_129 = arith.constant 0 : i32
      %dma_start3A_130 = tpu.memref_slice %arg16[%add3A_97, %dma_start3A_129] : memref<10000x128xf32, #tpu.memory_space<vmem_shared>> -> memref<48x128xf32, #tpu.memory_space<vmem_shared>>
      tpu.enqueue_dma source(%dma_start3A_130 : memref<48x128xf32, #tpu.memory_space<vmem_shared>>) target(%arg15 : memref<48x128xf32, #tpu.memory_space<vmem>>) target_semaphore(%run_scoped3A : memref<!tpu.dma_semaphore, #tpu.memory_space<semaphore_mem>>)
      %dma_wait3A = arith.constant 0 : i32
      %dma_wait3A_131 = tpu.memref_slice %arg16[%add3A_97, %dma_wait3A] : memref<10000x128xf32, #tpu.memory_space<vmem_shared>> -> memref<48x128xf32, #tpu.memory_space<vmem_shared>>
      %dma_wait3A_132 = arith.constant 0 : i32
      %dma_wait3A_133 = tpu.memref_slice %arg16[%add3A_97, %dma_wait3A_132] : memref<10000x128xf32, #tpu.memory_space<vmem_shared>> -> memref<48x128xf32, #tpu.memory_space<vmem_shared>>
      tpu.wait_dma2 semaphore(%run_scoped3A : memref<!tpu.dma_semaphore, #tpu.memory_space<semaphore_mem>>) src(%dma_wait3A_133 : memref<48x128xf32, #tpu.memory_space<vmem_shared>>) dst(%arg15 : memref<48x128xf32, #tpu.memory_space<vmem>>)
      tpu.yield
    }) : () -> ()
    "tpu.region"() ({
      %run_scoped3A = tpu.sem_alloc : memref<!tpu.dma_semaphore, #tpu.memory_space<semaphore_mem>>
      %dma_start3A_127 = arith.constant 0 : i32
      %dma_start3A_128 = tpu.memref_slice %arg6[%arg0, %add3A_97, %dma_start3A_127] : memref<2x10000x128xf32, #tpu.memory_space<hbm>> -> memref<1x48x128xf32, #tpu.memory_space<hbm>>
      %dma_start3A_129 = tpu.memref_squeeze %dma_start3A_128 : memref<1x48x128xf32, #tpu.memory_space<hbm>> -> memref<48x128xf32, #tpu.memory_space<hbm>>
      %dma_start3A_130 = arith.constant 0 : i32
      %dma_start3A_131 = tpu.memref_slice %arg6[%arg0, %add3A_97, %dma_start3A_130] : memref<2x10000x128xf32, #tpu.memory_space<hbm>> -> memref<1x48x128xf32, #tpu.memory_space<hbm>>
      %dma_start3A_132 = tpu.memref_squeeze %dma_start3A_131 : memref<1x48x128xf32, #tpu.memory_space<hbm>> -> memref<48x128xf32, #tpu.memory_space<hbm>>
      tpu.enqueue_dma source(%arg15 : memref<48x128xf32, #tpu.memory_space<vmem>>) target(%dma_start3A_132 : memref<48x128xf32, #tpu.memory_space<hbm>>) target_semaphore(%run_scoped3A : memref<!tpu.dma_semaphore, #tpu.memory_space<semaphore_mem>>)
      %dma_wait3A = arith.constant 0 : i32
      %dma_wait3A_133 = tpu.memref_slice %arg6[%arg0, %add3A_97, %dma_wait3A] : memref<2x10000x128xf32, #tpu.memory_space<hbm>> -> memref<1x48x128xf32, #tpu.memory_space<hbm>>
      %dma_wait3A_134 = tpu.memref_squeeze %dma_wait3A_133 : memref<1x48x128xf32, #tpu.memory_space<hbm>> -> memref<48x128xf32, #tpu.memory_space<hbm>>
      %dma_wait3A_135 = arith.constant 0 : i32
      %dma_wait3A_136 = tpu.memref_slice %arg6[%arg0, %add3A_97, %dma_wait3A_135] : memref<2x10000x128xf32, #tpu.memory_space<hbm>> -> memref<1x48x128xf32, #tpu.memory_space<hbm>>
      %dma_wait3A_137 = tpu.memref_squeeze %dma_wait3A_136 : memref<1x48x128xf32, #tpu.memory_space<hbm>> -> memref<48x128xf32, #tpu.memory_space<hbm>>
      tpu.wait_dma2 semaphore(%run_scoped3A : memref<!tpu.dma_semaphore, #tpu.memory_space<semaphore_mem>>) src(%arg15 : memref<48x128xf32, #tpu.memory_space<vmem>>) dst(%dma_wait3A_137 : memref<48x128xf32, #tpu.memory_space<hbm>>)
      tpu.yield
    }) : () -> ()
    %add3A_98 = arith.constant 48 : i32
    %add3A_99 = arith.addi %mul3A_0, %add3A_98 : i32
    "tpu.region"() ({
      %run_scoped3A = tpu.sem_alloc : memref<!tpu.dma_semaphore, #tpu.memory_space<semaphore_mem>>
      %dma_start3A_127 = arith.constant 0 : i32
      %dma_start3A_128 = tpu.memref_slice %arg16[%add3A_99, %dma_start3A_127] : memref<10000x128xf32, #tpu.memory_space<vmem_shared>> -> memref<48x128xf32, #tpu.memory_space<vmem_shared>>
      %dma_start3A_129 = arith.constant 0 : i32
      %dma_start3A_130 = tpu.memref_slice %arg16[%add3A_99, %dma_start3A_129] : memref<10000x128xf32, #tpu.memory_space<vmem_shared>> -> memref<48x128xf32, #tpu.memory_space<vmem_shared>>
      tpu.enqueue_dma source(%dma_start3A_130 : memref<48x128xf32, #tpu.memory_space<vmem_shared>>) target(%arg15 : memref<48x128xf32, #tpu.memory_space<vmem>>) target_semaphore(%run_scoped3A : memref<!tpu.dma_semaphore, #tpu.memory_space<semaphore_mem>>)
      %dma_wait3A = arith.constant 0 : i32
      %dma_wait3A_131 = tpu.memref_slice %arg16[%add3A_99, %dma_wait3A] : memref<10000x128xf32, #tpu.memory_space<vmem_shared>> -> memref<48x128xf32, #tpu.memory_space<vmem_shared>>
      %dma_wait3A_132 = arith.constant 0 : i32
      %dma_wait3A_133 = tpu.memref_slice %arg16[%add3A_99, %dma_wait3A_132] : memref<10000x128xf32, #tpu.memory_space<vmem_shared>> -> memref<48x128xf32, #tpu.memory_space<vmem_shared>>
      tpu.wait_dma2 semaphore(%run_scoped3A : memref<!tpu.dma_semaphore, #tpu.memory_space<semaphore_mem>>) src(%dma_wait3A_133 : memref<48x128xf32, #tpu.memory_space<vmem_shared>>) dst(%arg15 : memref<48x128xf32, #tpu.memory_space<vmem>>)
      tpu.yield
    }) : () -> ()
    "tpu.region"() ({
      %run_scoped3A = tpu.sem_alloc : memref<!tpu.dma_semaphore, #tpu.memory_space<semaphore_mem>>
      %dma_start3A_127 = arith.constant 0 : i32
      %dma_start3A_128 = tpu.memref_slice %arg6[%arg0, %add3A_99, %dma_start3A_127] : memref<2x10000x128xf32, #tpu.memory_space<hbm>> -> memref<1x48x128xf32, #tpu.memory_space<hbm>>
      %dma_start3A_129 = tpu.memref_squeeze %dma_start3A_128 : memref<1x48x128xf32, #tpu.memory_space<hbm>> -> memref<48x128xf32, #tpu.memory_space<hbm>>
      %dma_start3A_130 = arith.constant 0 : i32
      %dma_start3A_131 = tpu.memref_slice %arg6[%arg0, %add3A_99, %dma_start3A_130] : memref<2x10000x128xf32, #tpu.memory_space<hbm>> -> memref<1x48x128xf32, #tpu.memory_space<hbm>>
      %dma_start3A_132 = tpu.memref_squeeze %dma_start3A_131 : memref<1x48x128xf32, #tpu.memory_space<hbm>> -> memref<48x128xf32, #tpu.memory_space<hbm>>
      tpu.enqueue_dma source(%arg15 : memref<48x128xf32, #tpu.memory_space<vmem>>) target(%dma_start3A_132 : memref<48x128xf32, #tpu.memory_space<hbm>>) target_semaphore(%run_scoped3A : memref<!tpu.dma_semaphore, #tpu.memory_space<semaphore_mem>>)
      %dma_wait3A = arith.constant 0 : i32
      %dma_wait3A_133 = tpu.memref_slice %arg6[%arg0, %add3A_99, %dma_wait3A] : memref<2x10000x128xf32, #tpu.memory_space<hbm>> -> memref<1x48x128xf32, #tpu.memory_space<hbm>>
      %dma_wait3A_134 = tpu.memref_squeeze %dma_wait3A_133 : memref<1x48x128xf32, #tpu.memory_space<hbm>> -> memref<48x128xf32, #tpu.memory_space<hbm>>
      %dma_wait3A_135 = arith.constant 0 : i32
      %dma_wait3A_136 = tpu.memref_slice %arg6[%arg0, %add3A_99, %dma_wait3A_135] : memref<2x10000x128xf32, #tpu.memory_space<hbm>> -> memref<1x48x128xf32, #tpu.memory_space<hbm>>
      %dma_wait3A_137 = tpu.memref_squeeze %dma_wait3A_136 : memref<1x48x128xf32, #tpu.memory_space<hbm>> -> memref<48x128xf32, #tpu.memory_space<hbm>>
      tpu.wait_dma2 semaphore(%run_scoped3A : memref<!tpu.dma_semaphore, #tpu.memory_space<semaphore_mem>>) src(%arg15 : memref<48x128xf32, #tpu.memory_space<vmem>>) dst(%dma_wait3A_137 : memref<48x128xf32, #tpu.memory_space<hbm>>)
      tpu.yield
    }) : () -> ()
    %add3A_100 = arith.constant 96 : i32
    %add3A_101 = arith.addi %mul3A_0, %add3A_100 : i32
    "tpu.region"() ({
      %run_scoped3A = tpu.sem_alloc : memref<!tpu.dma_semaphore, #tpu.memory_space<semaphore_mem>>
      %dma_start3A_127 = arith.constant 0 : i32
      %dma_start3A_128 = tpu.memref_slice %arg16[%add3A_101, %dma_start3A_127] : memref<10000x128xf32, #tpu.memory_space<vmem_shared>> -> memref<48x128xf32, #tpu.memory_space<vmem_shared>>
      %dma_start3A_129 = arith.constant 0 : i32
      %dma_start3A_130 = tpu.memref_slice %arg16[%add3A_101, %dma_start3A_129] : memref<10000x128xf32, #tpu.memory_space<vmem_shared>> -> memref<48x128xf32, #tpu.memory_space<vmem_shared>>
      tpu.enqueue_dma source(%dma_start3A_130 : memref<48x128xf32, #tpu.memory_space<vmem_shared>>) target(%arg15 : memref<48x128xf32, #tpu.memory_space<vmem>>) target_semaphore(%run_scoped3A : memref<!tpu.dma_semaphore, #tpu.memory_space<semaphore_mem>>)
      %dma_wait3A = arith.constant 0 : i32
      %dma_wait3A_131 = tpu.memref_slice %arg16[%add3A_101, %dma_wait3A] : memref<10000x128xf32, #tpu.memory_space<vmem_shared>> -> memref<48x128xf32, #tpu.memory_space<vmem_shared>>
      %dma_wait3A_132 = arith.constant 0 : i32
      %dma_wait3A_133 = tpu.memref_slice %arg16[%add3A_101, %dma_wait3A_132] : memref<10000x128xf32, #tpu.memory_space<vmem_shared>> -> memref<48x128xf32, #tpu.memory_space<vmem_shared>>
      tpu.wait_dma2 semaphore(%run_scoped3A : memref<!tpu.dma_semaphore, #tpu.memory_space<semaphore_mem>>) src(%dma_wait3A_133 : memref<48x128xf32, #tpu.memory_space<vmem_shared>>) dst(%arg15 : memref<48x128xf32, #tpu.memory_space<vmem>>)
      tpu.yield
    }) : () -> ()
    "tpu.region"() ({
      %run_scoped3A = tpu.sem_alloc : memref<!tpu.dma_semaphore, #tpu.memory_space<semaphore_mem>>
      %dma_start3A_127 = arith.constant 0 : i32
      %dma_start3A_128 = tpu.memref_slice %arg6[%arg0, %add3A_101, %dma_start3A_127] : memref<2x10000x128xf32, #tpu.memory_space<hbm>> -> memref<1x48x128xf32, #tpu.memory_space<hbm>>
      %dma_start3A_129 = tpu.memref_squeeze %dma_start3A_128 : memref<1x48x128xf32, #tpu.memory_space<hbm>> -> memref<48x128xf32, #tpu.memory_space<hbm>>
      %dma_start3A_130 = arith.constant 0 : i32
      %dma_start3A_131 = tpu.memref_slice %arg6[%arg0, %add3A_101, %dma_start3A_130] : memref<2x10000x128xf32, #tpu.memory_space<hbm>> -> memref<1x48x128xf32, #tpu.memory_space<hbm>>
      %dma_start3A_132 = tpu.memref_squeeze %dma_start3A_131 : memref<1x48x128xf32, #tpu.memory_space<hbm>> -> memref<48x128xf32, #tpu.memory_space<hbm>>
      tpu.enqueue_dma source(%arg15 : memref<48x128xf32, #tpu.memory_space<vmem>>) target(%dma_start3A_132 : memref<48x128xf32, #tpu.memory_space<hbm>>) target_semaphore(%run_scoped3A : memref<!tpu.dma_semaphore, #tpu.memory_space<semaphore_mem>>)
      %dma_wait3A = arith.constant 0 : i32
      %dma_wait3A_133 = tpu.memref_slice %arg6[%arg0, %add3A_101, %dma_wait3A] : memref<2x10000x128xf32, #tpu.memory_space<hbm>> -> memref<1x48x128xf32, #tpu.memory_space<hbm>>
      %dma_wait3A_134 = tpu.memref_squeeze %dma_wait3A_133 : memref<1x48x128xf32, #tpu.memory_space<hbm>> -> memref<48x128xf32, #tpu.memory_space<hbm>>
      %dma_wait3A_135 = arith.constant 0 : i32
      %dma_wait3A_136 = tpu.memref_slice %arg6[%arg0, %add3A_101, %dma_wait3A_135] : memref<2x10000x128xf32, #tpu.memory_space<hbm>> -> memref<1x48x128xf32, #tpu.memory_space<hbm>>
      %dma_wait3A_137 = tpu.memref_squeeze %dma_wait3A_136 : memref<1x48x128xf32, #tpu.memory_space<hbm>> -> memref<48x128xf32, #tpu.memory_space<hbm>>
      tpu.wait_dma2 semaphore(%run_scoped3A : memref<!tpu.dma_semaphore, #tpu.memory_space<semaphore_mem>>) src(%arg15 : memref<48x128xf32, #tpu.memory_space<vmem>>) dst(%dma_wait3A_137 : memref<48x128xf32, #tpu.memory_space<hbm>>)
      tpu.yield
    }) : () -> ()
    %add3A_102 = arith.constant 144 : i32
    %add3A_103 = arith.addi %mul3A_0, %add3A_102 : i32
    "tpu.region"() ({
      %run_scoped3A = tpu.sem_alloc : memref<!tpu.dma_semaphore, #tpu.memory_space<semaphore_mem>>
      %dma_start3A_127 = arith.constant 0 : i32
      %dma_start3A_128 = tpu.memref_slice %arg16[%add3A_103, %dma_start3A_127] : memref<10000x128xf32, #tpu.memory_space<vmem_shared>> -> memref<48x128xf32, #tpu.memory_space<vmem_shared>>
      %dma_start3A_129 = arith.constant 0 : i32
      %dma_start3A_130 = tpu.memref_slice %arg16[%add3A_103, %dma_start3A_129] : memref<10000x128xf32, #tpu.memory_space<vmem_shared>> -> memref<48x128xf32, #tpu.memory_space<vmem_shared>>
      tpu.enqueue_dma source(%dma_start3A_130 : memref<48x128xf32, #tpu.memory_space<vmem_shared>>) target(%arg15 : memref<48x128xf32, #tpu.memory_space<vmem>>) target_semaphore(%run_scoped3A : memref<!tpu.dma_semaphore, #tpu.memory_space<semaphore_mem>>)
      %dma_wait3A = arith.constant 0 : i32
      %dma_wait3A_131 = tpu.memref_slice %arg16[%add3A_103, %dma_wait3A] : memref<10000x128xf32, #tpu.memory_space<vmem_shared>> -> memref<48x128xf32, #tpu.memory_space<vmem_shared>>
      %dma_wait3A_132 = arith.constant 0 : i32
      %dma_wait3A_133 = tpu.memref_slice %arg16[%add3A_103, %dma_wait3A_132] : memref<10000x128xf32, #tpu.memory_space<vmem_shared>> -> memref<48x128xf32, #tpu.memory_space<vmem_shared>>
      tpu.wait_dma2 semaphore(%run_scoped3A : memref<!tpu.dma_semaphore, #tpu.memory_space<semaphore_mem>>) src(%dma_wait3A_133 : memref<48x128xf32, #tpu.memory_space<vmem_shared>>) dst(%arg15 : memref<48x128xf32, #tpu.memory_space<vmem>>)
      tpu.yield
    }) : () -> ()
    "tpu.region"() ({
      %run_scoped3A = tpu.sem_alloc : memref<!tpu.dma_semaphore, #tpu.memory_space<semaphore_mem>>
      %dma_start3A_127 = arith.constant 0 : i32
      %dma_start3A_128 = tpu.memref_slice %arg6[%arg0, %add3A_103, %dma_start3A_127] : memref<2x10000x128xf32, #tpu.memory_space<hbm>> -> memref<1x48x128xf32, #tpu.memory_space<hbm>>
      %dma_start3A_129 = tpu.memref_squeeze %dma_start3A_128 : memref<1x48x128xf32, #tpu.memory_space<hbm>> -> memref<48x128xf32, #tpu.memory_space<hbm>>
      %dma_start3A_130 = arith.constant 0 : i32
      %dma_start3A_131 = tpu.memref_slice %arg6[%arg0, %add3A_103, %dma_start3A_130] : memref<2x10000x128xf32, #tpu.memory_space<hbm>> -> memref<1x48x128xf32, #tpu.memory_space<hbm>>
      %dma_start3A_132 = tpu.memref_squeeze %dma_start3A_131 : memref<1x48x128xf32, #tpu.memory_space<hbm>> -> memref<48x128xf32, #tpu.memory_space<hbm>>
      tpu.enqueue_dma source(%arg15 : memref<48x128xf32, #tpu.memory_space<vmem>>) target(%dma_start3A_132 : memref<48x128xf32, #tpu.memory_space<hbm>>) target_semaphore(%run_scoped3A : memref<!tpu.dma_semaphore, #tpu.memory_space<semaphore_mem>>)
      %dma_wait3A = arith.constant 0 : i32
      %dma_wait3A_133 = tpu.memref_slice %arg6[%arg0, %add3A_103, %dma_wait3A] : memref<2x10000x128xf32, #tpu.memory_space<hbm>> -> memref<1x48x128xf32, #tpu.memory_space<hbm>>
      %dma_wait3A_134 = tpu.memref_squeeze %dma_wait3A_133 : memref<1x48x128xf32, #tpu.memory_space<hbm>> -> memref<48x128xf32, #tpu.memory_space<hbm>>
      %dma_wait3A_135 = arith.constant 0 : i32
      %dma_wait3A_136 = tpu.memref_slice %arg6[%arg0, %add3A_103, %dma_wait3A_135] : memref<2x10000x128xf32, #tpu.memory_space<hbm>> -> memref<1x48x128xf32, #tpu.memory_space<hbm>>
      %dma_wait3A_137 = tpu.memref_squeeze %dma_wait3A_136 : memref<1x48x128xf32, #tpu.memory_space<hbm>> -> memref<48x128xf32, #tpu.memory_space<hbm>>
      tpu.wait_dma2 semaphore(%run_scoped3A : memref<!tpu.dma_semaphore, #tpu.memory_space<semaphore_mem>>) src(%arg15 : memref<48x128xf32, #tpu.memory_space<vmem>>) dst(%dma_wait3A_137 : memref<48x128xf32, #tpu.memory_space<hbm>>)
      tpu.yield
    }) : () -> ()
    %add3A_104 = arith.constant 192 : i32
    %add3A_105 = arith.addi %mul3A_0, %add3A_104 : i32
    "tpu.region"() ({
      %run_scoped3A = tpu.sem_alloc : memref<!tpu.dma_semaphore, #tpu.memory_space<semaphore_mem>>
      %dma_start3A_127 = arith.constant 0 : i32
      %dma_start3A_128 = tpu.memref_slice %arg16[%add3A_105, %dma_start3A_127] : memref<10000x128xf32, #tpu.memory_space<vmem_shared>> -> memref<48x128xf32, #tpu.memory_space<vmem_shared>>
      %dma_start3A_129 = arith.constant 0 : i32
      %dma_start3A_130 = tpu.memref_slice %arg16[%add3A_105, %dma_start3A_129] : memref<10000x128xf32, #tpu.memory_space<vmem_shared>> -> memref<48x128xf32, #tpu.memory_space<vmem_shared>>
      tpu.enqueue_dma source(%dma_start3A_130 : memref<48x128xf32, #tpu.memory_space<vmem_shared>>) target(%arg15 : memref<48x128xf32, #tpu.memory_space<vmem>>) target_semaphore(%run_scoped3A : memref<!tpu.dma_semaphore, #tpu.memory_space<semaphore_mem>>)
      %dma_wait3A = arith.constant 0 : i32
      %dma_wait3A_131 = tpu.memref_slice %arg16[%add3A_105, %dma_wait3A] : memref<10000x128xf32, #tpu.memory_space<vmem_shared>> -> memref<48x128xf32, #tpu.memory_space<vmem_shared>>
      %dma_wait3A_132 = arith.constant 0 : i32
      %dma_wait3A_133 = tpu.memref_slice %arg16[%add3A_105, %dma_wait3A_132] : memref<10000x128xf32, #tpu.memory_space<vmem_shared>> -> memref<48x128xf32, #tpu.memory_space<vmem_shared>>
      tpu.wait_dma2 semaphore(%run_scoped3A : memref<!tpu.dma_semaphore, #tpu.memory_space<semaphore_mem>>) src(%dma_wait3A_133 : memref<48x128xf32, #tpu.memory_space<vmem_shared>>) dst(%arg15 : memref<48x128xf32, #tpu.memory_space<vmem>>)
      tpu.yield
    }) : () -> ()
    "tpu.region"() ({
      %run_scoped3A = tpu.sem_alloc : memref<!tpu.dma_semaphore, #tpu.memory_space<semaphore_mem>>
      %dma_start3A_127 = arith.constant 0 : i32
      %dma_start3A_128 = tpu.memref_slice %arg6[%arg0, %add3A_105, %dma_start3A_127] : memref<2x10000x128xf32, #tpu.memory_space<hbm>> -> memref<1x48x128xf32, #tpu.memory_space<hbm>>
      %dma_start3A_129 = tpu.memref_squeeze %dma_start3A_128 : memref<1x48x128xf32, #tpu.memory_space<hbm>> -> memref<48x128xf32, #tpu.memory_space<hbm>>
      %dma_start3A_130 = arith.constant 0 : i32
      %dma_start3A_131 = tpu.memref_slice %arg6[%arg0, %add3A_105, %dma_start3A_130] : memref<2x10000x128xf32, #tpu.memory_space<hbm>> -> memref<1x48x128xf32, #tpu.memory_space<hbm>>
      %dma_start3A_132 = tpu.memref_squeeze %dma_start3A_131 : memref<1x48x128xf32, #tpu.memory_space<hbm>> -> memref<48x128xf32, #tpu.memory_space<hbm>>
      tpu.enqueue_dma source(%arg15 : memref<48x128xf32, #tpu.memory_space<vmem>>) target(%dma_start3A_132 : memref<48x128xf32, #tpu.memory_space<hbm>>) target_semaphore(%run_scoped3A : memref<!tpu.dma_semaphore, #tpu.memory_space<semaphore_mem>>)
      %dma_wait3A = arith.constant 0 : i32
      %dma_wait3A_133 = tpu.memref_slice %arg6[%arg0, %add3A_105, %dma_wait3A] : memref<2x10000x128xf32, #tpu.memory_space<hbm>> -> memref<1x48x128xf32, #tpu.memory_space<hbm>>
      %dma_wait3A_134 = tpu.memref_squeeze %dma_wait3A_133 : memref<1x48x128xf32, #tpu.memory_space<hbm>> -> memref<48x128xf32, #tpu.memory_space<hbm>>
      %dma_wait3A_135 = arith.constant 0 : i32
      %dma_wait3A_136 = tpu.memref_slice %arg6[%arg0, %add3A_105, %dma_wait3A_135] : memref<2x10000x128xf32, #tpu.memory_space<hbm>> -> memref<1x48x128xf32, #tpu.memory_space<hbm>>
      %dma_wait3A_137 = tpu.memref_squeeze %dma_wait3A_136 : memref<1x48x128xf32, #tpu.memory_space<hbm>> -> memref<48x128xf32, #tpu.memory_space<hbm>>
      tpu.wait_dma2 semaphore(%run_scoped3A : memref<!tpu.dma_semaphore, #tpu.memory_space<semaphore_mem>>) src(%arg15 : memref<48x128xf32, #tpu.memory_space<vmem>>) dst(%dma_wait3A_137 : memref<48x128xf32, #tpu.memory_space<hbm>>)
      tpu.yield
    }) : () -> ()
    %add3A_106 = arith.constant 240 : i32
    %add3A_107 = arith.addi %mul3A_0, %add3A_106 : i32
    "tpu.region"() ({
      %run_scoped3A = tpu.sem_alloc : memref<!tpu.dma_semaphore, #tpu.memory_space<semaphore_mem>>
      %dma_start3A_127 = arith.constant 0 : i32
      %dma_start3A_128 = tpu.memref_slice %arg16[%add3A_107, %dma_start3A_127] : memref<10000x128xf32, #tpu.memory_space<vmem_shared>> -> memref<48x128xf32, #tpu.memory_space<vmem_shared>>
      %dma_start3A_129 = arith.constant 0 : i32
      %dma_start3A_130 = tpu.memref_slice %arg16[%add3A_107, %dma_start3A_129] : memref<10000x128xf32, #tpu.memory_space<vmem_shared>> -> memref<48x128xf32, #tpu.memory_space<vmem_shared>>
      tpu.enqueue_dma source(%dma_start3A_130 : memref<48x128xf32, #tpu.memory_space<vmem_shared>>) target(%arg15 : memref<48x128xf32, #tpu.memory_space<vmem>>) target_semaphore(%run_scoped3A : memref<!tpu.dma_semaphore, #tpu.memory_space<semaphore_mem>>)
      %dma_wait3A = arith.constant 0 : i32
      %dma_wait3A_131 = tpu.memref_slice %arg16[%add3A_107, %dma_wait3A] : memref<10000x128xf32, #tpu.memory_space<vmem_shared>> -> memref<48x128xf32, #tpu.memory_space<vmem_shared>>
      %dma_wait3A_132 = arith.constant 0 : i32
      %dma_wait3A_133 = tpu.memref_slice %arg16[%add3A_107, %dma_wait3A_132] : memref<10000x128xf32, #tpu.memory_space<vmem_shared>> -> memref<48x128xf32, #tpu.memory_space<vmem_shared>>
      tpu.wait_dma2 semaphore(%run_scoped3A : memref<!tpu.dma_semaphore, #tpu.memory_space<semaphore_mem>>) src(%dma_wait3A_133 : memref<48x128xf32, #tpu.memory_space<vmem_shared>>) dst(%arg15 : memref<48x128xf32, #tpu.memory_space<vmem>>)
      tpu.yield
    }) : () -> ()
    "tpu.region"() ({
      %run_scoped3A = tpu.sem_alloc : memref<!tpu.dma_semaphore, #tpu.memory_space<semaphore_mem>>
      %dma_start3A_127 = arith.constant 0 : i32
      %dma_start3A_128 = tpu.memref_slice %arg6[%arg0, %add3A_107, %dma_start3A_127] : memref<2x10000x128xf32, #tpu.memory_space<hbm>> -> memref<1x48x128xf32, #tpu.memory_space<hbm>>
      %dma_start3A_129 = tpu.memref_squeeze %dma_start3A_128 : memref<1x48x128xf32, #tpu.memory_space<hbm>> -> memref<48x128xf32, #tpu.memory_space<hbm>>
      %dma_start3A_130 = arith.constant 0 : i32
      %dma_start3A_131 = tpu.memref_slice %arg6[%arg0, %add3A_107, %dma_start3A_130] : memref<2x10000x128xf32, #tpu.memory_space<hbm>> -> memref<1x48x128xf32, #tpu.memory_space<hbm>>
      %dma_start3A_132 = tpu.memref_squeeze %dma_start3A_131 : memref<1x48x128xf32, #tpu.memory_space<hbm>> -> memref<48x128xf32, #tpu.memory_space<hbm>>
      tpu.enqueue_dma source(%arg15 : memref<48x128xf32, #tpu.memory_space<vmem>>) target(%dma_start3A_132 : memref<48x128xf32, #tpu.memory_space<hbm>>) target_semaphore(%run_scoped3A : memref<!tpu.dma_semaphore, #tpu.memory_space<semaphore_mem>>)
      %dma_wait3A = arith.constant 0 : i32
      %dma_wait3A_133 = tpu.memref_slice %arg6[%arg0, %add3A_107, %dma_wait3A] : memref<2x10000x128xf32, #tpu.memory_space<hbm>> -> memref<1x48x128xf32, #tpu.memory_space<hbm>>
      %dma_wait3A_134 = tpu.memref_squeeze %dma_wait3A_133 : memref<1x48x128xf32, #tpu.memory_space<hbm>> -> memref<48x128xf32, #tpu.memory_space<hbm>>
      %dma_wait3A_135 = arith.constant 0 : i32
      %dma_wait3A_136 = tpu.memref_slice %arg6[%arg0, %add3A_107, %dma_wait3A_135] : memref<2x10000x128xf32, #tpu.memory_space<hbm>> -> memref<1x48x128xf32, #tpu.memory_space<hbm>>
      %dma_wait3A_137 = tpu.memref_squeeze %dma_wait3A_136 : memref<1x48x128xf32, #tpu.memory_space<hbm>> -> memref<48x128xf32, #tpu.memory_space<hbm>>
      tpu.wait_dma2 semaphore(%run_scoped3A : memref<!tpu.dma_semaphore, #tpu.memory_space<semaphore_mem>>) src(%arg15 : memref<48x128xf32, #tpu.memory_space<vmem>>) dst(%dma_wait3A_137 : memref<48x128xf32, #tpu.memory_space<hbm>>)
      tpu.yield
    }) : () -> ()
    %add3A_108 = arith.constant 288 : i32
    %add3A_109 = arith.addi %mul3A_0, %add3A_108 : i32
    "tpu.region"() ({
      %run_scoped3A = tpu.sem_alloc : memref<!tpu.dma_semaphore, #tpu.memory_space<semaphore_mem>>
      %dma_start3A_127 = arith.constant 0 : i32
      %dma_start3A_128 = tpu.memref_slice %arg16[%add3A_109, %dma_start3A_127] : memref<10000x128xf32, #tpu.memory_space<vmem_shared>> -> memref<48x128xf32, #tpu.memory_space<vmem_shared>>
      %dma_start3A_129 = arith.constant 0 : i32
      %dma_start3A_130 = tpu.memref_slice %arg16[%add3A_109, %dma_start3A_129] : memref<10000x128xf32, #tpu.memory_space<vmem_shared>> -> memref<48x128xf32, #tpu.memory_space<vmem_shared>>
      tpu.enqueue_dma source(%dma_start3A_130 : memref<48x128xf32, #tpu.memory_space<vmem_shared>>) target(%arg15 : memref<48x128xf32, #tpu.memory_space<vmem>>) target_semaphore(%run_scoped3A : memref<!tpu.dma_semaphore, #tpu.memory_space<semaphore_mem>>)
      %dma_wait3A = arith.constant 0 : i32
      %dma_wait3A_131 = tpu.memref_slice %arg16[%add3A_109, %dma_wait3A] : memref<10000x128xf32, #tpu.memory_space<vmem_shared>> -> memref<48x128xf32, #tpu.memory_space<vmem_shared>>
      %dma_wait3A_132 = arith.constant 0 : i32
      %dma_wait3A_133 = tpu.memref_slice %arg16[%add3A_109, %dma_wait3A_132] : memref<10000x128xf32, #tpu.memory_space<vmem_shared>> -> memref<48x128xf32, #tpu.memory_space<vmem_shared>>
      tpu.wait_dma2 semaphore(%run_scoped3A : memref<!tpu.dma_semaphore, #tpu.memory_space<semaphore_mem>>) src(%dma_wait3A_133 : memref<48x128xf32, #tpu.memory_space<vmem_shared>>) dst(%arg15 : memref<48x128xf32, #tpu.memory_space<vmem>>)
      tpu.yield
    }) : () -> ()
    "tpu.region"() ({
      %run_scoped3A = tpu.sem_alloc : memref<!tpu.dma_semaphore, #tpu.memory_space<semaphore_mem>>
      %dma_start3A_127 = arith.constant 0 : i32
      %dma_start3A_128 = tpu.memref_slice %arg6[%arg0, %add3A_109, %dma_start3A_127] : memref<2x10000x128xf32, #tpu.memory_space<hbm>> -> memref<1x48x128xf32, #tpu.memory_space<hbm>>
      %dma_start3A_129 = tpu.memref_squeeze %dma_start3A_128 : memref<1x48x128xf32, #tpu.memory_space<hbm>> -> memref<48x128xf32, #tpu.memory_space<hbm>>
      %dma_start3A_130 = arith.constant 0 : i32
      %dma_start3A_131 = tpu.memref_slice %arg6[%arg0, %add3A_109, %dma_start3A_130] : memref<2x10000x128xf32, #tpu.memory_space<hbm>> -> memref<1x48x128xf32, #tpu.memory_space<hbm>>
      %dma_start3A_132 = tpu.memref_squeeze %dma_start3A_131 : memref<1x48x128xf32, #tpu.memory_space<hbm>> -> memref<48x128xf32, #tpu.memory_space<hbm>>
      tpu.enqueue_dma source(%arg15 : memref<48x128xf32, #tpu.memory_space<vmem>>) target(%dma_start3A_132 : memref<48x128xf32, #tpu.memory_space<hbm>>) target_semaphore(%run_scoped3A : memref<!tpu.dma_semaphore, #tpu.memory_space<semaphore_mem>>)
      %dma_wait3A = arith.constant 0 : i32
      %dma_wait3A_133 = tpu.memref_slice %arg6[%arg0, %add3A_109, %dma_wait3A] : memref<2x10000x128xf32, #tpu.memory_space<hbm>> -> memref<1x48x128xf32, #tpu.memory_space<hbm>>
      %dma_wait3A_134 = tpu.memref_squeeze %dma_wait3A_133 : memref<1x48x128xf32, #tpu.memory_space<hbm>> -> memref<48x128xf32, #tpu.memory_space<hbm>>
      %dma_wait3A_135 = arith.constant 0 : i32
      %dma_wait3A_136 = tpu.memref_slice %arg6[%arg0, %add3A_109, %dma_wait3A_135] : memref<2x10000x128xf32, #tpu.memory_space<hbm>> -> memref<1x48x128xf32, #tpu.memory_space<hbm>>
      %dma_wait3A_137 = tpu.memref_squeeze %dma_wait3A_136 : memref<1x48x128xf32, #tpu.memory_space<hbm>> -> memref<48x128xf32, #tpu.memory_space<hbm>>
      tpu.wait_dma2 semaphore(%run_scoped3A : memref<!tpu.dma_semaphore, #tpu.memory_space<semaphore_mem>>) src(%arg15 : memref<48x128xf32, #tpu.memory_space<vmem>>) dst(%dma_wait3A_137 : memref<48x128xf32, #tpu.memory_space<hbm>>)
      tpu.yield
    }) : () -> ()
    %add3A_110 = arith.constant 336 : i32
    %add3A_111 = arith.addi %mul3A_0, %add3A_110 : i32
    "tpu.region"() ({
      %run_scoped3A = tpu.sem_alloc : memref<!tpu.dma_semaphore, #tpu.memory_space<semaphore_mem>>
      %dma_start3A_127 = arith.constant 0 : i32
      %dma_start3A_128 = tpu.memref_slice %arg16[%add3A_111, %dma_start3A_127] : memref<10000x128xf32, #tpu.memory_space<vmem_shared>> -> memref<48x128xf32, #tpu.memory_space<vmem_shared>>
      %dma_start3A_129 = arith.constant 0 : i32
      %dma_start3A_130 = tpu.memref_slice %arg16[%add3A_111, %dma_start3A_129] : memref<10000x128xf32, #tpu.memory_space<vmem_shared>> -> memref<48x128xf32, #tpu.memory_space<vmem_shared>>
      tpu.enqueue_dma source(%dma_start3A_130 : memref<48x128xf32, #tpu.memory_space<vmem_shared>>) target(%arg15 : memref<48x128xf32, #tpu.memory_space<vmem>>) target_semaphore(%run_scoped3A : memref<!tpu.dma_semaphore, #tpu.memory_space<semaphore_mem>>)
      %dma_wait3A = arith.constant 0 : i32
      %dma_wait3A_131 = tpu.memref_slice %arg16[%add3A_111, %dma_wait3A] : memref<10000x128xf32, #tpu.memory_space<vmem_shared>> -> memref<48x128xf32, #tpu.memory_space<vmem_shared>>
      %dma_wait3A_132 = arith.constant 0 : i32
      %dma_wait3A_133 = tpu.memref_slice %arg16[%add3A_111, %dma_wait3A_132] : memref<10000x128xf32, #tpu.memory_space<vmem_shared>> -> memref<48x128xf32, #tpu.memory_space<vmem_shared>>
      tpu.wait_dma2 semaphore(%run_scoped3A : memref<!tpu.dma_semaphore, #tpu.memory_space<semaphore_mem>>) src(%dma_wait3A_133 : memref<48x128xf32, #tpu.memory_space<vmem_shared>>) dst(%arg15 : memref<48x128xf32, #tpu.memory_space<vmem>>)
      tpu.yield
    }) : () -> ()
    "tpu.region"() ({
      %run_scoped3A = tpu.sem_alloc : memref<!tpu.dma_semaphore, #tpu.memory_space<semaphore_mem>>
      %dma_start3A_127 = arith.constant 0 : i32
      %dma_start3A_128 = tpu.memref_slice %arg6[%arg0, %add3A_111, %dma_start3A_127] : memref<2x10000x128xf32, #tpu.memory_space<hbm>> -> memref<1x48x128xf32, #tpu.memory_space<hbm>>
      %dma_start3A_129 = tpu.memref_squeeze %dma_start3A_128 : memref<1x48x128xf32, #tpu.memory_space<hbm>> -> memref<48x128xf32, #tpu.memory_space<hbm>>
      %dma_start3A_130 = arith.constant 0 : i32
      %dma_start3A_131 = tpu.memref_slice %arg6[%arg0, %add3A_111, %dma_start3A_130] : memref<2x10000x128xf32, #tpu.memory_space<hbm>> -> memref<1x48x128xf32, #tpu.memory_space<hbm>>
      %dma_start3A_132 = tpu.memref_squeeze %dma_start3A_131 : memref<1x48x128xf32, #tpu.memory_space<hbm>> -> memref<48x128xf32, #tpu.memory_space<hbm>>
      tpu.enqueue_dma source(%arg15 : memref<48x128xf32, #tpu.memory_space<vmem>>) target(%dma_start3A_132 : memref<48x128xf32, #tpu.memory_space<hbm>>) target_semaphore(%run_scoped3A : memref<!tpu.dma_semaphore, #tpu.memory_space<semaphore_mem>>)
      %dma_wait3A = arith.constant 0 : i32
      %dma_wait3A_133 = tpu.memref_slice %arg6[%arg0, %add3A_111, %dma_wait3A] : memref<2x10000x128xf32, #tpu.memory_space<hbm>> -> memref<1x48x128xf32, #tpu.memory_space<hbm>>
      %dma_wait3A_134 = tpu.memref_squeeze %dma_wait3A_133 : memref<1x48x128xf32, #tpu.memory_space<hbm>> -> memref<48x128xf32, #tpu.memory_space<hbm>>
      %dma_wait3A_135 = arith.constant 0 : i32
      %dma_wait3A_136 = tpu.memref_slice %arg6[%arg0, %add3A_111, %dma_wait3A_135] : memref<2x10000x128xf32, #tpu.memory_space<hbm>> -> memref<1x48x128xf32, #tpu.memory_space<hbm>>
      %dma_wait3A_137 = tpu.memref_squeeze %dma_wait3A_136 : memref<1x48x128xf32, #tpu.memory_space<hbm>> -> memref<48x128xf32, #tpu.memory_space<hbm>>
      tpu.wait_dma2 semaphore(%run_scoped3A : memref<!tpu.dma_semaphore, #tpu.memory_space<semaphore_mem>>) src(%arg15 : memref<48x128xf32, #tpu.memory_space<vmem>>) dst(%dma_wait3A_137 : memref<48x128xf32, #tpu.memory_space<hbm>>)
      tpu.yield
    }) : () -> ()
    %add3A_112 = arith.constant 384 : i32
    %add3A_113 = arith.addi %mul3A_0, %add3A_112 : i32
    "tpu.region"() ({
      %run_scoped3A = tpu.sem_alloc : memref<!tpu.dma_semaphore, #tpu.memory_space<semaphore_mem>>
      %dma_start3A_127 = arith.constant 0 : i32
      %dma_start3A_128 = tpu.memref_slice %arg16[%add3A_113, %dma_start3A_127] : memref<10000x128xf32, #tpu.memory_space<vmem_shared>> -> memref<48x128xf32, #tpu.memory_space<vmem_shared>>
      %dma_start3A_129 = arith.constant 0 : i32
      %dma_start3A_130 = tpu.memref_slice %arg16[%add3A_113, %dma_start3A_129] : memref<10000x128xf32, #tpu.memory_space<vmem_shared>> -> memref<48x128xf32, #tpu.memory_space<vmem_shared>>
      tpu.enqueue_dma source(%dma_start3A_130 : memref<48x128xf32, #tpu.memory_space<vmem_shared>>) target(%arg15 : memref<48x128xf32, #tpu.memory_space<vmem>>) target_semaphore(%run_scoped3A : memref<!tpu.dma_semaphore, #tpu.memory_space<semaphore_mem>>)
      %dma_wait3A = arith.constant 0 : i32
      %dma_wait3A_131 = tpu.memref_slice %arg16[%add3A_113, %dma_wait3A] : memref<10000x128xf32, #tpu.memory_space<vmem_shared>> -> memref<48x128xf32, #tpu.memory_space<vmem_shared>>
      %dma_wait3A_132 = arith.constant 0 : i32
      %dma_wait3A_133 = tpu.memref_slice %arg16[%add3A_113, %dma_wait3A_132] : memref<10000x128xf32, #tpu.memory_space<vmem_shared>> -> memref<48x128xf32, #tpu.memory_space<vmem_shared>>
      tpu.wait_dma2 semaphore(%run_scoped3A : memref<!tpu.dma_semaphore, #tpu.memory_space<semaphore_mem>>) src(%dma_wait3A_133 : memref<48x128xf32, #tpu.memory_space<vmem_shared>>) dst(%arg15 : memref<48x128xf32, #tpu.memory_space<vmem>>)
      tpu.yield
    }) : () -> ()
    "tpu.region"() ({
      %run_scoped3A = tpu.sem_alloc : memref<!tpu.dma_semaphore, #tpu.memory_space<semaphore_mem>>
      %dma_start3A_127 = arith.constant 0 : i32
      %dma_start3A_128 = tpu.memref_slice %arg6[%arg0, %add3A_113, %dma_start3A_127] : memref<2x10000x128xf32, #tpu.memory_space<hbm>> -> memref<1x48x128xf32, #tpu.memory_space<hbm>>
      %dma_start3A_129 = tpu.memref_squeeze %dma_start3A_128 : memref<1x48x128xf32, #tpu.memory_space<hbm>> -> memref<48x128xf32, #tpu.memory_space<hbm>>
      %dma_start3A_130 = arith.constant 0 : i32
      %dma_start3A_131 = tpu.memref_slice %arg6[%arg0, %add3A_113, %dma_start3A_130] : memref<2x10000x128xf32, #tpu.memory_space<hbm>> -> memref<1x48x128xf32, #tpu.memory_space<hbm>>
      %dma_start3A_132 = tpu.memref_squeeze %dma_start3A_131 : memref<1x48x128xf32, #tpu.memory_space<hbm>> -> memref<48x128xf32, #tpu.memory_space<hbm>>
      tpu.enqueue_dma source(%arg15 : memref<48x128xf32, #tpu.memory_space<vmem>>) target(%dma_start3A_132 : memref<48x128xf32, #tpu.memory_space<hbm>>) target_semaphore(%run_scoped3A : memref<!tpu.dma_semaphore, #tpu.memory_space<semaphore_mem>>)
      %dma_wait3A = arith.constant 0 : i32
      %dma_wait3A_133 = tpu.memref_slice %arg6[%arg0, %add3A_113, %dma_wait3A] : memref<2x10000x128xf32, #tpu.memory_space<hbm>> -> memref<1x48x128xf32, #tpu.memory_space<hbm>>
      %dma_wait3A_134 = tpu.memref_squeeze %dma_wait3A_133 : memref<1x48x128xf32, #tpu.memory_space<hbm>> -> memref<48x128xf32, #tpu.memory_space<hbm>>
      %dma_wait3A_135 = arith.constant 0 : i32
      %dma_wait3A_136 = tpu.memref_slice %arg6[%arg0, %add3A_113, %dma_wait3A_135] : memref<2x10000x128xf32, #tpu.memory_space<hbm>> -> memref<1x48x128xf32, #tpu.memory_space<hbm>>
      %dma_wait3A_137 = tpu.memref_squeeze %dma_wait3A_136 : memref<1x48x128xf32, #tpu.memory_space<hbm>> -> memref<48x128xf32, #tpu.memory_space<hbm>>
      tpu.wait_dma2 semaphore(%run_scoped3A : memref<!tpu.dma_semaphore, #tpu.memory_space<semaphore_mem>>) src(%arg15 : memref<48x128xf32, #tpu.memory_space<vmem>>) dst(%dma_wait3A_137 : memref<48x128xf32, #tpu.memory_space<hbm>>)
      tpu.yield
    }) : () -> ()
    %add3A_114 = arith.constant 432 : i32
    %add3A_115 = arith.addi %mul3A_0, %add3A_114 : i32
    "tpu.region"() ({
      %run_scoped3A = tpu.sem_alloc : memref<!tpu.dma_semaphore, #tpu.memory_space<semaphore_mem>>
      %dma_start3A_127 = arith.constant 0 : i32
      %dma_start3A_128 = tpu.memref_slice %arg16[%add3A_115, %dma_start3A_127] : memref<10000x128xf32, #tpu.memory_space<vmem_shared>> -> memref<48x128xf32, #tpu.memory_space<vmem_shared>>
      %dma_start3A_129 = arith.constant 0 : i32
      %dma_start3A_130 = tpu.memref_slice %arg16[%add3A_115, %dma_start3A_129] : memref<10000x128xf32, #tpu.memory_space<vmem_shared>> -> memref<48x128xf32, #tpu.memory_space<vmem_shared>>
      tpu.enqueue_dma source(%dma_start3A_130 : memref<48x128xf32, #tpu.memory_space<vmem_shared>>) target(%arg15 : memref<48x128xf32, #tpu.memory_space<vmem>>) target_semaphore(%run_scoped3A : memref<!tpu.dma_semaphore, #tpu.memory_space<semaphore_mem>>)
      %dma_wait3A = arith.constant 0 : i32
      %dma_wait3A_131 = tpu.memref_slice %arg16[%add3A_115, %dma_wait3A] : memref<10000x128xf32, #tpu.memory_space<vmem_shared>> -> memref<48x128xf32, #tpu.memory_space<vmem_shared>>
      %dma_wait3A_132 = arith.constant 0 : i32
      %dma_wait3A_133 = tpu.memref_slice %arg16[%add3A_115, %dma_wait3A_132] : memref<10000x128xf32, #tpu.memory_space<vmem_shared>> -> memref<48x128xf32, #tpu.memory_space<vmem_shared>>
      tpu.wait_dma2 semaphore(%run_scoped3A : memref<!tpu.dma_semaphore, #tpu.memory_space<semaphore_mem>>) src(%dma_wait3A_133 : memref<48x128xf32, #tpu.memory_space<vmem_shared>>) dst(%arg15 : memref<48x128xf32, #tpu.memory_space<vmem>>)
      tpu.yield
    }) : () -> ()
    "tpu.region"() ({
      %run_scoped3A = tpu.sem_alloc : memref<!tpu.dma_semaphore, #tpu.memory_space<semaphore_mem>>
      %dma_start3A_127 = arith.constant 0 : i32
      %dma_start3A_128 = tpu.memref_slice %arg6[%arg0, %add3A_115, %dma_start3A_127] : memref<2x10000x128xf32, #tpu.memory_space<hbm>> -> memref<1x48x128xf32, #tpu.memory_space<hbm>>
      %dma_start3A_129 = tpu.memref_squeeze %dma_start3A_128 : memref<1x48x128xf32, #tpu.memory_space<hbm>> -> memref<48x128xf32, #tpu.memory_space<hbm>>
      %dma_start3A_130 = arith.constant 0 : i32
      %dma_start3A_131 = tpu.memref_slice %arg6[%arg0, %add3A_115, %dma_start3A_130] : memref<2x10000x128xf32, #tpu.memory_space<hbm>> -> memref<1x48x128xf32, #tpu.memory_space<hbm>>
      %dma_start3A_132 = tpu.memref_squeeze %dma_start3A_131 : memref<1x48x128xf32, #tpu.memory_space<hbm>> -> memref<48x128xf32, #tpu.memory_space<hbm>>
      tpu.enqueue_dma source(%arg15 : memref<48x128xf32, #tpu.memory_space<vmem>>) target(%dma_start3A_132 : memref<48x128xf32, #tpu.memory_space<hbm>>) target_semaphore(%run_scoped3A : memref<!tpu.dma_semaphore, #tpu.memory_space<semaphore_mem>>)
      %dma_wait3A = arith.constant 0 : i32
      %dma_wait3A_133 = tpu.memref_slice %arg6[%arg0, %add3A_115, %dma_wait3A] : memref<2x10000x128xf32, #tpu.memory_space<hbm>> -> memref<1x48x128xf32, #tpu.memory_space<hbm>>
      %dma_wait3A_134 = tpu.memref_squeeze %dma_wait3A_133 : memref<1x48x128xf32, #tpu.memory_space<hbm>> -> memref<48x128xf32, #tpu.memory_space<hbm>>
      %dma_wait3A_135 = arith.constant 0 : i32
      %dma_wait3A_136 = tpu.memref_slice %arg6[%arg0, %add3A_115, %dma_wait3A_135] : memref<2x10000x128xf32, #tpu.memory_space<hbm>> -> memref<1x48x128xf32, #tpu.memory_space<hbm>>
      %dma_wait3A_137 = tpu.memref_squeeze %dma_wait3A_136 : memref<1x48x128xf32, #tpu.memory_space<hbm>> -> memref<48x128xf32, #tpu.memory_space<hbm>>
      tpu.wait_dma2 semaphore(%run_scoped3A : memref<!tpu.dma_semaphore, #tpu.memory_space<semaphore_mem>>) src(%arg15 : memref<48x128xf32, #tpu.memory_space<vmem>>) dst(%dma_wait3A_137 : memref<48x128xf32, #tpu.memory_space<hbm>>)
      tpu.yield
    }) : () -> ()
    %add3A_116 = arith.constant 480 : i32
    %add3A_117 = arith.addi %mul3A_0, %add3A_116 : i32
    "tpu.region"() ({
      %run_scoped3A = tpu.sem_alloc : memref<!tpu.dma_semaphore, #tpu.memory_space<semaphore_mem>>
      %dma_start3A_127 = arith.constant 0 : i32
      %dma_start3A_128 = tpu.memref_slice %arg16[%add3A_117, %dma_start3A_127] : memref<10000x128xf32, #tpu.memory_space<vmem_shared>> -> memref<48x128xf32, #tpu.memory_space<vmem_shared>>
      %dma_start3A_129 = arith.constant 0 : i32
      %dma_start3A_130 = tpu.memref_slice %arg16[%add3A_117, %dma_start3A_129] : memref<10000x128xf32, #tpu.memory_space<vmem_shared>> -> memref<48x128xf32, #tpu.memory_space<vmem_shared>>
      tpu.enqueue_dma source(%dma_start3A_130 : memref<48x128xf32, #tpu.memory_space<vmem_shared>>) target(%arg15 : memref<48x128xf32, #tpu.memory_space<vmem>>) target_semaphore(%run_scoped3A : memref<!tpu.dma_semaphore, #tpu.memory_space<semaphore_mem>>)
      %dma_wait3A = arith.constant 0 : i32
      %dma_wait3A_131 = tpu.memref_slice %arg16[%add3A_117, %dma_wait3A] : memref<10000x128xf32, #tpu.memory_space<vmem_shared>> -> memref<48x128xf32, #tpu.memory_space<vmem_shared>>
      %dma_wait3A_132 = arith.constant 0 : i32
      %dma_wait3A_133 = tpu.memref_slice %arg16[%add3A_117, %dma_wait3A_132] : memref<10000x128xf32, #tpu.memory_space<vmem_shared>> -> memref<48x128xf32, #tpu.memory_space<vmem_shared>>
      tpu.wait_dma2 semaphore(%run_scoped3A : memref<!tpu.dma_semaphore, #tpu.memory_space<semaphore_mem>>) src(%dma_wait3A_133 : memref<48x128xf32, #tpu.memory_space<vmem_shared>>) dst(%arg15 : memref<48x128xf32, #tpu.memory_space<vmem>>)
      tpu.yield
    }) : () -> ()
    "tpu.region"() ({
      %run_scoped3A = tpu.sem_alloc : memref<!tpu.dma_semaphore, #tpu.memory_space<semaphore_mem>>
      %dma_start3A_127 = arith.constant 0 : i32
      %dma_start3A_128 = tpu.memref_slice %arg6[%arg0, %add3A_117, %dma_start3A_127] : memref<2x10000x128xf32, #tpu.memory_space<hbm>> -> memref<1x48x128xf32, #tpu.memory_space<hbm>>
      %dma_start3A_129 = tpu.memref_squeeze %dma_start3A_128 : memref<1x48x128xf32, #tpu.memory_space<hbm>> -> memref<48x128xf32, #tpu.memory_space<hbm>>
      %dma_start3A_130 = arith.constant 0 : i32
      %dma_start3A_131 = tpu.memref_slice %arg6[%arg0, %add3A_117, %dma_start3A_130] : memref<2x10000x128xf32, #tpu.memory_space<hbm>> -> memref<1x48x128xf32, #tpu.memory_space<hbm>>
      %dma_start3A_132 = tpu.memref_squeeze %dma_start3A_131 : memref<1x48x128xf32, #tpu.memory_space<hbm>> -> memref<48x128xf32, #tpu.memory_space<hbm>>
      tpu.enqueue_dma source(%arg15 : memref<48x128xf32, #tpu.memory_space<vmem>>) target(%dma_start3A_132 : memref<48x128xf32, #tpu.memory_space<hbm>>) target_semaphore(%run_scoped3A : memref<!tpu.dma_semaphore, #tpu.memory_space<semaphore_mem>>)
      %dma_wait3A = arith.constant 0 : i32
      %dma_wait3A_133 = tpu.memref_slice %arg6[%arg0, %add3A_117, %dma_wait3A] : memref<2x10000x128xf32, #tpu.memory_space<hbm>> -> memref<1x48x128xf32, #tpu.memory_space<hbm>>
      %dma_wait3A_134 = tpu.memref_squeeze %dma_wait3A_133 : memref<1x48x128xf32, #tpu.memory_space<hbm>> -> memref<48x128xf32, #tpu.memory_space<hbm>>
      %dma_wait3A_135 = arith.constant 0 : i32
      %dma_wait3A_136 = tpu.memref_slice %arg6[%arg0, %add3A_117, %dma_wait3A_135] : memref<2x10000x128xf32, #tpu.memory_space<hbm>> -> memref<1x48x128xf32, #tpu.memory_space<hbm>>
      %dma_wait3A_137 = tpu.memref_squeeze %dma_wait3A_136 : memref<1x48x128xf32, #tpu.memory_space<hbm>> -> memref<48x128xf32, #tpu.memory_space<hbm>>
      tpu.wait_dma2 semaphore(%run_scoped3A : memref<!tpu.dma_semaphore, #tpu.memory_space<semaphore_mem>>) src(%arg15 : memref<48x128xf32, #tpu.memory_space<vmem>>) dst(%dma_wait3A_137 : memref<48x128xf32, #tpu.memory_space<hbm>>)
      tpu.yield
    }) : () -> ()
    %add3A_118 = arith.constant 528 : i32
    %add3A_119 = arith.addi %mul3A_0, %add3A_118 : i32
    "tpu.region"() ({
      %run_scoped3A = tpu.sem_alloc : memref<!tpu.dma_semaphore, #tpu.memory_space<semaphore_mem>>
      %dma_start3A_127 = arith.constant 0 : i32
      %dma_start3A_128 = tpu.memref_slice %arg16[%add3A_119, %dma_start3A_127] : memref<10000x128xf32, #tpu.memory_space<vmem_shared>> -> memref<48x128xf32, #tpu.memory_space<vmem_shared>>
      %dma_start3A_129 = arith.constant 0 : i32
      %dma_start3A_130 = tpu.memref_slice %arg16[%add3A_119, %dma_start3A_129] : memref<10000x128xf32, #tpu.memory_space<vmem_shared>> -> memref<48x128xf32, #tpu.memory_space<vmem_shared>>
      tpu.enqueue_dma source(%dma_start3A_130 : memref<48x128xf32, #tpu.memory_space<vmem_shared>>) target(%arg15 : memref<48x128xf32, #tpu.memory_space<vmem>>) target_semaphore(%run_scoped3A : memref<!tpu.dma_semaphore, #tpu.memory_space<semaphore_mem>>)
      %dma_wait3A = arith.constant 0 : i32
      %dma_wait3A_131 = tpu.memref_slice %arg16[%add3A_119, %dma_wait3A] : memref<10000x128xf32, #tpu.memory_space<vmem_shared>> -> memref<48x128xf32, #tpu.memory_space<vmem_shared>>
      %dma_wait3A_132 = arith.constant 0 : i32
      %dma_wait3A_133 = tpu.memref_slice %arg16[%add3A_119, %dma_wait3A_132] : memref<10000x128xf32, #tpu.memory_space<vmem_shared>> -> memref<48x128xf32, #tpu.memory_space<vmem_shared>>
      tpu.wait_dma2 semaphore(%run_scoped3A : memref<!tpu.dma_semaphore, #tpu.memory_space<semaphore_mem>>) src(%dma_wait3A_133 : memref<48x128xf32, #tpu.memory_space<vmem_shared>>) dst(%arg15 : memref<48x128xf32, #tpu.memory_space<vmem>>)
      tpu.yield
    }) : () -> ()
    "tpu.region"() ({
      %run_scoped3A = tpu.sem_alloc : memref<!tpu.dma_semaphore, #tpu.memory_space<semaphore_mem>>
      %dma_start3A_127 = arith.constant 0 : i32
      %dma_start3A_128 = tpu.memref_slice %arg6[%arg0, %add3A_119, %dma_start3A_127] : memref<2x10000x128xf32, #tpu.memory_space<hbm>> -> memref<1x48x128xf32, #tpu.memory_space<hbm>>
      %dma_start3A_129 = tpu.memref_squeeze %dma_start3A_128 : memref<1x48x128xf32, #tpu.memory_space<hbm>> -> memref<48x128xf32, #tpu.memory_space<hbm>>
      %dma_start3A_130 = arith.constant 0 : i32
      %dma_start3A_131 = tpu.memref_slice %arg6[%arg0, %add3A_119, %dma_start3A_130] : memref<2x10000x128xf32, #tpu.memory_space<hbm>> -> memref<1x48x128xf32, #tpu.memory_space<hbm>>
      %dma_start3A_132 = tpu.memref_squeeze %dma_start3A_131 : memref<1x48x128xf32, #tpu.memory_space<hbm>> -> memref<48x128xf32, #tpu.memory_space<hbm>>
      tpu.enqueue_dma source(%arg15 : memref<48x128xf32, #tpu.memory_space<vmem>>) target(%dma_start3A_132 : memref<48x128xf32, #tpu.memory_space<hbm>>) target_semaphore(%run_scoped3A : memref<!tpu.dma_semaphore, #tpu.memory_space<semaphore_mem>>)
      %dma_wait3A = arith.constant 0 : i32
      %dma_wait3A_133 = tpu.memref_slice %arg6[%arg0, %add3A_119, %dma_wait3A] : memref<2x10000x128xf32, #tpu.memory_space<hbm>> -> memref<1x48x128xf32, #tpu.memory_space<hbm>>
      %dma_wait3A_134 = tpu.memref_squeeze %dma_wait3A_133 : memref<1x48x128xf32, #tpu.memory_space<hbm>> -> memref<48x128xf32, #tpu.memory_space<hbm>>
      %dma_wait3A_135 = arith.constant 0 : i32
      %dma_wait3A_136 = tpu.memref_slice %arg6[%arg0, %add3A_119, %dma_wait3A_135] : memref<2x10000x128xf32, #tpu.memory_space<hbm>> -> memref<1x48x128xf32, #tpu.memory_space<hbm>>
      %dma_wait3A_137 = tpu.memref_squeeze %dma_wait3A_136 : memref<1x48x128xf32, #tpu.memory_space<hbm>> -> memref<48x128xf32, #tpu.memory_space<hbm>>
      tpu.wait_dma2 semaphore(%run_scoped3A : memref<!tpu.dma_semaphore, #tpu.memory_space<semaphore_mem>>) src(%arg15 : memref<48x128xf32, #tpu.memory_space<vmem>>) dst(%dma_wait3A_137 : memref<48x128xf32, #tpu.memory_space<hbm>>)
      tpu.yield
    }) : () -> ()
    %add3A_120 = arith.constant 576 : i32
    %add3A_121 = arith.addi %mul3A_0, %add3A_120 : i32
    "tpu.region"() ({
      %run_scoped3A = tpu.sem_alloc : memref<!tpu.dma_semaphore, #tpu.memory_space<semaphore_mem>>
      %dma_start3A_127 = arith.constant 0 : i32
      %dma_start3A_128 = tpu.memref_slice %arg16[%add3A_121, %dma_start3A_127] : memref<10000x128xf32, #tpu.memory_space<vmem_shared>> -> memref<48x128xf32, #tpu.memory_space<vmem_shared>>
      %dma_start3A_129 = arith.constant 0 : i32
      %dma_start3A_130 = tpu.memref_slice %arg16[%add3A_121, %dma_start3A_129] : memref<10000x128xf32, #tpu.memory_space<vmem_shared>> -> memref<48x128xf32, #tpu.memory_space<vmem_shared>>
      tpu.enqueue_dma source(%dma_start3A_130 : memref<48x128xf32, #tpu.memory_space<vmem_shared>>) target(%arg15 : memref<48x128xf32, #tpu.memory_space<vmem>>) target_semaphore(%run_scoped3A : memref<!tpu.dma_semaphore, #tpu.memory_space<semaphore_mem>>)
      %dma_wait3A = arith.constant 0 : i32
      %dma_wait3A_131 = tpu.memref_slice %arg16[%add3A_121, %dma_wait3A] : memref<10000x128xf32, #tpu.memory_space<vmem_shared>> -> memref<48x128xf32, #tpu.memory_space<vmem_shared>>
      %dma_wait3A_132 = arith.constant 0 : i32
      %dma_wait3A_133 = tpu.memref_slice %arg16[%add3A_121, %dma_wait3A_132] : memref<10000x128xf32, #tpu.memory_space<vmem_shared>> -> memref<48x128xf32, #tpu.memory_space<vmem_shared>>
      tpu.wait_dma2 semaphore(%run_scoped3A : memref<!tpu.dma_semaphore, #tpu.memory_space<semaphore_mem>>) src(%dma_wait3A_133 : memref<48x128xf32, #tpu.memory_space<vmem_shared>>) dst(%arg15 : memref<48x128xf32, #tpu.memory_space<vmem>>)
      tpu.yield
    }) : () -> ()
    "tpu.region"() ({
      %run_scoped3A = tpu.sem_alloc : memref<!tpu.dma_semaphore, #tpu.memory_space<semaphore_mem>>
      %dma_start3A_127 = arith.constant 0 : i32
      %dma_start3A_128 = tpu.memref_slice %arg6[%arg0, %add3A_121, %dma_start3A_127] : memref<2x10000x128xf32, #tpu.memory_space<hbm>> -> memref<1x48x128xf32, #tpu.memory_space<hbm>>
      %dma_start3A_129 = tpu.memref_squeeze %dma_start3A_128 : memref<1x48x128xf32, #tpu.memory_space<hbm>> -> memref<48x128xf32, #tpu.memory_space<hbm>>
      %dma_start3A_130 = arith.constant 0 : i32
      %dma_start3A_131 = tpu.memref_slice %arg6[%arg0, %add3A_121, %dma_start3A_130] : memref<2x10000x128xf32, #tpu.memory_space<hbm>> -> memref<1x48x128xf32, #tpu.memory_space<hbm>>
      %dma_start3A_132 = tpu.memref_squeeze %dma_start3A_131 : memref<1x48x128xf32, #tpu.memory_space<hbm>> -> memref<48x128xf32, #tpu.memory_space<hbm>>
      tpu.enqueue_dma source(%arg15 : memref<48x128xf32, #tpu.memory_space<vmem>>) target(%dma_start3A_132 : memref<48x128xf32, #tpu.memory_space<hbm>>) target_semaphore(%run_scoped3A : memref<!tpu.dma_semaphore, #tpu.memory_space<semaphore_mem>>)
      %dma_wait3A = arith.constant 0 : i32
      %dma_wait3A_133 = tpu.memref_slice %arg6[%arg0, %add3A_121, %dma_wait3A] : memref<2x10000x128xf32, #tpu.memory_space<hbm>> -> memref<1x48x128xf32, #tpu.memory_space<hbm>>
      %dma_wait3A_134 = tpu.memref_squeeze %dma_wait3A_133 : memref<1x48x128xf32, #tpu.memory_space<hbm>> -> memref<48x128xf32, #tpu.memory_space<hbm>>
      %dma_wait3A_135 = arith.constant 0 : i32
      %dma_wait3A_136 = tpu.memref_slice %arg6[%arg0, %add3A_121, %dma_wait3A_135] : memref<2x10000x128xf32, #tpu.memory_space<hbm>> -> memref<1x48x128xf32, #tpu.memory_space<hbm>>
      %dma_wait3A_137 = tpu.memref_squeeze %dma_wait3A_136 : memref<1x48x128xf32, #tpu.memory_space<hbm>> -> memref<48x128xf32, #tpu.memory_space<hbm>>
      tpu.wait_dma2 semaphore(%run_scoped3A : memref<!tpu.dma_semaphore, #tpu.memory_space<semaphore_mem>>) src(%arg15 : memref<48x128xf32, #tpu.memory_space<vmem>>) dst(%dma_wait3A_137 : memref<48x128xf32, #tpu.memory_space<hbm>>)
      tpu.yield
    }) : () -> ()
    %eq3A_122 = arith.constant 15 : i32
    %eq3A_123 = arith.cmpi eq, %arg1, %eq3A_122 : i32
    %convert_element_type3A_124 = arith.extui %eq3A_123 : i1 to i32
    %cond3A_125 = arith.constant 0 : i32
    %cond3A_126 = arith.cmpi ne, %convert_element_type3A_124, %cond3A_125 : i32
    scf.if %cond3A_126 {
      "tpu.region"() ({
        %run_scoped3A = tpu.sem_alloc : memref<!tpu.dma_semaphore, #tpu.memory_space<semaphore_mem>>
        %dma_start3A_127 = arith.constant 0 : i32
        %dma_start3A_128 = arith.constant 0 : i32
        %dma_start3A_129 = tpu.memref_slice %arg15[%dma_start3A_127, %dma_start3A_128] : memref<48x128xf32, #tpu.memory_space<vmem>> -> memref<16x128xf32, #tpu.memory_space<vmem>>
        %dma_start3A_130 = arith.constant 9984 : i32
        %dma_start3A_131 = arith.constant 0 : i32
        %dma_start3A_132 = tpu.memref_slice %arg16[%dma_start3A_130, %dma_start3A_131] : memref<10000x128xf32, #tpu.memory_space<vmem_shared>> -> memref<16x128xf32, #tpu.memory_space<vmem_shared>>
        %dma_start3A_133 = arith.constant 0 : i32
        %dma_start3A_134 = arith.constant 0 : i32
        %dma_start3A_135 = tpu.memref_slice %arg15[%dma_start3A_133, %dma_start3A_134] : memref<48x128xf32, #tpu.memory_space<vmem>> -> memref<16x128xf32, #tpu.memory_space<vmem>>
        %dma_start3A_136 = arith.constant 9984 : i32
        %dma_start3A_137 = arith.constant 0 : i32
        %dma_start3A_138 = tpu.memref_slice %arg16[%dma_start3A_136, %dma_start3A_137] : memref<10000x128xf32, #tpu.memory_space<vmem_shared>> -> memref<16x128xf32, #tpu.memory_space<vmem_shared>>
        tpu.enqueue_dma source(%dma_start3A_138 : memref<16x128xf32, #tpu.memory_space<vmem_shared>>) target(%dma_start3A_135 : memref<16x128xf32, #tpu.memory_space<vmem>>) target_semaphore(%run_scoped3A : memref<!tpu.dma_semaphore, #tpu.memory_space<semaphore_mem>>)
        %dma_wait3A = arith.constant 0 : i32
        %dma_wait3A_139 = arith.constant 0 : i32
        %dma_wait3A_140 = tpu.memref_slice %arg15[%dma_wait3A, %dma_wait3A_139] : memref<48x128xf32, #tpu.memory_space<vmem>> -> memref<16x128xf32, #tpu.memory_space<vmem>>
        %dma_wait3A_141 = arith.constant 9984 : i32
        %dma_wait3A_142 = arith.constant 0 : i32
        %dma_wait3A_143 = tpu.memref_slice %arg16[%dma_wait3A_141, %dma_wait3A_142] : memref<10000x128xf32, #tpu.memory_space<vmem_shared>> -> memref<16x128xf32, #tpu.memory_space<vmem_shared>>
        %dma_wait3A_144 = arith.constant 0 : i32
        %dma_wait3A_145 = arith.constant 0 : i32
        %dma_wait3A_146 = tpu.memref_slice %arg15[%dma_wait3A_144, %dma_wait3A_145] : memref<48x128xf32, #tpu.memory_space<vmem>> -> memref<16x128xf32, #tpu.memory_space<vmem>>
        %dma_wait3A_147 = arith.constant 9984 : i32
        %dma_wait3A_148 = arith.constant 0 : i32
        %dma_wait3A_149 = tpu.memref_slice %arg16[%dma_wait3A_147, %dma_wait3A_148] : memref<10000x128xf32, #tpu.memory_space<vmem_shared>> -> memref<16x128xf32, #tpu.memory_space<vmem_shared>>
        tpu.wait_dma2 semaphore(%run_scoped3A : memref<!tpu.dma_semaphore, #tpu.memory_space<semaphore_mem>>) src(%dma_wait3A_149 : memref<16x128xf32, #tpu.memory_space<vmem_shared>>) dst(%dma_wait3A_146 : memref<16x128xf32, #tpu.memory_space<vmem>>)
        tpu.yield
      }) : () -> ()
      "tpu.region"() ({
        %run_scoped3A = tpu.sem_alloc : memref<!tpu.dma_semaphore, #tpu.memory_space<semaphore_mem>>
        %dma_start3A_127 = arith.constant 0 : i32
        %dma_start3A_128 = arith.constant 0 : i32
        %dma_start3A_129 = tpu.memref_slice %arg15[%dma_start3A_127, %dma_start3A_128] : memref<48x128xf32, #tpu.memory_space<vmem>> -> memref<16x128xf32, #tpu.memory_space<vmem>>
        %dma_start3A_130 = arith.constant 9984 : i32
        %dma_start3A_131 = arith.constant 0 : i32
        %dma_start3A_132 = tpu.memref_slice %arg6[%arg0, %dma_start3A_130, %dma_start3A_131] : memref<2x10000x128xf32, #tpu.memory_space<hbm>> -> memref<1x16x128xf32, #tpu.memory_space<hbm>>
        %dma_start3A_133 = tpu.memref_squeeze %dma_start3A_132 : memref<1x16x128xf32, #tpu.memory_space<hbm>> -> memref<16x128xf32, #tpu.memory_space<hbm>>
        %dma_start3A_134 = arith.constant 9984 : i32
        %dma_start3A_135 = arith.constant 0 : i32
        %dma_start3A_136 = tpu.memref_slice %arg6[%arg0, %dma_start3A_134, %dma_start3A_135] : memref<2x10000x128xf32, #tpu.memory_space<hbm>> -> memref<1x16x128xf32, #tpu.memory_space<hbm>>
        %dma_start3A_137 = tpu.memref_squeeze %dma_start3A_136 : memref<1x16x128xf32, #tpu.memory_space<hbm>> -> memref<16x128xf32, #tpu.memory_space<hbm>>
        %dma_start3A_138 = arith.constant 0 : i32
        %dma_start3A_139 = arith.constant 0 : i32
        %dma_start3A_140 = tpu.memref_slice %arg15[%dma_start3A_138, %dma_start3A_139] : memref<48x128xf32, #tpu.memory_space<vmem>> -> memref<16x128xf32, #tpu.memory_space<vmem>>
        tpu.enqueue_dma source(%dma_start3A_140 : memref<16x128xf32, #tpu.memory_space<vmem>>) target(%dma_start3A_137 : memref<16x128xf32, #tpu.memory_space<hbm>>) target_semaphore(%run_scoped3A : memref<!tpu.dma_semaphore, #tpu.memory_space<semaphore_mem>>)
        %dma_wait3A = arith.constant 0 : i32
        %dma_wait3A_141 = arith.constant 0 : i32
        %dma_wait3A_142 = tpu.memref_slice %arg15[%dma_wait3A, %dma_wait3A_141] : memref<48x128xf32, #tpu.memory_space<vmem>> -> memref<16x128xf32, #tpu.memory_space<vmem>>
        %dma_wait3A_143 = arith.constant 9984 : i32
        %dma_wait3A_144 = arith.constant 0 : i32
        %dma_wait3A_145 = tpu.memref_slice %arg6[%arg0, %dma_wait3A_143, %dma_wait3A_144] : memref<2x10000x128xf32, #tpu.memory_space<hbm>> -> memref<1x16x128xf32, #tpu.memory_space<hbm>>
        %dma_wait3A_146 = tpu.memref_squeeze %dma_wait3A_145 : memref<1x16x128xf32, #tpu.memory_space<hbm>> -> memref<16x128xf32, #tpu.memory_space<hbm>>
        %dma_wait3A_147 = arith.constant 9984 : i32
        %dma_wait3A_148 = arith.constant 0 : i32
        %dma_wait3A_149 = tpu.memref_slice %arg6[%arg0, %dma_wait3A_147, %dma_wait3A_148] : memref<2x10000x128xf32, #tpu.memory_space<hbm>> -> memref<1x16x128xf32, #tpu.memory_space<hbm>>
        %dma_wait3A_150 = tpu.memref_squeeze %dma_wait3A_149 : memref<1x16x128xf32, #tpu.memory_space<hbm>> -> memref<16x128xf32, #tpu.memory_space<hbm>>
        %dma_wait3A_151 = arith.constant 0 : i32
        %dma_wait3A_152 = arith.constant 0 : i32
        %dma_wait3A_153 = tpu.memref_slice %arg15[%dma_wait3A_151, %dma_wait3A_152] : memref<48x128xf32, #tpu.memory_space<vmem>> -> memref<16x128xf32, #tpu.memory_space<vmem>>
        tpu.wait_dma2 semaphore(%run_scoped3A : memref<!tpu.dma_semaphore, #tpu.memory_space<semaphore_mem>>) src(%dma_wait3A_153 : memref<16x128xf32, #tpu.memory_space<vmem>>) dst(%dma_wait3A_150 : memref<16x128xf32, #tpu.memory_space<hbm>>)
        tpu.yield
      }) : () -> ()
    } else {
    }
    return
  }
}

module attributes {stable_mosaic.version = 14 : i64} {
  func.func @_node_fc_body(%arg0: i32, %arg1: memref<1000x256xf32, #tpu.memory_space<vmem>>, %arg2: memref<256x256xf32, #tpu.memory_space<vmem>>, %arg3: memref<1x256xf32, #tpu.memory_space<vmem>>, %arg4: memref<1000x1xf32, #tpu.memory_space<vmem>>, %arg5: memref<256x256xf32, #tpu.memory_space<vmem>>, %arg6: memref<256x256xf32, #tpu.memory_space<vmem>>, %arg7: memref<1x256xf32, #tpu.memory_space<vmem>>, %arg8: memref<1000x256xf32, #tpu.memory_space<vmem>>, %arg9: memref<2x1000x128xf32, #tpu.memory_space<vmem>>) attributes {dimension_semantics = [#tpu.dimension_semantics<arbitrary>], iteration_bounds = array<i64: 10>, scalar_prefetch = 0 : i64, scratch_operands = 0 : i64, tpu.core_type = #tpu.core_type<tc>, window_params = [{transform_indices = @transform_0, window_bounds = array<i64: 1000, 256>}, {pipeline_mode = #tpu.pipeline_mode<synchronous>, transform_indices = @transform_1, window_bounds = array<i64: 256, 256>}, {pipeline_mode = #tpu.pipeline_mode<synchronous>, transform_indices = @transform_2, window_bounds = array<i64: 1, 256>}, {transform_indices = @transform_3, window_bounds = array<i64: 1000, 1>}, {pipeline_mode = #tpu.pipeline_mode<synchronous>, transform_indices = @transform_4, window_bounds = array<i64: 256, 256>}, {pipeline_mode = #tpu.pipeline_mode<synchronous>, transform_indices = @transform_5, window_bounds = array<i64: 256, 256>}, {pipeline_mode = #tpu.pipeline_mode<synchronous>, transform_indices = @transform_6, window_bounds = array<i64: 1, 256>}, {transform_indices = @transform_7, window_bounds = array<i64: 1000, 256>}, {transform_indices = @transform_8, window_bounds = array<i64: 2, 1000, 128>}]} {
    %get3A = arith.constant 0 : index
    %get3A_0 = arith.constant 0 : index
    %get3A_1 = vector.load %arg1[%get3A, %get3A_0] : memref<1000x256xf32, #tpu.memory_space<vmem>>, vector<1000x256xf32>
    %get3A_2 = arith.constant 0 : index
    %get3A_3 = arith.constant 0 : index
    %get3A_4 = vector.load %arg2[%get3A_2, %get3A_3] : memref<256x256xf32, #tpu.memory_space<vmem>>, vector<256x256xf32>
    %dot_general3A = arith.constant dense<0.000000e+00> : vector<1000x256xf32>
    %dot_general3A_5 = tpu.matmul %get3A_1, %get3A_4, %dot_general3A {dimension_numbers = #tpu.dot_dimension_numbers<[1], [0], [0], [1], [0, 0, 1, 1], [], []>, transpose_lhs_hint = false} : vector<1000x256xf32>, vector<256x256xf32>, vector<1000x256xf32> -> vector<1000x256xf32>
    %get3A_6 = arith.constant 0 : index
    %get3A_7 = arith.constant 0 : index
    %get3A_8 = vector.load %arg3[%get3A_6, %get3A_7] : memref<1x256xf32, #tpu.memory_space<vmem>>, vector<1x256xf32>
    %add3A = vector.broadcast %get3A_8 : vector<1x256xf32> to vector<1000x256xf32>
    %add3A_9 = arith.addf %dot_general3A_5, %add3A : vector<1000x256xf32>
    %get3A_10 = arith.constant 0 : index
    %get3A_11 = arith.constant 0 : index
    %get3A_12 = vector.load %arg6[%get3A_10, %get3A_11] : memref<256x256xf32, #tpu.memory_space<vmem>>, vector<256x256xf32>
    %dot_general3A_13 = arith.constant dense<0.000000e+00> : vector<1000x256xf32>
    %dot_general3A_14 = tpu.matmul %add3A_9, %get3A_12, %dot_general3A_13 {dimension_numbers = #tpu.dot_dimension_numbers<[1], [0], [0], [1], [0, 0, 1, 1], [], []>, transpose_lhs_hint = false} : vector<1000x256xf32>, vector<256x256xf32>, vector<1000x256xf32> -> vector<1000x256xf32>
    %get3A_15 = arith.constant 0 : index
    %get3A_16 = arith.constant 0 : index
    %get3A_17 = vector.load %arg7[%get3A_15, %get3A_16] : memref<1x256xf32, #tpu.memory_space<vmem>>, vector<1x256xf32>
    %add3A_18 = vector.broadcast %get3A_17 : vector<1x256xf32> to vector<1000x256xf32>
    %add3A_19 = arith.addf %dot_general3A_14, %add3A_18 : vector<1000x256xf32>
    %swap3A = arith.constant 0 : index
    %swap3A_20 = arith.constant 0 : index
    %swap3A_21 = vector.load %arg8[%swap3A, %swap3A_20] : memref<1000x256xf32, #tpu.memory_space<vmem>>, vector<1000x256xf32>
    tpu.vector_store %arg8[%swap3A, %swap3A_20], %add3A_19 {strides = array<i32>} : memref<1000x256xf32, #tpu.memory_space<vmem>>, vector<1000x256xf32>,
    %get3A_22 = arith.constant 0 : index
    %get3A_23 = arith.constant 0 : index
    %get3A_24 = vector.load %arg4[%get3A_22, %get3A_23] : memref<1000x1xf32, #tpu.memory_space<vmem>>, vector<1000x1xf32>
    %mul3A = vector.broadcast %get3A_24 : vector<1000x1xf32> to vector<1000x256xf32>
    %mul3A_25 = arith.mulf %mul3A, %add3A_9 : vector<1000x256xf32>
    %get3A_26 = arith.constant 0 : index
    %get3A_27 = arith.constant 0 : index
    %get3A_28 = vector.load %arg5[%get3A_26, %get3A_27] : memref<256x256xf32, #tpu.memory_space<vmem>>, vector<256x256xf32>
    %dot_general3A_29 = arith.constant dense<0.000000e+00> : vector<1000x256xf32>
    %dot_general3A_30 = tpu.matmul %mul3A_25, %get3A_28, %dot_general3A_29 {dimension_numbers = #tpu.dot_dimension_numbers<[1], [0], [0], [1], [0, 0, 1, 1], [], []>, transpose_lhs_hint = false} : vector<1000x256xf32>, vector<256x256xf32>, vector<1000x256xf32> -> vector<1000x256xf32>
    %slice3A = vector.extract_strided_slice %dot_general3A_30 {offsets = [0, 0], sizes = [1000, 128], strides = [1, 1]} : vector<1000x256xf32> to vector<1000x128xf32>
    %swap3A_31 = arith.constant 0 : index
    %swap3A_32 = arith.constant 0 : index
    %swap3A_33 = arith.constant 0 : index
    %swap3A_34 = vector.load %arg9[%swap3A_31, %swap3A_32, %swap3A_33] : memref<2x1000x128xf32, #tpu.memory_space<vmem>>, vector<1x1000x128xf32>
    %swap3A_35 = vector.shape_cast %swap3A_34 : vector<1x1000x128xf32> to vector<1000x128xf32>
    %swap3A_36 = vector.shape_cast %slice3A : vector<1000x128xf32> to vector<1x1000x128xf32>
    tpu.vector_store %arg9[%swap3A_31, %swap3A_32, %swap3A_33], %swap3A_36 {strides = array<i32>} : memref<2x1000x128xf32, #tpu.memory_space<vmem>>, vector<1x1000x128xf32>,
    %slice3A_37 = vector.extract_strided_slice %dot_general3A_30 {offsets = [0, 128], sizes = [1000, 128], strides = [1, 1]} : vector<1000x256xf32> to vector<1000x128xf32>
    %swap3A_38 = arith.constant 1 : index
    %swap3A_39 = arith.constant 0 : index
    %swap3A_40 = arith.constant 0 : index
    %swap3A_41 = vector.load %arg9[%swap3A_38, %swap3A_39, %swap3A_40] : memref<2x1000x128xf32, #tpu.memory_space<vmem>>, vector<1x1000x128xf32>
    %swap3A_42 = vector.shape_cast %swap3A_41 : vector<1x1000x128xf32> to vector<1000x128xf32>
    %swap3A_43 = vector.shape_cast %slice3A_37 : vector<1000x128xf32> to vector<1x1000x128xf32>
    tpu.vector_store %arg9[%swap3A_38, %swap3A_39, %swap3A_40], %swap3A_43 {strides = array<i32>} : memref<2x1000x128xf32, #tpu.memory_space<vmem>>, vector<1x1000x128xf32>,
    return
  }
  func.func @transform_0(%arg0: i32) -> (i32, i32) {
    %c0_i32 = arith.constant 0 : i32
    %c0_i32_0 = arith.constant 0 : i32
    return %arg0, %c0_i32 : i32, i32
  }
  func.func @transform_1(%arg0: i32) -> (i32, i32) {
    %c0_i32 = arith.constant 0 : i32
    %c0_i32_0 = arith.constant 0 : i32
    %c0_i32_1 = arith.constant 0 : i32
    return %c0_i32, %c0_i32_0 : i32, i32
  }
  func.func @transform_2(%arg0: i32) -> (i32, i32) {
    %c0_i32 = arith.constant 0 : i32
    %c0_i32_0 = arith.constant 0 : i32
    %c0_i32_1 = arith.constant 0 : i32
    return %c0_i32, %c0_i32_0 : i32, i32
  }
  func.func @transform_3(%arg0: i32) -> (i32, i32) {
    %c0_i32 = arith.constant 0 : i32
    %c0_i32_0 = arith.constant 0 : i32
    return %arg0, %c0_i32 : i32, i32
  }
  func.func @transform_4(%arg0: i32) -> (i32, i32) {
    %c0_i32 = arith.constant 0 : i32
    %c0_i32_0 = arith.constant 0 : i32
    %c0_i32_1 = arith.constant 0 : i32
    return %c0_i32, %c0_i32_0 : i32, i32
  }
  func.func @transform_5(%arg0: i32) -> (i32, i32) {
    %c0_i32 = arith.constant 0 : i32
    %c0_i32_0 = arith.constant 0 : i32
    %c0_i32_1 = arith.constant 0 : i32
    return %c0_i32, %c0_i32_0 : i32, i32
  }
  func.func @transform_6(%arg0: i32) -> (i32, i32) {
    %c0_i32 = arith.constant 0 : i32
    %c0_i32_0 = arith.constant 0 : i32
    %c0_i32_1 = arith.constant 0 : i32
    return %c0_i32, %c0_i32_0 : i32, i32
  }
  func.func @transform_7(%arg0: i32) -> (i32, i32) {
    %c0_i32 = arith.constant 0 : i32
    %c0_i32_0 = arith.constant 0 : i32
    return %arg0, %c0_i32 : i32, i32
  }
  func.func @transform_8(%arg0: i32) -> (i32, i32, i32) {
    %c0_i32 = arith.constant 0 : i32
    %c0_i32_0 = arith.constant 0 : i32
    %c0_i32_1 = arith.constant 0 : i32
    return %c0_i32, %arg0, %c0_i32_0 : i32, i32, i32
  }
}

module attributes {stable_mosaic.version = 14 : i64} {
  func.func @_edge_fc_body(%arg0: i32, %arg1: memref<1000x136xf32, #tpu.memory_space<vmem>>, %arg2: memref<136x128xf32, #tpu.memory_space<vmem>>, %arg3: memref<128x1024xf32, #tpu.memory_space<vmem>>, %arg4: memref<128x1024xf32, #tpu.memory_space<vmem>>, %arg5: memref<8000x128xf32, #tpu.memory_space<vmem>>, %arg6: memref<8000x128xf32, #tpu.memory_space<vmem>>) attributes {dimension_semantics = [#tpu.dimension_semantics<arbitrary>], iteration_bounds = array<i64: 20>, scalar_prefetch = 0 : i64, scratch_operands = 0 : i64, tpu.core_type = #tpu.core_type<tc>, window_params = [{transform_indices = @transform_0, window_bounds = array<i64: 1000, 136>}, {pipeline_mode = #tpu.pipeline_mode<synchronous>, transform_indices = @transform_1, window_bounds = array<i64: 136, 128>}, {pipeline_mode = #tpu.pipeline_mode<synchronous>, transform_indices = @transform_2, window_bounds = array<i64: 128, 1024>}, {pipeline_mode = #tpu.pipeline_mode<synchronous>, transform_indices = @transform_3, window_bounds = array<i64: 128, 1024>}, {transform_indices = @transform_4, window_bounds = array<i64: 8000, 128>}, {transform_indices = @transform_5, window_bounds = array<i64: 8000, 128>}]} {
    %get3A = arith.constant 0 : index
    %get3A_0 = arith.constant 0 : index
    %get3A_1 = vector.load %arg1[%get3A, %get3A_0] : memref<1000x136xf32, #tpu.memory_space<vmem>>, vector<1000x136xf32>
    %get3A_2 = arith.constant 0 : index
    %get3A_3 = arith.constant 0 : index
    %get3A_4 = vector.load %arg2[%get3A_2, %get3A_3] : memref<136x128xf32, #tpu.memory_space<vmem>>, vector<136x128xf32>
    %dot_general3A = arith.constant dense<0.000000e+00> : vector<1000x128xf32>
    %dot_general3A_5 = tpu.matmul %get3A_1, %get3A_4, %dot_general3A {dimension_numbers = #tpu.dot_dimension_numbers<[1], [0], [0], [1], [0, 0, 1, 1], [], []>, transpose_lhs_hint = false} : vector<1000x136xf32>, vector<136x128xf32>, vector<1000x128xf32> -> vector<1000x128xf32>
    %get3A_6 = arith.constant 0 : index
    %get3A_7 = arith.constant 0 : index
    %get3A_8 = vector.load %arg3[%get3A_6, %get3A_7] : memref<128x1024xf32, #tpu.memory_space<vmem>>, vector<128x1024xf32>
    %dot_general3A_9 = arith.constant dense<0.000000e+00> : vector<1000x1024xf32>
    %dot_general3A_10 = tpu.matmul %dot_general3A_5, %get3A_8, %dot_general3A_9 {dimension_numbers = #tpu.dot_dimension_numbers<[1], [0], [0], [1], [0, 0, 1, 1], [], []>, transpose_lhs_hint = false} : vector<1000x128xf32>, vector<128x1024xf32>, vector<1000x1024xf32> -> vector<1000x1024xf32>
    %get3A_11 = arith.constant 0 : index
    %get3A_12 = arith.constant 0 : index
    %get3A_13 = vector.load %arg4[%get3A_11, %get3A_12] : memref<128x1024xf32, #tpu.memory_space<vmem>>, vector<128x1024xf32>
    %dot_general3A_14 = arith.constant dense<0.000000e+00> : vector<1000x1024xf32>
    %dot_general3A_15 = tpu.matmul %dot_general3A_5, %get3A_13, %dot_general3A_14 {dimension_numbers = #tpu.dot_dimension_numbers<[1], [0], [0], [1], [0, 0, 1, 1], [], []>, transpose_lhs_hint = false} : vector<1000x128xf32>, vector<128x1024xf32>, vector<1000x1024xf32> -> vector<1000x1024xf32>
    %reshape3A = vector.shape_cast %dot_general3A_10 : vector<1000x1024xf32> to vector<8000x128xf32>
    %swap3A = arith.constant 0 : index
    %swap3A_16 = arith.constant 0 : index
    %swap3A_17 = vector.load %arg5[%swap3A, %swap3A_16] : memref<8000x128xf32, #tpu.memory_space<vmem>>, vector<8000x128xf32>
    tpu.vector_store %arg5[%swap3A, %swap3A_16], %reshape3A {strides = array<i32>} : memref<8000x128xf32, #tpu.memory_space<vmem>>, vector<8000x128xf32>,
    %reshape3A_18 = vector.shape_cast %dot_general3A_15 : vector<1000x1024xf32> to vector<8000x128xf32>
    %swap3A_19 = arith.constant 0 : index
    %swap3A_20 = arith.constant 0 : index
    %swap3A_21 = vector.load %arg6[%swap3A_19, %swap3A_20] : memref<8000x128xf32, #tpu.memory_space<vmem>>, vector<8000x128xf32>
    tpu.vector_store %arg6[%swap3A_19, %swap3A_20], %reshape3A_18 {strides = array<i32>} : memref<8000x128xf32, #tpu.memory_space<vmem>>, vector<8000x128xf32>,
    return
  }
  func.func @transform_0(%arg0: i32) -> (i32, i32) {
    %c0_i32 = arith.constant 0 : i32
    %c0_i32_0 = arith.constant 0 : i32
    return %arg0, %c0_i32 : i32, i32
  }
  func.func @transform_1(%arg0: i32) -> (i32, i32) {
    %c0_i32 = arith.constant 0 : i32
    %c0_i32_0 = arith.constant 0 : i32
    %c0_i32_1 = arith.constant 0 : i32
    return %c0_i32, %c0_i32_0 : i32, i32
  }
  func.func @transform_2(%arg0: i32) -> (i32, i32) {
    %c0_i32 = arith.constant 0 : i32
    %c0_i32_0 = arith.constant 0 : i32
    %c0_i32_1 = arith.constant 0 : i32
    return %c0_i32, %c0_i32_0 : i32, i32
  }
  func.func @transform_3(%arg0: i32) -> (i32, i32) {
    %c0_i32 = arith.constant 0 : i32
    %c0_i32_0 = arith.constant 0 : i32
    %c0_i32_1 = arith.constant 0 : i32
    return %c0_i32, %c0_i32_0 : i32, i32
  }
  func.func @transform_4(%arg0: i32) -> (i32, i32) {
    %c0_i32 = arith.constant 0 : i32
    %c0_i32_0 = arith.constant 0 : i32
    return %arg0, %c0_i32 : i32, i32
  }
  func.func @transform_5(%arg0: i32) -> (i32, i32) {
    %c0_i32 = arith.constant 0 : i32
    %c0_i32_0 = arith.constant 0 : i32
    return %arg0, %c0_i32 : i32, i32
  }
}

module attributes {stable_mosaic.version = 14 : i64} {
  func.func @_apply_body(%arg0: i32, %arg1: memref<2x1000x128xf32, #tpu.memory_space<vmem>>, %arg2: memref<1000x256xf32, #tpu.memory_space<vmem>>, %arg3: memref<1000x1xf32, #tpu.memory_space<vmem>>, %arg4: memref<1000x256xf32, #tpu.memory_space<vmem>>) attributes {dimension_semantics = [#tpu.dimension_semantics<arbitrary>], iteration_bounds = array<i64: 10>, scalar_prefetch = 0 : i64, scratch_operands = 0 : i64, tpu.core_type = #tpu.core_type<tc>, window_params = [{transform_indices = @transform_0, window_bounds = array<i64: 2, 1000, 128>}, {transform_indices = @transform_1, window_bounds = array<i64: 1000, 256>}, {transform_indices = @transform_2, window_bounds = array<i64: 1000, 1>}, {transform_indices = @transform_3, window_bounds = array<i64: 1000, 256>}]} {
    %get3A = arith.constant 0 : index
    %get3A_0 = arith.constant 0 : index
    %get3A_1 = vector.load %arg3[%get3A, %get3A_0] : memref<1000x1xf32, #tpu.memory_space<vmem>>, vector<1000x1xf32>
    %get3A_2 = arith.constant 0 : index
    %get3A_3 = arith.constant 0 : index
    %get3A_4 = vector.load %arg2[%get3A_2, %get3A_3] : memref<1000x256xf32, #tpu.memory_space<vmem>>, vector<1000x256xf32>
    %get3A_5 = arith.constant 0 : index
    %get3A_6 = arith.constant 0 : index
    %get3A_7 = arith.constant 0 : index
    %get3A_8 = vector.load %arg1[%get3A_5, %get3A_6, %get3A_7] : memref<2x1000x128xf32, #tpu.memory_space<vmem>>, vector<1x1000x128xf32>
    %get3A_9 = vector.shape_cast %get3A_8 : vector<1x1000x128xf32> to vector<1000x128xf32>
    %slice3A = vector.extract_strided_slice %get3A_4 {offsets = [0, 0], sizes = [1000, 128], strides = [1, 1]} : vector<1000x256xf32> to vector<1000x128xf32>
    %add3A = arith.addf %get3A_9, %slice3A : vector<1000x128xf32>
    %max3A = arith.constant 0.000000e+00 : f32
    %max3A_10 = vector.broadcast %max3A : f32 to vector<1000x128xf32>
    %max3A_11 = arith.maximumf %add3A, %max3A_10 : vector<1000x128xf32>
    %mul3A = vector.broadcast %get3A_1 : vector<1000x1xf32> to vector<1000x128xf32>
    %mul3A_12 = arith.mulf %mul3A, %max3A_11 : vector<1000x128xf32>
    %swap3A = arith.constant 0 : index
    %swap3A_13 = arith.constant 0 : index
    %swap3A_14 = vector.load %arg4[%swap3A, %swap3A_13] : memref<1000x256xf32, #tpu.memory_space<vmem>>, vector<1000x128xf32>
    tpu.vector_store %arg4[%swap3A, %swap3A_13], %mul3A_12 {strides = array<i32>} : memref<1000x256xf32, #tpu.memory_space<vmem>>, vector<1000x128xf32>,
    %get3A_15 = arith.constant 1 : index
    %get3A_16 = arith.constant 0 : index
    %get3A_17 = arith.constant 0 : index
    %get3A_18 = vector.load %arg1[%get3A_15, %get3A_16, %get3A_17] : memref<2x1000x128xf32, #tpu.memory_space<vmem>>, vector<1x1000x128xf32>
    %get3A_19 = vector.shape_cast %get3A_18 : vector<1x1000x128xf32> to vector<1000x128xf32>
    %slice3A_20 = vector.extract_strided_slice %get3A_4 {offsets = [0, 128], sizes = [1000, 128], strides = [1, 1]} : vector<1000x256xf32> to vector<1000x128xf32>
    %add3A_21 = arith.addf %get3A_19, %slice3A_20 : vector<1000x128xf32>
    %max3A_22 = arith.constant 0.000000e+00 : f32
    %max3A_23 = vector.broadcast %max3A_22 : f32 to vector<1000x128xf32>
    %max3A_24 = arith.maximumf %add3A_21, %max3A_23 : vector<1000x128xf32>
    %mul3A_25 = vector.broadcast %get3A_1 : vector<1000x1xf32> to vector<1000x128xf32>
    %mul3A_26 = arith.mulf %mul3A_25, %max3A_24 : vector<1000x128xf32>
    %swap3A_27 = arith.constant 0 : index
    %swap3A_28 = arith.constant 128 : index
    %swap3A_29 = vector.load %arg4[%swap3A_27, %swap3A_28] : memref<1000x256xf32, #tpu.memory_space<vmem>>, vector<1000x128xf32>
    tpu.vector_store %arg4[%swap3A_27, %swap3A_28], %mul3A_26 {strides = array<i32>} : memref<1000x256xf32, #tpu.memory_space<vmem>>, vector<1000x128xf32>,
    return
  }
  func.func @transform_0(%arg0: i32) -> (i32, i32, i32) {
    %c0_i32 = arith.constant 0 : i32
    %c0_i32_0 = arith.constant 0 : i32
    %c0_i32_1 = arith.constant 0 : i32
    return %c0_i32, %arg0, %c0_i32_0 : i32, i32, i32
  }
  func.func @transform_1(%arg0: i32) -> (i32, i32) {
    %c0_i32 = arith.constant 0 : i32
    %c0_i32_0 = arith.constant 0 : i32
    return %arg0, %c0_i32 : i32, i32
  }
  func.func @transform_2(%arg0: i32) -> (i32, i32) {
    %c0_i32 = arith.constant 0 : i32
    %c0_i32_0 = arith.constant 0 : i32
    return %arg0, %c0_i32 : i32, i32
  }
  func.func @transform_3(%arg0: i32) -> (i32, i32) {
    %c0_i32 = arith.constant 0 : i32
    %c0_i32_0 = arith.constant 0 : i32
    return %arg0, %c0_i32 : i32, i32
  }
}

</mosaic_0001>

<sc_bundles>
// kernel: kernel.10.cloned.1.call-start
scs
__scs_entry_jumppad:
0x0: {  	(pc) =	sbr.rel $0x88, $3  }
0x1: {  	(tag) =	ssettag $0x0;
	lr =	simm.s32 $0x1  }
0x2: {  	[smem:$0x3F96] =	sst lr;
	_ =	strace $0xD0000000  }
0x3: {  	_ = 	snop  }
0x4: {  	_ = 	snop  }
0x5: {  	_ = 	snop  }
0x6: {  	_ = 	snop  }
0x7: {  	_ = 	snop  }
__scs_overlays_trampoline_lowered:
0x8: {  	[smem:$0x3FA5] =	sst s0  }
0x9: {  	[smem:$0x3FA6] =	sst s1  }
0xa: {  	[smem:$0x3FA7] =	sst s2  }
0xb: {  	[smem:$0x3FA8] =	sst s3  }
0xc: {  	[smem:$0x3FA9] =	sst s4  }
0xd: {  	[smem:$0x3FAA] =	sst s5  }
0xe: {  	[smem:$0x3FAB] =	sst s6  }
0xf: {  	[smem:$0x3FAC] =	sst s7  }
0x10: {  	[smem:$0x3FAD] =	sst s8  }
0x11: {  	[smem:$0x3FAE] =	sst s9;
	s0 =	simm.s32 @!p0 $0x0  }
0x12: {  	s1 =	sld [smem:$0x3F94];
	s0 =	simm.s32 @p0 $0x1  }
0x13: {  	[smem:$0x3FAF] =	sst s0;
	s0 =	simm.s32 @!p1 $0x0  }
0x14: {  	s2 =	sld [smem:$0x3F93];
	s0 =	simm.s32 @p1 $0x1  }
0x15: {  	[smem:$0x3FB0] =	sst s0;
	s0 =	simm.s32 @!p2 $0x0  }
0x16: {  	s3 =	sld [smem:$0x3FDB];
	s0 =	simm.s32 @p2 $0x1  }
0x17: {  	s4 =	simm.s32 $0x1BF5;
	[smem:$0x3FB2] =	sst s0  }
0x18: {  	s0 =	sld [smem:$0x3F95];
	_ =	swait.ge [sflag:s4], $0x0  }
0x19: {  	s7 =	sld [smem:$0x3F96]  }
0x1a: {  	s8 =	sadd.s32 $0xFFFFE003, lr  }
0x1b: {  	s9 =	sadd.s32 $0xFFFFFEF7, lr;
	s5 =	simm.s32 $0xFFFFFFFF;
	p2 =	slt.u32 s8, $0xFFFFF086  }
0x1c: {  	p1 =	slt.u32 s9, $0xF7A;
	s5 =	simm.s32 @!p2 $0x0  }
0x1d: {  	s5 =	simm.s32 @p1 $0x1;
	p0 =	seq.s32 s7, s2  }
0x1e: {  	s7 =	smul.u32 @!p0 $0xF7A, s2;
	p2 =	seq.s32 @!p0 s5, $0x0  }
0x1f: {  	s9 =	smul.u32 $0xF7A, s1;
	s8 =	simm.s32 @!p0 $0x1BF5;
	p2 =	por !p2, p0  }
0x20: {  	[sflag:s8] =	ssyncset.s32 @!p0 $0xFFFFF086;
	s6 =	sadd.s32 @!p0 s3, s7;
	s7 =	simm.s32 @!p0 $0x108  }
0x21: {  	s3 =	sadd.s32 s3, s9;
	s6 =	sadd.s32 @!p0 $0x88, s6;
	s7 =	simm.s32 @p2 $0x1082  }
0x22: {  	[simem:s7], [sflag:s8] =	dma.local @!p0 [hbm:s6], $0xF7A  }
0x23: {  	s9 =	sor.u32 $0xD0000000, s2;
	s6 =	simm.s32 $0x108;
	_ =	swait.ge @!p0 [sflag:s8], $0x0  }
0x24: {  	s3 =	sadd.s32 $0x88, s3;
	s6 =	simm.s32 @!p1 $0x1082;
	[sflag:s4] =	ssyncset.s32 $0xFFFFF086  }
0x25: {  	[simem:s6], [sflag:s4] =	dma.local [hbm:s3], $0xF7A  }
0x26: {  	[smem:$0x3F96] =	sst s1;
	(tag) =	ssettag s2;
	_ =	strace s9  }
0x27: {  	s1 =	sld [smem:$0x3FA6]  }
0x28: {  	s2 =	sld [smem:$0x3FA7]  }
0x29: {  	s4 =	sld [smem:$0x3FA9]  }
0x2a: {  	p0 =	seq.s32 s5, $0x0;
	s5 =	sld [smem:$0x3FAA]  }
0x2b: {  	s6 =	sld [smem:$0x3FAB]  }
0x2c: {  	s7 =	sld [smem:$0x3FAC]  }
0x2d: {  	s3 =	simm.s32 $0x108;
	s8 =	sld [smem:$0x3FAD]  }
0x2e: {  	s3 =	simm.s32 @!p0 $0x1082;
	s9 =	sld [smem:$0x3FAE]  }
0x2f: {  	lr =	sadd.s32 s0, s3;
	s0 =	sld [smem:$0x3FA5]  }
0x30: {  	s3 =	sld [smem:$0x3FA8]  }
0x31: {  	[smem:$0x3FB1] =	sst s10  }
0x32: {  	s10 =	sld [smem:$0x3FAF];
	_ =	sdelay $0x3  }
0x33: {  	p0 =	seq.s32 s10, $0x1;
	s10 =	sld [smem:$0x3FB1];
	_ =	sdelay $0x3  }
0x34: {  	[smem:$0x3FB1] =	sst s10  }
0x35: {  	s10 =	sld [smem:$0x3FB0];
	_ =	sdelay $0x3  }
0x36: {  	p1 =	seq.s32 s10, $0x1;
	s10 =	sld [smem:$0x3FB1];
	_ =	sdelay $0x3  }
0x37: {  	[smem:$0x3FB1] =	sst s10  }
0x38: {  	s10 =	sld [smem:$0x3FB2]  }
0x39: {  	_ = 	snop;
	(pc) =	sbr.ind lr, $3  }
0x3a: {  	_ = 	snop  }
0x3b: {  	_ = 	snop  }
0x3c: {  	p2 =	seq.s32 s10, $0x1;
	s10 =	sld [smem:$0x3FB1]  }
0x3d: {  	_ =	shalt  }
0x3e: {  	_ =	shalt  }
0x3f: {  	_ =	shalt  }
0x40: {  	_ =	shalt  }
0x41: {  	_ =	shalt  }
0x42: {  	_ =	shalt  }
0x43: {  	_ =	shalt  }
0x44: {  	_ =	shalt  }
0x45: {  	_ =	shalt  }
0x46: {  	_ =	shalt  }
0x47: {  	_ =	shalt  }
0x48: {  	_ =	shalt  }
0x49: {  	_ =	shalt  }
0x4a: {  	_ =	shalt  }
0x4b: {  	_ =	shalt  }
0x4c: {  	_ =	shalt  }
0x4d: {  	_ =	shalt  }
0x4e: {  	_ =	shalt  }
0x4f: {  	_ =	shalt  }
0x50: {  	_ =	shalt  }
0x51: {  	_ =	shalt  }
0x52: {  	_ =	shalt  }
0x53: {  	_ =	shalt  }
0x54: {  	_ =	shalt  }
0x55: {  	_ =	shalt  }
0x56: {  	_ =	shalt  }
0x57: {  	_ =	shalt  }
0x58: {  	_ =	shalt  }
0x59: {  	_ =	shalt  }
0x5a: {  	_ =	shalt  }
0x5b: {  	_ =	shalt  }
0x5c: {  	_ =	shalt  }
0x5d: {  	_ =	shalt  }
0x5e: {  	_ =	shalt  }
0x5f: {  	_ =	shalt  }
0x60: {  	_ =	shalt  }
0x61: {  	_ =	shalt  }
0x62: {  	_ =	shalt  }
0x63: {  	_ =	shalt  }
0x64: {  	_ =	shalt  }
0x65: {  	_ =	shalt  }
0x66: {  	_ =	shalt  }
0x67: {  	_ =	shalt  }
0x68: {  	_ =	shalt  }
0x69: {  	_ =	shalt  }
0x6a: {  	_ =	shalt  }
0x6b: {  	_ =	shalt  }
0x6c: {  	_ =	shalt  }
0x6d: {  	_ =	shalt  }
0x6e: {  	_ =	shalt  }
0x6f: {  	_ =	shalt  }
0x70: {  	_ =	shalt  }
0x71: {  	_ =	shalt  }
0x72: {  	_ =	shalt  }
0x73: {  	_ =	shalt  }
0x74: {  	_ =	shalt  }
0x75: {  	_ =	shalt  }
0x76: {  	_ =	shalt  }
0x77: {  	_ =	shalt  }
0x78: {  	_ =	shalt  }
0x79: {  	_ =	shalt  }
0x7a: {  	_ =	shalt  }
0x7b: {  	_ =	shalt  }
0x7c: {  	_ =	shalt  }
0x7d: {  	_ =	shalt  }
0x7e: {  	_ =	shalt  }
0x7f: {  	_ =	shalt  }
0x80: {  	_ =	shalt  }
0x81: {  	_ =	shalt  }
0x82: {  	_ =	shalt  }
0x83: {  	_ =	shalt  }
0x84: {  	_ =	shalt  }
0x85: {  	_ =	shalt  }
0x86: {  	_ =	shalt  }
0x87: {  	_ =	shalt  }
.Lfunc_end0:
.L_simem_size_0:
called_computation.1_lowered:
.L_overlay_start_0:
0x88: {  	s2 =	sld [smem:$0x3FD9]  }
0x89: {  	s3 =	sld [smem:$0x3FFE];
	_ =	sdelay $0x1  }
0x8a: {  	s1 =	srdreg.scid  }
0x8b: {  	s0 =	sand.u32 $0x1, s1  }
0x8c: {  	s17 =	sshll.u32 s0, $0xA;
	s2 =	sadd.s32 s3, s2  }
0x8d: {  	s2 =	sadd.s32 s2, s17  }
0x8e: {  	[smem:$0x3FBD] =	sst s2  }
0x8f: {  	_ = 	snop  }
0x90: {  	s2 =	sld [smem:$0x3FD0];
	(tm) =	ssettm $0x1  }
0x91: {  	s18 =	sld [smem:$0x3FFB];
	_ =	sdelay $0x3  }
0x92: {  	_ =	strace s18  }
0x93: {  	s3 =	sld [smem:$0x3FFC];
	_ =	sdelay $0x3  }
0x94: {  	_ =	strace s3  }
0x95: {  	s3 =	sld [smem:$0x3FFD];
	_ =	sdelay $0x3  }
0x96: {  	_ =	strace s3  }
0x97: {  	_ =	strace $0x8FFFFFFF  }
0x98: {  	s19 =	sld [smem:$0x3FDB];
	_ =	sdelay $0x1  }
0x99: {  	s4 =	simm.s32 $_scs_section_size  }
0x9a: {  	s5 =	simm.s32 $_size__tile_overlayer_lowered;
	s6 =	simm.s32 $_tile_overlayer_lowered  }
0x9b: {  	s22 =	simm.s32 $0x1BFF;
	s21 =	sshll.u32 s6, $0x1;
	s3 =	sadd.s32 s4, s19  }
0x9c: {  	s7 =	simm.s32 $0x0;
	s20 =	sshll.u32 s5, $0x1;
	s5 =	sadd.s32 s21, s3  }
0x9d: {  	[timem:s7], [sflag:s22] =	dma.local [hbm:s5], s20  }
0x9e: {  	_ =	swait.ge [sflag:s22], s20  }
0x9f: {  	s4 =	ssub.s32 $0x0, s20;
	[sflag:s22] =	ssyncset.done $0x0  }
0xa0: {  	[sflag:s22] =	ssyncadd.s32 s4;
	_ =	sdelay $0x1  }
0xa1: {  	s23 =	simm.s32 $0x1B8B  }
0xa2: {  	_ =	swait.ge [sflag:s23], $0x1  }
0xa3: {  	[sflag:s23] =	ssyncset.done $0x0  }
0xa4: {  	s25 =	simm.s32 $0x1B8E;
	s24 =	sld [smem:$0x3FFE];
	[sflag:s23] =	ssyncadd.s32 $0xFFFFFFFF  }
0xa5: {  	s26 =	simm.s32 $execute0_lowered;
	[smem:$0x3FD2] =	sst s25  }
0xa6: {  	s5 =	sshll.u32 s26, $0x1;
	_ =	strace $0x80000049;
	[dreg:$0x1] =	wrdreg $0xFFFFFFFF  }
0xa7: {  	s28 =	simm.s32 $_size_execute0_lowered;
	s3 =	sadd.s32 s3, s5;
	[dreg:$0x0] =	wrdreg $0x0  }
0xa8: {  	s5 =	sshll.u32 s28, $0x1;
	[dreg:$0x2] =	wrdreg s3  }
0xa9: {  	[dreg:$0x3] =	wrdreg s5  }
0xaa: {  	[dreg:$0x4] =	wrdreg $0xC0  }
0xab: {  	_ =	task [dreg:s7], $0x5FFFF  }
0xac: {  	[dreg:$0x1] =	wrdreg $0xFFFFFFFF  }
0xad: {  	[dreg:$0x0] =	wrdreg $0x60  }
0xae: {  	[dreg:$0x2] =	wrdreg s24  }
0xaf: {  	[dreg:$0x3] =	wrdreg s2  }
0xb0: {  	[dreg:$0x4] =	wrdreg $0x99000  }
0xb1: {  	[dreg:$0x5] =	wrdreg $0x9  }
0xb2: {  	_ =	task.clear_ibuf [dreg:s7], $0x6FFFF;
	_ =	strace $0x90000049  }
0xb3: {  	s29 =	simm.s32 $0x9;
	_ =	strace $0x8000004B  }
0xb4: {  	_ =	swait.ge [sflag:s29], $0x1  }
0xb5: {  	[sflag:s29] =	ssyncadd.s32 $0xFFFFFFFF  }
0xb6: {  	_ =	strace $0x9000004B  }
0xb7: {  	_ =	sfence  }
0xb8: {  	s30 =	sld [smem:$0x0];
	_ =	sdelay $0x2  }
0xb9: {  	s31 =	sshll.u32 s1, $0xD;
	s1 =	sshrl.u32 s1, $0x2  }
0xba: {  	s3 =	sand.u32 $0x4000, s31;
	s1 =	sadd.s32 s1, s30  }
0xbb: {  	s0 =	sor.u32 s3, s0;
	s1 =	sshll.u32 s1, $0x11  }
0xbc: {  	s0 =	sor.u32 s1, s0  }
0xbd: {  	s0 =	sadd.s32 $0x8F2B, s0  }
0xbe: {  	[sflag:s0] =	ssyncadd.remote.s32 $0x1  }
0xbf: {  	_ =	sfence.sel $0xFFFF  }
0xc0: {  	[dreg:$0x0] =	wrdreg $0xFFFFFFFF;
	(pc) =	sbr.abs _section_cstart, $3  }
0xc1: {  	[dreg:$0x1] =	wrdreg $0xFFFFFFFF  }
0xc2: {  	_ =	task.clear_ibuf [dreg:s7], $0x2FFFF;
	_ =	strace $0x9FFFFFFF  }
0xc3: {  	(tm) =	ssettm $0x7FFFFFFF  }
tec
execute0_lowered:
.L_overlay_start_1:
0x0: {  	(tag) =	ssettag $0x1  }
0x1: {  	s0 =	srdreg.scid  }
0x2: {  	s25 =	stileid.u32;
	s1 =	sand.u32 $0x1, s0  }
0x3: {  	s13 =	smul.u32 $0x13800, s25;
	s26 =	ssub.s32 $0x2, s1  }
0x4: {  	s29 =	rddreg [dreg:$0x1];
	s14 =	smul.u32 $0x138800, s1;
	s2 =	sshrl.u32 s26, $0x1  }
0x5: {  	p0 =	seq.s32 s1, $0x0;
	s0 =	ssub.s32 s26, s2;
	s2 =	sadd.s32 $0x1800, s13  }
0x6: {  	s4 =	sadd.s32 $0x4800, s13;
	s3 =	sadd.s32 s13, s14;
	s5 =	sadd.s32 s14, s2  }
0x7: {  	s7 =	sadd.s32 s14, s4;
	s16 =	sshrl.u32 s5, $0x3;
	s5 =	sadd.s32 $0x6000, s13  }
0x8: {  	s15 =	sshrl.u32 s3, $0x3;
	s3 =	sadd.s32 $0x3000, s13;
	s8 =	sadd.s32 s14, s5  }
0x9: {  	s18 =	sshrl.u32 s7, $0x3;
	s19 =	sshrl.u32 s8, $0x3;
	s8 =	sadd.s32 $0xA800, s13  }
0xa: {  	s7 =	sadd.s32 $0x9000, s13;
	s6 =	sadd.s32 s14, s3;
	s11 =	sadd.s32 s14, s8  }
0xb: {  	s10 =	sadd.s32 s14, s7;
	s23 =	sshrl.u32 s11, $0x3;
	s11 =	sadd.s32 $0xF000, s13  }
0xc: {  	s17 =	sshrl.u32 s6, $0x3;
	s6 =	sadd.s32 $0x7800, s13;
	s28 =	sadd.s32 s14, s11  }
0xd: {  	s21 =	sshrl.u32 s10, $0x3;
	s1 =	sshrl.u32 s28, $0x3;
	s28 =	rddreg [dreg:$0x0]  }
0xe: {  	s10 =	sadd.s32 $0xD800, s13;
	s9 =	sadd.s32 s14, s6;
	s30 =	sadd.s32 $0xD0200, s28  }
0xf: {  	s22 =	sadd.s32 s14, s10;
	s20 =	sshrl.u32 s9, $0x3;
	s31 =	sadd.s32 s30, s15  }
0x10: {  	s9 =	sadd.s32 $0xC000, s13;
	s15 =	sadd.s32 s29, s15;
	[dreg:$0x4] =	wrdreg s31  }
0x11: {  	s22 =	sshrl.u32 s22, $0x3;
	s31 =	sadd.s32 s30, s16;
	[dreg:$0x12] =	wrdreg s15  }
0x12: {  	s12 =	sadd.s32 s14, s9;
	s16 =	sadd.s32 s29, s16;
	[dreg:$0x5] =	wrdreg s31  }
0x13: {  	s24 =	sshrl.u32 s12, $0x3;
	s31 =	sadd.s32 s30, s17;
	[dreg:$0x13] =	wrdreg s16  }
0x14: {  	s12 =	sadd.s32 $0x10800, s13;
	s17 =	sadd.s32 s29, s17;
	[dreg:$0x6] =	wrdreg s31  }
0x15: {  	s13 =	sadd.s32 $0x12000, s13;
	s16 =	sadd.s32 s29, s24;
	[dreg:$0x14] =	wrdreg s17  }
0x16: {  	s25 =	sadd.s32 s14, s12;
	s31 =	sadd.s32 s30, s18;
	[dreg:$0x19] =	wrdreg s16  }
0x17: {  	s26 =	sadd.s32 s14, s13;
	s18 =	sadd.s32 s29, s18;
	[dreg:$0x7] =	wrdreg s31  }
0x18: {  	s14 =	sshrl.u32 s14, $0x3;
	s17 =	sadd.s32 s29, s22;
	[dreg:$0x15] =	wrdreg s18  }
0x19: {  	s25 =	sshrl.u32 s25, $0x3;
	s31 =	sadd.s32 s30, s19;
	[dreg:$0x1a] =	wrdreg s17  }
0x1a: {  	s26 =	sshrl.u32 s26, $0x3;
	s19 =	sadd.s32 s29, s19;
	[dreg:$0x8] =	wrdreg s31  }
0x1b: {  	s14 =	sadd.s32 $0x27000, s14;
	s18 =	sadd.s32 s29, s25;
	[dreg:$0x16] =	wrdreg s19  }
0x1c: {  	s15 =	smax.u32 s0, $0x1;
	s31 =	sadd.s32 s30, s20;
	[dreg:$0x1c] =	wrdreg s18  }
0x1d: {  	s17 =	simm.s32 $0x100;
	s20 =	sadd.s32 s29, s20;
	[dreg:$0x9] =	wrdreg s31  }
0x1e: {  	s19 =	stileid.u32;
	s31 =	sadd.s32 s30, s21;
	[dreg:$0x17] =	wrdreg s20  }
0x1f: {  	s21 =	sadd.s32 s29, s21;
	[dreg:$0xa] =	wrdreg s31;
	s31 =	sadd.s32 s30, s23  }
0x20: {  	s20 =	smul.u32 $0x4E2, s19;
	s23 =	sadd.s32 s29, s23;
	[dreg:$0xb] =	wrdreg s31  }
0x21: {  	s18 =	smul.u32 $0x4E000, s19;
	s31 =	sadd.s32 s30, s24;
	[dreg:$0x18] =	wrdreg s23  }
0x22: {  	s24 =	sadd.s32 s29, s26;
	s23 =	stileid.u32;
	[dreg:$0xc] =	wrdreg s31  }
0x23: {  	s19 =	sshrl.u32 s20, $0x4;
	s31 =	sadd.s32 s30, s22;
	[dreg:$0x1d] =	wrdreg s24  }
0x24: {  	s22 =	sshll.u32 s19, $0xB;
	p1 =	sne.s32 s23, $0xF;
	s23 =	simm.s32 $0x5  }
0x25: {  	[dreg:$0xd] =	wrdreg s31;
	s31 =	sadd.s32 s30, s1;
	s1 =	sadd.s32 s29, s1  }
0x26: {  	s29 =	sadd.s32 s29, s14;
	[dreg:$0xe] =	wrdreg s31;
	s31 =	sadd.s32 s30, s25  }
0x27: {  	[dreg:$0x1b] =	wrdreg s1;
	s25 =	sand.u32 $0x7FF0, s20;
	s1 =	sshrl.u32 s18, $0x2  }
0x28: {  	[dreg:$0xf] =	wrdreg s31;
	s31 =	sadd.s32 s30, s26;
	s30 =	sadd.s32 s30, s14  }
0x29: {  	s14 =	simm.s32 $0x11E400;
	s26 =	sadd.s32 s25, s28;
	[dreg:$0x10] =	wrdreg s31  }
0x2a: {  	s25 =	sadd.s32 $0x4E2, s20;
	[dreg:$0x11] =	wrdreg s30;
	s30 =	simm.s32 $0x0  }
0x2b: {  	s14 =	simm.s32 @!p0 $0x38F400;
	s31 =	rddreg [dreg:$0x2];
	s20 =	sadd.s32 $0x2EA00, s26  }
0x2c: {  	s26 =	sadd.s32 $0x2EA10, s26;
	[smem:$0x7FF] =	sst s30;
	s14 =	sadd.s32 s14, s28  }
0x2d: {  	s1 =	sadd.s32 s1, s31;
	s2 =	sadd.s32 s2, s31;
	s3 =	sadd.s32 s3, s31  }
0x2e: {  	s4 =	sadd.s32 s4, s31;
	s5 =	sadd.s32 s5, s31;
	s6 =	sadd.s32 s6, s31  }
0x2f: {  	s11 =	sadd.s32 s11, s31;
	_ =	strace $0x8000004A;
	[smem:$0x7F7] =	sst s26  }
0x30: {  	s7 =	sadd.s32 s7, s31;
	s12 =	sadd.s32 s12, s31;
	[dreg:$0x1f] =	wrdreg s11  }
0x31: {  	s8 =	sadd.s32 s8, s31;
	s13 =	sadd.s32 s13, s31;
	[smem:$0x7F9] =	sst s12  }
0x32: {  	s9 =	sadd.s32 s9, s31;
	s10 =	sadd.s32 s10, s31;
	[smem:$0x7FA] =	sst s13  }
.Ltmp0:
0x33: {  	s16 =	sadd.s32 $0x138000, s31;
	[smem:$0x7FB] =	sst s15;
	(pc) =	sbr.rel .LBB2_1-.Ltmp0, $4  }
0x34: {  	s24 =	sadd.s32 s14, s22;
	s14 =	sshrl.u32 s25, $0x4;
	[smem:$0x7FC] =	sst s20  }
0x35: {  	s22 =	simm.s32 $0x8100;
	[smem:$0x7FD] =	sst s16;
	p0 =	sle.u32 s14, s19  }
0x36: {  	s18 =	ssub.s32 s14, s19;
	[dreg:$0x1e] =	wrdreg s24;
	s28 =	sadd.s32 $0x800, s24  }
0x37: {  	s19 =	sadd.s32 $0x1, s19;
	s24 =	simm.s32 $0x0;
	[smem:$0x7F8] =	sst s28  }
.LBB2_3:
0x38: {  	s17 =	sld [smem:$0x7F7]  }
0x39: {  	s21 =	sld [smem:$0x7F8]  }
.LBB2_8:
0x3a: {  	p3 =	seq.s32 s29, $0x1  }
0x3b: {  	[sflag:s16] =	ssyncadd.s32 @p2 $0xFFFFC000;
	s0 =	simm.s32 @p3 $0x2  }
0x3c: {  	_ =	swait.ge @p3 [sflag:s0], $0x80  }
0x3d: {  	[sflag:s0] =	ssyncset.done @p3 $0x0  }
0x3e: {  	[sflag:s0] =	ssyncadd.s32 @p3 $0xFFFFFF80;
	s0 =	simm.s32 @p3 $0x4  }
0x3f: {  	p2 =	sge.u32 @p3 s15, s14;
	_ =	swait.ge @p3 [sflag:s0], $0x4000  }
0x40: {  	p2 =	por p2, !p3;
	[sflag:s0] =	ssyncset.done @p3 $0x0  }
0x41: {  	[sflag:s0] =	ssyncadd.s32 @p3 $0xFFFFC000;
	s0 =	simm.s32 @!p2 $0x0  }
0x42: {  	[tilespmem:s0], [sflag:$0x1] =	stream.linear.gather @!p2 [hbm4b:s17+s0], $0x80, $0x38;
	[tilespmem:$0x1D180] =	vst v63  }
0x43: {  	s1 =	simm.s32 @!p2 $0x100  }
0x44: {  	[tilespmem:s1], [sflag:$0x3] =	stream.linear.gather @!p2 [hbm4b:s21+s0], $0x4000, $0x38;
	[tilespmem:$0x1D180] =	vst v63  }
0x45: {  	s2 =	simm.s32 @!p3 $0x1;
	s0 =	simm.s32 @p3 $0x80;
	s1 =	simm.s32 @p3 $0x4100  }
0x46: {  	[spmem:s31] =	stream.indirect.scatter.add.f32 @p3 [tilespmem:s1], [sflag:$0x5], $0x80, s0, s0, $0xb8;
	[tilespmem:$0x1D180] =	vst v63  }
0x47: {  	_ =	swait.ge @!p3 [sflag:s2], $0x80  }
0x48: {  	[sflag:s2] =	ssyncset.done @!p3 $0x0  }
0x49: {  	s0 =	simm.s32 @!p3 $0x3;
	[sflag:s2] =	ssyncadd.s32 @!p3 $0xFFFFFF80  }
0x4a: {  	s29 =	smov.u32 s5;
	p2 =	sge.u32 @!p3 s15, s14;
	_ =	swait.ge @!p3 [sflag:s0], $0x4000  }
0x4b: {  	s5 =	smov.u32 s10;
	p2 =	por p2, p3;
	[sflag:s0] =	ssyncset.done @!p3 $0x0  }
0x4c: {  	s2 =	simm.s32 @!p2 $0x80;
	[sflag:s0] =	ssyncadd.s32 @!p3 $0xFFFFC000;
	s0 =	simm.s32 @!p2 $0x0  }
0x4d: {  	[tilespmem:s2], [sflag:$0x2] =	stream.linear.gather @!p2 [hbm4b:s17+s0], $0x80, $0x38;
	[tilespmem:$0x1D180] =	vst v63  }
0x4e: {  	s3 =	simm.s32 @!p3 $0x100;
	s1 =	simm.s32 @!p3 $0x6;
	s2 =	simm.s32 @!p2 $0x4100  }
0x4f: {  	[tilespmem:s2], [sflag:$0x4] =	stream.linear.gather @!p2 [hbm4b:s21+s0], $0x4000, $0x38;
	[tilespmem:$0x1D180] =	vst v63  }
0x50: {  	s1 =	simm.s32 @p3 $0x5;
	s0 =	simm.s32 @!p3 $0x80;
	s2 =	simm.s32 @!p3 $0x0  }
0x51: {  	[spmem:s31] =	stream.indirect.scatter.add.f32 @!p3 [tilespmem:s3], [sflag:$0x6], $0x80, s2, s0, $0xb8;
	[tilespmem:$0x1D180] =	vst v63  }
0x52: {  	s10 =	smov.u32 s20;
	s17 =	simm.s32 $0x100;
	_ =	swait.ge [sflag:s1], $0x4000  }
0x53: {  	s2 =	smov.u32 s7;
	s7 =	smov.u32 s12;
	s12 =	sld [smem:$0x7F9]  }
0x54: {  	s3 =	smov.u32 s8;
	s8 =	smov.u32 s13;
	s13 =	sld [smem:$0x7FA]  }
0x55: {  	s21 =	smov.u32 s4;
	s4 =	smov.u32 s9;
	s15 =	sld [smem:$0x7FB]  }
0x56: {  	s9 =	smov.u32 s26;
	[sflag:s1] =	ssyncset.done $0x0;
	s20 =	sld [smem:$0x7FC]  }
0x57: {  	s26 =	simm.s32 @!p1 $0x0;
	s16 =	sld [smem:$0x7FD];
	[sflag:s1] =	ssyncadd.s32 $0xFFFFC000  }
0x58: {  	s1 =	smov.u32 s6;
	s6 =	smov.u32 s11;
	s11 =	rddreg [dreg:$0x1f]  }
.LBB2_9:
0x59: {  	[bflag:$0x0] =	sbarrier.arrive $0xFFFF  }
0x5a: {  	[tilespmem:s22], [sflag:$0x5] =	stream.linear.gather [spmem:s1], $0x1800, $0x38;
	[tilespmem:$0x1D180] =	vst v63  }
0x5b: {  	_ =	swait.ge [sflag:s23], $0x1800  }
0x5c: {  	[sflag:s23] =	ssyncset.done $0x0  }
0x5d: {  	s0 =	rddreg [dreg:$0x12];
	[sflag:s23] =	ssyncadd.s32 $0xFFFFE800  }
0x5e: {  	[hbm4b:s0+s30] =	stream.linear.scatter [tilespmem:s22], [sflag:$0x5], $0x1800, $0x38;
	[tilespmem:$0x1D180] =	vst v63  }
0x5f: {  	_ =	swait.ge [sflag:s23], $0x1800  }
0x60: {  	[sflag:s23] =	ssyncset.done $0x0  }
0x61: {  	[sflag:s23] =	ssyncadd.s32 $0xFFFFE800  }
0x62: {  	[tilespmem:s22], [sflag:$0x5] =	stream.linear.gather [spmem:s2], $0x1800, $0x38;
	[tilespmem:$0x1D180] =	vst v63  }
0x63: {  	_ =	swait.ge [sflag:s23], $0x1800  }
0x64: {  	[sflag:s23] =	ssyncset.done $0x0  }
0x65: {  	s0 =	rddreg [dreg:$0x13];
	[sflag:s23] =	ssyncadd.s32 $0xFFFFE800  }
0x66: {  	[hbm4b:s0+s30] =	stream.linear.scatter [tilespmem:s22], [sflag:$0x5], $0x1800, $0x38;
	[tilespmem:$0x1D180] =	vst v63  }
0x67: {  	_ =	swait.ge [sflag:s23], $0x1800  }
0x68: {  	[sflag:s23] =	ssyncset.done $0x0  }
0x69: {  	[sflag:s23] =	ssyncadd.s32 $0xFFFFE800  }
0x6a: {  	[tilespmem:s22], [sflag:$0x5] =	stream.linear.gather [spmem:s3], $0x1800, $0x38;
	[tilespmem:$0x1D180] =	vst v63  }
0x6b: {  	_ =	swait.ge [sflag:s23], $0x1800  }
0x6c: {  	[sflag:s23] =	ssyncset.done $0x0  }
0x6d: {  	s0 =	rddreg [dreg:$0x14];
	[sflag:s23] =	ssyncadd.s32 $0xFFFFE800  }
0x6e: {  	[hbm4b:s0+s30] =	stream.linear.scatter [tilespmem:s22], [sflag:$0x5], $0x1800, $0x38;
	[tilespmem:$0x1D180] =	vst v63  }
0x6f: {  	_ =	swait.ge [sflag:s23], $0x1800  }
0x70: {  	[sflag:s23] =	ssyncset.done $0x0  }
0x71: {  	[sflag:s23] =	ssyncadd.s32 $0xFFFFE800  }
0x72: {  	[tilespmem:s22], [sflag:$0x5] =	stream.linear.gather [spmem:s4], $0x1800, $0x38;
	[tilespmem:$0x1D180] =	vst v63  }
0x73: {  	_ =	swait.ge [sflag:s23], $0x1800  }
0x74: {  	[sflag:s23] =	ssyncset.done $0x0  }
0x75: {  	s0 =	rddreg [dreg:$0x15];
	[sflag:s23] =	ssyncadd.s32 $0xFFFFE800  }
0x76: {  	[hbm4b:s0+s30] =	stream.linear.scatter [tilespmem:s22], [sflag:$0x5], $0x1800, $0x38;
	[tilespmem:$0x1D180] =	vst v63  }
0x77: {  	_ =	swait.ge [sflag:s23], $0x1800  }
0x78: {  	[sflag:s23] =	ssyncset.done $0x0  }
0x79: {  	[sflag:s23] =	ssyncadd.s32 $0xFFFFE800  }
0x7a: {  	[tilespmem:s22], [sflag:$0x5] =	stream.linear.gather [spmem:s5], $0x1800, $0x38;
	[tilespmem:$0x1D180] =	vst v63  }
0x7b: {  	_ =	swait.ge [sflag:s23], $0x1800  }
0x7c: {  	[sflag:s23] =	ssyncset.done $0x0  }
0x7d: {  	s0 =	rddreg [dreg:$0x16];
	[sflag:s23] =	ssyncadd.s32 $0xFFFFE800  }
0x7e: {  	[hbm4b:s0+s30] =	stream.linear.scatter [tilespmem:s22], [sflag:$0x5], $0x1800, $0x38;
	[tilespmem:$0x1D180] =	vst v63  }
0x7f: {  	_ =	swait.ge [sflag:s23], $0x1800  }
0x80: {  	[sflag:s23] =	ssyncset.done $0x0  }
0x81: {  	[sflag:s23] =	ssyncadd.s32 $0xFFFFE800  }
0x82: {  	[tilespmem:s22], [sflag:$0x5] =	stream.linear.gather [spmem:s6], $0x1800, $0x38;
	[tilespmem:$0x1D180] =	vst v63  }
0x83: {  	_ =	swait.ge [sflag:s23], $0x1800  }
0x84: {  	[sflag:s23] =	ssyncset.done $0x0  }
0x85: {  	s0 =	rddreg [dreg:$0x17];
	[sflag:s23] =	ssyncadd.s32 $0xFFFFE800  }
0x86: {  	[hbm4b:s0+s30] =	stream.linear.scatter [tilespmem:s22], [sflag:$0x5], $0x1800, $0x38;
	[tilespmem:$0x1D180] =	vst v63  }
0x87: {  	_ =	swait.ge [sflag:s23], $0x1800  }
0x88: {  	[sflag:s23] =	ssyncset.done $0x0  }
0x89: {  	[sflag:s23] =	ssyncadd.s32 $0xFFFFE800  }
0x8a: {  	[tilespmem:s22], [sflag:$0x5] =	stream.linear.gather [spmem:s7], $0x1800, $0x38;
	[tilespmem:$0x1D180] =	vst v63  }
0x8b: {  	_ =	swait.ge [sflag:s23], $0x1800  }
0x8c: {  	[sflag:s23] =	ssyncset.done $0x0  }
0x8d: {  	[sflag:s23] =	ssyncadd.s32 $0xFFFFE800  }
0x8e: {  	[hbm4b:s21+s30] =	stream.linear.scatter [tilespmem:s22], [sflag:$0x5], $0x1800, $0x38;
	[tilespmem:$0x1D180] =	vst v63  }
0x8f: {  	_ =	swait.ge [sflag:s23], $0x1800  }
0x90: {  	[sflag:s23] =	ssyncset.done $0x0  }
0x91: {  	[sflag:s23] =	ssyncadd.s32 $0xFFFFE800  }
0x92: {  	[tilespmem:s22], [sflag:$0x5] =	stream.linear.gather [spmem:s8], $0x1800, $0x38;
	[tilespmem:$0x1D180] =	vst v63  }
0x93: {  	_ =	swait.ge [sflag:s23], $0x1800  }
0x94: {  	[sflag:s23] =	ssyncset.done $0x0  }
0x95: {  	s0 =	rddreg [dreg:$0x18];
	[sflag:s23] =	ssyncadd.s32 $0xFFFFE800  }
0x96: {  	[hbm4b:s0+s30] =	stream.linear.scatter [tilespmem:s22], [sflag:$0x5], $0x1800, $0x38;
	[tilespmem:$0x1D180] =	vst v63  }
0x97: {  	_ =	swait.ge [sflag:s23], $0x1800  }
0x98: {  	[sflag:s23] =	ssyncset.done $0x0  }
0x99: {  	[sflag:s23] =	ssyncadd.s32 $0xFFFFE800  }
0x9a: {  	[tilespmem:s22], [sflag:$0x5] =	stream.linear.gather [spmem:s9], $0x1800, $0x38;
	[tilespmem:$0x1D180] =	vst v63  }
0x9b: {  	_ =	swait.ge [sflag:s23], $0x1800  }
0x9c: {  	[sflag:s23] =	ssyncset.done $0x0  }
0x9d: {  	s0 =	rddreg [dreg:$0x19];
	[sflag:s23] =	ssyncadd.s32 $0xFFFFE800  }
0x9e: {  	[hbm4b:s0+s30] =	stream.linear.scatter [tilespmem:s22], [sflag:$0x5], $0x1800, $0x38;
	[tilespmem:$0x1D180] =	vst v63  }
0x9f: {  	_ =	swait.ge [sflag:s23], $0x1800  }
0xa0: {  	[sflag:s23] =	ssyncset.done $0x0  }
0xa1: {  	[sflag:s23] =	ssyncadd.s32 $0xFFFFE800  }
0xa2: {  	[tilespmem:s22], [sflag:$0x5] =	stream.linear.gather [spmem:s10], $0x1800, $0x38;
	[tilespmem:$0x1D180] =	vst v63  }
0xa3: {  	_ =	swait.ge [sflag:s23], $0x1800  }
0xa4: {  	[sflag:s23] =	ssyncset.done $0x0  }
0xa5: {  	s0 =	rddreg [dreg:$0x1a];
	[sflag:s23] =	ssyncadd.s32 $0xFFFFE800  }
0xa6: {  	[hbm4b:s0+s30] =	stream.linear.scatter [tilespmem:s22], [sflag:$0x5], $0x1800, $0x38;
	[tilespmem:$0x1D180] =	vst v63  }
0xa7: {  	_ =	swait.ge [sflag:s23], $0x1800  }
0xa8: {  	[sflag:s23] =	ssyncset.done $0x0  }
0xa9: {  	[sflag:s23] =	ssyncadd.s32 $0xFFFFE800  }
0xaa: {  	[tilespmem:s22], [sflag:$0x5] =	stream.linear.gather [spmem:s11], $0x1800, $0x38;
	[tilespmem:$0x1D180] =	vst v63  }
0xab: {  	_ =	swait.ge [sflag:s23], $0x1800  }
0xac: {  	[sflag:s23] =	ssyncset.done $0x0  }
0xad: {  	s0 =	rddreg [dreg:$0x1b];
	[sflag:s23] =	ssyncadd.s32 $0xFFFFE800  }
0xae: {  	[hbm4b:s0+s30] =	stream.linear.scatter [tilespmem:s22], [sflag:$0x5], $0x1800, $0x38;
	[tilespmem:$0x1D180] =	vst v63  }
0xaf: {  	_ =	swait.ge [sflag:s23], $0x1800  }
0xb0: {  	[sflag:s23] =	ssyncset.done $0x0  }
0xb1: {  	[sflag:s23] =	ssyncadd.s32 $0xFFFFE800  }
0xb2: {  	[tilespmem:s22], [sflag:$0x5] =	stream.linear.gather [spmem:s12], $0x1800, $0x38;
	[tilespmem:$0x1D180] =	vst v63  }
0xb3: {  	_ =	swait.ge [sflag:s23], $0x1800  }
0xb4: {  	[sflag:s23] =	ssyncset.done $0x0  }
0xb5: {  	s0 =	rddreg [dreg:$0x1c];
	[sflag:s23] =	ssyncadd.s32 $0xFFFFE800  }
0xb6: {  	[hbm4b:s0+s30] =	stream.linear.scatter [tilespmem:s22], [sflag:$0x5], $0x1800, $0x38;
	[tilespmem:$0x1D180] =	vst v63  }
0xb7: {  	_ =	swait.ge [sflag:s23], $0x1800  }
0xb8: {  	[sflag:s23] =	ssyncset.done $0x0  }
0xb9: {  	[sflag:s23] =	ssyncadd.s32 $0xFFFFE800  }
0xba: {  	[tilespmem:s22], [sflag:$0x5] =	stream.linear.gather [spmem:s13], $0x1800, $0x38;
	[tilespmem:$0x1D180] =	vst v63  }
0xbb: {  	_ =	swait.ge [sflag:s23], $0x1800  }
0xbc: {  	[sflag:s23] =	ssyncset.done $0x0  }
0xbd: {  	s0 =	rddreg [dreg:$0x1d];
	[sflag:s23] =	ssyncadd.s32 $0xFFFFE800  }
0xbe: {  	[hbm4b:s0+s30] =	stream.linear.scatter [tilespmem:s22], [sflag:$0x5], $0x1800, $0x38;
	[tilespmem:$0x1D180] =	vst v63  }
0xbf: {  	_ =	swait.ge [sflag:s23], $0x1800  }
0xc0: {  	[sflag:s23] =	ssyncset.done $0x0  }
0xc1: {  	[sflag:s23] =	ssyncadd.s32 $0xFFFFE800  }
0xc2: {  	[tilespmem:s28], [sflag:$0x5] =	stream.linear.gather @!p1 [spmem:s16], $0x800, $0x38;
	[tilespmem:$0x1D180] =	vst v63  }
0xc3: {  	s24 =	sadd.s32 $0x1, s24;
	_ =	swait.ge @!p1 [sflag:s25], $0x800  }
0xc4: {  	p2 =	sne.s32 s24, s15;
	[sflag:s25] =	ssyncset.done @!p1 $0x0  }
.Ltmp1:
0xc5: {  	[sflag:s25] =	ssyncadd.s32 @!p1 $0xFFFFF800;
	(pc) =	sbr.rel @!p2 .LBB2_10-.Ltmp1, $4  }
0xc6: {  	[hbm4b:s29+s26] =	stream.linear.scatter @!p1 [tilespmem:s28], [sflag:$0x5], $0x800, $0x38;
	[tilespmem:$0x1D180] =	vst v63  }
0xc7: {  	_ =	swait.ge @!p1 [sflag:s25], $0x800  }
0xc8: {  	[sflag:s25] =	ssyncset.done @!p1 $0x0  }
0xc9: {  	[sflag:s25] =	ssyncadd.s32 @!p1 $0xFFFFF800  }
.LBB2_1:
0xca: {  	s0 =	rddreg [dreg:$0x4]  }
0xcb: {  	[tilespmem:s22], [sflag:$0x5] =	stream.linear.gather [hbm4b:s0+s30], $0x1800, $0x38;
	[tilespmem:$0x1D180] =	vst v63  }
0xcc: {  	_ =	swait.ge [sflag:s23], $0x1800  }
0xcd: {  	[sflag:s23] =	ssyncset.done $0x0  }
0xce: {  	[sflag:s23] =	ssyncadd.s32 $0xFFFFE800  }
0xcf: {  	[spmem:s1] =	stream.linear.scatter [tilespmem:s22], [sflag:$0x5], $0x1800, $0x38;
	[tilespmem:$0x1D180] =	vst v63  }
0xd0: {  	_ =	swait.ge [sflag:s23], $0x1800  }
0xd1: {  	[sflag:s23] =	ssyncset.done $0x0  }
0xd2: {  	s25 =	rddreg [dreg:$0x5];
	[sflag:s23] =	ssyncadd.s32 $0xFFFFE800  }
0xd3: {  	[tilespmem:s22], [sflag:$0x5] =	stream.linear.gather [hbm4b:s25+s30], $0x1800, $0x38;
	[tilespmem:$0x1D180] =	vst v63  }
0xd4: {  	_ =	swait.ge [sflag:s23], $0x1800  }
0xd5: {  	[sflag:s23] =	ssyncset.done $0x0  }
0xd6: {  	[sflag:s23] =	ssyncadd.s32 $0xFFFFE800  }
0xd7: {  	[spmem:s2] =	stream.linear.scatter [tilespmem:s22], [sflag:$0x5], $0x1800, $0x38;
	[tilespmem:$0x1D180] =	vst v63  }
0xd8: {  	_ =	swait.ge [sflag:s23], $0x1800  }
0xd9: {  	[sflag:s23] =	ssyncset.done $0x0  }
0xda: {  	s26 =	rddreg [dreg:$0x6];
	[sflag:s23] =	ssyncadd.s32 $0xFFFFE800  }
0xdb: {  	[tilespmem:s22], [sflag:$0x5] =	stream.linear.gather [hbm4b:s26+s30], $0x1800, $0x38;
	[tilespmem:$0x1D180] =	vst v63  }
0xdc: {  	_ =	swait.ge [sflag:s23], $0x1800  }
0xdd: {  	[sflag:s23] =	ssyncset.done $0x0  }
0xde: {  	[sflag:s23] =	ssyncadd.s32 $0xFFFFE800  }
0xdf: {  	[spmem:s3] =	stream.linear.scatter [tilespmem:s22], [sflag:$0x5], $0x1800, $0x38;
	[tilespmem:$0x1D180] =	vst v63  }
0xe0: {  	_ =	swait.ge [sflag:s23], $0x1800  }
0xe1: {  	[sflag:s23] =	ssyncset.done $0x0  }
0xe2: {  	s25 =	rddreg [dreg:$0x7];
	[sflag:s23] =	ssyncadd.s32 $0xFFFFE800  }
0xe3: {  	[tilespmem:s22], [sflag:$0x5] =	stream.linear.gather [hbm4b:s25+s30], $0x1800, $0x38;
	[tilespmem:$0x1D180] =	vst v63  }
0xe4: {  	_ =	swait.ge [sflag:s23], $0x1800  }
0xe5: {  	[sflag:s23] =	ssyncset.done $0x0  }
0xe6: {  	[sflag:s23] =	ssyncadd.s32 $0xFFFFE800  }
0xe7: {  	[spmem:s4] =	stream.linear.scatter [tilespmem:s22], [sflag:$0x5], $0x1800, $0x38;
	[tilespmem:$0x1D180] =	vst v63  }
0xe8: {  	_ =	swait.ge [sflag:s23], $0x1800  }
0xe9: {  	[sflag:s23] =	ssyncset.done $0x0  }
0xea: {  	s26 =	rddreg [dreg:$0x8];
	[sflag:s23] =	ssyncadd.s32 $0xFFFFE800  }
0xeb: {  	[tilespmem:s22], [sflag:$0x5] =	stream.linear.gather [hbm4b:s26+s30], $0x1800, $0x38;
	[tilespmem:$0x1D180] =	vst v63  }
0xec: {  	_ =	swait.ge [sflag:s23], $0x1800  }
0xed: {  	[sflag:s23] =	ssyncset.done $0x0  }
0xee: {  	[sflag:s23] =	ssyncadd.s32 $0xFFFFE800  }
0xef: {  	[spmem:s5] =	stream.linear.scatter [tilespmem:s22], [sflag:$0x5], $0x1800, $0x38;
	[tilespmem:$0x1D180] =	vst v63  }
0xf0: {  	_ =	swait.ge [sflag:s23], $0x1800  }
0xf1: {  	[sflag:s23] =	ssyncset.done $0x0  }
0xf2: {  	s25 =	rddreg [dreg:$0x9];
	[sflag:s23] =	ssyncadd.s32 $0xFFFFE800  }
0xf3: {  	[tilespmem:s22], [sflag:$0x5] =	stream.linear.gather [hbm4b:s25+s30], $0x1800, $0x38;
	[tilespmem:$0x1D180] =	vst v63  }
0xf4: {  	_ =	swait.ge [sflag:s23], $0x1800  }
0xf5: {  	[sflag:s23] =	ssyncset.done $0x0  }
0xf6: {  	[sflag:s23] =	ssyncadd.s32 $0xFFFFE800  }
0xf7: {  	[spmem:s6] =	stream.linear.scatter [tilespmem:s22], [sflag:$0x5], $0x1800, $0x38;
	[tilespmem:$0x1D180] =	vst v63  }
0xf8: {  	_ =	swait.ge [sflag:s23], $0x1800  }
0xf9: {  	[sflag:s23] =	ssyncset.done $0x0  }
0xfa: {  	s26 =	rddreg [dreg:$0xa];
	[sflag:s23] =	ssyncadd.s32 $0xFFFFE800  }
0xfb: {  	[tilespmem:s22], [sflag:$0x5] =	stream.linear.gather [hbm4b:s26+s30], $0x1800, $0x38;
	[tilespmem:$0x1D180] =	vst v63  }
0xfc: {  	_ =	swait.ge [sflag:s23], $0x1800  }
0xfd: {  	[sflag:s23] =	ssyncset.done $0x0  }
0xfe: {  	[sflag:s23] =	ssyncadd.s32 $0xFFFFE800  }
0xff: {  	[spmem:s7] =	stream.linear.scatter [tilespmem:s22], [sflag:$0x5], $0x1800, $0x38;
	[tilespmem:$0x1D180] =	vst v63  }
0x100: {  	_ =	swait.ge [sflag:s23], $0x1800  }
0x101: {  	[sflag:s23] =	ssyncset.done $0x0  }
0x102: {  	s25 =	rddreg [dreg:$0xb];
	[sflag:s23] =	ssyncadd.s32 $0xFFFFE800  }
0x103: {  	[tilespmem:s22], [sflag:$0x5] =	stream.linear.gather [hbm4b:s25+s30], $0x1800, $0x38;
	[tilespmem:$0x1D180] =	vst v63  }
0x104: {  	_ =	swait.ge [sflag:s23], $0x1800  }
0x105: {  	[sflag:s23] =	ssyncset.done $0x0  }
0x106: {  	[sflag:s23] =	ssyncadd.s32 $0xFFFFE800  }
0x107: {  	[spmem:s8] =	stream.linear.scatter [tilespmem:s22], [sflag:$0x5], $0x1800, $0x38;
	[tilespmem:$0x1D180] =	vst v63  }
0x108: {  	_ =	swait.ge [sflag:s23], $0x1800  }
0x109: {  	[sflag:s23] =	ssyncset.done $0x0  }
0x10a: {  	s26 =	rddreg [dreg:$0xc];
	[sflag:s23] =	ssyncadd.s32 $0xFFFFE800  }
0x10b: {  	[tilespmem:s22], [sflag:$0x5] =	stream.linear.gather [hbm4b:s26+s30], $0x1800, $0x38;
	[tilespmem:$0x1D180] =	vst v63  }
0x10c: {  	_ =	swait.ge [sflag:s23], $0x1800  }
0x10d: {  	[sflag:s23] =	ssyncset.done $0x0  }
0x10e: {  	[sflag:s23] =	ssyncadd.s32 $0xFFFFE800  }
0x10f: {  	[spmem:s9] =	stream.linear.scatter [tilespmem:s22], [sflag:$0x5], $0x1800, $0x38;
	[tilespmem:$0x1D180] =	vst v63  }
0x110: {  	_ =	swait.ge [sflag:s23], $0x1800  }
0x111: {  	[sflag:s23] =	ssyncset.done $0x0  }
0x112: {  	s25 =	rddreg [dreg:$0xd];
	[sflag:s23] =	ssyncadd.s32 $0xFFFFE800  }
0x113: {  	[tilespmem:s22], [sflag:$0x5] =	stream.linear.gather [hbm4b:s25+s30], $0x1800, $0x38;
	[tilespmem:$0x1D180] =	vst v63  }
0x114: {  	_ =	swait.ge [sflag:s23], $0x1800  }
0x115: {  	[sflag:s23] =	ssyncset.done $0x0  }
0x116: {  	[sflag:s23] =	ssyncadd.s32 $0xFFFFE800  }
0x117: {  	[spmem:s10] =	stream.linear.scatter [tilespmem:s22], [sflag:$0x5], $0x1800, $0x38;
	[tilespmem:$0x1D180] =	vst v63  }
0x118: {  	_ =	swait.ge [sflag:s23], $0x1800  }
0x119: {  	[sflag:s23] =	ssyncset.done $0x0  }
0x11a: {  	s26 =	rddreg [dreg:$0xe];
	[sflag:s23] =	ssyncadd.s32 $0xFFFFE800  }
0x11b: {  	[tilespmem:s22], [sflag:$0x5] =	stream.linear.gather [hbm4b:s26+s30], $0x1800, $0x38;
	[tilespmem:$0x1D180] =	vst v63  }
0x11c: {  	_ =	swait.ge [sflag:s23], $0x1800  }
0x11d: {  	[sflag:s23] =	ssyncset.done $0x0  }
0x11e: {  	[sflag:s23] =	ssyncadd.s32 $0xFFFFE800  }
0x11f: {  	[spmem:s11] =	stream.linear.scatter [tilespmem:s22], [sflag:$0x5], $0x1800, $0x38;
	[tilespmem:$0x1D180] =	vst v63  }
0x120: {  	_ =	swait.ge [sflag:s23], $0x1800  }
0x121: {  	[sflag:s23] =	ssyncset.done $0x0  }
0x122: {  	s25 =	rddreg [dreg:$0xf];
	[sflag:s23] =	ssyncadd.s32 $0xFFFFE800  }
0x123: {  	[tilespmem:s22], [sflag:$0x5] =	stream.linear.gather [hbm4b:s25+s30], $0x1800, $0x38;
	[tilespmem:$0x1D180] =	vst v63  }
0x124: {  	_ =	swait.ge [sflag:s23], $0x1800  }
0x125: {  	[sflag:s23] =	ssyncset.done $0x0  }
0x126: {  	[sflag:s23] =	ssyncadd.s32 $0xFFFFE800  }
0x127: {  	[spmem:s12] =	stream.linear.scatter [tilespmem:s22], [sflag:$0x5], $0x1800, $0x38;
	[tilespmem:$0x1D180] =	vst v63  }
0x128: {  	_ =	swait.ge [sflag:s23], $0x1800  }
0x129: {  	[sflag:s23] =	ssyncset.done $0x0  }
0x12a: {  	s26 =	rddreg [dreg:$0x10];
	[sflag:s23] =	ssyncadd.s32 $0xFFFFE800  }
0x12b: {  	[tilespmem:s22], [sflag:$0x5] =	stream.linear.gather [hbm4b:s26+s30], $0x1800, $0x38;
	[tilespmem:$0x1D180] =	vst v63  }
0x12c: {  	_ =	swait.ge [sflag:s23], $0x1800  }
0x12d: {  	[sflag:s23] =	ssyncset.done $0x0  }
0x12e: {  	[sflag:s23] =	ssyncadd.s32 $0xFFFFE800  }
0x12f: {  	[spmem:s13] =	stream.linear.scatter [tilespmem:s22], [sflag:$0x5], $0x1800, $0x38;
	[tilespmem:$0x1D180] =	vst v63  }
0x130: {  	_ =	swait.ge [sflag:s23], $0x1800  }
0x131: {  	s28 =	simm.s32 @!p1 $0x8100;
	s25 =	simm.s32 @!p1 $0x5;
	[sflag:s23] =	ssyncset.done $0x0  }
0x132: {  	s26 =	simm.s32 @!p1 $0x0;
	s0 =	rddreg [dreg:$0x11];
	[sflag:s23] =	ssyncadd.s32 $0xFFFFE800  }
0x133: {  	[tilespmem:s28], [sflag:$0x5] =	stream.linear.gather @!p1 [hbm4b:s0+s26], $0x800, $0x38;
	[tilespmem:$0x1D180] =	vst v63  }
0x134: {  	_ =	swait.ge @!p1 [sflag:s25], $0x800  }
0x135: {  	[sflag:s25] =	ssyncset.done @!p1 $0x0  }
0x136: {  	[sflag:s25] =	ssyncadd.s32 @!p1 $0xFFFFF800  }
0x137: {  	[spmem:s16] =	stream.linear.scatter @!p1 [tilespmem:s28], [sflag:$0x5], $0x800, $0x38;
	[tilespmem:$0x1D180] =	vst v63  }
0x138: {  	_ =	swait.ge @!p1 [sflag:s25], $0x800  }
0x139: {  	[sflag:s25] =	ssyncset.done @!p1 $0x0  }
.Ltmp2:
0x13a: {  	[sflag:s25] =	ssyncadd.s32 @!p1 $0xFFFFF800;
	(pc) =	sbr.rel @p0 .LBB2_9-.Ltmp2, $4  }
0x13b: {  	[bflag:$0x0] =	sbarrier.arrive $0xFFFF  }
0x13c: {  	[tilespmem:s30], [sflag:$0x1] =	stream.linear.gather [hbm4b:s20+s30], $0x80, $0x38;
	[tilespmem:$0x1D180] =	vst v63  }
0x13d: {  	s0 =	rddreg [dreg:$0x1e]  }
0x13e: {  	[tilespmem:s17], [sflag:$0x3] =	stream.linear.gather [hbm4b:s0+s30], $0x4000, $0x38;
	[tilespmem:$0x1D180] =	vst v63  }
0x13f: {  	s20 =	smov.u32 s10;
	s26 =	smov.u32 s9;
	p3 =	sne.s32 s18, $0x1  }
.Ltmp3:
0x140: {  	s13 =	smov.u32 s8;
	s12 =	smov.u32 s7;
	(pc) =	sbr.rel @!p3 .LBB2_3-.Ltmp3, $4  }
0x141: {  	s11 =	smov.u32 s6;
	s10 =	smov.u32 s5;
	s9 =	smov.u32 s4  }
0x142: {  	s8 =	smov.u32 s3;
	s7 =	smov.u32 s2;
	s6 =	smov.u32 s1  }
0x143: {  	s5 =	smov.u32 s29;
	s4 =	smov.u32 s21;
	s15 =	sadd.s32 $0x0, s19  }
0x144: {  	s17 =	simm.s32 $0x1;
	s29 =	sand.u32 $0x1, s30;
	p2 =	por $0x0, $0x0  }
0x145: {  	p2 =	seq.s32 s29, $0x1  }
0x146: {  	s0 =	simm.s32 @p2 $0x2  }
0x147: {  	_ =	swait.ge @p2 [sflag:s0], $0x80  }
0x148: {  	[sflag:s0] =	ssyncset.done @p2 $0x0  }
0x149: {  	[sflag:s0] =	ssyncadd.s32 @p2 $0xFFFFFF80;
	s0 =	simm.s32 @p2 $0x4  }
0x14a: {  	_ =	swait.ge @p2 [sflag:s0], $0x4000  }
0x14b: {  	p3 =	sge.u32 @p2 s15, s14;
	s2 =	sld [smem:$0x7F7]  }
0x14c: {  	p3 =	por p3, !p2;
	[sflag:s0] =	ssyncset.done @p2 $0x0  }
0x14d: {  	s3 =	sld [smem:$0x7F8];
	[sflag:s0] =	ssyncadd.s32 @p2 $0xFFFFC000;
	s0 =	simm.s32 @!p3 $0x0  }
0x14e: {  	[tilespmem:s0], [sflag:$0x1] =	stream.linear.gather @!p3 [hbm4b:s2+s0], $0x80, $0x38;
	[tilespmem:$0x1D180] =	vst v63  }
0x14f: {  	s16 =	simm.s32 @!p3 $0x100  }
0x150: {  	[tilespmem:s16], [sflag:$0x3] =	stream.linear.gather @!p3 [hbm4b:s3+s0], $0x4000, $0x38;
	[tilespmem:$0x1D180] =	vst v63  }
0x151: {  	s21 =	simm.s32 @!p2 $0x1;
	s0 =	simm.s32 @p2 $0x80;
	s16 =	simm.s32 @p2 $0x4100  }
0x152: {  	[spmem:s31] =	stream.indirect.scatter.add.f32 @p2 [tilespmem:s16], [sflag:$0x5], $0x80, s0, s0, $0xb8;
	[tilespmem:$0x1D180] =	vst v63  }
0x153: {  	_ =	swait.ge @!p2 [sflag:s21], $0x80  }
0x154: {  	[sflag:s21] =	ssyncset.done @!p2 $0x0  }
0x155: {  	[sflag:s21] =	ssyncadd.s32 @!p2 $0xFFFFFF80;
	s21 =	simm.s32 @!p2 $0x3  }
0x156: {  	p3 =	sge.u32 @!p2 s15, s14;
	_ =	swait.ge @!p2 [sflag:s21], $0x4000  }
0x157: {  	p4 =	sne.s32 s18, $0x2;
	p3 =	por p3, p2;
	[sflag:s21] =	ssyncset.done @!p2 $0x0  }
0x158: {  	s29 =	simm.s32 @!p3 $0x80;
	[sflag:s21] =	ssyncadd.s32 @!p2 $0xFFFFC000;
	s21 =	simm.s32 @!p3 $0x0  }
0x159: {  	[tilespmem:s29], [sflag:$0x2] =	stream.linear.gather @!p3 [hbm4b:s2+s21], $0x80, $0x38;
	[tilespmem:$0x1D180] =	vst v63  }
0x15a: {  	s1 =	simm.s32 @!p2 $0x100;
	s15 =	simm.s32 $0x2;
	s29 =	simm.s32 @!p3 $0x4100  }
0x15b: {  	[tilespmem:s29], [sflag:$0x4] =	stream.linear.gather @!p3 [hbm4b:s3+s21], $0x4000, $0x38;
	[tilespmem:$0x1D180] =	vst v63  }
.Ltmp4:
0x15c: {  	s0 =	sadd.s32 $0x1, s19;
	s16 =	simm.s32 @!p2 $0x6;
	(pc) =	sbr.rel @!p4 .LBB2_5-.Ltmp4, $4  }
0x15d: {  	s16 =	simm.s32 @p2 $0x5;
	s21 =	simm.s32 @!p2 $0x80;
	s29 =	simm.s32 @!p2 $0x0  }
0x15e: {  	[spmem:s31] =	stream.indirect.scatter.add.f32 @!p2 [tilespmem:s1], [sflag:$0x6], $0x80, s29, s21, $0xb8;
	[tilespmem:$0x1D180] =	vst v63  }
0x15f: {  	s21 =	sadd.s32 $0x800, s3;
	s29 =	sand.u32 $0x1, s17;
	_ =	swait.ge [sflag:s16], $0x4000  }
0x160: {  	s17 =	sadd.s32 $0x10, s2;
	p2 =	por $0x1, $0x1;
	[sflag:s16] =	ssyncset.done $0x0  }
.LBB2_6:
0x161: {  	s1 =	sadd.s32 s15, s19  }
0x162: {  	p3 =	seq.s32 s29, $0x1;
	[sflag:s16] =	ssyncadd.s32 $0xFFFFC000;
	s29 =	smov.u32 s15  }
0x163: {  	p6 =	sge.u32 @p3 s0, s14;
	s2 =	simm.s32 @p3 $0x2;
	p5 =	sge.u32 @!p3 s0, s14  }
0x164: {  	s15 =	sadd.s32 $0x1, s15;
	s16 =	simm.s32 @!p3 $0x6;
	_ =	swait.ge @p3 [sflag:s2], $0x80  }
0x165: {  	p4 =	sne.s32 s18, s15;
	s0 =	smov.u32 s1;
	[sflag:s2] =	ssyncset.done @p3 $0x0  }
0x166: {  	s1 =	simm.s32 @p3 $0x4;
	[sflag:s2] =	ssyncadd.s32 @p3 $0xFFFFFF80  }
0x167: {  	_ =	swait.ge @p3 [sflag:s1], $0x4000  }
0x168: {  	p6 =	por p6, !p3;
	[sflag:s1] =	ssyncset.done @p3 $0x0  }
0x169: {  	[sflag:s1] =	ssyncadd.s32 @p3 $0xFFFFC000;
	s1 =	simm.s32 @!p6 $0x0  }
0x16a: {  	[tilespmem:s1], [sflag:$0x1] =	stream.linear.gather @!p6 [hbm4b:s17+s1], $0x80, $0x38;
	[tilespmem:$0x1D180] =	vst v63  }
0x16b: {  	s2 =	simm.s32 @!p6 $0x100  }
0x16c: {  	[tilespmem:s2], [sflag:$0x3] =	stream.linear.gather @!p6 [hbm4b:s21+s1], $0x4000, $0x38;
	[tilespmem:$0x1D180] =	vst v63  }
0x16d: {  	s3 =	simm.s32 @!p3 $0x1;
	s1 =	simm.s32 @p3 $0x80;
	s2 =	simm.s32 @p3 $0x4100  }
0x16e: {  	[spmem:s31] =	stream.indirect.scatter.add.f32 @p3 [tilespmem:s2], [sflag:$0x5], $0x80, s1, s1, $0xb8;
	[tilespmem:$0x1D180] =	vst v63  }
0x16f: {  	_ =	swait.ge @!p3 [sflag:s3], $0x80  }
0x170: {  	[sflag:s3] =	ssyncset.done @!p3 $0x0  }
0x171: {  	s1 =	simm.s32 @!p3 $0x3;
	[sflag:s3] =	ssyncadd.s32 @!p3 $0xFFFFFF80  }
0x172: {  	_ =	swait.ge @!p3 [sflag:s1], $0x4000  }
0x173: {  	p5 =	por p5, p3;
	[sflag:s1] =	ssyncset.done @!p3 $0x0  }
0x174: {  	s2 =	simm.s32 @!p5 $0x80;
	[sflag:s1] =	ssyncadd.s32 @!p3 $0xFFFFC000;
	s1 =	simm.s32 @!p5 $0x0  }
0x175: {  	[tilespmem:s2], [sflag:$0x2] =	stream.linear.gather @!p5 [hbm4b:s17+s1], $0x80, $0x38;
	[tilespmem:$0x1D180] =	vst v63  }
0x176: {  	s16 =	simm.s32 @p3 $0x5;
	s2 =	simm.s32 @!p5 $0x4100  }
0x177: {  	[tilespmem:s2], [sflag:$0x4] =	stream.linear.gather @!p5 [hbm4b:s21+s1], $0x4000, $0x38;
	[tilespmem:$0x1D180] =	vst v63  }
.Ltmp5:
0x178: {  	_ = 	snop;
	(pc) =	sbr.rel @p4 .LBB2_6-.Ltmp5, $4  }
0x179: {  	s3 =	simm.s32 @!p3 $0x100;
	s1 =	simm.s32 @!p3 $0x80;
	s2 =	simm.s32 @!p3 $0x0  }
0x17a: {  	[spmem:s31] =	stream.indirect.scatter.add.f32 @!p3 [tilespmem:s3], [sflag:$0x6], $0x80, s2, s1, $0xb8;
	[tilespmem:$0x1D180] =	vst v63  }
0x17b: {  	s21 =	sadd.s32 $0x800, s21;
	_ =	swait.ge [sflag:s16], $0x4000  }
0x17c: {  	s29 =	sand.u32 $0x1, s29;
	s17 =	sadd.s32 $0x10, s17;
	[sflag:s16] =	ssyncset.done $0x0  }
.Ltmp6:
0x17d: {  	(pc) =	sbr.rel .LBB2_8-.Ltmp6, $2  }
0x17e: {  	_ =	sdelay $0x2  }
0x17f: {  	s15 =	smov.u32 s0  }
.LBB2_5:
.Ltmp7:
0x180: {  	(pc) =	sbr.rel .LBB2_8-.Ltmp7, $2  }
0x181: {  	_ =	sdelay $0x2  }
0x182: {  	s15 =	smov.u32 s0  }
.LBB2_10:
0x183: {  	_ =	sfence.sel $0x180000  }
0x184: {  	[bflag:$0x0] =	sbarrier.arrive $0xFFFF  }
0x185: {  	_ =	strace $0x9000004A  }
0x186: {  	s0 =	stileid.u32;
	[bflag:$0x2] =	sbarrier.arrive $0xFFFF  }
0x187: {  	p0 =	sne.s32 s0, $0x0;
	s0 =	rddreg [dreg:$0x3]  }
0x188: {  	s0 =	sadd.s32 @!p0 $0x100000, s0  }
0x189: {  	[sflag:s0] =	ssyncadd.tile.s32 @!p0 $0x1;
	_ =	shalt  }
.Lfunc_end2:
_tile_overlayer_lowered:
.L_overlay_start_2:
0x18a: {  	(tag) =	ssettag $0x2  }
0x18b: {  	s0 =	rddreg [dreg:$0x0];
	s2 =	stileid.u32  }
0x18c: {  	s1 =	rddreg [dreg:$0x1];
	p0 =	sne.s32 s2, $0x0  }
0x18d: {  	s3 =	rddreg [dreg:$0x2];
	[bflag:$0x3] =	sbarrier.arrive $0xFFFF;
	s2 =	simm.s32 @!p0 $0x1C05  }
0x18e: {  	[timem:s3], [sflag:s2] =	dma.local @!p0 [hbm:s0], s1  }
0x18f: {  	s0 =	simm.s32 @!p0 $0x5  }
0x190: {  	_ =	swait.ge @!p0 [sflag:s0], s1  }
0x191: {  	s1 =	ssub.s32 @!p0 $0x0, s1;
	[sflag:s0] =	ssyncset.done @!p0 $0x0  }
0x192: {  	[sflag:s0] =	ssyncadd.s32 @!p0 s1  }
0x193: {  	[bflag:$0x3] =	sbarrier.arrive $0xFFFF  }
0x194: {  	_ =	shalt  }

// kernel: kernel.7.cloned.1.call-start
scs
__scs_entry_jumppad:
0x0: {  	(pc) =	sbr.rel $0x88, $3  }
0x1: {  	(tag) =	ssettag $0x0;
	lr =	simm.s32 $0x1  }
0x2: {  	[smem:$0x3F96] =	sst lr;
	_ =	strace $0xD0000000  }
0x3: {  	_ = 	snop  }
0x4: {  	_ = 	snop  }
0x5: {  	_ = 	snop  }
0x6: {  	_ = 	snop  }
0x7: {  	_ = 	snop  }
__scs_overlays_trampoline_lowered:
0x8: {  	[smem:$0x3FA5] =	sst s0  }
0x9: {  	[smem:$0x3FA6] =	sst s1  }
0xa: {  	[smem:$0x3FA7] =	sst s2  }
0xb: {  	[smem:$0x3FA8] =	sst s3  }
0xc: {  	[smem:$0x3FA9] =	sst s4  }
0xd: {  	[smem:$0x3FAA] =	sst s5  }
0xe: {  	[smem:$0x3FAB] =	sst s6  }
0xf: {  	[smem:$0x3FAC] =	sst s7  }
0x10: {  	[smem:$0x3FAD] =	sst s8  }
0x11: {  	[smem:$0x3FAE] =	sst s9;
	s0 =	simm.s32 @!p0 $0x0  }
0x12: {  	s1 =	sld [smem:$0x3F94];
	s0 =	simm.s32 @p0 $0x1  }
0x13: {  	[smem:$0x3FAF] =	sst s0;
	s0 =	simm.s32 @!p1 $0x0  }
0x14: {  	s2 =	sld [smem:$0x3F93];
	s0 =	simm.s32 @p1 $0x1  }
0x15: {  	[smem:$0x3FB0] =	sst s0;
	s0 =	simm.s32 @!p2 $0x0  }
0x16: {  	s3 =	sld [smem:$0x3FDB];
	s0 =	simm.s32 @p2 $0x1  }
0x17: {  	s4 =	simm.s32 $0x1BF5;
	[smem:$0x3FB2] =	sst s0  }
0x18: {  	s0 =	sld [smem:$0x3F95];
	_ =	swait.ge [sflag:s4], $0x0  }
0x19: {  	s7 =	sld [smem:$0x3F96]  }
0x1a: {  	s8 =	sadd.s32 $0xFFFFE003, lr  }
0x1b: {  	s9 =	sadd.s32 $0xFFFFFEF7, lr;
	s5 =	simm.s32 $0xFFFFFFFF;
	p2 =	slt.u32 s8, $0xFFFFF086  }
0x1c: {  	p1 =	slt.u32 s9, $0xF7A;
	s5 =	simm.s32 @!p2 $0x0  }
0x1d: {  	s5 =	simm.s32 @p1 $0x1;
	p0 =	seq.s32 s7, s2  }
0x1e: {  	s7 =	smul.u32 @!p0 $0xF7A, s2;
	p2 =	seq.s32 @!p0 s5, $0x0  }
0x1f: {  	s9 =	smul.u32 $0xF7A, s1;
	s8 =	simm.s32 @!p0 $0x1BF5;
	p2 =	por !p2, p0  }
0x20: {  	[sflag:s8] =	ssyncset.s32 @!p0 $0xFFFFF086;
	s6 =	sadd.s32 @!p0 s3, s7;
	s7 =	simm.s32 @!p0 $0x108  }
0x21: {  	s3 =	sadd.s32 s3, s9;
	s6 =	sadd.s32 @!p0 $0x88, s6;
	s7 =	simm.s32 @p2 $0x1082  }
0x22: {  	[simem:s7], [sflag:s8] =	dma.local @!p0 [hbm:s6], $0xF7A  }
0x23: {  	s9 =	sor.u32 $0xD0000000, s2;
	s6 =	simm.s32 $0x108;
	_ =	swait.ge @!p0 [sflag:s8], $0x0  }
0x24: {  	s3 =	sadd.s32 $0x88, s3;
	s6 =	simm.s32 @!p1 $0x1082;
	[sflag:s4] =	ssyncset.s32 $0xFFFFF086  }
0x25: {  	[simem:s6], [sflag:s4] =	dma.local [hbm:s3], $0xF7A  }
0x26: {  	[smem:$0x3F96] =	sst s1;
	(tag) =	ssettag s2;
	_ =	strace s9  }
0x27: {  	s1 =	sld [smem:$0x3FA6]  }
0x28: {  	s2 =	sld [smem:$0x3FA7]  }
0x29: {  	s4 =	sld [smem:$0x3FA9]  }
0x2a: {  	p0 =	seq.s32 s5, $0x0;
	s5 =	sld [smem:$0x3FAA]  }
0x2b: {  	s6 =	sld [smem:$0x3FAB]  }
0x2c: {  	s7 =	sld [smem:$0x3FAC]  }
0x2d: {  	s3 =	simm.s32 $0x108;
	s8 =	sld [smem:$0x3FAD]  }
0x2e: {  	s3 =	simm.s32 @!p0 $0x1082;
	s9 =	sld [smem:$0x3FAE]  }
0x2f: {  	lr =	sadd.s32 s0, s3;
	s0 =	sld [smem:$0x3FA5]  }
0x30: {  	s3 =	sld [smem:$0x3FA8]  }
0x31: {  	[smem:$0x3FB1] =	sst s10  }
0x32: {  	s10 =	sld [smem:$0x3FAF];
	_ =	sdelay $0x3  }
0x33: {  	p0 =	seq.s32 s10, $0x1;
	s10 =	sld [smem:$0x3FB1];
	_ =	sdelay $0x3  }
0x34: {  	[smem:$0x3FB1] =	sst s10  }
0x35: {  	s10 =	sld [smem:$0x3FB0];
	_ =	sdelay $0x3  }
0x36: {  	p1 =	seq.s32 s10, $0x1;
	s10 =	sld [smem:$0x3FB1];
	_ =	sdelay $0x3  }
0x37: {  	[smem:$0x3FB1] =	sst s10  }
0x38: {  	s10 =	sld [smem:$0x3FB2]  }
0x39: {  	_ = 	snop;
	(pc) =	sbr.ind lr, $3  }
0x3a: {  	_ = 	snop  }
0x3b: {  	_ = 	snop  }
0x3c: {  	p2 =	seq.s32 s10, $0x1;
	s10 =	sld [smem:$0x3FB1]  }
0x3d: {  	_ =	shalt  }
0x3e: {  	_ =	shalt  }
0x3f: {  	_ =	shalt  }
0x40: {  	_ =	shalt  }
0x41: {  	_ =	shalt  }
0x42: {  	_ =	shalt  }
0x43: {  	_ =	shalt  }
0x44: {  	_ =	shalt  }
0x45: {  	_ =	shalt  }
0x46: {  	_ =	shalt  }
0x47: {  	_ =	shalt  }
0x48: {  	_ =	shalt  }
0x49: {  	_ =	shalt  }
0x4a: {  	_ =	shalt  }
0x4b: {  	_ =	shalt  }
0x4c: {  	_ =	shalt  }
0x4d: {  	_ =	shalt  }
0x4e: {  	_ =	shalt  }
0x4f: {  	_ =	shalt  }
0x50: {  	_ =	shalt  }
0x51: {  	_ =	shalt  }
0x52: {  	_ =	shalt  }
0x53: {  	_ =	shalt  }
0x54: {  	_ =	shalt  }
0x55: {  	_ =	shalt  }
0x56: {  	_ =	shalt  }
0x57: {  	_ =	shalt  }
0x58: {  	_ =	shalt  }
0x59: {  	_ =	shalt  }
0x5a: {  	_ =	shalt  }
0x5b: {  	_ =	shalt  }
0x5c: {  	_ =	shalt  }
0x5d: {  	_ =	shalt  }
0x5e: {  	_ =	shalt  }
0x5f: {  	_ =	shalt  }
0x60: {  	_ =	shalt  }
0x61: {  	_ =	shalt  }
0x62: {  	_ =	shalt  }
0x63: {  	_ =	shalt  }
0x64: {  	_ =	shalt  }
0x65: {  	_ =	shalt  }
0x66: {  	_ =	shalt  }
0x67: {  	_ =	shalt  }
0x68: {  	_ =	shalt  }
0x69: {  	_ =	shalt  }
0x6a: {  	_ =	shalt  }
0x6b: {  	_ =	shalt  }
0x6c: {  	_ =	shalt  }
0x6d: {  	_ =	shalt  }
0x6e: {  	_ =	shalt  }
0x6f: {  	_ =	shalt  }
0x70: {  	_ =	shalt  }
0x71: {  	_ =	shalt  }
0x72: {  	_ =	shalt  }
0x73: {  	_ =	shalt  }
0x74: {  	_ =	shalt  }
0x75: {  	_ =	shalt  }
0x76: {  	_ =	shalt  }
0x77: {  	_ =	shalt  }
0x78: {  	_ =	shalt  }
0x79: {  	_ =	shalt  }
0x7a: {  	_ =	shalt  }
0x7b: {  	_ =	shalt  }
0x7c: {  	_ =	shalt  }
0x7d: {  	_ =	shalt  }
0x7e: {  	_ =	shalt  }
0x7f: {  	_ =	shalt  }
0x80: {  	_ =	shalt  }
0x81: {  	_ =	shalt  }
0x82: {  	_ =	shalt  }
0x83: {  	_ =	shalt  }
0x84: {  	_ =	shalt  }
0x85: {  	_ =	shalt  }
0x86: {  	_ =	shalt  }
0x87: {  	_ =	shalt  }
.Lfunc_end0:
.L_simem_size_0:
called_computation_lowered:
.L_overlay_start_0:
0x88: {  	s2 =	sld [smem:$0x3FD9]  }
0x89: {  	s3 =	sld [smem:$0x3FFE];
	_ =	sdelay $0x1  }
0x8a: {  	s1 =	srdreg.scid  }
0x8b: {  	s0 =	sand.u32 $0x1, s1  }
0x8c: {  	s16 =	sshll.u32 s0, $0xA;
	s2 =	sadd.s32 s3, s2  }
0x8d: {  	s2 =	sadd.s32 s2, s16  }
0x8e: {  	[smem:$0x3FBD] =	sst s2  }
0x8f: {  	_ = 	snop  }
0x90: {  	(tm) =	ssettm $0x1  }
0x91: {  	s17 =	sld [smem:$0x3FFB];
	_ =	sdelay $0x3  }
0x92: {  	_ =	strace s17  }
0x93: {  	s2 =	sld [smem:$0x3FFC];
	_ =	sdelay $0x3  }
0x94: {  	_ =	strace s2  }
0x95: {  	s2 =	sld [smem:$0x3FFD];
	_ =	sdelay $0x3  }
0x96: {  	_ =	strace s2  }
0x97: {  	_ =	strace $0x8FFFFFFF  }
0x98: {  	s18 =	sld [smem:$0x3FDB];
	_ =	sdelay $0x1  }
0x99: {  	s19 =	simm.s32 $_scs_section_size  }
0x9a: {  	s4 =	simm.s32 $_size__tile_overlayer_lowered;
	s5 =	simm.s32 $_tile_overlayer_lowered  }
0x9b: {  	s22 =	simm.s32 $0x1BFF;
	s21 =	sshll.u32 s5, $0x1;
	s2 =	sadd.s32 s19, s18  }
0x9c: {  	s6 =	simm.s32 $0x0;
	s20 =	sshll.u32 s4, $0x1;
	s4 =	sadd.s32 s21, s2  }
0x9d: {  	[timem:s6], [sflag:s22] =	dma.local [hbm:s4], s20  }
0x9e: {  	_ =	swait.ge [sflag:s22], s20  }
0x9f: {  	s3 =	ssub.s32 $0x0, s20;
	[sflag:s22] =	ssyncset.done $0x0  }
0xa0: {  	[sflag:s22] =	ssyncadd.s32 s3;
	_ =	sdelay $0x1  }
0xa1: {  	s23 =	simm.s32 $0x1B8B  }
0xa2: {  	_ =	swait.ge [sflag:s23], $0x1  }
0xa3: {  	[sflag:s23] =	ssyncset.done $0x0  }
0xa4: {  	s25 =	simm.s32 $0x1B8E;
	s24 =	sld [smem:$0x3FFE];
	[sflag:s23] =	ssyncadd.s32 $0xFFFFFFFF  }
0xa5: {  	s26 =	simm.s32 $execute0_lowered;
	[smem:$0x3FD2] =	sst s25  }
0xa6: {  	s4 =	sshll.u32 s26, $0x1;
	_ =	strace $0x80000046;
	[dreg:$0x1] =	wrdreg $0xFFFFFFFF  }
0xa7: {  	s28 =	simm.s32 $_size_execute0_lowered;
	s2 =	sadd.s32 s2, s4;
	[dreg:$0x0] =	wrdreg $0x0  }
0xa8: {  	s4 =	sshll.u32 s28, $0x1;
	[dreg:$0x2] =	wrdreg s2  }
0xa9: {  	[dreg:$0x3] =	wrdreg s4  }
0xaa: {  	[dreg:$0x4] =	wrdreg $0xC0  }
0xab: {  	_ =	task [dreg:s6], $0x5FFFF  }
0xac: {  	[dreg:$0x1] =	wrdreg $0xFFFFFFFF  }
0xad: {  	[dreg:$0x0] =	wrdreg $0x60  }
0xae: {  	[dreg:$0x2] =	wrdreg s24  }
0xaf: {  	[dreg:$0x3] =	wrdreg $0x9A000  }
0xb0: {  	[dreg:$0x4] =	wrdreg $0x9  }
0xb1: {  	_ =	task.clear_ibuf [dreg:s6], $0x5FFFF;
	_ =	strace $0x90000046  }
0xb2: {  	s29 =	simm.s32 $0x9;
	_ =	strace $0x80000048  }
0xb3: {  	_ =	swait.ge [sflag:s29], $0x1  }
0xb4: {  	[sflag:s29] =	ssyncadd.s32 $0xFFFFFFFF  }
0xb5: {  	_ =	strace $0x90000048  }
0xb6: {  	_ =	sfence  }
0xb7: {  	s30 =	sld [smem:$0x0];
	_ =	sdelay $0x2  }
0xb8: {  	s31 =	sshll.u32 s1, $0xD;
	s1 =	sshrl.u32 s1, $0x2  }
0xb9: {  	s3 =	sand.u32 $0x4000, s31;
	s1 =	sadd.s32 s1, s30  }
0xba: {  	s0 =	sor.u32 s3, s0;
	s1 =	sshll.u32 s1, $0x11  }
0xbb: {  	s0 =	sor.u32 s1, s0  }
0xbc: {  	s0 =	sadd.s32 $0x8F2B, s0  }
0xbd: {  	[sflag:s0] =	ssyncadd.remote.s32 $0x1  }
0xbe: {  	_ =	sfence.sel $0xFFFF  }
0xbf: {  	[dreg:$0x0] =	wrdreg $0xFFFFFFFF;
	(pc) =	sbr.abs _section_cstart, $3  }
0xc0: {  	[dreg:$0x1] =	wrdreg $0xFFFFFFFF  }
0xc1: {  	_ =	task.clear_ibuf [dreg:s6], $0x2FFFF;
	_ =	strace $0x9FFFFFFF  }
0xc2: {  	(tm) =	ssettm $0x7FFFFFFF  }
0xc3: {  	_ =	shalt  }
tec
execute0_lowered:
.L_overlay_start_1:
0x0: {  	(tag) =	ssettag $0x1  }
0x1: {  	s0 =	rddreg [dreg:$0x0]  }
0x2: {  	s1 =	rddreg [dreg:$0x1];
	s2 =	simm.s32 $0x0;
	s3 =	srdreg.scid  }
0x3: {  	s25 =	stileid.u32;
	[smem:$0x7FF] =	sst s2  }
0x4: {  	s3 =	sand.u32 $0x1, s3;
	s17 =	sadd.s32 $0x29A00, s0;
	s18 =	smul.u32 $0x13800, s25  }
0x5: {  	s19 =	sadd.s32 $0x2EA00, s0;
	s15 =	sadd.s32 $0xD0200, s0;
	s20 =	smul.u32 $0x4E2, s25  }
0x6: {  	p0 =	sne.s32 s25, $0xF;
	s16 =	smul.u32 $0x138800, s3;
	s3 =	ssub.s32 $0x2, s3  }
0x7: {  	_ =	strace $0x80000047;
	s4 =	sshrl.u32 s3, $0x1;
	s6 =	sadd.s32 $0x3000, s18  }
0x8: {  	s7 =	sadd.s32 $0x4800, s18;
	s8 =	sadd.s32 $0x6000, s18;
	s9 =	sadd.s32 $0x7800, s18  }
0x9: {  	s10 =	sadd.s32 $0x9000, s18;
	s11 =	sadd.s32 $0xA800, s18;
	s13 =	sadd.s32 $0xC000, s18  }
0xa: {  	s14 =	sadd.s32 $0xD800, s18;
	s5 =	sadd.s32 $0x4E2, s20;
	s26 =	ssub.s32 s3, s4  }
0xb: {  	s3 =	sadd.s32 $0x1800, s18;
	s4 =	sshrl.u32 s20, $0x4;
	s5 =	sshrl.u32 s5, $0x4  }
0xc: {  	s20 =	sand.u32 $0x7FF0, s20;
	s28 =	sadd.s32 s18, s16;
	s30 =	sadd.s32 s16, s6  }
0xd: {  	s31 =	sadd.s32 s16, s7;
	s6 =	sadd.s32 s6, s1;
	s24 =	sadd.s32 s17, s20  }
0xe: {  	s12 =	sadd.s32 s19, s20;
	s20 =	sadd.s32 $0x10, s20;
	s23 =	ssub.s32 s4, s5  }
0xf: {  	s21 =	sadd.s32 s16, s3;
	p1 =	sge.u32 s4, s5;
	[dreg:$0x3] =	wrdreg s23  }
0x10: {  	s17 =	sadd.s32 s17, s20;
	s22 =	sadd.s32 s19, s20;
	[dreg:$0x5] =	wrdreg s12  }
0x11: {  	s19 =	sadd.s32 $0xF000, s18;
	s20 =	sadd.s32 $0x10800, s18;
	[dreg:$0x4] =	wrdreg s24  }
0x12: {  	s18 =	sadd.s32 $0x12000, s18;
	s29 =	sshrl.u32 s21, $0x3;
	[dreg:$0x6] =	wrdreg s17  }
0x13: {  	s21 =	sshrl.u32 s31, $0x3;
	s23 =	sadd.s32 s16, s9;
	[dreg:$0x7] =	wrdreg s22  }
0x14: {  	s17 =	sshrl.u32 s28, $0x3;
	s22 =	sadd.s32 s16, s8;
	s21 =	sadd.s32 s15, s21  }
0x15: {  	s28 =	sadd.s32 s16, s10;
	s17 =	sadd.s32 s15, s17;
	[dreg:$0xb] =	wrdreg s21  }
0x16: {  	s22 =	sshrl.u32 s22, $0x3;
	[dreg:$0x8] =	wrdreg s17;
	s17 =	sadd.s32 s15, s29  }
0x17: {  	s21 =	sshrl.u32 s28, $0x3;
	s29 =	sadd.s32 s16, s11;
	[dreg:$0x9] =	wrdreg s17  }
0x18: {  	s17 =	sshrl.u32 s30, $0x3;
	s30 =	sadd.s32 s15, s21;
	s31 =	sshrl.u32 s29, $0x3  }
0x19: {  	s21 =	sadd.s32 s16, s13;
	s17 =	sadd.s32 s15, s17;
	[dreg:$0xe] =	wrdreg s30  }
0x1a: {  	s30 =	sshrl.u32 s16, $0x3;
	[dreg:$0xa] =	wrdreg s17;
	s17 =	sadd.s32 s15, s22  }
0x1b: {  	[dreg:$0xc] =	wrdreg s17;
	s17 =	sshrl.u32 s23, $0x3;
	s23 =	sadd.s32 s16, s19  }
0x1c: {  	s22 =	sadd.s32 s16, s14;
	s17 =	sadd.s32 s15, s17;
	s29 =	sshrl.u32 s23, $0x3  }
0x1d: {  	s23 =	smul.u32 $0x4E000, s25;
	s25 =	sadd.s32 $0x138000, s1;
	[dreg:$0xd] =	wrdreg s17  }
0x1e: {  	s17 =	sadd.s32 s15, s31;
	s31 =	sadd.s32 s16, s20;
	[dreg:$0x18] =	wrdreg s25  }
0x1f: {  	s16 =	sadd.s32 s16, s18;
	[dreg:$0xf] =	wrdreg s17;
	s17 =	sshrl.u32 s21, $0x3  }
0x20: {  	s21 =	sshrl.u32 s22, $0x3;
	s22 =	sshrl.u32 s31, $0x3;
	s16 =	sshrl.u32 s16, $0x3  }
0x21: {  	s31 =	sadd.s32 s8, s1;
	s8 =	sadd.s32 s13, s1;
	s17 =	sadd.s32 s15, s17  }
0x22: {  	s13 =	sadd.s32 s20, s1;
	s28 =	sadd.s32 s15, s21;
	[dreg:$0x10] =	wrdreg s17  }
0x23: {  	s20 =	simm.s32 $0x0;
	s22 =	sadd.s32 s15, s22;
	[dreg:$0x11] =	wrdreg s28  }
0x24: {  	s16 =	sadd.s32 s15, s16;
	s17 =	sadd.s32 s15, s29;
	[dreg:$0x13] =	wrdreg s22  }
0x25: {  	[dreg:$0x14] =	wrdreg s16;
	s15 =	sadd.s32 s15, s30;
	s28 =	sadd.s32 s30, s0  }
0x26: {  	s29 =	sshrl.u32 s23, $0x2;
	s0 =	sadd.s32 $0xCFE00, s0;
	s30 =	sadd.s32 s7, s1  }
0x27: {  	s22 =	sadd.s32 s9, s1;
	s9 =	sadd.s32 s14, s1;
	s14 =	smov.u32 s6  }
0x28: {  	s6 =	sadd.s32 s19, s1;
	s19 =	smov.u32 s31;
	s7 =	sadd.s32 s18, s1  }
0x29: {  	s31 =	sadd.s32 $0x20, s24;
	s16 =	simm.s32 $0x8200;
	[dreg:$0x12] =	wrdreg s17  }
0x2a: {  	[dreg:$0x15] =	wrdreg s0;
	s23 =	sadd.s32 s29, s1;
	s17 =	sadd.s32 s3, s1  }
.Ltmp0:
0x2b: {  	s0 =	sadd.s32 s10, s1;
	s3 =	sadd.s32 s11, s1;
	(pc) =	sbr.rel .LBB2_1-.Ltmp0, $4  }
0x2c: {  	s10 =	sadd.s32 $0x33A00, s28;
	s28 =	sadd.s32 $0x27000, s15;
	[dreg:$0x1a] =	wrdreg s31  }
0x2d: {  	s15 =	smov.u32 s30;
	s29 =	smax.u32 s26, $0x1;
	[dreg:$0x16] =	wrdreg s28  }
0x2e: {  	s30 =	sadd.s32 $0x20, s12;
	s24 =	smov.u32 s22;
	[dreg:$0x17] =	wrdreg s29  }
0x2f: {  	[dreg:$0x19] =	wrdreg s30;
	s12 =	smov.u32 s17;
	s17 =	simm.s32 $0x5  }
.LBB2_3:
0x30: {  	[bflag:$0x0] =	sbarrier.arrive $0xFFFF  }
0x31: {  	[tilespmem:s16], [sflag:$0x5] =	stream.linear.gather [spmem:s18], $0x1800, $0x38;
	[tilespmem:$0x1D280] =	vst v63  }
0x32: {  	_ =	swait.ge [sflag:s17], $0x1800  }
0x33: {  	[sflag:s17] =	ssyncset.done $0x0  }
0x34: {  	s11 =	rddreg [dreg:$0x8];
	[sflag:s17] =	ssyncadd.s32 $0xFFFFE800  }
0x35: {  	[hbm4b:s11+s2] =	stream.linear.scatter [tilespmem:s16], [sflag:$0x5], $0x1800, $0x38;
	[tilespmem:$0x1D280] =	vst v63  }
0x36: {  	_ =	swait.ge [sflag:s17], $0x1800  }
0x37: {  	[sflag:s17] =	ssyncset.done $0x0  }
0x38: {  	[sflag:s17] =	ssyncadd.s32 $0xFFFFE800  }
0x39: {  	[tilespmem:s16], [sflag:$0x5] =	stream.linear.gather [spmem:s26], $0x1800, $0x38;
	[tilespmem:$0x1D280] =	vst v63  }
0x3a: {  	_ =	swait.ge [sflag:s17], $0x1800  }
0x3b: {  	[sflag:s17] =	ssyncset.done $0x0  }
0x3c: {  	s12 =	smov.u32 s26;
	s26 =	rddreg [dreg:$0x9];
	[sflag:s17] =	ssyncadd.s32 $0xFFFFE800  }
0x3d: {  	[hbm4b:s26+s2] =	stream.linear.scatter [tilespmem:s16], [sflag:$0x5], $0x1800, $0x38;
	[tilespmem:$0x1D280] =	vst v63  }
0x3e: {  	_ =	swait.ge [sflag:s17], $0x1800  }
0x3f: {  	[sflag:s17] =	ssyncset.done $0x0  }
0x40: {  	[sflag:s17] =	ssyncadd.s32 $0xFFFFE800  }
0x41: {  	[tilespmem:s16], [sflag:$0x5] =	stream.linear.gather [spmem:s28], $0x1800, $0x38;
	[tilespmem:$0x1D280] =	vst v63  }
0x42: {  	_ =	swait.ge [sflag:s17], $0x1800  }
0x43: {  	[sflag:s17] =	ssyncset.done $0x0  }
0x44: {  	s14 =	smov.u32 s28;
	s28 =	rddreg [dreg:$0xa];
	[sflag:s17] =	ssyncadd.s32 $0xFFFFE800  }
0x45: {  	[hbm4b:s28+s2] =	stream.linear.scatter [tilespmem:s16], [sflag:$0x5], $0x1800, $0x38;
	[tilespmem:$0x1D280] =	vst v63  }
0x46: {  	_ =	swait.ge [sflag:s17], $0x1800  }
0x47: {  	[sflag:s17] =	ssyncset.done $0x0  }
0x48: {  	[sflag:s17] =	ssyncadd.s32 $0xFFFFE800  }
0x49: {  	[tilespmem:s16], [sflag:$0x5] =	stream.linear.gather [spmem:s29], $0x1800, $0x38;
	[tilespmem:$0x1D280] =	vst v63  }
0x4a: {  	_ =	swait.ge [sflag:s17], $0x1800  }
0x4b: {  	[sflag:s17] =	ssyncset.done $0x0  }
0x4c: {  	s15 =	smov.u32 s29;
	s29 =	rddreg [dreg:$0xb];
	[sflag:s17] =	ssyncadd.s32 $0xFFFFE800  }
0x4d: {  	[hbm4b:s29+s2] =	stream.linear.scatter [tilespmem:s16], [sflag:$0x5], $0x1800, $0x38;
	[tilespmem:$0x1D280] =	vst v63  }
0x4e: {  	_ =	swait.ge [sflag:s17], $0x1800  }
0x4f: {  	[sflag:s17] =	ssyncset.done $0x0  }
0x50: {  	[sflag:s17] =	ssyncadd.s32 $0xFFFFE800  }
0x51: {  	[tilespmem:s16], [sflag:$0x5] =	stream.linear.gather [spmem:s30], $0x1800, $0x38;
	[tilespmem:$0x1D280] =	vst v63  }
0x52: {  	_ =	swait.ge [sflag:s17], $0x1800  }
0x53: {  	[sflag:s17] =	ssyncset.done $0x0  }
0x54: {  	s19 =	smov.u32 s30;
	s30 =	rddreg [dreg:$0xc];
	[sflag:s17] =	ssyncadd.s32 $0xFFFFE800  }
0x55: {  	[hbm4b:s30+s2] =	stream.linear.scatter [tilespmem:s16], [sflag:$0x5], $0x1800, $0x38;
	[tilespmem:$0x1D280] =	vst v63  }
0x56: {  	_ =	swait.ge [sflag:s17], $0x1800  }
0x57: {  	[sflag:s17] =	ssyncset.done $0x0  }
0x58: {  	[sflag:s17] =	ssyncadd.s32 $0xFFFFE800  }
0x59: {  	[tilespmem:s16], [sflag:$0x5] =	stream.linear.gather [spmem:s31], $0x1800, $0x38;
	[tilespmem:$0x1D280] =	vst v63  }
0x5a: {  	_ =	swait.ge [sflag:s17], $0x1800  }
0x5b: {  	[sflag:s17] =	ssyncset.done $0x0  }
0x5c: {  	s24 =	smov.u32 s31;
	s31 =	rddreg [dreg:$0xd];
	[sflag:s17] =	ssyncadd.s32 $0xFFFFE800  }
0x5d: {  	[hbm4b:s31+s2] =	stream.linear.scatter [tilespmem:s16], [sflag:$0x5], $0x1800, $0x38;
	[tilespmem:$0x1D280] =	vst v63  }
0x5e: {  	_ =	swait.ge [sflag:s17], $0x1800  }
0x5f: {  	[sflag:s17] =	ssyncset.done $0x0  }
0x60: {  	[sflag:s17] =	ssyncadd.s32 $0xFFFFE800  }
0x61: {  	[tilespmem:s16], [sflag:$0x5] =	stream.linear.gather [spmem:s0], $0x1800, $0x38;
	[tilespmem:$0x1D280] =	vst v63  }
0x62: {  	_ =	swait.ge [sflag:s17], $0x1800  }
0x63: {  	[sflag:s17] =	ssyncset.done $0x0  }
0x64: {  	s9 =	rddreg [dreg:$0xe];
	[sflag:s17] =	ssyncadd.s32 $0xFFFFE800  }
0x65: {  	[hbm4b:s9+s2] =	stream.linear.scatter [tilespmem:s16], [sflag:$0x5], $0x1800, $0x38;
	[tilespmem:$0x1D280] =	vst v63  }
0x66: {  	_ =	swait.ge [sflag:s17], $0x1800  }
0x67: {  	[sflag:s17] =	ssyncset.done $0x0  }
0x68: {  	[sflag:s17] =	ssyncadd.s32 $0xFFFFE800  }
0x69: {  	[tilespmem:s16], [sflag:$0x5] =	stream.linear.gather [spmem:s3], $0x1800, $0x38;
	[tilespmem:$0x1D280] =	vst v63  }
0x6a: {  	_ =	swait.ge [sflag:s17], $0x1800  }
0x6b: {  	[sflag:s17] =	ssyncset.done $0x0  }
0x6c: {  	s23 =	smov.u32 s18;
	s18 =	rddreg [dreg:$0xf];
	[sflag:s17] =	ssyncadd.s32 $0xFFFFE800  }
0x6d: {  	[hbm4b:s18+s2] =	stream.linear.scatter [tilespmem:s16], [sflag:$0x5], $0x1800, $0x38;
	[tilespmem:$0x1D280] =	vst v63  }
0x6e: {  	_ =	swait.ge [sflag:s17], $0x1800  }
0x6f: {  	[sflag:s17] =	ssyncset.done $0x0  }
0x70: {  	[sflag:s17] =	ssyncadd.s32 $0xFFFFE800  }
0x71: {  	[tilespmem:s16], [sflag:$0x5] =	stream.linear.gather [spmem:s8], $0x1800, $0x38;
	[tilespmem:$0x1D280] =	vst v63  }
0x72: {  	_ =	swait.ge [sflag:s17], $0x1800  }
0x73: {  	[sflag:s17] =	ssyncset.done $0x0  }
0x74: {  	s25 =	rddreg [dreg:$0x10];
	[sflag:s17] =	ssyncadd.s32 $0xFFFFE800  }
0x75: {  	[hbm4b:s25+s2] =	stream.linear.scatter [tilespmem:s16], [sflag:$0x5], $0x1800, $0x38;
	[tilespmem:$0x1D280] =	vst v63  }
0x76: {  	_ =	swait.ge [sflag:s17], $0x1800  }
0x77: {  	[sflag:s17] =	ssyncset.done $0x0  }
0x78: {  	[sflag:s17] =	ssyncadd.s32 $0xFFFFE800  }
0x79: {  	[tilespmem:s16], [sflag:$0x5] =	stream.linear.gather [spmem:s6], $0x1800, $0x38;
	[tilespmem:$0x1D280] =	vst v63  }
0x7a: {  	_ =	swait.ge [sflag:s17], $0x1800  }
0x7b: {  	[sflag:s17] =	ssyncset.done $0x0  }
0x7c: {  	s26 =	rddreg [dreg:$0x11];
	[sflag:s17] =	ssyncadd.s32 $0xFFFFE800  }
0x7d: {  	[hbm4b:s26+s2] =	stream.linear.scatter [tilespmem:s16], [sflag:$0x5], $0x1800, $0x38;
	[tilespmem:$0x1D280] =	vst v63  }
0x7e: {  	_ =	swait.ge [sflag:s17], $0x1800  }
0x7f: {  	[sflag:s17] =	ssyncset.done $0x0  }
0x80: {  	[sflag:s17] =	ssyncadd.s32 $0xFFFFE800  }
0x81: {  	[tilespmem:s16], [sflag:$0x5] =	stream.linear.gather [spmem:s7], $0x1800, $0x38;
	[tilespmem:$0x1D280] =	vst v63  }
0x82: {  	_ =	swait.ge [sflag:s17], $0x1800  }
0x83: {  	[sflag:s17] =	ssyncset.done $0x0  }
0x84: {  	s28 =	rddreg [dreg:$0x12];
	[sflag:s17] =	ssyncadd.s32 $0xFFFFE800  }
0x85: {  	[hbm4b:s28+s2] =	stream.linear.scatter [tilespmem:s16], [sflag:$0x5], $0x1800, $0x38;
	[tilespmem:$0x1D280] =	vst v63  }
0x86: {  	_ =	swait.ge [sflag:s17], $0x1800  }
0x87: {  	[sflag:s17] =	ssyncset.done $0x0  }
0x88: {  	[sflag:s17] =	ssyncadd.s32 $0xFFFFE800  }
0x89: {  	[tilespmem:s16], [sflag:$0x5] =	stream.linear.gather [spmem:s13], $0x1800, $0x38;
	[tilespmem:$0x1D280] =	vst v63  }
0x8a: {  	_ =	swait.ge [sflag:s17], $0x1800  }
0x8b: {  	[sflag:s17] =	ssyncset.done $0x0  }
0x8c: {  	s29 =	rddreg [dreg:$0x13];
	[sflag:s17] =	ssyncadd.s32 $0xFFFFE800  }
0x8d: {  	[hbm4b:s29+s2] =	stream.linear.scatter [tilespmem:s16], [sflag:$0x5], $0x1800, $0x38;
	[tilespmem:$0x1D280] =	vst v63  }
0x8e: {  	_ =	swait.ge [sflag:s17], $0x1800  }
0x8f: {  	[sflag:s17] =	ssyncset.done $0x0  }
0x90: {  	[sflag:s17] =	ssyncadd.s32 $0xFFFFE800  }
0x91: {  	[tilespmem:s16], [sflag:$0x5] =	stream.linear.gather [spmem:s22], $0x1800, $0x38;
	[tilespmem:$0x1D280] =	vst v63  }
0x92: {  	_ =	swait.ge [sflag:s17], $0x1800  }
0x93: {  	[sflag:s17] =	ssyncset.done $0x0  }
0x94: {  	s30 =	rddreg [dreg:$0x14];
	[sflag:s17] =	ssyncadd.s32 $0xFFFFE800  }
0x95: {  	[hbm4b:s30+s2] =	stream.linear.scatter [tilespmem:s16], [sflag:$0x5], $0x1800, $0x38;
	[tilespmem:$0x1D280] =	vst v63  }
0x96: {  	_ =	swait.ge [sflag:s17], $0x1800  }
0x97: {  	[sflag:s17] =	ssyncset.done $0x0  }
0x98: {  	s18 =	simm.s32 @!p0 $0x8200;
	s25 =	rddreg [dreg:$0x18];
	[sflag:s17] =	ssyncadd.s32 $0xFFFFE800  }
0x99: {  	[tilespmem:s18], [sflag:$0x5] =	stream.linear.gather @!p0 [spmem:s25], $0x800, $0x38;
	[tilespmem:$0x1D280] =	vst v63  }
0x9a: {  	s11 =	simm.s32 @!p0 $0x0;
	_ =	swait.ge @!p0 [sflag:s21], $0x800  }
0x9b: {  	s9 =	smov.u32 s6;
	s6 =	smov.u32 s7;
	[sflag:s21] =	ssyncset.done @!p0 $0x0  }
0x9c: {  	s7 =	smov.u32 s22;
	s22 =	rddreg [dreg:$0x16];
	[sflag:s21] =	ssyncadd.s32 @!p0 $0xFFFFF800  }
0x9d: {  	[hbm4b:s22+s11] =	stream.linear.scatter @!p0 [tilespmem:s18], [sflag:$0x5], $0x800, $0x38;
	[tilespmem:$0x1D280] =	vst v63  }
0x9e: {  	_ =	swait.ge @!p0 [sflag:s21], $0x800  }
0x9f: {  	s20 =	sadd.s32 $0x1, s20;
	s31 =	rddreg [dreg:$0x17]  }
0xa0: {  	p2 =	sne.s32 s20, s31  }
.Ltmp1:
0xa1: {  	_ = 	snop;
	(pc) =	sbr.rel @!p2 .LBB2_4-.Ltmp1, $3  }
0xa2: {  	_ =	sdelay $0x1  }
0xa3: {  	[sflag:s21] =	ssyncset.done @!p0 $0x0  }
0xa4: {  	[sflag:s21] =	ssyncadd.s32 @!p0 $0xFFFFF800  }
.LBB2_1:
0xa5: {  	s11 =	rddreg [dreg:$0x15]  }
0xa6: {  	[tilespmem:s16], [sflag:$0x5] =	stream.linear.gather [hbm4b:s11+s2], $0x1800, $0x38;
	[tilespmem:$0x1D280] =	vst v63  }
0xa7: {  	_ =	swait.ge [sflag:s17], $0x1800  }
0xa8: {  	[sflag:s17] =	ssyncset.done $0x0  }
0xa9: {  	[sflag:s17] =	ssyncadd.s32 $0xFFFFE800  }
0xaa: {  	[spmem:s23] =	stream.linear.scatter [tilespmem:s16], [sflag:$0x5], $0x1800, $0x38;
	[tilespmem:$0x1D280] =	vst v63  }
0xab: {  	_ =	swait.ge [sflag:s17], $0x1800  }
0xac: {  	[sflag:s17] =	ssyncset.done $0x0  }
0xad: {  	[sflag:s17] =	ssyncadd.s32 $0xFFFFE800  }
0xae: {  	[spmem:s12] =	stream.linear.scatter [tilespmem:s16], [sflag:$0x5], $0x1800, $0x38;
	[tilespmem:$0x1D280] =	vst v63  }
0xaf: {  	_ =	swait.ge [sflag:s17], $0x1800  }
0xb0: {  	[sflag:s17] =	ssyncset.done $0x0  }
0xb1: {  	[sflag:s17] =	ssyncadd.s32 $0xFFFFE800  }
0xb2: {  	[spmem:s14] =	stream.linear.scatter [tilespmem:s16], [sflag:$0x5], $0x1800, $0x38;
	[tilespmem:$0x1D280] =	vst v63  }
0xb3: {  	_ =	swait.ge [sflag:s17], $0x1800  }
0xb4: {  	[sflag:s17] =	ssyncset.done $0x0  }
0xb5: {  	[sflag:s17] =	ssyncadd.s32 $0xFFFFE800  }
0xb6: {  	[spmem:s15] =	stream.linear.scatter [tilespmem:s16], [sflag:$0x5], $0x1800, $0x38;
	[tilespmem:$0x1D280] =	vst v63  }
0xb7: {  	_ =	swait.ge [sflag:s17], $0x1800  }
0xb8: {  	[sflag:s17] =	ssyncset.done $0x0  }
0xb9: {  	[sflag:s17] =	ssyncadd.s32 $0xFFFFE800  }
0xba: {  	[spmem:s19] =	stream.linear.scatter [tilespmem:s16], [sflag:$0x5], $0x1800, $0x38;
	[tilespmem:$0x1D280] =	vst v63  }
0xbb: {  	_ =	swait.ge [sflag:s17], $0x1800  }
0xbc: {  	[sflag:s17] =	ssyncset.done $0x0  }
0xbd: {  	[sflag:s17] =	ssyncadd.s32 $0xFFFFE800  }
0xbe: {  	[spmem:s24] =	stream.linear.scatter [tilespmem:s16], [sflag:$0x5], $0x1800, $0x38;
	[tilespmem:$0x1D280] =	vst v63  }
0xbf: {  	_ =	swait.ge [sflag:s17], $0x1800  }
0xc0: {  	[sflag:s17] =	ssyncset.done $0x0  }
0xc1: {  	[sflag:s17] =	ssyncadd.s32 $0xFFFFE800  }
0xc2: {  	[spmem:s0] =	stream.linear.scatter [tilespmem:s16], [sflag:$0x5], $0x1800, $0x38;
	[tilespmem:$0x1D280] =	vst v63  }
0xc3: {  	_ =	swait.ge [sflag:s17], $0x1800  }
0xc4: {  	[sflag:s17] =	ssyncset.done $0x0  }
0xc5: {  	[sflag:s17] =	ssyncadd.s32 $0xFFFFE800  }
0xc6: {  	[spmem:s3] =	stream.linear.scatter [tilespmem:s16], [sflag:$0x5], $0x1800, $0x38;
	[tilespmem:$0x1D280] =	vst v63  }
0xc7: {  	_ =	swait.ge [sflag:s17], $0x1800  }
0xc8: {  	[sflag:s17] =	ssyncset.done $0x0  }
0xc9: {  	[sflag:s17] =	ssyncadd.s32 $0xFFFFE800  }
0xca: {  	[spmem:s8] =	stream.linear.scatter [tilespmem:s16], [sflag:$0x5], $0x1800, $0x38;
	[tilespmem:$0x1D280] =	vst v63  }
0xcb: {  	_ =	swait.ge [sflag:s17], $0x1800  }
0xcc: {  	[sflag:s17] =	ssyncset.done $0x0  }
0xcd: {  	[sflag:s17] =	ssyncadd.s32 $0xFFFFE800  }
0xce: {  	[spmem:s9] =	stream.linear.scatter [tilespmem:s16], [sflag:$0x5], $0x1800, $0x38;
	[tilespmem:$0x1D280] =	vst v63  }
0xcf: {  	_ =	swait.ge [sflag:s17], $0x1800  }
0xd0: {  	[sflag:s17] =	ssyncset.done $0x0  }
0xd1: {  	s18 =	smov.u32 s23;
	s23 =	smov.u32 s6;
	[sflag:s17] =	ssyncadd.s32 $0xFFFFE800  }
0xd2: {  	[spmem:s23] =	stream.linear.scatter [tilespmem:s16], [sflag:$0x5], $0x1800, $0x38;
	[tilespmem:$0x1D280] =	vst v63  }
0xd3: {  	_ =	swait.ge [sflag:s17], $0x1800  }
0xd4: {  	[sflag:s17] =	ssyncset.done $0x0  }
0xd5: {  	[sflag:s17] =	ssyncadd.s32 $0xFFFFE800  }
0xd6: {  	[spmem:s13] =	stream.linear.scatter [tilespmem:s16], [sflag:$0x5], $0x1800, $0x38;
	[tilespmem:$0x1D280] =	vst v63  }
0xd7: {  	_ =	swait.ge [sflag:s17], $0x1800  }
0xd8: {  	[sflag:s17] =	ssyncset.done $0x0  }
0xd9: {  	s31 =	smov.u32 s24;
	s24 =	smov.u32 s7;
	[sflag:s17] =	ssyncadd.s32 $0xFFFFE800  }
0xda: {  	[spmem:s24] =	stream.linear.scatter [tilespmem:s16], [sflag:$0x5], $0x1800, $0x38;
	[tilespmem:$0x1D280] =	vst v63  }
0xdb: {  	_ =	swait.ge [sflag:s17], $0x1800  }
0xdc: {  	s21 =	simm.s32 @!p0 $0x5;
	[sflag:s17] =	ssyncset.done $0x0  }
0xdd: {  	s6 =	smov.u32 s9;
	s9 =	simm.s32 @!p0 $0x8200;
	[sflag:s17] =	ssyncadd.s32 $0xFFFFE800  }
0xde: {  	[spmem:s25] =	stream.linear.scatter @!p0 [tilespmem:s9], [sflag:$0x5], $0x800, $0x38;
	[tilespmem:$0x1D280] =	vst v63  }
0xdf: {  	_ =	swait.ge @!p0 [sflag:s21], $0x800  }
0xe0: {  	[sflag:s21] =	ssyncset.done @!p0 $0x0  }
0xe1: {  	[sflag:s21] =	ssyncadd.s32 @!p0 $0xFFFFF800  }
0xe2: {  	[bflag:$0x0] =	sbarrier.arrive $0xFFFF  }
0xe3: {  	s26 =	smov.u32 s12;
	s28 =	smov.u32 s14;
	s25 =	rddreg [dreg:$0x4]  }
0xe4: {  	[tilespmem:s2], [sflag:$0x1] =	stream.linear.gather [hbm4b:s25+s2], $0x80, $0x38;
	[tilespmem:$0x1D280] =	vst v63  }
0xe5: {  	s12 =	simm.s32 $0x100;
	s14 =	simm.s32 $0x1;
	s9 =	rddreg [dreg:$0x5]  }
0xe6: {  	[tilespmem:s12], [sflag:$0x1] =	stream.linear.gather [hbm4b:s9+s2], $0x80, $0x38;
	[tilespmem:$0x1D280] =	vst v63  }
0xe7: {  	_ =	swait.ge [sflag:s14], $0x80  }
0xe8: {  	[sflag:s14] =	ssyncset.done $0x0  }
0xe9: {  	[sflag:s14] =	ssyncadd.s32 $0xFFFFFF80  }
0xea: {  	s29 =	smov.u32 s15;
	s30 =	smov.u32 s19;
	_ =	swait.ge [sflag:s14], $0x80  }
0xeb: {  	s15 =	simm.s32 $0x80;
	s19 =	simm.s32 $0x200;
	[sflag:s14] =	ssyncset.done $0x0  }
0xec: {  	s7 =	smov.u32 s23;
	s23 =	rddreg [dreg:$0x6];
	[sflag:s14] =	ssyncadd.s32 $0xFFFFFF80  }
0xed: {  	[tilespmem:s19], [sflag:$0x3] =	stream.indirect.gather [hbm4b:s10+s15], $0x80, s2, s15, $0xb8;
	[tilespmem:$0x1D280] =	vst v63  }
.Ltmp2:
0xee: {  	s22 =	smov.u32 s24;
	s24 =	rddreg [dreg:$0x7];
	(pc) =	sbr.rel @p1 .LBB2_3-.Ltmp2, $4  }
0xef: {  	s14 =	rddreg [dreg:$0x19]  }
0xf0: {  	[tilespmem:s15], [sflag:$0x2] =	stream.linear.gather [hbm4b:s23+s2], $0x80, $0x38;
	[tilespmem:$0x1D280] =	vst v63  }
0xf1: {  	s25 =	simm.s32 $0x180;
	s23 =	simm.s32 $0x0;
	s15 =	rddreg [dreg:$0x1a]  }
0xf2: {  	[tilespmem:s25], [sflag:$0x2] =	stream.linear.gather [hbm4b:s24+s2], $0x80, $0x38;
	[tilespmem:$0x1D280] =	vst v63  }
.LBB2_2:
0xf3: {  	s19 =	sand.u32 $0x1, s23  }
0xf4: {  	s12 =	sadd.s32 s23, s4;
	p2 =	seq.s32 s19, $0x1  }
0xf5: {  	s12 =	sadd.s32 $0x1, s12;
	s19 =	simm.s32 @p2 $0x4  }
0xf6: {  	p3 =	sge.u32 @p2 s12, s5;
	_ =	swait.ge @p2 [sflag:s19], $0x4000  }
0xf7: {  	p3 =	por p3, !p2;
	[sflag:s19] =	ssyncset.done @p2 $0x0  }
0xf8: {  	[sflag:s19] =	ssyncadd.s32 @p2 $0xFFFFC000;
	s19 =	simm.s32 @!p3 $0x1  }
0xf9: {  	_ =	swait.ge @!p3 [sflag:s19], $0x80  }
0xfa: {  	[sflag:s19] =	ssyncset.done @!p3 $0x0  }
0xfb: {  	[sflag:s19] =	ssyncadd.s32 @!p3 $0xFFFFFF80  }
0xfc: {  	_ =	swait.ge @!p3 [sflag:s19], $0x80  }
0xfd: {  	s11 =	simm.s32 @!p3 $0x0;
	[sflag:s19] =	ssyncset.done @!p3 $0x0  }
0xfe: {  	s24 =	simm.s32 @!p3 $0x200;
	[sflag:s19] =	ssyncadd.s32 @!p3 $0xFFFFFF80;
	s19 =	simm.s32 @!p3 $0x80  }
0xff: {  	[tilespmem:s24], [sflag:$0x3] =	stream.indirect.gather @!p3 [hbm4b:s10+s19], $0x80, s11, s19, $0xb8;
	[tilespmem:$0x1D280] =	vst v63  }
0x100: {  	s11 =	simm.s32 @p2 $0x80;
	s19 =	simm.s32 @p2 $0x180;
	s24 =	simm.s32 @p2 $0x4200  }
0x101: {  	[spmem:s1] =	stream.indirect.scatter.add.f32 @p2 [tilespmem:s24], [sflag:$0x5], $0x80, s19, s11, $0xb8;
	[tilespmem:$0x1D280] =	vst v63  }
0x102: {  	s11 =	sadd.s32 @p2 s23, s4  }
0x103: {  	s19 =	simm.s32 @p2 $0x5;
	s11 =	sadd.s32 @p2 $0x2, s11  }
0x104: {  	_ =	swait.ge @p2 [sflag:s19], $0x4000;
	p3 =	sge.u32 @p2 s11, s5  }
0x105: {  	[sflag:s19] =	ssyncset.done @p2 $0x0;
	p3 =	por p3, !p2  }
0x106: {  	[sflag:s19] =	ssyncadd.s32 @p2 $0xFFFFC000;
	s11 =	simm.s32 @!p3 $0x0;
	s19 =	simm.s32 @!p3 $0x80  }
0x107: {  	[tilespmem:s19], [sflag:$0x2] =	stream.linear.gather @!p3 [hbm4b:s15+s11], $0x80, $0x38;
	[tilespmem:$0x1D280] =	vst v63  }
0x108: {  	s19 =	simm.s32 @!p3 $0x180  }
0x109: {  	[tilespmem:s19], [sflag:$0x2] =	stream.linear.gather @!p3 [hbm4b:s14+s11], $0x80, $0x38;
	[tilespmem:$0x1D280] =	vst v63  }
0x10a: {  	s11 =	simm.s32 @!p2 $0x3  }
0x10b: {  	p3 =	sge.u32 @!p2 s12, s5;
	_ =	swait.ge @!p2 [sflag:s11], $0x4000  }
0x10c: {  	p3 =	por p3, p2;
	[sflag:s11] =	ssyncset.done @!p2 $0x0  }
0x10d: {  	[sflag:s11] =	ssyncadd.s32 @!p2 $0xFFFFC000;
	s11 =	simm.s32 @!p3 $0x2  }
0x10e: {  	_ =	swait.ge @!p3 [sflag:s11], $0x80  }
0x10f: {  	[sflag:s11] =	ssyncset.done @!p3 $0x0  }
0x110: {  	[sflag:s11] =	ssyncadd.s32 @!p3 $0xFFFFFF80  }
0x111: {  	_ =	swait.ge @!p3 [sflag:s11], $0x80  }
0x112: {  	[sflag:s11] =	ssyncset.done @!p3 $0x0  }
0x113: {  	s12 =	simm.s32 @!p3 $0x4200;
	[sflag:s11] =	ssyncadd.s32 @!p3 $0xFFFFFF80;
	s11 =	simm.s32 @!p3 $0x80  }
0x114: {  	[tilespmem:s12], [sflag:$0x4] =	stream.indirect.gather @!p3 [hbm4b:s10+s11], $0x80, s11, s11, $0xb8;
	[tilespmem:$0x1D280] =	vst v63  }
0x115: {  	s19 =	simm.s32 @!p2 $0x200;
	s11 =	simm.s32 @!p2 $0x80;
	s12 =	simm.s32 @!p2 $0x100  }
0x116: {  	[spmem:s1] =	stream.indirect.scatter.add.f32 @!p2 [tilespmem:s19], [sflag:$0x5], $0x80, s12, s11, $0xb8;
	[tilespmem:$0x1D280] =	vst v63  }
0x117: {  	s12 =	simm.s32 @!p2 $0x5  }
0x118: {  	s11 =	sadd.s32 @!p2 s23, s4;
	_ =	swait.ge @!p2 [sflag:s12], $0x4000  }
0x119: {  	s23 =	sadd.s32 $0x1, s23;
	s11 =	sadd.s32 @!p2 $0x2, s11;
	s24 =	rddreg [dreg:$0x3]  }
0x11a: {  	p3 =	sge.u32 @!p2 s11, s5;
	[sflag:s12] =	ssyncset.done @!p2 $0x0;
	s25 =	sadd.s32 s23, s24  }
0x11b: {  	p3 =	por p3, p2;
	[sflag:s12] =	ssyncadd.s32 @!p2 $0xFFFFC000;
	p2 =	sne.s32 s25, $0x0  }
.Ltmp3:
0x11c: {  	s11 =	simm.s32 @!p3 $0x0;
	(pc) =	sbr.rel @p2 .LBB2_2-.Ltmp3, $4  }
0x11d: {  	[tilespmem:s11], [sflag:$0x1] =	stream.linear.gather @!p3 [hbm4b:s15+s11], $0x80, $0x38;
	[tilespmem:$0x1D280] =	vst v63  }
0x11e: {  	s12 =	simm.s32 @!p3 $0x100  }
0x11f: {  	[tilespmem:s12], [sflag:$0x1] =	stream.linear.gather @!p3 [hbm4b:s14+s11], $0x80, $0x38;
	[tilespmem:$0x1D280] =	vst v63  }
0x120: {  	s15 =	sadd.s32 $0x10, s15;
	s14 =	sadd.s32 $0x10, s14  }
.Ltmp4:
0x121: {  	_ = 	snop;
	(pc) =	sbr.rel .LBB2_3-.Ltmp4, $1  }
0x122: {  	_ =	sdelay $0x3  }
.LBB2_4:
0x123: {  	_ =	sfence.sel $0x180000  }
0x124: {  	[bflag:$0x0] =	sbarrier.arrive $0xFFFF  }
0x125: {  	_ =	strace $0x90000047  }
0x126: {  	s0 =	stileid.u32;
	[bflag:$0x2] =	sbarrier.arrive $0xFFFF  }
0x127: {  	p0 =	sne.s32 s0, $0x0;
	s0 =	rddreg [dreg:$0x2]  }
0x128: {  	s0 =	sadd.s32 @!p0 $0x100000, s0  }
0x129: {  	[sflag:s0] =	ssyncadd.tile.s32 @!p0 $0x1;
	_ =	shalt  }
.Lfunc_end2:
_tile_overlayer_lowered:
.L_overlay_start_2:
0x12a: {  	(tag) =	ssettag $0x2  }
0x12b: {  	s0 =	rddreg [dreg:$0x0];
	s2 =	stileid.u32  }
0x12c: {  	s1 =	rddreg [dreg:$0x1];
	p0 =	sne.s32 s2, $0x0  }
0x12d: {  	s3 =	rddreg [dreg:$0x2];
	[bflag:$0x3] =	sbarrier.arrive $0xFFFF;
	s2 =	simm.s32 @!p0 $0x1C05  }
0x12e: {  	[timem:s3], [sflag:s2] =	dma.local @!p0 [hbm:s0], s1  }
0x12f: {  	s0 =	simm.s32 @!p0 $0x5  }
0x130: {  	_ =	swait.ge @!p0 [sflag:s0], s1  }
0x131: {  	s1 =	ssub.s32 @!p0 $0x0, s1;
	[sflag:s0] =	ssyncset.done @!p0 $0x0  }
0x132: {  	[sflag:s0] =	ssyncadd.s32 @!p0 s1  }
0x133: {  	[bflag:$0x3] =	sbarrier.arrive $0xFFFF  }
0x134: {  	_ =	shalt  }

</sc_bundles>
